<compile_context>
chip_gen: v7x
topology: tpu7x:2x2x1
jax: 0.10.2.dev20260603
libtpu: 0.0.44.dev20260713+nightly
codegen_flags: <defaults>
</compile_context>

<pallas_src>
import functools

import jax
import jax.numpy as jnp
from jax import lax
from jax.experimental import pallas as pl
from jax.experimental.pallas import tpu as pltpu
from jax.experimental.pallas import tpu_sc as plsc

VOCAB = 1000000
EMBED = 64
NUM_CLASS = 4
BATCH = 16384
HIST = 50
EPS = 1e-5

NC, NS, LANES = 2, 16, 16
NW = NC * NS
BPW = BATCH // NW
CHUNK = 16
NCHUNKS = BPW // CHUNK
KCOL = EMBED // LANES
CIDX = CHUNK * HIST

_sc_mesh = plsc.VectorSubcoreMesh(core_axis_name="c", subcore_axis_name="s")


@functools.partial(
    pl.kernel,
    out_type=jax.ShapeDtypeStruct((BATCH, EMBED), jnp.float32),
    mesh=_sc_mesh,
    scratch_types=[
        pltpu.VMEM((CHUNK, 128), jnp.int32),
        pltpu.VMEM((CHUNK, 128), jnp.int32),
        pltpu.VMEM((CIDX,), jnp.int32),
        pltpu.VMEM((CIDX,), jnp.int32),
        pltpu.VMEM((CIDX, EMBED), jnp.float32),
        pltpu.VMEM((CIDX, EMBED), jnp.float32),
        pltpu.VMEM((CHUNK, EMBED), jnp.float32),
        pltpu.VMEM((CHUNK, EMBED), jnp.float32),
        pltpu.SemaphoreType.DMA,
    ],
    compiler_params=pltpu.CompilerParams(use_tc_tiling_on_sc=False,
                                         needs_layout_passes=False),
)
def _bag_sums(x_hbm, table_hbm, out_hbm,
              idxr0, idxr1, idxf0, idxf1, rows0, rows1, out0, out1, gsem):
    wid = lax.axis_index("s") * NC + lax.axis_index("c")
    idxr = (idxr0, idxr1)
    idxf = (idxf0, idxf1)
    rows = (rows0, rows1)
    outs = (out0, out1)
    lane = lax.iota(jnp.int32, 16)

    def fire(ci, slot):
        base = wid * BPW + ci * CHUNK
        pltpu.sync_copy(x_hbm.at[pl.ds(base, CHUNK)], idxr[slot])
        for b in range(CHUNK):
            for off in (0, 16, 32):
                v = idxr[slot][b, pl.ds(off, 16)]
                plsc.store_scatter(idxf[slot], [lane + (b * HIST + off)], v)
            v = idxr[slot][b, pl.ds(48, 16)]
            plsc.store_scatter(idxf[slot], [lane + (b * HIST + 48)], v,
                               mask=lane < (HIST - 48))
        pltpu.async_copy(table_hbm.at[idxf[slot]], rows[slot], gsem)

    def drain_reduce_store(ci, slot):
        base = wid * BPW + ci * CHUNK
        pltpu.make_async_copy(table_hbm.at[idxf[slot]], rows[slot],
                              gsem).wait()
        rv = rows[slot]
        ov = outs[slot]

        def bag_body(b, carry):
            accs = [rv[b * HIST, pl.ds(k * LANES, LANES)] for k in range(KCOL)]
            for r in range(1, HIST):
                for k in range(KCOL):
                    accs[k] = accs[k] + rv[b * HIST + r, pl.ds(k * LANES, LANES)]
            for k in range(KCOL):
                ov[b, pl.ds(k * LANES, LANES)] = accs[k]
            return carry

        lax.fori_loop(0, CHUNK, bag_body, 0)
        pltpu.sync_copy(ov, out_hbm.at[pl.ds(base, CHUNK)])

    fire(0, 0)

    def pair_body(i, carry):
        c0 = 2 * i
        fire(c0 + 1, 1)
        drain_reduce_store(c0, 0)

        @pl.when(c0 + 2 < NCHUNKS)
        def _():
            fire(c0 + 2, 0)

        drain_reduce_store(c0 + 1, 1)
        return carry

    lax.fori_loop(0, NCHUNKS // 2, pair_body, 0)


def _mlp_body(bag_ref, s1_ref, b1_ref, w1_ref, s2_ref, b2_ref, w2_ref,
              fc2b_ref, out_ref):
    h = bag_ref[...] * s1_ref[...] + b1_ref[...]
    h = jnp.maximum(h, 0.0)
    h = jnp.dot(h, w1_ref[...], preferred_element_type=jnp.float32)
    h = h * s2_ref[...] + b2_ref[...]
    h = jnp.maximum(h, 0.0)
    out_ref[...] = (
        jnp.dot(h, w2_ref[...], preferred_element_type=jnp.float32)
        + fc2b_ref[...]
    )


_BM = 2048


def _mlp(sums, s1, b1, w1, s2, b2, w2, fc2b):
    grid = (BATCH // _BM,)
    return pl.pallas_call(
        _mlp_body,
        grid=grid,
        in_specs=[
            pl.BlockSpec((_BM, EMBED), lambda i: (i, 0)),
            pl.BlockSpec((1, EMBED), lambda i: (0, 0)),
            pl.BlockSpec((1, EMBED), lambda i: (0, 0)),
            pl.BlockSpec((EMBED, 128), lambda i: (0, 0)),
            pl.BlockSpec((1, 128), lambda i: (0, 0)),
            pl.BlockSpec((1, 128), lambda i: (0, 0)),
            pl.BlockSpec((128, NUM_CLASS), lambda i: (0, 0)),
            pl.BlockSpec((1, NUM_CLASS), lambda i: (0, 0)),
        ],
        out_specs=pl.BlockSpec((_BM, NUM_CLASS), lambda i: (i, 0)),
        out_shape=jax.ShapeDtypeStruct((BATCH, NUM_CLASS), jnp.float32),
    )(sums, s1, b1, w1, s2, b2, w2, fc2b)


def kernel(x, emb_table, fc1_w, fc1_b, fc2_w, fc2_b,
           bn1_gamma, bn1_beta, bn2_gamma, bn2_beta):
    xp = jnp.pad(x.astype(jnp.int32), ((0, 0), (0, 128 - HIST)))
    sums = _bag_sums(xp, emb_table)
    inv = 1.0 / jnp.sqrt(1.0 + EPS)
    s1 = (bn1_gamma * inv / HIST).reshape(1, EMBED)
    b1 = bn1_beta.reshape(1, EMBED)
    s2 = (bn2_gamma * inv).reshape(1, 128)
    b2 = (fc1_b * bn2_gamma * inv + bn2_beta).reshape(1, 128)
    return _mlp(sums, s1, b1, fc1_w.T, s2, b2, fc2_w.T,
                fc2_b.reshape(1, NUM_CLASS))

# --- scband reference (transcript-rebuilt; emitter-appended) ---
"""Pipeline reference for scband-text-classification-model2-14053132992906 (READ-ONLY COPY).

The authoritative reference and input builder live on the scoring server;
editing this copy changes nothing except your own understanding.
"""

import jax, jax.numpy as jnp
import numpy as np

VOCAB = 1000000
EMBED = 64
NUM_CLASS = 4
BATCH = 16384
HIST = 50
EPS = 1e-5

def setup_inputs(seed: int = 0) -> dict:
    key = jax.random.key(seed)
    k1, k2, k3, k4, k5, k6 = jax.random.split(key, 6)
    x = jax.random.randint(k1, (BATCH, HIST), 0, VOCAB, dtype=jnp.int64 if jax.config.read('jax_enable_x64') else jnp.int32)
    emb_table = jax.random.uniform(k2, (VOCAB, EMBED), dtype=jnp.float32, minval=-0.5, maxval=0.5)
    fc1_w = jax.random.uniform(k3, (128, EMBED), dtype=jnp.float32, minval=-0.5, maxval=0.5)
    fc1_b = jnp.zeros((128,), dtype=jnp.float32)
    fc2_w = jax.random.uniform(k4, (NUM_CLASS, 128), dtype=jnp.float32, minval=-0.5, maxval=0.5)
    fc2_b = jnp.zeros((NUM_CLASS,), dtype=jnp.float32)
    bn1_gamma = jnp.ones((EMBED,), dtype=jnp.float32)
    bn1_beta = jnp.zeros((EMBED,), dtype=jnp.float32)
    bn2_gamma = jnp.ones((128,), dtype=jnp.float32)
    bn2_beta = jnp.zeros((128,), dtype=jnp.float32)
    return {"x": x, "emb_table": emb_table, "fc1_w": fc1_w, "fc1_b": fc1_b,
            "fc2_w": fc2_w, "fc2_b": fc2_b,
            "bn1_gamma": bn1_gamma, "bn1_beta": bn1_beta,
            "bn2_gamma": bn2_gamma, "bn2_beta": bn2_beta}

def _batchnorm_eval(h, gamma, beta):
    # eval-mode batchnorm with running_mean=0, running_var=1
    return h * (gamma / jnp.sqrt(1.0 + EPS)) + beta

def reference(x, emb_table, fc1_w, fc1_b, fc2_w, fc2_b, bn1_gamma, bn1_beta, bn2_gamma, bn2_beta):
    # EmbeddingBag with default mode='mean' over the L dimension
    emb = jnp.take(emb_table, x, axis=0)          # [B, L, D] gather
    bag = jnp.mean(emb, axis=1)                   # [B, D]
    h = jax.nn.relu(_batchnorm_eval(bag, bn1_gamma, bn1_beta))
    # dropout1 is identity in eval mode
    h = h @ fc1_w.T + fc1_b
    h = jax.nn.relu(_batchnorm_eval(h, bn2_gamma, bn2_beta))
    # dropout2 is identity in eval mode
    out = h @ fc2_w.T + fc2_b
    return out

if __name__ == "__main__":
    import jax
    _d = setup_inputs()
    print(jax.jit(kernel)(*tuple(_d.values())))

</pallas_src>

<mosaic_0001>
#map = affine_map<(d0, d1) -> (0, 0)>
module attributes {stable_mosaic.version = 14 : i64} {
  func.func @_bag_sums(%arg0: i32, %arg1: i32, %arg2: memref<16384x128xi32, #tpu.memory_space<hbm>>, %arg3: memref<1000000x64xf32, #tpu.memory_space<hbm>>, %arg4: memref<16384x64xf32, #tpu.memory_space<hbm>>, %arg5: memref<16x128xi32, #tpu.memory_space<vmem>>, %arg6: memref<16x128xi32, #tpu.memory_space<vmem>>, %arg7: memref<800xi32, #tpu.memory_space<vmem>>, %arg8: memref<800xi32, #tpu.memory_space<vmem>>, %arg9: memref<800x64xf32, #tpu.memory_space<vmem>>, %arg10: memref<800x64xf32, #tpu.memory_space<vmem>>, %arg11: memref<16x64xf32, #tpu.memory_space<vmem>>, %arg12: memref<16x64xf32, #tpu.memory_space<vmem>>, %arg13: memref<!tpu.dma_semaphore, #tpu.memory_space<semaphore_mem>>) attributes {dimension_semantics = [#tpu.dimension_semantics<core_parallel>, #tpu.dimension_semantics<subcore_parallel>], iteration_bounds = array<i64: 2, 16>, scalar_prefetch = 0 : i64, scratch_operands = 9 : i64, tpu.core_type = #tpu.core_type<sc_vector_subcore>, window_params = [{transform_indices = #map}, {transform_indices = #map}, {transform_indices = #map}]} {
    %mul3A = arith.constant 2 : i32
    %mul3A_0 = arith.muli %arg1, %mul3A : i32
    %add3A = arith.addi %mul3A_0, %arg0 : i32
    %iota3A = tpu.iota {dimensions = array<i32: 0>} : vector<16xi32>
    %mul3A_1 = arith.constant 512 : i32
    %mul3A_2 = arith.muli %add3A, %mul3A_1 : i32
    %add3A_3 = arith.constant 0 : i32
    %add3A_4 = arith.addi %mul3A_2, %add3A_3 : i32
    "tpu.region"() ({
      %run_scoped3A = tpu.sem_alloc : memref<!tpu.dma_semaphore, #tpu.memory_space<semaphore_mem>>
      %dma_start3A_506 = arith.constant 0 : i32
      %dma_start3A_507 = tpu.memref_slice %arg2[%add3A_4, %dma_start3A_506] : memref<16384x128xi32, #tpu.memory_space<hbm>> -> memref<16x128xi32, #tpu.memory_space<hbm>>
      %dma_start3A_508 = arith.constant 0 : i32
      %dma_start3A_509 = tpu.memref_slice %arg2[%add3A_4, %dma_start3A_508] : memref<16384x128xi32, #tpu.memory_space<hbm>> -> memref<16x128xi32, #tpu.memory_space<hbm>>
      tpu.enqueue_dma source(%dma_start3A_509 : memref<16x128xi32, #tpu.memory_space<hbm>>) target(%arg5 : memref<16x128xi32, #tpu.memory_space<vmem>>) target_semaphore(%run_scoped3A : memref<!tpu.dma_semaphore, #tpu.memory_space<semaphore_mem>>)
      %dma_wait3A = arith.constant 0 : i32
      %dma_wait3A_510 = tpu.memref_slice %arg2[%add3A_4, %dma_wait3A] : memref<16384x128xi32, #tpu.memory_space<hbm>> -> memref<16x128xi32, #tpu.memory_space<hbm>>
      %dma_wait3A_511 = arith.constant 0 : i32
      %dma_wait3A_512 = tpu.memref_slice %arg2[%add3A_4, %dma_wait3A_511] : memref<16384x128xi32, #tpu.memory_space<hbm>> -> memref<16x128xi32, #tpu.memory_space<hbm>>
      tpu.wait_dma2 semaphore(%run_scoped3A : memref<!tpu.dma_semaphore, #tpu.memory_space<semaphore_mem>>) src(%dma_wait3A_512 : memref<16x128xi32, #tpu.memory_space<hbm>>) dst(%arg5 : memref<16x128xi32, #tpu.memory_space<vmem>>)
      tpu.yield
    }) : () -> ()
    %get3A = arith.constant 0 : i32
    %get3A_5 = arith.index_cast %get3A : i32 to index
    %get3A_6 = arith.constant 0 : index
    %get3A_7 = tpu.vector_load %arg5[%get3A_5, %get3A_6] {strides = array<i32>} : memref<16x128xi32, #tpu.memory_space<vmem>>, vector<16xi32>,
    %add3A_8 = arith.constant 0 : i32
    %add3A_9 = vector.broadcast %add3A_8 : i32 to vector<16xi32>
    %add3A_10 = arith.addi %iota3A, %add3A_9 : vector<16xi32>
    tpu.vector_store_idx %arg7[%add3A_10], %get3A_7 : memref<800xi32, #tpu.memory_space<vmem>>[vector<16xi32>], vector<16xi32>,
    %get3A_11 = arith.constant 0 : i32
    %get3A_12 = arith.index_cast %get3A_11 : i32 to index
    %get3A_13 = arith.constant 16 : index
    %get3A_14 = tpu.vector_load %arg5[%get3A_12, %get3A_13] {strides = array<i32>} : memref<16x128xi32, #tpu.memory_space<vmem>>, vector<16xi32>,
    %add3A_15 = arith.constant 16 : i32
    %add3A_16 = vector.broadcast %add3A_15 : i32 to vector<16xi32>
    %add3A_17 = arith.addi %iota3A, %add3A_16 : vector<16xi32>
    tpu.vector_store_idx %arg7[%add3A_17], %get3A_14 : memref<800xi32, #tpu.memory_space<vmem>>[vector<16xi32>], vector<16xi32>,
    %get3A_18 = arith.constant 0 : i32
    %get3A_19 = arith.index_cast %get3A_18 : i32 to index
    %get3A_20 = arith.constant 32 : index
    %get3A_21 = tpu.vector_load %arg5[%get3A_19, %get3A_20] {strides = array<i32>} : memref<16x128xi32, #tpu.memory_space<vmem>>, vector<16xi32>,
    %add3A_22 = arith.constant 32 : i32
    %add3A_23 = vector.broadcast %add3A_22 : i32 to vector<16xi32>
    %add3A_24 = arith.addi %iota3A, %add3A_23 : vector<16xi32>
    tpu.vector_store_idx %arg7[%add3A_24], %get3A_21 : memref<800xi32, #tpu.memory_space<vmem>>[vector<16xi32>], vector<16xi32>,
    %get3A_25 = arith.constant 0 : i32
    %get3A_26 = arith.index_cast %get3A_25 : i32 to index
    %get3A_27 = arith.constant 48 : index
    %get3A_28 = tpu.vector_load %arg5[%get3A_26, %get3A_27] {strides = array<i32>} : memref<16x128xi32, #tpu.memory_space<vmem>>, vector<16xi32>,
    %add3A_29 = arith.constant 48 : i32
    %add3A_30 = vector.broadcast %add3A_29 : i32 to vector<16xi32>
    %add3A_31 = arith.addi %iota3A, %add3A_30 : vector<16xi32>
    %lt3A = arith.constant 2 : i32
    %lt3A_32 = vector.broadcast %lt3A : i32 to vector<16xi32>
    %lt3A_33 = arith.cmpi slt, %iota3A, %lt3A_32 : vector<16xi32>
    tpu.vector_store_idx %arg7[%add3A_31], %get3A_28 masked %lt3A_33 : memref<800xi32, #tpu.memory_space<vmem>>[vector<16xi32>], vector<16xi32>, vector<16xi1>
    %get3A_34 = arith.constant 1 : i32
    %get3A_35 = arith.index_cast %get3A_34 : i32 to index
    %get3A_36 = arith.constant 0 : index
    %get3A_37 = tpu.vector_load %arg5[%get3A_35, %get3A_36] {strides = array<i32>} : memref<16x128xi32, #tpu.memory_space<vmem>>, vector<16xi32>,
    %add3A_38 = arith.constant 50 : i32
    %add3A_39 = vector.broadcast %add3A_38 : i32 to vector<16xi32>
    %add3A_40 = arith.addi %iota3A, %add3A_39 : vector<16xi32>
    tpu.vector_store_idx %arg7[%add3A_40], %get3A_37 : memref<800xi32, #tpu.memory_space<vmem>>[vector<16xi32>], vector<16xi32>,
    %get3A_41 = arith.constant 1 : i32
    %get3A_42 = arith.index_cast %get3A_41 : i32 to index
    %get3A_43 = arith.constant 16 : index
    %get3A_44 = tpu.vector_load %arg5[%get3A_42, %get3A_43] {strides = array<i32>} : memref<16x128xi32, #tpu.memory_space<vmem>>, vector<16xi32>,
    %add3A_45 = arith.constant 66 : i32
    %add3A_46 = vector.broadcast %add3A_45 : i32 to vector<16xi32>
    %add3A_47 = arith.addi %iota3A, %add3A_46 : vector<16xi32>
    tpu.vector_store_idx %arg7[%add3A_47], %get3A_44 : memref<800xi32, #tpu.memory_space<vmem>>[vector<16xi32>], vector<16xi32>,
    %get3A_48 = arith.constant 1 : i32
    %get3A_49 = arith.index_cast %get3A_48 : i32 to index
    %get3A_50 = arith.constant 32 : index
    %get3A_51 = tpu.vector_load %arg5[%get3A_49, %get3A_50] {strides = array<i32>} : memref<16x128xi32, #tpu.memory_space<vmem>>, vector<16xi32>,
    %add3A_52 = arith.constant 82 : i32
    %add3A_53 = vector.broadcast %add3A_52 : i32 to vector<16xi32>
    %add3A_54 = arith.addi %iota3A, %add3A_53 : vector<16xi32>
    tpu.vector_store_idx %arg7[%add3A_54], %get3A_51 : memref<800xi32, #tpu.memory_space<vmem>>[vector<16xi32>], vector<16xi32>,
    %get3A_55 = arith.constant 1 : i32
    %get3A_56 = arith.index_cast %get3A_55 : i32 to index
    %get3A_57 = arith.constant 48 : index
    %get3A_58 = tpu.vector_load %arg5[%get3A_56, %get3A_57] {strides = array<i32>} : memref<16x128xi32, #tpu.memory_space<vmem>>, vector<16xi32>,
    %add3A_59 = arith.constant 98 : i32
    %add3A_60 = vector.broadcast %add3A_59 : i32 to vector<16xi32>
    %add3A_61 = arith.addi %iota3A, %add3A_60 : vector<16xi32>
    %lt3A_62 = arith.constant 2 : i32
    %lt3A_63 = vector.broadcast %lt3A_62 : i32 to vector<16xi32>
    %lt3A_64 = arith.cmpi slt, %iota3A, %lt3A_63 : vector<16xi32>
    tpu.vector_store_idx %arg7[%add3A_61], %get3A_58 masked %lt3A_64 : memref<800xi32, #tpu.memory_space<vmem>>[vector<16xi32>], vector<16xi32>, vector<16xi1>
    %get3A_65 = arith.constant 2 : i32
    %get3A_66 = arith.index_cast %get3A_65 : i32 to index
    %get3A_67 = arith.constant 0 : index
    %get3A_68 = tpu.vector_load %arg5[%get3A_66, %get3A_67] {strides = array<i32>} : memref<16x128xi32, #tpu.memory_space<vmem>>, vector<16xi32>,
    %add3A_69 = arith.constant 100 : i32
    %add3A_70 = vector.broadcast %add3A_69 : i32 to vector<16xi32>
    %add3A_71 = arith.addi %iota3A, %add3A_70 : vector<16xi32>
    tpu.vector_store_idx %arg7[%add3A_71], %get3A_68 : memref<800xi32, #tpu.memory_space<vmem>>[vector<16xi32>], vector<16xi32>,
    %get3A_72 = arith.constant 2 : i32
    %get3A_73 = arith.index_cast %get3A_72 : i32 to index
    %get3A_74 = arith.constant 16 : index
    %get3A_75 = tpu.vector_load %arg5[%get3A_73, %get3A_74] {strides = array<i32>} : memref<16x128xi32, #tpu.memory_space<vmem>>, vector<16xi32>,
    %add3A_76 = arith.constant 116 : i32
    %add3A_77 = vector.broadcast %add3A_76 : i32 to vector<16xi32>
    %add3A_78 = arith.addi %iota3A, %add3A_77 : vector<16xi32>
    tpu.vector_store_idx %arg7[%add3A_78], %get3A_75 : memref<800xi32, #tpu.memory_space<vmem>>[vector<16xi32>], vector<16xi32>,
    %get3A_79 = arith.constant 2 : i32
    %get3A_80 = arith.index_cast %get3A_79 : i32 to index
    %get3A_81 = arith.constant 32 : index
    %get3A_82 = tpu.vector_load %arg5[%get3A_80, %get3A_81] {strides = array<i32>} : memref<16x128xi32, #tpu.memory_space<vmem>>, vector<16xi32>,
    %add3A_83 = arith.constant 132 : i32
    %add3A_84 = vector.broadcast %add3A_83 : i32 to vector<16xi32>
    %add3A_85 = arith.addi %iota3A, %add3A_84 : vector<16xi32>
    tpu.vector_store_idx %arg7[%add3A_85], %get3A_82 : memref<800xi32, #tpu.memory_space<vmem>>[vector<16xi32>], vector<16xi32>,
    %get3A_86 = arith.constant 2 : i32
    %get3A_87 = arith.index_cast %get3A_86 : i32 to index
    %get3A_88 = arith.constant 48 : index
    %get3A_89 = tpu.vector_load %arg5[%get3A_87, %get3A_88] {strides = array<i32>} : memref<16x128xi32, #tpu.memory_space<vmem>>, vector<16xi32>,
    %add3A_90 = arith.constant 148 : i32
    %add3A_91 = vector.broadcast %add3A_90 : i32 to vector<16xi32>
    %add3A_92 = arith.addi %iota3A, %add3A_91 : vector<16xi32>
    %lt3A_93 = arith.constant 2 : i32
    %lt3A_94 = vector.broadcast %lt3A_93 : i32 to vector<16xi32>
    %lt3A_95 = arith.cmpi slt, %iota3A, %lt3A_94 : vector<16xi32>
    tpu.vector_store_idx %arg7[%add3A_92], %get3A_89 masked %lt3A_95 : memref<800xi32, #tpu.memory_space<vmem>>[vector<16xi32>], vector<16xi32>, vector<16xi1>
    %get3A_96 = arith.constant 3 : i32
    %get3A_97 = arith.index_cast %get3A_96 : i32 to index
    %get3A_98 = arith.constant 0 : index
    %get3A_99 = tpu.vector_load %arg5[%get3A_97, %get3A_98] {strides = array<i32>} : memref<16x128xi32, #tpu.memory_space<vmem>>, vector<16xi32>,
    %add3A_100 = arith.constant 150 : i32
    %add3A_101 = vector.broadcast %add3A_100 : i32 to vector<16xi32>
    %add3A_102 = arith.addi %iota3A, %add3A_101 : vector<16xi32>
    tpu.vector_store_idx %arg7[%add3A_102], %get3A_99 : memref<800xi32, #tpu.memory_space<vmem>>[vector<16xi32>], vector<16xi32>,
    %get3A_103 = arith.constant 3 : i32
    %get3A_104 = arith.index_cast %get3A_103 : i32 to index
    %get3A_105 = arith.constant 16 : index
    %get3A_106 = tpu.vector_load %arg5[%get3A_104, %get3A_105] {strides = array<i32>} : memref<16x128xi32, #tpu.memory_space<vmem>>, vector<16xi32>,
    %add3A_107 = arith.constant 166 : i32
    %add3A_108 = vector.broadcast %add3A_107 : i32 to vector<16xi32>
    %add3A_109 = arith.addi %iota3A, %add3A_108 : vector<16xi32>
    tpu.vector_store_idx %arg7[%add3A_109], %get3A_106 : memref<800xi32, #tpu.memory_space<vmem>>[vector<16xi32>], vector<16xi32>,
    %get3A_110 = arith.constant 3 : i32
    %get3A_111 = arith.index_cast %get3A_110 : i32 to index
    %get3A_112 = arith.constant 32 : index
    %get3A_113 = tpu.vector_load %arg5[%get3A_111, %get3A_112] {strides = array<i32>} : memref<16x128xi32, #tpu.memory_space<vmem>>, vector<16xi32>,
    %add3A_114 = arith.constant 182 : i32
    %add3A_115 = vector.broadcast %add3A_114 : i32 to vector<16xi32>
    %add3A_116 = arith.addi %iota3A, %add3A_115 : vector<16xi32>
    tpu.vector_store_idx %arg7[%add3A_116], %get3A_113 : memref<800xi32, #tpu.memory_space<vmem>>[vector<16xi32>], vector<16xi32>,
    %get3A_117 = arith.constant 3 : i32
    %get3A_118 = arith.index_cast %get3A_117 : i32 to index
    %get3A_119 = arith.constant 48 : index
    %get3A_120 = tpu.vector_load %arg5[%get3A_118, %get3A_119] {strides = array<i32>} : memref<16x128xi32, #tpu.memory_space<vmem>>, vector<16xi32>,
    %add3A_121 = arith.constant 198 : i32
    %add3A_122 = vector.broadcast %add3A_121 : i32 to vector<16xi32>
    %add3A_123 = arith.addi %iota3A, %add3A_122 : vector<16xi32>
    %lt3A_124 = arith.constant 2 : i32
    %lt3A_125 = vector.broadcast %lt3A_124 : i32 to vector<16xi32>
    %lt3A_126 = arith.cmpi slt, %iota3A, %lt3A_125 : vector<16xi32>
    tpu.vector_store_idx %arg7[%add3A_123], %get3A_120 masked %lt3A_126 : memref<800xi32, #tpu.memory_space<vmem>>[vector<16xi32>], vector<16xi32>, vector<16xi1>
    %get3A_127 = arith.constant 4 : i32
    %get3A_128 = arith.index_cast %get3A_127 : i32 to index
    %get3A_129 = arith.constant 0 : index
    %get3A_130 = tpu.vector_load %arg5[%get3A_128, %get3A_129] {strides = array<i32>} : memref<16x128xi32, #tpu.memory_space<vmem>>, vector<16xi32>,
    %add3A_131 = arith.constant 200 : i32
    %add3A_132 = vector.broadcast %add3A_131 : i32 to vector<16xi32>
    %add3A_133 = arith.addi %iota3A, %add3A_132 : vector<16xi32>
    tpu.vector_store_idx %arg7[%add3A_133], %get3A_130 : memref<800xi32, #tpu.memory_space<vmem>>[vector<16xi32>], vector<16xi32>,
    %get3A_134 = arith.constant 4 : i32
    %get3A_135 = arith.index_cast %get3A_134 : i32 to index
    %get3A_136 = arith.constant 16 : index
    %get3A_137 = tpu.vector_load %arg5[%get3A_135, %get3A_136] {strides = array<i32>} : memref<16x128xi32, #tpu.memory_space<vmem>>, vector<16xi32>,
    %add3A_138 = arith.constant 216 : i32
    %add3A_139 = vector.broadcast %add3A_138 : i32 to vector<16xi32>
    %add3A_140 = arith.addi %iota3A, %add3A_139 : vector<16xi32>
    tpu.vector_store_idx %arg7[%add3A_140], %get3A_137 : memref<800xi32, #tpu.memory_space<vmem>>[vector<16xi32>], vector<16xi32>,
    %get3A_141 = arith.constant 4 : i32
    %get3A_142 = arith.index_cast %get3A_141 : i32 to index
    %get3A_143 = arith.constant 32 : index
    %get3A_144 = tpu.vector_load %arg5[%get3A_142, %get3A_143] {strides = array<i32>} : memref<16x128xi32, #tpu.memory_space<vmem>>, vector<16xi32>,
    %add3A_145 = arith.constant 232 : i32
    %add3A_146 = vector.broadcast %add3A_145 : i32 to vector<16xi32>
    %add3A_147 = arith.addi %iota3A, %add3A_146 : vector<16xi32>
    tpu.vector_store_idx %arg7[%add3A_147], %get3A_144 : memref<800xi32, #tpu.memory_space<vmem>>[vector<16xi32>], vector<16xi32>,
    %get3A_148 = arith.constant 4 : i32
    %get3A_149 = arith.index_cast %get3A_148 : i32 to index
    %get3A_150 = arith.constant 48 : index
    %get3A_151 = tpu.vector_load %arg5[%get3A_149, %get3A_150] {strides = array<i32>} : memref<16x128xi32, #tpu.memory_space<vmem>>, vector<16xi32>,
    %add3A_152 = arith.constant 248 : i32
    %add3A_153 = vector.broadcast %add3A_152 : i32 to vector<16xi32>
    %add3A_154 = arith.addi %iota3A, %add3A_153 : vector<16xi32>
    %lt3A_155 = arith.constant 2 : i32
    %lt3A_156 = vector.broadcast %lt3A_155 : i32 to vector<16xi32>
    %lt3A_157 = arith.cmpi slt, %iota3A, %lt3A_156 : vector<16xi32>
    tpu.vector_store_idx %arg7[%add3A_154], %get3A_151 masked %lt3A_157 : memref<800xi32, #tpu.memory_space<vmem>>[vector<16xi32>], vector<16xi32>, vector<16xi1>
    %get3A_158 = arith.constant 5 : i32
    %get3A_159 = arith.index_cast %get3A_158 : i32 to index
    %get3A_160 = arith.constant 0 : index
    %get3A_161 = tpu.vector_load %arg5[%get3A_159, %get3A_160] {strides = array<i32>} : memref<16x128xi32, #tpu.memory_space<vmem>>, vector<16xi32>,
    %add3A_162 = arith.constant 250 : i32
    %add3A_163 = vector.broadcast %add3A_162 : i32 to vector<16xi32>
    %add3A_164 = arith.addi %iota3A, %add3A_163 : vector<16xi32>
    tpu.vector_store_idx %arg7[%add3A_164], %get3A_161 : memref<800xi32, #tpu.memory_space<vmem>>[vector<16xi32>], vector<16xi32>,
    %get3A_165 = arith.constant 5 : i32
    %get3A_166 = arith.index_cast %get3A_165 : i32 to index
    %get3A_167 = arith.constant 16 : index
    %get3A_168 = tpu.vector_load %arg5[%get3A_166, %get3A_167] {strides = array<i32>} : memref<16x128xi32, #tpu.memory_space<vmem>>, vector<16xi32>,
    %add3A_169 = arith.constant 266 : i32
    %add3A_170 = vector.broadcast %add3A_169 : i32 to vector<16xi32>
    %add3A_171 = arith.addi %iota3A, %add3A_170 : vector<16xi32>
    tpu.vector_store_idx %arg7[%add3A_171], %get3A_168 : memref<800xi32, #tpu.memory_space<vmem>>[vector<16xi32>], vector<16xi32>,
    %get3A_172 = arith.constant 5 : i32
    %get3A_173 = arith.index_cast %get3A_172 : i32 to index
    %get3A_174 = arith.constant 32 : index
    %get3A_175 = tpu.vector_load %arg5[%get3A_173, %get3A_174] {strides = array<i32>} : memref<16x128xi32, #tpu.memory_space<vmem>>, vector<16xi32>,
    %add3A_176 = arith.constant 282 : i32
    %add3A_177 = vector.broadcast %add3A_176 : i32 to vector<16xi32>
    %add3A_178 = arith.addi %iota3A, %add3A_177 : vector<16xi32>
    tpu.vector_store_idx %arg7[%add3A_178], %get3A_175 : memref<800xi32, #tpu.memory_space<vmem>>[vector<16xi32>], vector<16xi32>,
    %get3A_179 = arith.constant 5 : i32
    %get3A_180 = arith.index_cast %get3A_179 : i32 to index
    %get3A_181 = arith.constant 48 : index
    %get3A_182 = tpu.vector_load %arg5[%get3A_180, %get3A_181] {strides = array<i32>} : memref<16x128xi32, #tpu.memory_space<vmem>>, vector<16xi32>,
    %add3A_183 = arith.constant 298 : i32
    %add3A_184 = vector.broadcast %add3A_183 : i32 to vector<16xi32>
    %add3A_185 = arith.addi %iota3A, %add3A_184 : vector<16xi32>
    %lt3A_186 = arith.constant 2 : i32
    %lt3A_187 = vector.broadcast %lt3A_186 : i32 to vector<16xi32>
    %lt3A_188 = arith.cmpi slt, %iota3A, %lt3A_187 : vector<16xi32>
    tpu.vector_store_idx %arg7[%add3A_185], %get3A_182 masked %lt3A_188 : memref<800xi32, #tpu.memory_space<vmem>>[vector<16xi32>], vector<16xi32>, vector<16xi1>
    %get3A_189 = arith.constant 6 : i32
    %get3A_190 = arith.index_cast %get3A_189 : i32 to index
    %get3A_191 = arith.constant 0 : index
    %get3A_192 = tpu.vector_load %arg5[%get3A_190, %get3A_191] {strides = array<i32>} : memref<16x128xi32, #tpu.memory_space<vmem>>, vector<16xi32>,
    %add3A_193 = arith.constant 300 : i32
    %add3A_194 = vector.broadcast %add3A_193 : i32 to vector<16xi32>
    %add3A_195 = arith.addi %iota3A, %add3A_194 : vector<16xi32>
    tpu.vector_store_idx %arg7[%add3A_195], %get3A_192 : memref<800xi32, #tpu.memory_space<vmem>>[vector<16xi32>], vector<16xi32>,
    %get3A_196 = arith.constant 6 : i32
    %get3A_197 = arith.index_cast %get3A_196 : i32 to index
    %get3A_198 = arith.constant 16 : index
    %get3A_199 = tpu.vector_load %arg5[%get3A_197, %get3A_198] {strides = array<i32>} : memref<16x128xi32, #tpu.memory_space<vmem>>, vector<16xi32>,
    %add3A_200 = arith.constant 316 : i32
    %add3A_201 = vector.broadcast %add3A_200 : i32 to vector<16xi32>
    %add3A_202 = arith.addi %iota3A, %add3A_201 : vector<16xi32>
    tpu.vector_store_idx %arg7[%add3A_202], %get3A_199 : memref<800xi32, #tpu.memory_space<vmem>>[vector<16xi32>], vector<16xi32>,
    %get3A_203 = arith.constant 6 : i32
    %get3A_204 = arith.index_cast %get3A_203 : i32 to index
    %get3A_205 = arith.constant 32 : index
    %get3A_206 = tpu.vector_load %arg5[%get3A_204, %get3A_205] {strides = array<i32>} : memref<16x128xi32, #tpu.memory_space<vmem>>, vector<16xi32>,
    %add3A_207 = arith.constant 332 : i32
    %add3A_208 = vector.broadcast %add3A_207 : i32 to vector<16xi32>
    %add3A_209 = arith.addi %iota3A, %add3A_208 : vector<16xi32>
    tpu.vector_store_idx %arg7[%add3A_209], %get3A_206 : memref<800xi32, #tpu.memory_space<vmem>>[vector<16xi32>], vector<16xi32>,
    %get3A_210 = arith.constant 6 : i32
    %get3A_211 = arith.index_cast %get3A_210 : i32 to index
    %get3A_212 = arith.constant 48 : index
    %get3A_213 = tpu.vector_load %arg5[%get3A_211, %get3A_212] {strides = array<i32>} : memref<16x128xi32, #tpu.memory_space<vmem>>, vector<16xi32>,
    %add3A_214 = arith.constant 348 : i32
    %add3A_215 = vector.broadcast %add3A_214 : i32 to vector<16xi32>
    %add3A_216 = arith.addi %iota3A, %add3A_215 : vector<16xi32>
    %lt3A_217 = arith.constant 2 : i32
    %lt3A_218 = vector.broadcast %lt3A_217 : i32 to vector<16xi32>
    %lt3A_219 = arith.cmpi slt, %iota3A, %lt3A_218 : vector<16xi32>
    tpu.vector_store_idx %arg7[%add3A_216], %get3A_213 masked %lt3A_219 : memref<800xi32, #tpu.memory_space<vmem>>[vector<16xi32>], vector<16xi32>, vector<16xi1>
    %get3A_220 = arith.constant 7 : i32
    %get3A_221 = arith.index_cast %get3A_220 : i32 to index
    %get3A_222 = arith.constant 0 : index
    %get3A_223 = tpu.vector_load %arg5[%get3A_221, %get3A_222] {strides = array<i32>} : memref<16x128xi32, #tpu.memory_space<vmem>>, vector<16xi32>,
    %add3A_224 = arith.constant 350 : i32
    %add3A_225 = vector.broadcast %add3A_224 : i32 to vector<16xi32>
    %add3A_226 = arith.addi %iota3A, %add3A_225 : vector<16xi32>
    tpu.vector_store_idx %arg7[%add3A_226], %get3A_223 : memref<800xi32, #tpu.memory_space<vmem>>[vector<16xi32>], vector<16xi32>,
    %get3A_227 = arith.constant 7 : i32
    %get3A_228 = arith.index_cast %get3A_227 : i32 to index
    %get3A_229 = arith.constant 16 : index
    %get3A_230 = tpu.vector_load %arg5[%get3A_228, %get3A_229] {strides = array<i32>} : memref<16x128xi32, #tpu.memory_space<vmem>>, vector<16xi32>,
    %add3A_231 = arith.constant 366 : i32
    %add3A_232 = vector.broadcast %add3A_231 : i32 to vector<16xi32>
    %add3A_233 = arith.addi %iota3A, %add3A_232 : vector<16xi32>
    tpu.vector_store_idx %arg7[%add3A_233], %get3A_230 : memref<800xi32, #tpu.memory_space<vmem>>[vector<16xi32>], vector<16xi32>,
    %get3A_234 = arith.constant 7 : i32
    %get3A_235 = arith.index_cast %get3A_234 : i32 to index
    %get3A_236 = arith.constant 32 : index
    %get3A_237 = tpu.vector_load %arg5[%get3A_235, %get3A_236] {strides = array<i32>} : memref<16x128xi32, #tpu.memory_space<vmem>>, vector<16xi32>,
    %add3A_238 = arith.constant 382 : i32
    %add3A_239 = vector.broadcast %add3A_238 : i32 to vector<16xi32>
    %add3A_240 = arith.addi %iota3A, %add3A_239 : vector<16xi32>
    tpu.vector_store_idx %arg7[%add3A_240], %get3A_237 : memref<800xi32, #tpu.memory_space<vmem>>[vector<16xi32>], vector<16xi32>,
    %get3A_241 = arith.constant 7 : i32
    %get3A_242 = arith.index_cast %get3A_241 : i32 to index
    %get3A_243 = arith.constant 48 : index
    %get3A_244 = tpu.vector_load %arg5[%get3A_242, %get3A_243] {strides = array<i32>} : memref<16x128xi32, #tpu.memory_space<vmem>>, vector<16xi32>,
    %add3A_245 = arith.constant 398 : i32
    %add3A_246 = vector.broadcast %add3A_245 : i32 to vector<16xi32>
    %add3A_247 = arith.addi %iota3A, %add3A_246 : vector<16xi32>
    %lt3A_248 = arith.constant 2 : i32
    %lt3A_249 = vector.broadcast %lt3A_248 : i32 to vector<16xi32>
    %lt3A_250 = arith.cmpi slt, %iota3A, %lt3A_249 : vector<16xi32>
    tpu.vector_store_idx %arg7[%add3A_247], %get3A_244 masked %lt3A_250 : memref<800xi32, #tpu.memory_space<vmem>>[vector<16xi32>], vector<16xi32>, vector<16xi1>
    %get3A_251 = arith.constant 8 : i32
    %get3A_252 = arith.index_cast %get3A_251 : i32 to index
    %get3A_253 = arith.constant 0 : index
    %get3A_254 = tpu.vector_load %arg5[%get3A_252, %get3A_253] {strides = array<i32>} : memref<16x128xi32, #tpu.memory_space<vmem>>, vector<16xi32>,
    %add3A_255 = arith.constant 400 : i32
    %add3A_256 = vector.broadcast %add3A_255 : i32 to vector<16xi32>
    %add3A_257 = arith.addi %iota3A, %add3A_256 : vector<16xi32>
    tpu.vector_store_idx %arg7[%add3A_257], %get3A_254 : memref<800xi32, #tpu.memory_space<vmem>>[vector<16xi32>], vector<16xi32>,
    %get3A_258 = arith.constant 8 : i32
    %get3A_259 = arith.index_cast %get3A_258 : i32 to index
    %get3A_260 = arith.constant 16 : index
    %get3A_261 = tpu.vector_load %arg5[%get3A_259, %get3A_260] {strides = array<i32>} : memref<16x128xi32, #tpu.memory_space<vmem>>, vector<16xi32>,
    %add3A_262 = arith.constant 416 : i32
    %add3A_263 = vector.broadcast %add3A_262 : i32 to vector<16xi32>
    %add3A_264 = arith.addi %iota3A, %add3A_263 : vector<16xi32>
    tpu.vector_store_idx %arg7[%add3A_264], %get3A_261 : memref<800xi32, #tpu.memory_space<vmem>>[vector<16xi32>], vector<16xi32>,
    %get3A_265 = arith.constant 8 : i32
    %get3A_266 = arith.index_cast %get3A_265 : i32 to index
    %get3A_267 = arith.constant 32 : index
    %get3A_268 = tpu.vector_load %arg5[%get3A_266, %get3A_267] {strides = array<i32>} : memref<16x128xi32, #tpu.memory_space<vmem>>, vector<16xi32>,
    %add3A_269 = arith.constant 432 : i32
    %add3A_270 = vector.broadcast %add3A_269 : i32 to vector<16xi32>
    %add3A_271 = arith.addi %iota3A, %add3A_270 : vector<16xi32>
    tpu.vector_store_idx %arg7[%add3A_271], %get3A_268 : memref<800xi32, #tpu.memory_space<vmem>>[vector<16xi32>], vector<16xi32>,
    %get3A_272 = arith.constant 8 : i32
    %get3A_273 = arith.index_cast %get3A_272 : i32 to index
    %get3A_274 = arith.constant 48 : index
    %get3A_275 = tpu.vector_load %arg5[%get3A_273, %get3A_274] {strides = array<i32>} : memref<16x128xi32, #tpu.memory_space<vmem>>, vector<16xi32>,
    %add3A_276 = arith.constant 448 : i32
    %add3A_277 = vector.broadcast %add3A_276 : i32 to vector<16xi32>
    %add3A_278 = arith.addi %iota3A, %add3A_277 : vector<16xi32>
    %lt3A_279 = arith.constant 2 : i32
    %lt3A_280 = vector.broadcast %lt3A_279 : i32 to vector<16xi32>
    %lt3A_281 = arith.cmpi slt, %iota3A, %lt3A_280 : vector<16xi32>
    tpu.vector_store_idx %arg7[%add3A_278], %get3A_275 masked %lt3A_281 : memref<800xi32, #tpu.memory_space<vmem>>[vector<16xi32>], vector<16xi32>, vector<16xi1>
    %get3A_282 = arith.constant 9 : i32
    %get3A_283 = arith.index_cast %get3A_282 : i32 to index
    %get3A_284 = arith.constant 0 : index
    %get3A_285 = tpu.vector_load %arg5[%get3A_283, %get3A_284] {strides = array<i32>} : memref<16x128xi32, #tpu.memory_space<vmem>>, vector<16xi32>,
    %add3A_286 = arith.constant 450 : i32
    %add3A_287 = vector.broadcast %add3A_286 : i32 to vector<16xi32>
    %add3A_288 = arith.addi %iota3A, %add3A_287 : vector<16xi32>
    tpu.vector_store_idx %arg7[%add3A_288], %get3A_285 : memref<800xi32, #tpu.memory_space<vmem>>[vector<16xi32>], vector<16xi32>,
    %get3A_289 = arith.constant 9 : i32
    %get3A_290 = arith.index_cast %get3A_289 : i32 to index
    %get3A_291 = arith.constant 16 : index
    %get3A_292 = tpu.vector_load %arg5[%get3A_290, %get3A_291] {strides = array<i32>} : memref<16x128xi32, #tpu.memory_space<vmem>>, vector<16xi32>,
    %add3A_293 = arith.constant 466 : i32
    %add3A_294 = vector.broadcast %add3A_293 : i32 to vector<16xi32>
    %add3A_295 = arith.addi %iota3A, %add3A_294 : vector<16xi32>
    tpu.vector_store_idx %arg7[%add3A_295], %get3A_292 : memref<800xi32, #tpu.memory_space<vmem>>[vector<16xi32>], vector<16xi32>,
    %get3A_296 = arith.constant 9 : i32
    %get3A_297 = arith.index_cast %get3A_296 : i32 to index
    %get3A_298 = arith.constant 32 : index
    %get3A_299 = tpu.vector_load %arg5[%get3A_297, %get3A_298] {strides = array<i32>} : memref<16x128xi32, #tpu.memory_space<vmem>>, vector<16xi32>,
    %add3A_300 = arith.constant 482 : i32
    %add3A_301 = vector.broadcast %add3A_300 : i32 to vector<16xi32>
    %add3A_302 = arith.addi %iota3A, %add3A_301 : vector<16xi32>
    tpu.vector_store_idx %arg7[%add3A_302], %get3A_299 : memref<800xi32, #tpu.memory_space<vmem>>[vector<16xi32>], vector<16xi32>,
    %get3A_303 = arith.constant 9 : i32
    %get3A_304 = arith.index_cast %get3A_303 : i32 to index
    %get3A_305 = arith.constant 48 : index
    %get3A_306 = tpu.vector_load %arg5[%get3A_304, %get3A_305] {strides = array<i32>} : memref<16x128xi32, #tpu.memory_space<vmem>>, vector<16xi32>,
    %add3A_307 = arith.constant 498 : i32
    %add3A_308 = vector.broadcast %add3A_307 : i32 to vector<16xi32>
    %add3A_309 = arith.addi %iota3A, %add3A_308 : vector<16xi32>
    %lt3A_310 = arith.constant 2 : i32
    %lt3A_311 = vector.broadcast %lt3A_310 : i32 to vector<16xi32>
    %lt3A_312 = arith.cmpi slt, %iota3A, %lt3A_311 : vector<16xi32>
    tpu.vector_store_idx %arg7[%add3A_309], %get3A_306 masked %lt3A_312 : memref<800xi32, #tpu.memory_space<vmem>>[vector<16xi32>], vector<16xi32>, vector<16xi1>
    %get3A_313 = arith.constant 10 : i32
    %get3A_314 = arith.index_cast %get3A_313 : i32 to index
    %get3A_315 = arith.constant 0 : index
    %get3A_316 = tpu.vector_load %arg5[%get3A_314, %get3A_315] {strides = array<i32>} : memref<16x128xi32, #tpu.memory_space<vmem>>, vector<16xi32>,
    %add3A_317 = arith.constant 500 : i32
    %add3A_318 = vector.broadcast %add3A_317 : i32 to vector<16xi32>
    %add3A_319 = arith.addi %iota3A, %add3A_318 : vector<16xi32>
    tpu.vector_store_idx %arg7[%add3A_319], %get3A_316 : memref<800xi32, #tpu.memory_space<vmem>>[vector<16xi32>], vector<16xi32>,
    %get3A_320 = arith.constant 10 : i32
    %get3A_321 = arith.index_cast %get3A_320 : i32 to index
    %get3A_322 = arith.constant 16 : index
    %get3A_323 = tpu.vector_load %arg5[%get3A_321, %get3A_322] {strides = array<i32>} : memref<16x128xi32, #tpu.memory_space<vmem>>, vector<16xi32>,
    %add3A_324 = arith.constant 516 : i32
    %add3A_325 = vector.broadcast %add3A_324 : i32 to vector<16xi32>
    %add3A_326 = arith.addi %iota3A, %add3A_325 : vector<16xi32>
    tpu.vector_store_idx %arg7[%add3A_326], %get3A_323 : memref<800xi32, #tpu.memory_space<vmem>>[vector<16xi32>], vector<16xi32>,
    %get3A_327 = arith.constant 10 : i32
    %get3A_328 = arith.index_cast %get3A_327 : i32 to index
    %get3A_329 = arith.constant 32 : index
    %get3A_330 = tpu.vector_load %arg5[%get3A_328, %get3A_329] {strides = array<i32>} : memref<16x128xi32, #tpu.memory_space<vmem>>, vector<16xi32>,
    %add3A_331 = arith.constant 532 : i32
    %add3A_332 = vector.broadcast %add3A_331 : i32 to vector<16xi32>
    %add3A_333 = arith.addi %iota3A, %add3A_332 : vector<16xi32>
    tpu.vector_store_idx %arg7[%add3A_333], %get3A_330 : memref<800xi32, #tpu.memory_space<vmem>>[vector<16xi32>], vector<16xi32>,
    %get3A_334 = arith.constant 10 : i32
    %get3A_335 = arith.index_cast %get3A_334 : i32 to index
    %get3A_336 = arith.constant 48 : index
    %get3A_337 = tpu.vector_load %arg5[%get3A_335, %get3A_336] {strides = array<i32>} : memref<16x128xi32, #tpu.memory_space<vmem>>, vector<16xi32>,
    %add3A_338 = arith.constant 548 : i32
    %add3A_339 = vector.broadcast %add3A_338 : i32 to vector<16xi32>
    %add3A_340 = arith.addi %iota3A, %add3A_339 : vector<16xi32>
    %lt3A_341 = arith.constant 2 : i32
    %lt3A_342 = vector.broadcast %lt3A_341 : i32 to vector<16xi32>
    %lt3A_343 = arith.cmpi slt, %iota3A, %lt3A_342 : vector<16xi32>
    tpu.vector_store_idx %arg7[%add3A_340], %get3A_337 masked %lt3A_343 : memref<800xi32, #tpu.memory_space<vmem>>[vector<16xi32>], vector<16xi32>, vector<16xi1>
    %get3A_344 = arith.constant 11 : i32
    %get3A_345 = arith.index_cast %get3A_344 : i32 to index
    %get3A_346 = arith.constant 0 : index
    %get3A_347 = tpu.vector_load %arg5[%get3A_345, %get3A_346] {strides = array<i32>} : memref<16x128xi32, #tpu.memory_space<vmem>>, vector<16xi32>,
    %add3A_348 = arith.constant 550 : i32
    %add3A_349 = vector.broadcast %add3A_348 : i32 to vector<16xi32>
    %add3A_350 = arith.addi %iota3A, %add3A_349 : vector<16xi32>
    tpu.vector_store_idx %arg7[%add3A_350], %get3A_347 : memref<800xi32, #tpu.memory_space<vmem>>[vector<16xi32>], vector<16xi32>,
    %get3A_351 = arith.constant 11 : i32
    %get3A_352 = arith.index_cast %get3A_351 : i32 to index
    %get3A_353 = arith.constant 16 : index
    %get3A_354 = tpu.vector_load %arg5[%get3A_352, %get3A_353] {strides = array<i32>} : memref<16x128xi32, #tpu.memory_space<vmem>>, vector<16xi32>,
    %add3A_355 = arith.constant 566 : i32
    %add3A_356 = vector.broadcast %add3A_355 : i32 to vector<16xi32>
    %add3A_357 = arith.addi %iota3A, %add3A_356 : vector<16xi32>
    tpu.vector_store_idx %arg7[%add3A_357], %get3A_354 : memref<800xi32, #tpu.memory_space<vmem>>[vector<16xi32>], vector<16xi32>,
    %get3A_358 = arith.constant 11 : i32
    %get3A_359 = arith.index_cast %get3A_358 : i32 to index
    %get3A_360 = arith.constant 32 : index
    %get3A_361 = tpu.vector_load %arg5[%get3A_359, %get3A_360] {strides = array<i32>} : memref<16x128xi32, #tpu.memory_space<vmem>>, vector<16xi32>,
    %add3A_362 = arith.constant 582 : i32
    %add3A_363 = vector.broadcast %add3A_362 : i32 to vector<16xi32>
    %add3A_364 = arith.addi %iota3A, %add3A_363 : vector<16xi32>
    tpu.vector_store_idx %arg7[%add3A_364], %get3A_361 : memref<800xi32, #tpu.memory_space<vmem>>[vector<16xi32>], vector<16xi32>,
    %get3A_365 = arith.constant 11 : i32
    %get3A_366 = arith.index_cast %get3A_365 : i32 to index
    %get3A_367 = arith.constant 48 : index
    %get3A_368 = tpu.vector_load %arg5[%get3A_366, %get3A_367] {strides = array<i32>} : memref<16x128xi32, #tpu.memory_space<vmem>>, vector<16xi32>,
    %add3A_369 = arith.constant 598 : i32
    %add3A_370 = vector.broadcast %add3A_369 : i32 to vector<16xi32>
    %add3A_371 = arith.addi %iota3A, %add3A_370 : vector<16xi32>
    %lt3A_372 = arith.constant 2 : i32
    %lt3A_373 = vector.broadcast %lt3A_372 : i32 to vector<16xi32>
    %lt3A_374 = arith.cmpi slt, %iota3A, %lt3A_373 : vector<16xi32>
    tpu.vector_store_idx %arg7[%add3A_371], %get3A_368 masked %lt3A_374 : memref<800xi32, #tpu.memory_space<vmem>>[vector<16xi32>], vector<16xi32>, vector<16xi1>
    %get3A_375 = arith.constant 12 : i32
    %get3A_376 = arith.index_cast %get3A_375 : i32 to index
    %get3A_377 = arith.constant 0 : index
    %get3A_378 = tpu.vector_load %arg5[%get3A_376, %get3A_377] {strides = array<i32>} : memref<16x128xi32, #tpu.memory_space<vmem>>, vector<16xi32>,
    %add3A_379 = arith.constant 600 : i32
    %add3A_380 = vector.broadcast %add3A_379 : i32 to vector<16xi32>
    %add3A_381 = arith.addi %iota3A, %add3A_380 : vector<16xi32>
    tpu.vector_store_idx %arg7[%add3A_381], %get3A_378 : memref<800xi32, #tpu.memory_space<vmem>>[vector<16xi32>], vector<16xi32>,
    %get3A_382 = arith.constant 12 : i32
    %get3A_383 = arith.index_cast %get3A_382 : i32 to index
    %get3A_384 = arith.constant 16 : index
    %get3A_385 = tpu.vector_load %arg5[%get3A_383, %get3A_384] {strides = array<i32>} : memref<16x128xi32, #tpu.memory_space<vmem>>, vector<16xi32>,
    %add3A_386 = arith.constant 616 : i32
    %add3A_387 = vector.broadcast %add3A_386 : i32 to vector<16xi32>
    %add3A_388 = arith.addi %iota3A, %add3A_387 : vector<16xi32>
    tpu.vector_store_idx %arg7[%add3A_388], %get3A_385 : memref<800xi32, #tpu.memory_space<vmem>>[vector<16xi32>], vector<16xi32>,
    %get3A_389 = arith.constant 12 : i32
    %get3A_390 = arith.index_cast %get3A_389 : i32 to index
    %get3A_391 = arith.constant 32 : index
    %get3A_392 = tpu.vector_load %arg5[%get3A_390, %get3A_391] {strides = array<i32>} : memref<16x128xi32, #tpu.memory_space<vmem>>, vector<16xi32>,
    %add3A_393 = arith.constant 632 : i32
    %add3A_394 = vector.broadcast %add3A_393 : i32 to vector<16xi32>
    %add3A_395 = arith.addi %iota3A, %add3A_394 : vector<16xi32>
    tpu.vector_store_idx %arg7[%add3A_395], %get3A_392 : memref<800xi32, #tpu.memory_space<vmem>>[vector<16xi32>], vector<16xi32>,
    %get3A_396 = arith.constant 12 : i32
    %get3A_397 = arith.index_cast %get3A_396 : i32 to index
    %get3A_398 = arith.constant 48 : index
    %get3A_399 = tpu.vector_load %arg5[%get3A_397, %get3A_398] {strides = array<i32>} : memref<16x128xi32, #tpu.memory_space<vmem>>, vector<16xi32>,
    %add3A_400 = arith.constant 648 : i32
    %add3A_401 = vector.broadcast %add3A_400 : i32 to vector<16xi32>
    %add3A_402 = arith.addi %iota3A, %add3A_401 : vector<16xi32>
    %lt3A_403 = arith.constant 2 : i32
    %lt3A_404 = vector.broadcast %lt3A_403 : i32 to vector<16xi32>
    %lt3A_405 = arith.cmpi slt, %iota3A, %lt3A_404 : vector<16xi32>
    tpu.vector_store_idx %arg7[%add3A_402], %get3A_399 masked %lt3A_405 : memref<800xi32, #tpu.memory_space<vmem>>[vector<16xi32>], vector<16xi32>, vector<16xi1>
    %get3A_406 = arith.constant 13 : i32
    %get3A_407 = arith.index_cast %get3A_406 : i32 to index
    %get3A_408 = arith.constant 0 : index
    %get3A_409 = tpu.vector_load %arg5[%get3A_407, %get3A_408] {strides = array<i32>} : memref<16x128xi32, #tpu.memory_space<vmem>>, vector<16xi32>,
    %add3A_410 = arith.constant 650 : i32
    %add3A_411 = vector.broadcast %add3A_410 : i32 to vector<16xi32>
    %add3A_412 = arith.addi %iota3A, %add3A_411 : vector<16xi32>
    tpu.vector_store_idx %arg7[%add3A_412], %get3A_409 : memref<800xi32, #tpu.memory_space<vmem>>[vector<16xi32>], vector<16xi32>,
    %get3A_413 = arith.constant 13 : i32
    %get3A_414 = arith.index_cast %get3A_413 : i32 to index
    %get3A_415 = arith.constant 16 : index
    %get3A_416 = tpu.vector_load %arg5[%get3A_414, %get3A_415] {strides = array<i32>} : memref<16x128xi32, #tpu.memory_space<vmem>>, vector<16xi32>,
    %add3A_417 = arith.constant 666 : i32
    %add3A_418 = vector.broadcast %add3A_417 : i32 to vector<16xi32>
    %add3A_419 = arith.addi %iota3A, %add3A_418 : vector<16xi32>
    tpu.vector_store_idx %arg7[%add3A_419], %get3A_416 : memref<800xi32, #tpu.memory_space<vmem>>[vector<16xi32>], vector<16xi32>,
    %get3A_420 = arith.constant 13 : i32
    %get3A_421 = arith.index_cast %get3A_420 : i32 to index
    %get3A_422 = arith.constant 32 : index
    %get3A_423 = tpu.vector_load %arg5[%get3A_421, %get3A_422] {strides = array<i32>} : memref<16x128xi32, #tpu.memory_space<vmem>>, vector<16xi32>,
    %add3A_424 = arith.constant 682 : i32
    %add3A_425 = vector.broadcast %add3A_424 : i32 to vector<16xi32>
    %add3A_426 = arith.addi %iota3A, %add3A_425 : vector<16xi32>
    tpu.vector_store_idx %arg7[%add3A_426], %get3A_423 : memref<800xi32, #tpu.memory_space<vmem>>[vector<16xi32>], vector<16xi32>,
    %get3A_427 = arith.constant 13 : i32
    %get3A_428 = arith.index_cast %get3A_427 : i32 to index
    %get3A_429 = arith.constant 48 : index
    %get3A_430 = tpu.vector_load %arg5[%get3A_428, %get3A_429] {strides = array<i32>} : memref<16x128xi32, #tpu.memory_space<vmem>>, vector<16xi32>,
    %add3A_431 = arith.constant 698 : i32
    %add3A_432 = vector.broadcast %add3A_431 : i32 to vector<16xi32>
    %add3A_433 = arith.addi %iota3A, %add3A_432 : vector<16xi32>
    %lt3A_434 = arith.constant 2 : i32
    %lt3A_435 = vector.broadcast %lt3A_434 : i32 to vector<16xi32>
    %lt3A_436 = arith.cmpi slt, %iota3A, %lt3A_435 : vector<16xi32>
    tpu.vector_store_idx %arg7[%add3A_433], %get3A_430 masked %lt3A_436 : memref<800xi32, #tpu.memory_space<vmem>>[vector<16xi32>], vector<16xi32>, vector<16xi1>
    %get3A_437 = arith.constant 14 : i32
    %get3A_438 = arith.index_cast %get3A_437 : i32 to index
    %get3A_439 = arith.constant 0 : index
    %get3A_440 = tpu.vector_load %arg5[%get3A_438, %get3A_439] {strides = array<i32>} : memref<16x128xi32, #tpu.memory_space<vmem>>, vector<16xi32>,
    %add3A_441 = arith.constant 700 : i32
    %add3A_442 = vector.broadcast %add3A_441 : i32 to vector<16xi32>
    %add3A_443 = arith.addi %iota3A, %add3A_442 : vector<16xi32>
    tpu.vector_store_idx %arg7[%add3A_443], %get3A_440 : memref<800xi32, #tpu.memory_space<vmem>>[vector<16xi32>], vector<16xi32>,
    %get3A_444 = arith.constant 14 : i32
    %get3A_445 = arith.index_cast %get3A_444 : i32 to index
    %get3A_446 = arith.constant 16 : index
    %get3A_447 = tpu.vector_load %arg5[%get3A_445, %get3A_446] {strides = array<i32>} : memref<16x128xi32, #tpu.memory_space<vmem>>, vector<16xi32>,
    %add3A_448 = arith.constant 716 : i32
    %add3A_449 = vector.broadcast %add3A_448 : i32 to vector<16xi32>
    %add3A_450 = arith.addi %iota3A, %add3A_449 : vector<16xi32>
    tpu.vector_store_idx %arg7[%add3A_450], %get3A_447 : memref<800xi32, #tpu.memory_space<vmem>>[vector<16xi32>], vector<16xi32>,
    %get3A_451 = arith.constant 14 : i32
    %get3A_452 = arith.index_cast %get3A_451 : i32 to index
    %get3A_453 = arith.constant 32 : index
    %get3A_454 = tpu.vector_load %arg5[%get3A_452, %get3A_453] {strides = array<i32>} : memref<16x128xi32, #tpu.memory_space<vmem>>, vector<16xi32>,
    %add3A_455 = arith.constant 732 : i32
    %add3A_456 = vector.broadcast %add3A_455 : i32 to vector<16xi32>
    %add3A_457 = arith.addi %iota3A, %add3A_456 : vector<16xi32>
    tpu.vector_store_idx %arg7[%add3A_457], %get3A_454 : memref<800xi32, #tpu.memory_space<vmem>>[vector<16xi32>], vector<16xi32>,
    %get3A_458 = arith.constant 14 : i32
    %get3A_459 = arith.index_cast %get3A_458 : i32 to index
    %get3A_460 = arith.constant 48 : index
    %get3A_461 = tpu.vector_load %arg5[%get3A_459, %get3A_460] {strides = array<i32>} : memref<16x128xi32, #tpu.memory_space<vmem>>, vector<16xi32>,
    %add3A_462 = arith.constant 748 : i32
    %add3A_463 = vector.broadcast %add3A_462 : i32 to vector<16xi32>
    %add3A_464 = arith.addi %iota3A, %add3A_463 : vector<16xi32>
    %lt3A_465 = arith.constant 2 : i32
    %lt3A_466 = vector.broadcast %lt3A_465 : i32 to vector<16xi32>
    %lt3A_467 = arith.cmpi slt, %iota3A, %lt3A_466 : vector<16xi32>
    tpu.vector_store_idx %arg7[%add3A_464], %get3A_461 masked %lt3A_467 : memref<800xi32, #tpu.memory_space<vmem>>[vector<16xi32>], vector<16xi32>, vector<16xi1>
    %get3A_468 = arith.constant 15 : i32
    %get3A_469 = arith.index_cast %get3A_468 : i32 to index
    %get3A_470 = arith.constant 0 : index
    %get3A_471 = tpu.vector_load %arg5[%get3A_469, %get3A_470] {strides = array<i32>} : memref<16x128xi32, #tpu.memory_space<vmem>>, vector<16xi32>,
    %add3A_472 = arith.constant 750 : i32
    %add3A_473 = vector.broadcast %add3A_472 : i32 to vector<16xi32>
    %add3A_474 = arith.addi %iota3A, %add3A_473 : vector<16xi32>
    tpu.vector_store_idx %arg7[%add3A_474], %get3A_471 : memref<800xi32, #tpu.memory_space<vmem>>[vector<16xi32>], vector<16xi32>,
    %get3A_475 = arith.constant 15 : i32
    %get3A_476 = arith.index_cast %get3A_475 : i32 to index
    %get3A_477 = arith.constant 16 : index
    %get3A_478 = tpu.vector_load %arg5[%get3A_476, %get3A_477] {strides = array<i32>} : memref<16x128xi32, #tpu.memory_space<vmem>>, vector<16xi32>,
    %add3A_479 = arith.constant 766 : i32
    %add3A_480 = vector.broadcast %add3A_479 : i32 to vector<16xi32>
    %add3A_481 = arith.addi %iota3A, %add3A_480 : vector<16xi32>
    tpu.vector_store_idx %arg7[%add3A_481], %get3A_478 : memref<800xi32, #tpu.memory_space<vmem>>[vector<16xi32>], vector<16xi32>,
    %get3A_482 = arith.constant 15 : i32
    %get3A_483 = arith.index_cast %get3A_482 : i32 to index
    %get3A_484 = arith.constant 32 : index
    %get3A_485 = tpu.vector_load %arg5[%get3A_483, %get3A_484] {strides = array<i32>} : memref<16x128xi32, #tpu.memory_space<vmem>>, vector<16xi32>,
    %add3A_486 = arith.constant 782 : i32
    %add3A_487 = vector.broadcast %add3A_486 : i32 to vector<16xi32>
    %add3A_488 = arith.addi %iota3A, %add3A_487 : vector<16xi32>
    tpu.vector_store_idx %arg7[%add3A_488], %get3A_485 : memref<800xi32, #tpu.memory_space<vmem>>[vector<16xi32>], vector<16xi32>,
    %get3A_489 = arith.constant 15 : i32
    %get3A_490 = arith.index_cast %get3A_489 : i32 to index
    %get3A_491 = arith.constant 48 : index
    %get3A_492 = tpu.vector_load %arg5[%get3A_490, %get3A_491] {strides = array<i32>} : memref<16x128xi32, #tpu.memory_space<vmem>>, vector<16xi32>,
    %add3A_493 = arith.constant 798 : i32
    %add3A_494 = vector.broadcast %add3A_493 : i32 to vector<16xi32>
    %add3A_495 = arith.addi %iota3A, %add3A_494 : vector<16xi32>
    %lt3A_496 = arith.constant 2 : i32
    %lt3A_497 = vector.broadcast %lt3A_496 : i32 to vector<16xi32>
    %lt3A_498 = arith.cmpi slt, %iota3A, %lt3A_497 : vector<16xi32>
    tpu.vector_store_idx %arg7[%add3A_495], %get3A_492 masked %lt3A_498 : memref<800xi32, #tpu.memory_space<vmem>>[vector<16xi32>], vector<16xi32>, vector<16xi1>
    %dma_start3A = arith.constant 0 : i32
    %dma_start3A_499 = arith.constant 0 : i32
    %dma_start3A_500 = tpu.memref_slice %arg3[%dma_start3A, %dma_start3A_499] : memref<1000000x64xf32, #tpu.memory_space<hbm>> -> memref<1000000x64xf32, #tpu.memory_space<hbm>>
    tpu.enqueue_indirect_dma source(%dma_start3A_500 : memref<1000000x64xf32, #tpu.memory_space<hbm>>) target(%arg9 : memref<800x64xf32, #tpu.memory_space<vmem>>) offsets(%arg7 : memref<800xi32, #tpu.memory_space<vmem>>) semaphore(%arg13 : memref<!tpu.dma_semaphore, #tpu.memory_space<semaphore_mem>>)
    %scan3A = arith.constant 0 : i32
    %scan3A_501 = arith.constant 0 : i32
    %scan3A_502 = arith.constant 16 : i32
    %scan3A_503 = arith.addi %scan3A_501, %scan3A_502 : i32
    %scan3A_504 = arith.constant 1 : i32
    scf.for %scan3A_506 = %scan3A_501 to %scan3A_503 step %scan3A_504  : i32 {
      %mul3A_507 = arith.constant 2 : i32
      %mul3A_508 = arith.muli %mul3A_507, %scan3A_506 : i32
      %add3A_509 = arith.constant 1 : i32
      %add3A_510 = arith.addi %mul3A_508, %add3A_509 : i32
      %mul3A_511 = arith.constant 512 : i32
      %mul3A_512 = arith.muli %add3A, %mul3A_511 : i32
      %mul3A_513 = arith.constant 16 : i32
      %mul3A_514 = arith.muli %add3A_510, %mul3A_513 : i32
      %add3A_515 = arith.addi %mul3A_512, %mul3A_514 : i32
      "tpu.region"() ({
        %run_scoped3A = tpu.sem_alloc : memref<!tpu.dma_semaphore, #tpu.memory_space<semaphore_mem>>
        %dma_start3A_1049 = arith.constant 0 : i32
        %dma_start3A_1050 = tpu.memref_slice %arg2[%add3A_515, %dma_start3A_1049] : memref<16384x128xi32, #tpu.memory_space<hbm>> -> memref<16x128xi32, #tpu.memory_space<hbm>>
        %dma_start3A_1051 = arith.constant 0 : i32
        %dma_start3A_1052 = tpu.memref_slice %arg2[%add3A_515, %dma_start3A_1051] : memref<16384x128xi32, #tpu.memory_space<hbm>> -> memref<16x128xi32, #tpu.memory_space<hbm>>
        tpu.enqueue_dma source(%dma_start3A_1052 : memref<16x128xi32, #tpu.memory_space<hbm>>) target(%arg6 : memref<16x128xi32, #tpu.memory_space<vmem>>) target_semaphore(%run_scoped3A : memref<!tpu.dma_semaphore, #tpu.memory_space<semaphore_mem>>)
        %dma_wait3A_1053 = arith.constant 0 : i32
        %dma_wait3A_1054 = tpu.memref_slice %arg2[%add3A_515, %dma_wait3A_1053] : memref<16384x128xi32, #tpu.memory_space<hbm>> -> memref<16x128xi32, #tpu.memory_space<hbm>>
        %dma_wait3A_1055 = arith.constant 0 : i32
        %dma_wait3A_1056 = tpu.memref_slice %arg2[%add3A_515, %dma_wait3A_1055] : memref<16384x128xi32, #tpu.memory_space<hbm>> -> memref<16x128xi32, #tpu.memory_space<hbm>>
        tpu.wait_dma2 semaphore(%run_scoped3A : memref<!tpu.dma_semaphore, #tpu.memory_space<semaphore_mem>>) src(%dma_wait3A_1056 : memref<16x128xi32, #tpu.memory_space<hbm>>) dst(%arg6 : memref<16x128xi32, #tpu.memory_space<vmem>>)
        tpu.yield
      }) : () -> ()
      %get3A_516 = arith.constant 0 : i32
      %get3A_517 = arith.index_cast %get3A_516 : i32 to index
      %get3A_518 = arith.constant 0 : index
      %get3A_519 = tpu.vector_load %arg6[%get3A_517, %get3A_518] {strides = array<i32>} : memref<16x128xi32, #tpu.memory_space<vmem>>, vector<16xi32>,
      %add3A_520 = arith.constant 0 : i32
      %add3A_521 = vector.broadcast %add3A_520 : i32 to vector<16xi32>
      %add3A_522 = arith.addi %iota3A, %add3A_521 : vector<16xi32>
      tpu.vector_store_idx %arg8[%add3A_522], %get3A_519 : memref<800xi32, #tpu.memory_space<vmem>>[vector<16xi32>], vector<16xi32>,
      %get3A_523 = arith.constant 0 : i32
      %get3A_524 = arith.index_cast %get3A_523 : i32 to index
      %get3A_525 = arith.constant 16 : index
      %get3A_526 = tpu.vector_load %arg6[%get3A_524, %get3A_525] {strides = array<i32>} : memref<16x128xi32, #tpu.memory_space<vmem>>, vector<16xi32>,
      %add3A_527 = arith.constant 16 : i32
      %add3A_528 = vector.broadcast %add3A_527 : i32 to vector<16xi32>
      %add3A_529 = arith.addi %iota3A, %add3A_528 : vector<16xi32>
      tpu.vector_store_idx %arg8[%add3A_529], %get3A_526 : memref<800xi32, #tpu.memory_space<vmem>>[vector<16xi32>], vector<16xi32>,
      %get3A_530 = arith.constant 0 : i32
      %get3A_531 = arith.index_cast %get3A_530 : i32 to index
      %get3A_532 = arith.constant 32 : index
      %get3A_533 = tpu.vector_load %arg6[%get3A_531, %get3A_532] {strides = array<i32>} : memref<16x128xi32, #tpu.memory_space<vmem>>, vector<16xi32>,
      %add3A_534 = arith.constant 32 : i32
      %add3A_535 = vector.broadcast %add3A_534 : i32 to vector<16xi32>
      %add3A_536 = arith.addi %iota3A, %add3A_535 : vector<16xi32>
      tpu.vector_store_idx %arg8[%add3A_536], %get3A_533 : memref<800xi32, #tpu.memory_space<vmem>>[vector<16xi32>], vector<16xi32>,
      %get3A_537 = arith.constant 0 : i32
      %get3A_538 = arith.index_cast %get3A_537 : i32 to index
      %get3A_539 = arith.constant 48 : index
      %get3A_540 = tpu.vector_load %arg6[%get3A_538, %get3A_539] {strides = array<i32>} : memref<16x128xi32, #tpu.memory_space<vmem>>, vector<16xi32>,
      %add3A_541 = arith.constant 48 : i32
      %add3A_542 = vector.broadcast %add3A_541 : i32 to vector<16xi32>
      %add3A_543 = arith.addi %iota3A, %add3A_542 : vector<16xi32>
      %lt3A_544 = arith.constant 2 : i32
      %lt3A_545 = vector.broadcast %lt3A_544 : i32 to vector<16xi32>
      %lt3A_546 = arith.cmpi slt, %iota3A, %lt3A_545 : vector<16xi32>
      tpu.vector_store_idx %arg8[%add3A_543], %get3A_540 masked %lt3A_546 : memref<800xi32, #tpu.memory_space<vmem>>[vector<16xi32>], vector<16xi32>, vector<16xi1>
      %get3A_547 = arith.constant 1 : i32
      %get3A_548 = arith.index_cast %get3A_547 : i32 to index
      %get3A_549 = arith.constant 0 : index
      %get3A_550 = tpu.vector_load %arg6[%get3A_548, %get3A_549] {strides = array<i32>} : memref<16x128xi32, #tpu.memory_space<vmem>>, vector<16xi32>,
      %add3A_551 = arith.constant 50 : i32
      %add3A_552 = vector.broadcast %add3A_551 : i32 to vector<16xi32>
      %add3A_553 = arith.addi %iota3A, %add3A_552 : vector<16xi32>
      tpu.vector_store_idx %arg8[%add3A_553], %get3A_550 : memref<800xi32, #tpu.memory_space<vmem>>[vector<16xi32>], vector<16xi32>,
      %get3A_554 = arith.constant 1 : i32
      %get3A_555 = arith.index_cast %get3A_554 : i32 to index
      %get3A_556 = arith.constant 16 : index
      %get3A_557 = tpu.vector_load %arg6[%get3A_555, %get3A_556] {strides = array<i32>} : memref<16x128xi32, #tpu.memory_space<vmem>>, vector<16xi32>,
      %add3A_558 = arith.constant 66 : i32
      %add3A_559 = vector.broadcast %add3A_558 : i32 to vector<16xi32>
      %add3A_560 = arith.addi %iota3A, %add3A_559 : vector<16xi32>
      tpu.vector_store_idx %arg8[%add3A_560], %get3A_557 : memref<800xi32, #tpu.memory_space<vmem>>[vector<16xi32>], vector<16xi32>,
      %get3A_561 = arith.constant 1 : i32
      %get3A_562 = arith.index_cast %get3A_561 : i32 to index
      %get3A_563 = arith.constant 32 : index
      %get3A_564 = tpu.vector_load %arg6[%get3A_562, %get3A_563] {strides = array<i32>} : memref<16x128xi32, #tpu.memory_space<vmem>>, vector<16xi32>,
      %add3A_565 = arith.constant 82 : i32
      %add3A_566 = vector.broadcast %add3A_565 : i32 to vector<16xi32>
      %add3A_567 = arith.addi %iota3A, %add3A_566 : vector<16xi32>
      tpu.vector_store_idx %arg8[%add3A_567], %get3A_564 : memref<800xi32, #tpu.memory_space<vmem>>[vector<16xi32>], vector<16xi32>,
      %get3A_568 = arith.constant 1 : i32
      %get3A_569 = arith.index_cast %get3A_568 : i32 to index
      %get3A_570 = arith.constant 48 : index
      %get3A_571 = tpu.vector_load %arg6[%get3A_569, %get3A_570] {strides = array<i32>} : memref<16x128xi32, #tpu.memory_space<vmem>>, vector<16xi32>,
      %add3A_572 = arith.constant 98 : i32
      %add3A_573 = vector.broadcast %add3A_572 : i32 to vector<16xi32>
      %add3A_574 = arith.addi %iota3A, %add3A_573 : vector<16xi32>
      %lt3A_575 = arith.constant 2 : i32
      %lt3A_576 = vector.broadcast %lt3A_575 : i32 to vector<16xi32>
      %lt3A_577 = arith.cmpi slt, %iota3A, %lt3A_576 : vector<16xi32>
      tpu.vector_store_idx %arg8[%add3A_574], %get3A_571 masked %lt3A_577 : memref<800xi32, #tpu.memory_space<vmem>>[vector<16xi32>], vector<16xi32>, vector<16xi1>
      %get3A_578 = arith.constant 2 : i32
      %get3A_579 = arith.index_cast %get3A_578 : i32 to index
      %get3A_580 = arith.constant 0 : index
      %get3A_581 = tpu.vector_load %arg6[%get3A_579, %get3A_580] {strides = array<i32>} : memref<16x128xi32, #tpu.memory_space<vmem>>, vector<16xi32>,
      %add3A_582 = arith.constant 100 : i32
      %add3A_583 = vector.broadcast %add3A_582 : i32 to vector<16xi32>
      %add3A_584 = arith.addi %iota3A, %add3A_583 : vector<16xi32>
      tpu.vector_store_idx %arg8[%add3A_584], %get3A_581 : memref<800xi32, #tpu.memory_space<vmem>>[vector<16xi32>], vector<16xi32>,
      %get3A_585 = arith.constant 2 : i32
      %get3A_586 = arith.index_cast %get3A_585 : i32 to index
      %get3A_587 = arith.constant 16 : index
      %get3A_588 = tpu.vector_load %arg6[%get3A_586, %get3A_587] {strides = array<i32>} : memref<16x128xi32, #tpu.memory_space<vmem>>, vector<16xi32>,
      %add3A_589 = arith.constant 116 : i32
      %add3A_590 = vector.broadcast %add3A_589 : i32 to vector<16xi32>
      %add3A_591 = arith.addi %iota3A, %add3A_590 : vector<16xi32>
      tpu.vector_store_idx %arg8[%add3A_591], %get3A_588 : memref<800xi32, #tpu.memory_space<vmem>>[vector<16xi32>], vector<16xi32>,
      %get3A_592 = arith.constant 2 : i32
      %get3A_593 = arith.index_cast %get3A_592 : i32 to index
      %get3A_594 = arith.constant 32 : index
      %get3A_595 = tpu.vector_load %arg6[%get3A_593, %get3A_594] {strides = array<i32>} : memref<16x128xi32, #tpu.memory_space<vmem>>, vector<16xi32>,
      %add3A_596 = arith.constant 132 : i32
      %add3A_597 = vector.broadcast %add3A_596 : i32 to vector<16xi32>
      %add3A_598 = arith.addi %iota3A, %add3A_597 : vector<16xi32>
      tpu.vector_store_idx %arg8[%add3A_598], %get3A_595 : memref<800xi32, #tpu.memory_space<vmem>>[vector<16xi32>], vector<16xi32>,
      %get3A_599 = arith.constant 2 : i32
      %get3A_600 = arith.index_cast %get3A_599 : i32 to index
      %get3A_601 = arith.constant 48 : index
      %get3A_602 = tpu.vector_load %arg6[%get3A_600, %get3A_601] {strides = array<i32>} : memref<16x128xi32, #tpu.memory_space<vmem>>, vector<16xi32>,
      %add3A_603 = arith.constant 148 : i32
      %add3A_604 = vector.broadcast %add3A_603 : i32 to vector<16xi32>
      %add3A_605 = arith.addi %iota3A, %add3A_604 : vector<16xi32>
      %lt3A_606 = arith.constant 2 : i32
      %lt3A_607 = vector.broadcast %lt3A_606 : i32 to vector<16xi32>
      %lt3A_608 = arith.cmpi slt, %iota3A, %lt3A_607 : vector<16xi32>
      tpu.vector_store_idx %arg8[%add3A_605], %get3A_602 masked %lt3A_608 : memref<800xi32, #tpu.memory_space<vmem>>[vector<16xi32>], vector<16xi32>, vector<16xi1>
      %get3A_609 = arith.constant 3 : i32
      %get3A_610 = arith.index_cast %get3A_609 : i32 to index
      %get3A_611 = arith.constant 0 : index
      %get3A_612 = tpu.vector_load %arg6[%get3A_610, %get3A_611] {strides = array<i32>} : memref<16x128xi32, #tpu.memory_space<vmem>>, vector<16xi32>,
      %add3A_613 = arith.constant 150 : i32
      %add3A_614 = vector.broadcast %add3A_613 : i32 to vector<16xi32>
      %add3A_615 = arith.addi %iota3A, %add3A_614 : vector<16xi32>
      tpu.vector_store_idx %arg8[%add3A_615], %get3A_612 : memref<800xi32, #tpu.memory_space<vmem>>[vector<16xi32>], vector<16xi32>,
      %get3A_616 = arith.constant 3 : i32
      %get3A_617 = arith.index_cast %get3A_616 : i32 to index
      %get3A_618 = arith.constant 16 : index
      %get3A_619 = tpu.vector_load %arg6[%get3A_617, %get3A_618] {strides = array<i32>} : memref<16x128xi32, #tpu.memory_space<vmem>>, vector<16xi32>,
      %add3A_620 = arith.constant 166 : i32
      %add3A_621 = vector.broadcast %add3A_620 : i32 to vector<16xi32>
      %add3A_622 = arith.addi %iota3A, %add3A_621 : vector<16xi32>
      tpu.vector_store_idx %arg8[%add3A_622], %get3A_619 : memref<800xi32, #tpu.memory_space<vmem>>[vector<16xi32>], vector<16xi32>,
      %get3A_623 = arith.constant 3 : i32
      %get3A_624 = arith.index_cast %get3A_623 : i32 to index
      %get3A_625 = arith.constant 32 : index
      %get3A_626 = tpu.vector_load %arg6[%get3A_624, %get3A_625] {strides = array<i32>} : memref<16x128xi32, #tpu.memory_space<vmem>>, vector<16xi32>,
      %add3A_627 = arith.constant 182 : i32
      %add3A_628 = vector.broadcast %add3A_627 : i32 to vector<16xi32>
      %add3A_629 = arith.addi %iota3A, %add3A_628 : vector<16xi32>
      tpu.vector_store_idx %arg8[%add3A_629], %get3A_626 : memref<800xi32, #tpu.memory_space<vmem>>[vector<16xi32>], vector<16xi32>,
      %get3A_630 = arith.constant 3 : i32
      %get3A_631 = arith.index_cast %get3A_630 : i32 to index
      %get3A_632 = arith.constant 48 : index
      %get3A_633 = tpu.vector_load %arg6[%get3A_631, %get3A_632] {strides = array<i32>} : memref<16x128xi32, #tpu.memory_space<vmem>>, vector<16xi32>,
      %add3A_634 = arith.constant 198 : i32
      %add3A_635 = vector.broadcast %add3A_634 : i32 to vector<16xi32>
      %add3A_636 = arith.addi %iota3A, %add3A_635 : vector<16xi32>
      %lt3A_637 = arith.constant 2 : i32
      %lt3A_638 = vector.broadcast %lt3A_637 : i32 to vector<16xi32>
      %lt3A_639 = arith.cmpi slt, %iota3A, %lt3A_638 : vector<16xi32>
      tpu.vector_store_idx %arg8[%add3A_636], %get3A_633 masked %lt3A_639 : memref<800xi32, #tpu.memory_space<vmem>>[vector<16xi32>], vector<16xi32>, vector<16xi1>
      %get3A_640 = arith.constant 4 : i32
      %get3A_641 = arith.index_cast %get3A_640 : i32 to index
      %get3A_642 = arith.constant 0 : index
      %get3A_643 = tpu.vector_load %arg6[%get3A_641, %get3A_642] {strides = array<i32>} : memref<16x128xi32, #tpu.memory_space<vmem>>, vector<16xi32>,
      %add3A_644 = arith.constant 200 : i32
      %add3A_645 = vector.broadcast %add3A_644 : i32 to vector<16xi32>
      %add3A_646 = arith.addi %iota3A, %add3A_645 : vector<16xi32>
      tpu.vector_store_idx %arg8[%add3A_646], %get3A_643 : memref<800xi32, #tpu.memory_space<vmem>>[vector<16xi32>], vector<16xi32>,
      %get3A_647 = arith.constant 4 : i32
      %get3A_648 = arith.index_cast %get3A_647 : i32 to index
      %get3A_649 = arith.constant 16 : index
      %get3A_650 = tpu.vector_load %arg6[%get3A_648, %get3A_649] {strides = array<i32>} : memref<16x128xi32, #tpu.memory_space<vmem>>, vector<16xi32>,
      %add3A_651 = arith.constant 216 : i32
      %add3A_652 = vector.broadcast %add3A_651 : i32 to vector<16xi32>
      %add3A_653 = arith.addi %iota3A, %add3A_652 : vector<16xi32>
      tpu.vector_store_idx %arg8[%add3A_653], %get3A_650 : memref<800xi32, #tpu.memory_space<vmem>>[vector<16xi32>], vector<16xi32>,
      %get3A_654 = arith.constant 4 : i32
      %get3A_655 = arith.index_cast %get3A_654 : i32 to index
      %get3A_656 = arith.constant 32 : index
      %get3A_657 = tpu.vector_load %arg6[%get3A_655, %get3A_656] {strides = array<i32>} : memref<16x128xi32, #tpu.memory_space<vmem>>, vector<16xi32>,
      %add3A_658 = arith.constant 232 : i32
      %add3A_659 = vector.broadcast %add3A_658 : i32 to vector<16xi32>
      %add3A_660 = arith.addi %iota3A, %add3A_659 : vector<16xi32>
      tpu.vector_store_idx %arg8[%add3A_660], %get3A_657 : memref<800xi32, #tpu.memory_space<vmem>>[vector<16xi32>], vector<16xi32>,
      %get3A_661 = arith.constant 4 : i32
      %get3A_662 = arith.index_cast %get3A_661 : i32 to index
      %get3A_663 = arith.constant 48 : index
      %get3A_664 = tpu.vector_load %arg6[%get3A_662, %get3A_663] {strides = array<i32>} : memref<16x128xi32, #tpu.memory_space<vmem>>, vector<16xi32>,
      %add3A_665 = arith.constant 248 : i32
      %add3A_666 = vector.broadcast %add3A_665 : i32 to vector<16xi32>
      %add3A_667 = arith.addi %iota3A, %add3A_666 : vector<16xi32>
      %lt3A_668 = arith.constant 2 : i32
      %lt3A_669 = vector.broadcast %lt3A_668 : i32 to vector<16xi32>
      %lt3A_670 = arith.cmpi slt, %iota3A, %lt3A_669 : vector<16xi32>
      tpu.vector_store_idx %arg8[%add3A_667], %get3A_664 masked %lt3A_670 : memref<800xi32, #tpu.memory_space<vmem>>[vector<16xi32>], vector<16xi32>, vector<16xi1>
      %get3A_671 = arith.constant 5 : i32
      %get3A_672 = arith.index_cast %get3A_671 : i32 to index
      %get3A_673 = arith.constant 0 : index
      %get3A_674 = tpu.vector_load %arg6[%get3A_672, %get3A_673] {strides = array<i32>} : memref<16x128xi32, #tpu.memory_space<vmem>>, vector<16xi32>,
      %add3A_675 = arith.constant 250 : i32
      %add3A_676 = vector.broadcast %add3A_675 : i32 to vector<16xi32>
      %add3A_677 = arith.addi %iota3A, %add3A_676 : vector<16xi32>
      tpu.vector_store_idx %arg8[%add3A_677], %get3A_674 : memref<800xi32, #tpu.memory_space<vmem>>[vector<16xi32>], vector<16xi32>,
      %get3A_678 = arith.constant 5 : i32
      %get3A_679 = arith.index_cast %get3A_678 : i32 to index
      %get3A_680 = arith.constant 16 : index
      %get3A_681 = tpu.vector_load %arg6[%get3A_679, %get3A_680] {strides = array<i32>} : memref<16x128xi32, #tpu.memory_space<vmem>>, vector<16xi32>,
      %add3A_682 = arith.constant 266 : i32
      %add3A_683 = vector.broadcast %add3A_682 : i32 to vector<16xi32>
      %add3A_684 = arith.addi %iota3A, %add3A_683 : vector<16xi32>
      tpu.vector_store_idx %arg8[%add3A_684], %get3A_681 : memref<800xi32, #tpu.memory_space<vmem>>[vector<16xi32>], vector<16xi32>,
      %get3A_685 = arith.constant 5 : i32
      %get3A_686 = arith.index_cast %get3A_685 : i32 to index
      %get3A_687 = arith.constant 32 : index
      %get3A_688 = tpu.vector_load %arg6[%get3A_686, %get3A_687] {strides = array<i32>} : memref<16x128xi32, #tpu.memory_space<vmem>>, vector<16xi32>,
      %add3A_689 = arith.constant 282 : i32
      %add3A_690 = vector.broadcast %add3A_689 : i32 to vector<16xi32>
      %add3A_691 = arith.addi %iota3A, %add3A_690 : vector<16xi32>
      tpu.vector_store_idx %arg8[%add3A_691], %get3A_688 : memref<800xi32, #tpu.memory_space<vmem>>[vector<16xi32>], vector<16xi32>,
      %get3A_692 = arith.constant 5 : i32
      %get3A_693 = arith.index_cast %get3A_692 : i32 to index
      %get3A_694 = arith.constant 48 : index
      %get3A_695 = tpu.vector_load %arg6[%get3A_693, %get3A_694] {strides = array<i32>} : memref<16x128xi32, #tpu.memory_space<vmem>>, vector<16xi32>,
      %add3A_696 = arith.constant 298 : i32
      %add3A_697 = vector.broadcast %add3A_696 : i32 to vector<16xi32>
      %add3A_698 = arith.addi %iota3A, %add3A_697 : vector<16xi32>
      %lt3A_699 = arith.constant 2 : i32
      %lt3A_700 = vector.broadcast %lt3A_699 : i32 to vector<16xi32>
      %lt3A_701 = arith.cmpi slt, %iota3A, %lt3A_700 : vector<16xi32>
      tpu.vector_store_idx %arg8[%add3A_698], %get3A_695 masked %lt3A_701 : memref<800xi32, #tpu.memory_space<vmem>>[vector<16xi32>], vector<16xi32>, vector<16xi1>
      %get3A_702 = arith.constant 6 : i32
      %get3A_703 = arith.index_cast %get3A_702 : i32 to index
      %get3A_704 = arith.constant 0 : index
      %get3A_705 = tpu.vector_load %arg6[%get3A_703, %get3A_704] {strides = array<i32>} : memref<16x128xi32, #tpu.memory_space<vmem>>, vector<16xi32>,
      %add3A_706 = arith.constant 300 : i32
      %add3A_707 = vector.broadcast %add3A_706 : i32 to vector<16xi32>
      %add3A_708 = arith.addi %iota3A, %add3A_707 : vector<16xi32>
      tpu.vector_store_idx %arg8[%add3A_708], %get3A_705 : memref<800xi32, #tpu.memory_space<vmem>>[vector<16xi32>], vector<16xi32>,
      %get3A_709 = arith.constant 6 : i32
      %get3A_710 = arith.index_cast %get3A_709 : i32 to index
      %get3A_711 = arith.constant 16 : index
      %get3A_712 = tpu.vector_load %arg6[%get3A_710, %get3A_711] {strides = array<i32>} : memref<16x128xi32, #tpu.memory_space<vmem>>, vector<16xi32>,
      %add3A_713 = arith.constant 316 : i32
      %add3A_714 = vector.broadcast %add3A_713 : i32 to vector<16xi32>
      %add3A_715 = arith.addi %iota3A, %add3A_714 : vector<16xi32>
      tpu.vector_store_idx %arg8[%add3A_715], %get3A_712 : memref<800xi32, #tpu.memory_space<vmem>>[vector<16xi32>], vector<16xi32>,
      %get3A_716 = arith.constant 6 : i32
      %get3A_717 = arith.index_cast %get3A_716 : i32 to index
      %get3A_718 = arith.constant 32 : index
      %get3A_719 = tpu.vector_load %arg6[%get3A_717, %get3A_718] {strides = array<i32>} : memref<16x128xi32, #tpu.memory_space<vmem>>, vector<16xi32>,
      %add3A_720 = arith.constant 332 : i32
      %add3A_721 = vector.broadcast %add3A_720 : i32 to vector<16xi32>
      %add3A_722 = arith.addi %iota3A, %add3A_721 : vector<16xi32>
      tpu.vector_store_idx %arg8[%add3A_722], %get3A_719 : memref<800xi32, #tpu.memory_space<vmem>>[vector<16xi32>], vector<16xi32>,
      %get3A_723 = arith.constant 6 : i32
      %get3A_724 = arith.index_cast %get3A_723 : i32 to index
      %get3A_725 = arith.constant 48 : index
      %get3A_726 = tpu.vector_load %arg6[%get3A_724, %get3A_725] {strides = array<i32>} : memref<16x128xi32, #tpu.memory_space<vmem>>, vector<16xi32>,
      %add3A_727 = arith.constant 348 : i32
      %add3A_728 = vector.broadcast %add3A_727 : i32 to vector<16xi32>
      %add3A_729 = arith.addi %iota3A, %add3A_728 : vector<16xi32>
      %lt3A_730 = arith.constant 2 : i32
      %lt3A_731 = vector.broadcast %lt3A_730 : i32 to vector<16xi32>
      %lt3A_732 = arith.cmpi slt, %iota3A, %lt3A_731 : vector<16xi32>
      tpu.vector_store_idx %arg8[%add3A_729], %get3A_726 masked %lt3A_732 : memref<800xi32, #tpu.memory_space<vmem>>[vector<16xi32>], vector<16xi32>, vector<16xi1>
      %get3A_733 = arith.constant 7 : i32
      %get3A_734 = arith.index_cast %get3A_733 : i32 to index
      %get3A_735 = arith.constant 0 : index
      %get3A_736 = tpu.vector_load %arg6[%get3A_734, %get3A_735] {strides = array<i32>} : memref<16x128xi32, #tpu.memory_space<vmem>>, vector<16xi32>,
      %add3A_737 = arith.constant 350 : i32
      %add3A_738 = vector.broadcast %add3A_737 : i32 to vector<16xi32>
      %add3A_739 = arith.addi %iota3A, %add3A_738 : vector<16xi32>
      tpu.vector_store_idx %arg8[%add3A_739], %get3A_736 : memref<800xi32, #tpu.memory_space<vmem>>[vector<16xi32>], vector<16xi32>,
      %get3A_740 = arith.constant 7 : i32
      %get3A_741 = arith.index_cast %get3A_740 : i32 to index
      %get3A_742 = arith.constant 16 : index
      %get3A_743 = tpu.vector_load %arg6[%get3A_741, %get3A_742] {strides = array<i32>} : memref<16x128xi32, #tpu.memory_space<vmem>>, vector<16xi32>,
      %add3A_744 = arith.constant 366 : i32
      %add3A_745 = vector.broadcast %add3A_744 : i32 to vector<16xi32>
      %add3A_746 = arith.addi %iota3A, %add3A_745 : vector<16xi32>
      tpu.vector_store_idx %arg8[%add3A_746], %get3A_743 : memref<800xi32, #tpu.memory_space<vmem>>[vector<16xi32>], vector<16xi32>,
      %get3A_747 = arith.constant 7 : i32
      %get3A_748 = arith.index_cast %get3A_747 : i32 to index
      %get3A_749 = arith.constant 32 : index
      %get3A_750 = tpu.vector_load %arg6[%get3A_748, %get3A_749] {strides = array<i32>} : memref<16x128xi32, #tpu.memory_space<vmem>>, vector<16xi32>,
      %add3A_751 = arith.constant 382 : i32
      %add3A_752 = vector.broadcast %add3A_751 : i32 to vector<16xi32>
      %add3A_753 = arith.addi %iota3A, %add3A_752 : vector<16xi32>
      tpu.vector_store_idx %arg8[%add3A_753], %get3A_750 : memref<800xi32, #tpu.memory_space<vmem>>[vector<16xi32>], vector<16xi32>,
      %get3A_754 = arith.constant 7 : i32
      %get3A_755 = arith.index_cast %get3A_754 : i32 to index
      %get3A_756 = arith.constant 48 : index
      %get3A_757 = tpu.vector_load %arg6[%get3A_755, %get3A_756] {strides = array<i32>} : memref<16x128xi32, #tpu.memory_space<vmem>>, vector<16xi32>,
      %add3A_758 = arith.constant 398 : i32
      %add3A_759 = vector.broadcast %add3A_758 : i32 to vector<16xi32>
      %add3A_760 = arith.addi %iota3A, %add3A_759 : vector<16xi32>
      %lt3A_761 = arith.constant 2 : i32
      %lt3A_762 = vector.broadcast %lt3A_761 : i32 to vector<16xi32>
      %lt3A_763 = arith.cmpi slt, %iota3A, %lt3A_762 : vector<16xi32>
      tpu.vector_store_idx %arg8[%add3A_760], %get3A_757 masked %lt3A_763 : memref<800xi32, #tpu.memory_space<vmem>>[vector<16xi32>], vector<16xi32>, vector<16xi1>
      %get3A_764 = arith.constant 8 : i32
      %get3A_765 = arith.index_cast %get3A_764 : i32 to index
      %get3A_766 = arith.constant 0 : index
      %get3A_767 = tpu.vector_load %arg6[%get3A_765, %get3A_766] {strides = array<i32>} : memref<16x128xi32, #tpu.memory_space<vmem>>, vector<16xi32>,
      %add3A_768 = arith.constant 400 : i32
      %add3A_769 = vector.broadcast %add3A_768 : i32 to vector<16xi32>
      %add3A_770 = arith.addi %iota3A, %add3A_769 : vector<16xi32>
      tpu.vector_store_idx %arg8[%add3A_770], %get3A_767 : memref<800xi32, #tpu.memory_space<vmem>>[vector<16xi32>], vector<16xi32>,
      %get3A_771 = arith.constant 8 : i32
      %get3A_772 = arith.index_cast %get3A_771 : i32 to index
      %get3A_773 = arith.constant 16 : index
      %get3A_774 = tpu.vector_load %arg6[%get3A_772, %get3A_773] {strides = array<i32>} : memref<16x128xi32, #tpu.memory_space<vmem>>, vector<16xi32>,
      %add3A_775 = arith.constant 416 : i32
      %add3A_776 = vector.broadcast %add3A_775 : i32 to vector<16xi32>
      %add3A_777 = arith.addi %iota3A, %add3A_776 : vector<16xi32>
      tpu.vector_store_idx %arg8[%add3A_777], %get3A_774 : memref<800xi32, #tpu.memory_space<vmem>>[vector<16xi32>], vector<16xi32>,
      %get3A_778 = arith.constant 8 : i32
      %get3A_779 = arith.index_cast %get3A_778 : i32 to index
      %get3A_780 = arith.constant 32 : index
      %get3A_781 = tpu.vector_load %arg6[%get3A_779, %get3A_780] {strides = array<i32>} : memref<16x128xi32, #tpu.memory_space<vmem>>, vector<16xi32>,
      %add3A_782 = arith.constant 432 : i32
      %add3A_783 = vector.broadcast %add3A_782 : i32 to vector<16xi32>
      %add3A_784 = arith.addi %iota3A, %add3A_783 : vector<16xi32>
      tpu.vector_store_idx %arg8[%add3A_784], %get3A_781 : memref<800xi32, #tpu.memory_space<vmem>>[vector<16xi32>], vector<16xi32>,
      %get3A_785 = arith.constant 8 : i32
      %get3A_786 = arith.index_cast %get3A_785 : i32 to index
      %get3A_787 = arith.constant 48 : index
      %get3A_788 = tpu.vector_load %arg6[%get3A_786, %get3A_787] {strides = array<i32>} : memref<16x128xi32, #tpu.memory_space<vmem>>, vector<16xi32>,
      %add3A_789 = arith.constant 448 : i32
      %add3A_790 = vector.broadcast %add3A_789 : i32 to vector<16xi32>
      %add3A_791 = arith.addi %iota3A, %add3A_790 : vector<16xi32>
      %lt3A_792 = arith.constant 2 : i32
      %lt3A_793 = vector.broadcast %lt3A_792 : i32 to vector<16xi32>
      %lt3A_794 = arith.cmpi slt, %iota3A, %lt3A_793 : vector<16xi32>
      tpu.vector_store_idx %arg8[%add3A_791], %get3A_788 masked %lt3A_794 : memref<800xi32, #tpu.memory_space<vmem>>[vector<16xi32>], vector<16xi32>, vector<16xi1>
      %get3A_795 = arith.constant 9 : i32
      %get3A_796 = arith.index_cast %get3A_795 : i32 to index
      %get3A_797 = arith.constant 0 : index
      %get3A_798 = tpu.vector_load %arg6[%get3A_796, %get3A_797] {strides = array<i32>} : memref<16x128xi32, #tpu.memory_space<vmem>>, vector<16xi32>,
      %add3A_799 = arith.constant 450 : i32
      %add3A_800 = vector.broadcast %add3A_799 : i32 to vector<16xi32>
      %add3A_801 = arith.addi %iota3A, %add3A_800 : vector<16xi32>
      tpu.vector_store_idx %arg8[%add3A_801], %get3A_798 : memref<800xi32, #tpu.memory_space<vmem>>[vector<16xi32>], vector<16xi32>,
      %get3A_802 = arith.constant 9 : i32
      %get3A_803 = arith.index_cast %get3A_802 : i32 to index
      %get3A_804 = arith.constant 16 : index
      %get3A_805 = tpu.vector_load %arg6[%get3A_803, %get3A_804] {strides = array<i32>} : memref<16x128xi32, #tpu.memory_space<vmem>>, vector<16xi32>,
      %add3A_806 = arith.constant 466 : i32
      %add3A_807 = vector.broadcast %add3A_806 : i32 to vector<16xi32>
      %add3A_808 = arith.addi %iota3A, %add3A_807 : vector<16xi32>
      tpu.vector_store_idx %arg8[%add3A_808], %get3A_805 : memref<800xi32, #tpu.memory_space<vmem>>[vector<16xi32>], vector<16xi32>,
      %get3A_809 = arith.constant 9 : i32
      %get3A_810 = arith.index_cast %get3A_809 : i32 to index
      %get3A_811 = arith.constant 32 : index
      %get3A_812 = tpu.vector_load %arg6[%get3A_810, %get3A_811] {strides = array<i32>} : memref<16x128xi32, #tpu.memory_space<vmem>>, vector<16xi32>,
      %add3A_813 = arith.constant 482 : i32
      %add3A_814 = vector.broadcast %add3A_813 : i32 to vector<16xi32>
      %add3A_815 = arith.addi %iota3A, %add3A_814 : vector<16xi32>
      tpu.vector_store_idx %arg8[%add3A_815], %get3A_812 : memref<800xi32, #tpu.memory_space<vmem>>[vector<16xi32>], vector<16xi32>,
      %get3A_816 = arith.constant 9 : i32
      %get3A_817 = arith.index_cast %get3A_816 : i32 to index
      %get3A_818 = arith.constant 48 : index
      %get3A_819 = tpu.vector_load %arg6[%get3A_817, %get3A_818] {strides = array<i32>} : memref<16x128xi32, #tpu.memory_space<vmem>>, vector<16xi32>,
      %add3A_820 = arith.constant 498 : i32
      %add3A_821 = vector.broadcast %add3A_820 : i32 to vector<16xi32>
      %add3A_822 = arith.addi %iota3A, %add3A_821 : vector<16xi32>
      %lt3A_823 = arith.constant 2 : i32
      %lt3A_824 = vector.broadcast %lt3A_823 : i32 to vector<16xi32>
      %lt3A_825 = arith.cmpi slt, %iota3A, %lt3A_824 : vector<16xi32>
      tpu.vector_store_idx %arg8[%add3A_822], %get3A_819 masked %lt3A_825 : memref<800xi32, #tpu.memory_space<vmem>>[vector<16xi32>], vector<16xi32>, vector<16xi1>
      %get3A_826 = arith.constant 10 : i32
      %get3A_827 = arith.index_cast %get3A_826 : i32 to index
      %get3A_828 = arith.constant 0 : index
      %get3A_829 = tpu.vector_load %arg6[%get3A_827, %get3A_828] {strides = array<i32>} : memref<16x128xi32, #tpu.memory_space<vmem>>, vector<16xi32>,
      %add3A_830 = arith.constant 500 : i32
      %add3A_831 = vector.broadcast %add3A_830 : i32 to vector<16xi32>
      %add3A_832 = arith.addi %iota3A, %add3A_831 : vector<16xi32>
      tpu.vector_store_idx %arg8[%add3A_832], %get3A_829 : memref<800xi32, #tpu.memory_space<vmem>>[vector<16xi32>], vector<16xi32>,
      %get3A_833 = arith.constant 10 : i32
      %get3A_834 = arith.index_cast %get3A_833 : i32 to index
      %get3A_835 = arith.constant 16 : index
      %get3A_836 = tpu.vector_load %arg6[%get3A_834, %get3A_835] {strides = array<i32>} : memref<16x128xi32, #tpu.memory_space<vmem>>, vector<16xi32>,
      %add3A_837 = arith.constant 516 : i32
      %add3A_838 = vector.broadcast %add3A_837 : i32 to vector<16xi32>
      %add3A_839 = arith.addi %iota3A, %add3A_838 : vector<16xi32>
      tpu.vector_store_idx %arg8[%add3A_839], %get3A_836 : memref<800xi32, #tpu.memory_space<vmem>>[vector<16xi32>], vector<16xi32>,
      %get3A_840 = arith.constant 10 : i32
      %get3A_841 = arith.index_cast %get3A_840 : i32 to index
      %get3A_842 = arith.constant 32 : index
      %get3A_843 = tpu.vector_load %arg6[%get3A_841, %get3A_842] {strides = array<i32>} : memref<16x128xi32, #tpu.memory_space<vmem>>, vector<16xi32>,
      %add3A_844 = arith.constant 532 : i32
      %add3A_845 = vector.broadcast %add3A_844 : i32 to vector<16xi32>
      %add3A_846 = arith.addi %iota3A, %add3A_845 : vector<16xi32>
      tpu.vector_store_idx %arg8[%add3A_846], %get3A_843 : memref<800xi32, #tpu.memory_space<vmem>>[vector<16xi32>], vector<16xi32>,
      %get3A_847 = arith.constant 10 : i32
      %get3A_848 = arith.index_cast %get3A_847 : i32 to index
      %get3A_849 = arith.constant 48 : index
      %get3A_850 = tpu.vector_load %arg6[%get3A_848, %get3A_849] {strides = array<i32>} : memref<16x128xi32, #tpu.memory_space<vmem>>, vector<16xi32>,
      %add3A_851 = arith.constant 548 : i32
      %add3A_852 = vector.broadcast %add3A_851 : i32 to vector<16xi32>
      %add3A_853 = arith.addi %iota3A, %add3A_852 : vector<16xi32>
      %lt3A_854 = arith.constant 2 : i32
      %lt3A_855 = vector.broadcast %lt3A_854 : i32 to vector<16xi32>
      %lt3A_856 = arith.cmpi slt, %iota3A, %lt3A_855 : vector<16xi32>
      tpu.vector_store_idx %arg8[%add3A_853], %get3A_850 masked %lt3A_856 : memref<800xi32, #tpu.memory_space<vmem>>[vector<16xi32>], vector<16xi32>, vector<16xi1>
      %get3A_857 = arith.constant 11 : i32
      %get3A_858 = arith.index_cast %get3A_857 : i32 to index
      %get3A_859 = arith.constant 0 : index
      %get3A_860 = tpu.vector_load %arg6[%get3A_858, %get3A_859] {strides = array<i32>} : memref<16x128xi32, #tpu.memory_space<vmem>>, vector<16xi32>,
      %add3A_861 = arith.constant 550 : i32
      %add3A_862 = vector.broadcast %add3A_861 : i32 to vector<16xi32>
      %add3A_863 = arith.addi %iota3A, %add3A_862 : vector<16xi32>
      tpu.vector_store_idx %arg8[%add3A_863], %get3A_860 : memref<800xi32, #tpu.memory_space<vmem>>[vector<16xi32>], vector<16xi32>,
      %get3A_864 = arith.constant 11 : i32
      %get3A_865 = arith.index_cast %get3A_864 : i32 to index
      %get3A_866 = arith.constant 16 : index
      %get3A_867 = tpu.vector_load %arg6[%get3A_865, %get3A_866] {strides = array<i32>} : memref<16x128xi32, #tpu.memory_space<vmem>>, vector<16xi32>,
      %add3A_868 = arith.constant 566 : i32
      %add3A_869 = vector.broadcast %add3A_868 : i32 to vector<16xi32>
      %add3A_870 = arith.addi %iota3A, %add3A_869 : vector<16xi32>
      tpu.vector_store_idx %arg8[%add3A_870], %get3A_867 : memref<800xi32, #tpu.memory_space<vmem>>[vector<16xi32>], vector<16xi32>,
      %get3A_871 = arith.constant 11 : i32
      %get3A_872 = arith.index_cast %get3A_871 : i32 to index
      %get3A_873 = arith.constant 32 : index
      %get3A_874 = tpu.vector_load %arg6[%get3A_872, %get3A_873] {strides = array<i32>} : memref<16x128xi32, #tpu.memory_space<vmem>>, vector<16xi32>,
      %add3A_875 = arith.constant 582 : i32
      %add3A_876 = vector.broadcast %add3A_875 : i32 to vector<16xi32>
      %add3A_877 = arith.addi %iota3A, %add3A_876 : vector<16xi32>
      tpu.vector_store_idx %arg8[%add3A_877], %get3A_874 : memref<800xi32, #tpu.memory_space<vmem>>[vector<16xi32>], vector<16xi32>,
      %get3A_878 = arith.constant 11 : i32
      %get3A_879 = arith.index_cast %get3A_878 : i32 to index
      %get3A_880 = arith.constant 48 : index
      %get3A_881 = tpu.vector_load %arg6[%get3A_879, %get3A_880] {strides = array<i32>} : memref<16x128xi32, #tpu.memory_space<vmem>>, vector<16xi32>,
      %add3A_882 = arith.constant 598 : i32
      %add3A_883 = vector.broadcast %add3A_882 : i32 to vector<16xi32>
      %add3A_884 = arith.addi %iota3A, %add3A_883 : vector<16xi32>
      %lt3A_885 = arith.constant 2 : i32
      %lt3A_886 = vector.broadcast %lt3A_885 : i32 to vector<16xi32>
      %lt3A_887 = arith.cmpi slt, %iota3A, %lt3A_886 : vector<16xi32>
      tpu.vector_store_idx %arg8[%add3A_884], %get3A_881 masked %lt3A_887 : memref<800xi32, #tpu.memory_space<vmem>>[vector<16xi32>], vector<16xi32>, vector<16xi1>
      %get3A_888 = arith.constant 12 : i32
      %get3A_889 = arith.index_cast %get3A_888 : i32 to index
      %get3A_890 = arith.constant 0 : index
      %get3A_891 = tpu.vector_load %arg6[%get3A_889, %get3A_890] {strides = array<i32>} : memref<16x128xi32, #tpu.memory_space<vmem>>, vector<16xi32>,
      %add3A_892 = arith.constant 600 : i32
      %add3A_893 = vector.broadcast %add3A_892 : i32 to vector<16xi32>
      %add3A_894 = arith.addi %iota3A, %add3A_893 : vector<16xi32>
      tpu.vector_store_idx %arg8[%add3A_894], %get3A_891 : memref<800xi32, #tpu.memory_space<vmem>>[vector<16xi32>], vector<16xi32>,
      %get3A_895 = arith.constant 12 : i32
      %get3A_896 = arith.index_cast %get3A_895 : i32 to index
      %get3A_897 = arith.constant 16 : index
      %get3A_898 = tpu.vector_load %arg6[%get3A_896, %get3A_897] {strides = array<i32>} : memref<16x128xi32, #tpu.memory_space<vmem>>, vector<16xi32>,
      %add3A_899 = arith.constant 616 : i32
      %add3A_900 = vector.broadcast %add3A_899 : i32 to vector<16xi32>
      %add3A_901 = arith.addi %iota3A, %add3A_900 : vector<16xi32>
      tpu.vector_store_idx %arg8[%add3A_901], %get3A_898 : memref<800xi32, #tpu.memory_space<vmem>>[vector<16xi32>], vector<16xi32>,
      %get3A_902 = arith.constant 12 : i32
      %get3A_903 = arith.index_cast %get3A_902 : i32 to index
      %get3A_904 = arith.constant 32 : index
      %get3A_905 = tpu.vector_load %arg6[%get3A_903, %get3A_904] {strides = array<i32>} : memref<16x128xi32, #tpu.memory_space<vmem>>, vector<16xi32>,
      %add3A_906 = arith.constant 632 : i32
      %add3A_907 = vector.broadcast %add3A_906 : i32 to vector<16xi32>
      %add3A_908 = arith.addi %iota3A, %add3A_907 : vector<16xi32>
      tpu.vector_store_idx %arg8[%add3A_908], %get3A_905 : memref<800xi32, #tpu.memory_space<vmem>>[vector<16xi32>], vector<16xi32>,
      %get3A_909 = arith.constant 12 : i32
      %get3A_910 = arith.index_cast %get3A_909 : i32 to index
      %get3A_911 = arith.constant 48 : index
      %get3A_912 = tpu.vector_load %arg6[%get3A_910, %get3A_911] {strides = array<i32>} : memref<16x128xi32, #tpu.memory_space<vmem>>, vector<16xi32>,
      %add3A_913 = arith.constant 648 : i32
      %add3A_914 = vector.broadcast %add3A_913 : i32 to vector<16xi32>
      %add3A_915 = arith.addi %iota3A, %add3A_914 : vector<16xi32>
      %lt3A_916 = arith.constant 2 : i32
      %lt3A_917 = vector.broadcast %lt3A_916 : i32 to vector<16xi32>
      %lt3A_918 = arith.cmpi slt, %iota3A, %lt3A_917 : vector<16xi32>
      tpu.vector_store_idx %arg8[%add3A_915], %get3A_912 masked %lt3A_918 : memref<800xi32, #tpu.memory_space<vmem>>[vector<16xi32>], vector<16xi32>, vector<16xi1>
      %get3A_919 = arith.constant 13 : i32
      %get3A_920 = arith.index_cast %get3A_919 : i32 to index
      %get3A_921 = arith.constant 0 : index
      %get3A_922 = tpu.vector_load %arg6[%get3A_920, %get3A_921] {strides = array<i32>} : memref<16x128xi32, #tpu.memory_space<vmem>>, vector<16xi32>,
      %add3A_923 = arith.constant 650 : i32
      %add3A_924 = vector.broadcast %add3A_923 : i32 to vector<16xi32>
      %add3A_925 = arith.addi %iota3A, %add3A_924 : vector<16xi32>
      tpu.vector_store_idx %arg8[%add3A_925], %get3A_922 : memref<800xi32, #tpu.memory_space<vmem>>[vector<16xi32>], vector<16xi32>,
      %get3A_926 = arith.constant 13 : i32
      %get3A_927 = arith.index_cast %get3A_926 : i32 to index
      %get3A_928 = arith.constant 16 : index
      %get3A_929 = tpu.vector_load %arg6[%get3A_927, %get3A_928] {strides = array<i32>} : memref<16x128xi32, #tpu.memory_space<vmem>>, vector<16xi32>,
      %add3A_930 = arith.constant 666 : i32
      %add3A_931 = vector.broadcast %add3A_930 : i32 to vector<16xi32>
      %add3A_932 = arith.addi %iota3A, %add3A_931 : vector<16xi32>
      tpu.vector_store_idx %arg8[%add3A_932], %get3A_929 : memref<800xi32, #tpu.memory_space<vmem>>[vector<16xi32>], vector<16xi32>,
      %get3A_933 = arith.constant 13 : i32
      %get3A_934 = arith.index_cast %get3A_933 : i32 to index
      %get3A_935 = arith.constant 32 : index
      %get3A_936 = tpu.vector_load %arg6[%get3A_934, %get3A_935] {strides = array<i32>} : memref<16x128xi32, #tpu.memory_space<vmem>>, vector<16xi32>,
      %add3A_937 = arith.constant 682 : i32
      %add3A_938 = vector.broadcast %add3A_937 : i32 to vector<16xi32>
      %add3A_939 = arith.addi %iota3A, %add3A_938 : vector<16xi32>
      tpu.vector_store_idx %arg8[%add3A_939], %get3A_936 : memref<800xi32, #tpu.memory_space<vmem>>[vector<16xi32>], vector<16xi32>,
      %get3A_940 = arith.constant 13 : i32
      %get3A_941 = arith.index_cast %get3A_940 : i32 to index
      %get3A_942 = arith.constant 48 : index
      %get3A_943 = tpu.vector_load %arg6[%get3A_941, %get3A_942] {strides = array<i32>} : memref<16x128xi32, #tpu.memory_space<vmem>>, vector<16xi32>,
      %add3A_944 = arith.constant 698 : i32
      %add3A_945 = vector.broadcast %add3A_944 : i32 to vector<16xi32>
      %add3A_946 = arith.addi %iota3A, %add3A_945 : vector<16xi32>
      %lt3A_947 = arith.constant 2 : i32
      %lt3A_948 = vector.broadcast %lt3A_947 : i32 to vector<16xi32>
      %lt3A_949 = arith.cmpi slt, %iota3A, %lt3A_948 : vector<16xi32>
      tpu.vector_store_idx %arg8[%add3A_946], %get3A_943 masked %lt3A_949 : memref<800xi32, #tpu.memory_space<vmem>>[vector<16xi32>], vector<16xi32>, vector<16xi1>
      %get3A_950 = arith.constant 14 : i32
      %get3A_951 = arith.index_cast %get3A_950 : i32 to index
      %get3A_952 = arith.constant 0 : index
      %get3A_953 = tpu.vector_load %arg6[%get3A_951, %get3A_952] {strides = array<i32>} : memref<16x128xi32, #tpu.memory_space<vmem>>, vector<16xi32>,
      %add3A_954 = arith.constant 700 : i32
      %add3A_955 = vector.broadcast %add3A_954 : i32 to vector<16xi32>
      %add3A_956 = arith.addi %iota3A, %add3A_955 : vector<16xi32>
      tpu.vector_store_idx %arg8[%add3A_956], %get3A_953 : memref<800xi32, #tpu.memory_space<vmem>>[vector<16xi32>], vector<16xi32>,
      %get3A_957 = arith.constant 14 : i32
      %get3A_958 = arith.index_cast %get3A_957 : i32 to index
      %get3A_959 = arith.constant 16 : index
      %get3A_960 = tpu.vector_load %arg6[%get3A_958, %get3A_959] {strides = array<i32>} : memref<16x128xi32, #tpu.memory_space<vmem>>, vector<16xi32>,
      %add3A_961 = arith.constant 716 : i32
      %add3A_962 = vector.broadcast %add3A_961 : i32 to vector<16xi32>
      %add3A_963 = arith.addi %iota3A, %add3A_962 : vector<16xi32>
      tpu.vector_store_idx %arg8[%add3A_963], %get3A_960 : memref<800xi32, #tpu.memory_space<vmem>>[vector<16xi32>], vector<16xi32>,
      %get3A_964 = arith.constant 14 : i32
      %get3A_965 = arith.index_cast %get3A_964 : i32 to index
      %get3A_966 = arith.constant 32 : index
      %get3A_967 = tpu.vector_load %arg6[%get3A_965, %get3A_966] {strides = array<i32>} : memref<16x128xi32, #tpu.memory_space<vmem>>, vector<16xi32>,
      %add3A_968 = arith.constant 732 : i32
      %add3A_969 = vector.broadcast %add3A_968 : i32 to vector<16xi32>
      %add3A_970 = arith.addi %iota3A, %add3A_969 : vector<16xi32>
      tpu.vector_store_idx %arg8[%add3A_970], %get3A_967 : memref<800xi32, #tpu.memory_space<vmem>>[vector<16xi32>], vector<16xi32>,
      %get3A_971 = arith.constant 14 : i32
      %get3A_972 = arith.index_cast %get3A_971 : i32 to index
      %get3A_973 = arith.constant 48 : index
      %get3A_974 = tpu.vector_load %arg6[%get3A_972, %get3A_973] {strides = array<i32>} : memref<16x128xi32, #tpu.memory_space<vmem>>, vector<16xi32>,
      %add3A_975 = arith.constant 748 : i32
      %add3A_976 = vector.broadcast %add3A_975 : i32 to vector<16xi32>
      %add3A_977 = arith.addi %iota3A, %add3A_976 : vector<16xi32>
      %lt3A_978 = arith.constant 2 : i32
      %lt3A_979 = vector.broadcast %lt3A_978 : i32 to vector<16xi32>
      %lt3A_980 = arith.cmpi slt, %iota3A, %lt3A_979 : vector<16xi32>
      tpu.vector_store_idx %arg8[%add3A_977], %get3A_974 masked %lt3A_980 : memref<800xi32, #tpu.memory_space<vmem>>[vector<16xi32>], vector<16xi32>, vector<16xi1>
      %get3A_981 = arith.constant 15 : i32
      %get3A_982 = arith.index_cast %get3A_981 : i32 to index
      %get3A_983 = arith.constant 0 : index
      %get3A_984 = tpu.vector_load %arg6[%get3A_982, %get3A_983] {strides = array<i32>} : memref<16x128xi32, #tpu.memory_space<vmem>>, vector<16xi32>,
      %add3A_985 = arith.constant 750 : i32
      %add3A_986 = vector.broadcast %add3A_985 : i32 to vector<16xi32>
      %add3A_987 = arith.addi %iota3A, %add3A_986 : vector<16xi32>
      tpu.vector_store_idx %arg8[%add3A_987], %get3A_984 : memref<800xi32, #tpu.memory_space<vmem>>[vector<16xi32>], vector<16xi32>,
      %get3A_988 = arith.constant 15 : i32
      %get3A_989 = arith.index_cast %get3A_988 : i32 to index
      %get3A_990 = arith.constant 16 : index
      %get3A_991 = tpu.vector_load %arg6[%get3A_989, %get3A_990] {strides = array<i32>} : memref<16x128xi32, #tpu.memory_space<vmem>>, vector<16xi32>,
      %add3A_992 = arith.constant 766 : i32
      %add3A_993 = vector.broadcast %add3A_992 : i32 to vector<16xi32>
      %add3A_994 = arith.addi %iota3A, %add3A_993 : vector<16xi32>
      tpu.vector_store_idx %arg8[%add3A_994], %get3A_991 : memref<800xi32, #tpu.memory_space<vmem>>[vector<16xi32>], vector<16xi32>,
      %get3A_995 = arith.constant 15 : i32
      %get3A_996 = arith.index_cast %get3A_995 : i32 to index
      %get3A_997 = arith.constant 32 : index
      %get3A_998 = tpu.vector_load %arg6[%get3A_996, %get3A_997] {strides = array<i32>} : memref<16x128xi32, #tpu.memory_space<vmem>>, vector<16xi32>,
      %add3A_999 = arith.constant 782 : i32
      %add3A_1000 = vector.broadcast %add3A_999 : i32 to vector<16xi32>
      %add3A_1001 = arith.addi %iota3A, %add3A_1000 : vector<16xi32>
      tpu.vector_store_idx %arg8[%add3A_1001], %get3A_998 : memref<800xi32, #tpu.memory_space<vmem>>[vector<16xi32>], vector<16xi32>,
      %get3A_1002 = arith.constant 15 : i32
      %get3A_1003 = arith.index_cast %get3A_1002 : i32 to index
      %get3A_1004 = arith.constant 48 : index
      %get3A_1005 = tpu.vector_load %arg6[%get3A_1003, %get3A_1004] {strides = array<i32>} : memref<16x128xi32, #tpu.memory_space<vmem>>, vector<16xi32>,
      %add3A_1006 = arith.constant 798 : i32
      %add3A_1007 = vector.broadcast %add3A_1006 : i32 to vector<16xi32>
      %add3A_1008 = arith.addi %iota3A, %add3A_1007 : vector<16xi32>
      %lt3A_1009 = arith.constant 2 : i32
      %lt3A_1010 = vector.broadcast %lt3A_1009 : i32 to vector<16xi32>
      %lt3A_1011 = arith.cmpi slt, %iota3A, %lt3A_1010 : vector<16xi32>
      tpu.vector_store_idx %arg8[%add3A_1008], %get3A_1005 masked %lt3A_1011 : memref<800xi32, #tpu.memory_space<vmem>>[vector<16xi32>], vector<16xi32>, vector<16xi1>
      %dma_start3A_1012 = arith.constant 0 : i32
      %dma_start3A_1013 = arith.constant 0 : i32
      %dma_start3A_1014 = tpu.memref_slice %arg3[%dma_start3A_1012, %dma_start3A_1013] : memref<1000000x64xf32, #tpu.memory_space<hbm>> -> memref<1000000x64xf32, #tpu.memory_space<hbm>>
      tpu.enqueue_indirect_dma source(%dma_start3A_1014 : memref<1000000x64xf32, #tpu.memory_space<hbm>>) target(%arg10 : memref<800x64xf32, #tpu.memory_space<vmem>>) offsets(%arg8 : memref<800xi32, #tpu.memory_space<vmem>>) semaphore(%arg13 : memref<!tpu.dma_semaphore, #tpu.memory_space<semaphore_mem>>)
      %mul3A_1015 = arith.constant 512 : i32
      %mul3A_1016 = arith.muli %add3A, %mul3A_1015 : i32
      %mul3A_1017 = arith.constant 16 : i32
      %mul3A_1018 = arith.muli %mul3A_508, %mul3A_1017 : i32
      %add3A_1019 = arith.addi %mul3A_1016, %mul3A_1018 : i32
      %dma_wait3A = arith.constant 0 : i32
      %dma_wait3A_1020 = arith.constant 0 : i32
      %dma_wait3A_1021 = tpu.memref_slice %arg3[%dma_wait3A, %dma_wait3A_1020] : memref<1000000x64xf32, #tpu.memory_space<hbm>> -> memref<1000000x64xf32, #tpu.memory_space<hbm>>
      tpu.wait_indirect_dma semaphore(%arg13 : memref<!tpu.dma_semaphore, #tpu.memory_space<semaphore_mem>>) src(%dma_wait3A_1021 : memref<1000000x64xf32, #tpu.memory_space<hbm>>) dst(%arg9 : memref<800x64xf32, #tpu.memory_space<vmem>>)
      %scan3A_1022 = arith.constant 0 : i32
      %scan3A_1023 = arith.constant 0 : i32
      %scan3A_1024 = arith.constant 16 : i32
      %scan3A_1025 = arith.addi %scan3A_1023, %scan3A_1024 : i32
      %scan3A_1026 = arith.constant 1 : i32
      scf.for %scan3A_1049 = %scan3A_1023 to %scan3A_1025 step %scan3A_1026  : i32 {
        %mul3A_1050 = arith.constant 50 : i32
        %mul3A_1051 = arith.muli %scan3A_1049, %mul3A_1050 : i32
        %get3A_1052 = arith.index_cast %mul3A_1051 : i32 to index
        %get3A_1053 = arith.constant 0 : index
        %get3A_1054 = tpu.vector_load %arg9[%get3A_1052, %get3A_1053] {strides = array<i32>} : memref<800x64xf32, #tpu.memory_space<vmem>>, vector<16xf32>,
        %mul3A_1055 = arith.constant 50 : i32
        %mul3A_1056 = arith.muli %scan3A_1049, %mul3A_1055 : i32
        %get3A_1057 = arith.index_cast %mul3A_1056 : i32 to index
        %get3A_1058 = arith.constant 16 : index
        %get3A_1059 = tpu.vector_load %arg9[%get3A_1057, %get3A_1058] {strides = array<i32>} : memref<800x64xf32, #tpu.memory_space<vmem>>, vector<16xf32>,
        %mul3A_1060 = arith.constant 50 : i32
        %mul3A_1061 = arith.muli %scan3A_1049, %mul3A_1060 : i32
        %get3A_1062 = arith.index_cast %mul3A_1061 : i32 to index
        %get3A_1063 = arith.constant 32 : index
        %get3A_1064 = tpu.vector_load %arg9[%get3A_1062, %get3A_1063] {strides = array<i32>} : memref<800x64xf32, #tpu.memory_space<vmem>>, vector<16xf32>,
        %mul3A_1065 = arith.constant 50 : i32
        %mul3A_1066 = arith.muli %scan3A_1049, %mul3A_1065 : i32
        %get3A_1067 = arith.index_cast %mul3A_1066 : i32 to index
        %get3A_1068 = arith.constant 48 : index
        %get3A_1069 = tpu.vector_load %arg9[%get3A_1067, %get3A_1068] {strides = array<i32>} : memref<800x64xf32, #tpu.memory_space<vmem>>, vector<16xf32>,
        %mul3A_1070 = arith.constant 50 : i32
        %mul3A_1071 = arith.muli %scan3A_1049, %mul3A_1070 : i32
        %add3A_1072 = arith.constant 1 : i32
        %add3A_1073 = arith.addi %mul3A_1071, %add3A_1072 : i32
        %get3A_1074 = arith.index_cast %add3A_1073 : i32 to index
        %get3A_1075 = arith.constant 0 : index
        %get3A_1076 = tpu.vector_load %arg9[%get3A_1074, %get3A_1075] {strides = array<i32>} : memref<800x64xf32, #tpu.memory_space<vmem>>, vector<16xf32>,
        %add3A_1077 = arith.addf %get3A_1054, %get3A_1076 : vector<16xf32>
        %mul3A_1078 = arith.constant 50 : i32
        %mul3A_1079 = arith.muli %scan3A_1049, %mul3A_1078 : i32
        %add3A_1080 = arith.constant 1 : i32
        %add3A_1081 = arith.addi %mul3A_1079, %add3A_1080 : i32
        %get3A_1082 = arith.index_cast %add3A_1081 : i32 to index
        %get3A_1083 = arith.constant 16 : index
        %get3A_1084 = tpu.vector_load %arg9[%get3A_1082, %get3A_1083] {strides = array<i32>} : memref<800x64xf32, #tpu.memory_space<vmem>>, vector<16xf32>,
        %add3A_1085 = arith.addf %get3A_1059, %get3A_1084 : vector<16xf32>
        %mul3A_1086 = arith.constant 50 : i32
        %mul3A_1087 = arith.muli %scan3A_1049, %mul3A_1086 : i32
        %add3A_1088 = arith.constant 1 : i32
        %add3A_1089 = arith.addi %mul3A_1087, %add3A_1088 : i32
        %get3A_1090 = arith.index_cast %add3A_1089 : i32 to index
        %get3A_1091 = arith.constant 32 : index
        %get3A_1092 = tpu.vector_load %arg9[%get3A_1090, %get3A_1091] {strides = array<i32>} : memref<800x64xf32, #tpu.memory_space<vmem>>, vector<16xf32>,
        %add3A_1093 = arith.addf %get3A_1064, %get3A_1092 : vector<16xf32>
        %mul3A_1094 = arith.constant 50 : i32
        %mul3A_1095 = arith.muli %scan3A_1049, %mul3A_1094 : i32
        %add3A_1096 = arith.constant 1 : i32
        %add3A_1097 = arith.addi %mul3A_1095, %add3A_1096 : i32
        %get3A_1098 = arith.index_cast %add3A_1097 : i32 to index
        %get3A_1099 = arith.constant 48 : index
        %get3A_1100 = tpu.vector_load %arg9[%get3A_1098, %get3A_1099] {strides = array<i32>} : memref<800x64xf32, #tpu.memory_space<vmem>>, vector<16xf32>,
        %add3A_1101 = arith.addf %get3A_1069, %get3A_1100 : vector<16xf32>
        %mul3A_1102 = arith.constant 50 : i32
        %mul3A_1103 = arith.muli %scan3A_1049, %mul3A_1102 : i32
        %add3A_1104 = arith.constant 2 : i32
        %add3A_1105 = arith.addi %mul3A_1103, %add3A_1104 : i32
        %get3A_1106 = arith.index_cast %add3A_1105 : i32 to index
        %get3A_1107 = arith.constant 0 : index
        %get3A_1108 = tpu.vector_load %arg9[%get3A_1106, %get3A_1107] {strides = array<i32>} : memref<800x64xf32, #tpu.memory_space<vmem>>, vector<16xf32>,
        %add3A_1109 = arith.addf %add3A_1077, %get3A_1108 : vector<16xf32>
        %mul3A_1110 = arith.constant 50 : i32
        %mul3A_1111 = arith.muli %scan3A_1049, %mul3A_1110 : i32
        %add3A_1112 = arith.constant 2 : i32
        %add3A_1113 = arith.addi %mul3A_1111, %add3A_1112 : i32
        %get3A_1114 = arith.index_cast %add3A_1113 : i32 to index
        %get3A_1115 = arith.constant 16 : index
        %get3A_1116 = tpu.vector_load %arg9[%get3A_1114, %get3A_1115] {strides = array<i32>} : memref<800x64xf32, #tpu.memory_space<vmem>>, vector<16xf32>,
        %add3A_1117 = arith.addf %add3A_1085, %get3A_1116 : vector<16xf32>
        %mul3A_1118 = arith.constant 50 : i32
        %mul3A_1119 = arith.muli %scan3A_1049, %mul3A_1118 : i32
        %add3A_1120 = arith.constant 2 : i32
        %add3A_1121 = arith.addi %mul3A_1119, %add3A_1120 : i32
        %get3A_1122 = arith.index_cast %add3A_1121 : i32 to index
        %get3A_1123 = arith.constant 32 : index
        %get3A_1124 = tpu.vector_load %arg9[%get3A_1122, %get3A_1123] {strides = array<i32>} : memref<800x64xf32, #tpu.memory_space<vmem>>, vector<16xf32>,
        %add3A_1125 = arith.addf %add3A_1093, %get3A_1124 : vector<16xf32>
        %mul3A_1126 = arith.constant 50 : i32
        %mul3A_1127 = arith.muli %scan3A_1049, %mul3A_1126 : i32
        %add3A_1128 = arith.constant 2 : i32
        %add3A_1129 = arith.addi %mul3A_1127, %add3A_1128 : i32
        %get3A_1130 = arith.index_cast %add3A_1129 : i32 to index
        %get3A_1131 = arith.constant 48 : index
        %get3A_1132 = tpu.vector_load %arg9[%get3A_1130, %get3A_1131] {strides = array<i32>} : memref<800x64xf32, #tpu.memory_space<vmem>>, vector<16xf32>,
        %add3A_1133 = arith.addf %add3A_1101, %get3A_1132 : vector<16xf32>
        %mul3A_1134 = arith.constant 50 : i32
        %mul3A_1135 = arith.muli %scan3A_1049, %mul3A_1134 : i32
        %add3A_1136 = arith.constant 3 : i32
        %add3A_1137 = arith.addi %mul3A_1135, %add3A_1136 : i32
        %get3A_1138 = arith.index_cast %add3A_1137 : i32 to index
        %get3A_1139 = arith.constant 0 : index
        %get3A_1140 = tpu.vector_load %arg9[%get3A_1138, %get3A_1139] {strides = array<i32>} : memref<800x64xf32, #tpu.memory_space<vmem>>, vector<16xf32>,
        %add3A_1141 = arith.addf %add3A_1109, %get3A_1140 : vector<16xf32>
        %mul3A_1142 = arith.constant 50 : i32
        %mul3A_1143 = arith.muli %scan3A_1049, %mul3A_1142 : i32
        %add3A_1144 = arith.constant 3 : i32
        %add3A_1145 = arith.addi %mul3A_1143, %add3A_1144 : i32
        %get3A_1146 = arith.index_cast %add3A_1145 : i32 to index
        %get3A_1147 = arith.constant 16 : index
        %get3A_1148 = tpu.vector_load %arg9[%get3A_1146, %get3A_1147] {strides = array<i32>} : memref<800x64xf32, #tpu.memory_space<vmem>>, vector<16xf32>,
        %add3A_1149 = arith.addf %add3A_1117, %get3A_1148 : vector<16xf32>
        %mul3A_1150 = arith.constant 50 : i32
        %mul3A_1151 = arith.muli %scan3A_1049, %mul3A_1150 : i32
        %add3A_1152 = arith.constant 3 : i32
        %add3A_1153 = arith.addi %mul3A_1151, %add3A_1152 : i32
        %get3A_1154 = arith.index_cast %add3A_1153 : i32 to index
        %get3A_1155 = arith.constant 32 : index
        %get3A_1156 = tpu.vector_load %arg9[%get3A_1154, %get3A_1155] {strides = array<i32>} : memref<800x64xf32, #tpu.memory_space<vmem>>, vector<16xf32>,
        %add3A_1157 = arith.addf %add3A_1125, %get3A_1156 : vector<16xf32>
        %mul3A_1158 = arith.constant 50 : i32
        %mul3A_1159 = arith.muli %scan3A_1049, %mul3A_1158 : i32
        %add3A_1160 = arith.constant 3 : i32
        %add3A_1161 = arith.addi %mul3A_1159, %add3A_1160 : i32
        %get3A_1162 = arith.index_cast %add3A_1161 : i32 to index
        %get3A_1163 = arith.constant 48 : index
        %get3A_1164 = tpu.vector_load %arg9[%get3A_1162, %get3A_1163] {strides = array<i32>} : memref<800x64xf32, #tpu.memory_space<vmem>>, vector<16xf32>,
        %add3A_1165 = arith.addf %add3A_1133, %get3A_1164 : vector<16xf32>
        %mul3A_1166 = arith.constant 50 : i32
        %mul3A_1167 = arith.muli %scan3A_1049, %mul3A_1166 : i32
        %add3A_1168 = arith.constant 4 : i32
        %add3A_1169 = arith.addi %mul3A_1167, %add3A_1168 : i32
        %get3A_1170 = arith.index_cast %add3A_1169 : i32 to index
        %get3A_1171 = arith.constant 0 : index
        %get3A_1172 = tpu.vector_load %arg9[%get3A_1170, %get3A_1171] {strides = array<i32>} : memref<800x64xf32, #tpu.memory_space<vmem>>, vector<16xf32>,
        %add3A_1173 = arith.addf %add3A_1141, %get3A_1172 : vector<16xf32>
        %mul3A_1174 = arith.constant 50 : i32
        %mul3A_1175 = arith.muli %scan3A_1049, %mul3A_1174 : i32
        %add3A_1176 = arith.constant 4 : i32
        %add3A_1177 = arith.addi %mul3A_1175, %add3A_1176 : i32
        %get3A_1178 = arith.index_cast %add3A_1177 : i32 to index
        %get3A_1179 = arith.constant 16 : index
        %get3A_1180 = tpu.vector_load %arg9[%get3A_1178, %get3A_1179] {strides = array<i32>} : memref<800x64xf32, #tpu.memory_space<vmem>>, vector<16xf32>,
        %add3A_1181 = arith.addf %add3A_1149, %get3A_1180 : vector<16xf32>
        %mul3A_1182 = arith.constant 50 : i32
        %mul3A_1183 = arith.muli %scan3A_1049, %mul3A_1182 : i32
        %add3A_1184 = arith.constant 4 : i32
        %add3A_1185 = arith.addi %mul3A_1183, %add3A_1184 : i32
        %get3A_1186 = arith.index_cast %add3A_1185 : i32 to index
        %get3A_1187 = arith.constant 32 : index
        %get3A_1188 = tpu.vector_load %arg9[%get3A_1186, %get3A_1187] {strides = array<i32>} : memref<800x64xf32, #tpu.memory_space<vmem>>, vector<16xf32>,
        %add3A_1189 = arith.addf %add3A_1157, %get3A_1188 : vector<16xf32>
        %mul3A_1190 = arith.constant 50 : i32
        %mul3A_1191 = arith.muli %scan3A_1049, %mul3A_1190 : i32
        %add3A_1192 = arith.constant 4 : i32
        %add3A_1193 = arith.addi %mul3A_1191, %add3A_1192 : i32
        %get3A_1194 = arith.index_cast %add3A_1193 : i32 to index
        %get3A_1195 = arith.constant 48 : index
        %get3A_1196 = tpu.vector_load %arg9[%get3A_1194, %get3A_1195] {strides = array<i32>} : memref<800x64xf32, #tpu.memory_space<vmem>>, vector<16xf32>,
        %add3A_1197 = arith.addf %add3A_1165, %get3A_1196 : vector<16xf32>
        %mul3A_1198 = arith.constant 50 : i32
        %mul3A_1199 = arith.muli %scan3A_1049, %mul3A_1198 : i32
        %add3A_1200 = arith.constant 5 : i32
        %add3A_1201 = arith.addi %mul3A_1199, %add3A_1200 : i32
        %get3A_1202 = arith.index_cast %add3A_1201 : i32 to index
        %get3A_1203 = arith.constant 0 : index
        %get3A_1204 = tpu.vector_load %arg9[%get3A_1202, %get3A_1203] {strides = array<i32>} : memref<800x64xf32, #tpu.memory_space<vmem>>, vector<16xf32>,
        %add3A_1205 = arith.addf %add3A_1173, %get3A_1204 : vector<16xf32>
        %mul3A_1206 = arith.constant 50 : i32
        %mul3A_1207 = arith.muli %scan3A_1049, %mul3A_1206 : i32
        %add3A_1208 = arith.constant 5 : i32
        %add3A_1209 = arith.addi %mul3A_1207, %add3A_1208 : i32
        %get3A_1210 = arith.index_cast %add3A_1209 : i32 to index
        %get3A_1211 = arith.constant 16 : index
        %get3A_1212 = tpu.vector_load %arg9[%get3A_1210, %get3A_1211] {strides = array<i32>} : memref<800x64xf32, #tpu.memory_space<vmem>>, vector<16xf32>,
        %add3A_1213 = arith.addf %add3A_1181, %get3A_1212 : vector<16xf32>
        %mul3A_1214 = arith.constant 50 : i32
        %mul3A_1215 = arith.muli %scan3A_1049, %mul3A_1214 : i32
        %add3A_1216 = arith.constant 5 : i32
        %add3A_1217 = arith.addi %mul3A_1215, %add3A_1216 : i32
        %get3A_1218 = arith.index_cast %add3A_1217 : i32 to index
        %get3A_1219 = arith.constant 32 : index
        %get3A_1220 = tpu.vector_load %arg9[%get3A_1218, %get3A_1219] {strides = array<i32>} : memref<800x64xf32, #tpu.memory_space<vmem>>, vector<16xf32>,
        %add3A_1221 = arith.addf %add3A_1189, %get3A_1220 : vector<16xf32>
        %mul3A_1222 = arith.constant 50 : i32
        %mul3A_1223 = arith.muli %scan3A_1049, %mul3A_1222 : i32
        %add3A_1224 = arith.constant 5 : i32
        %add3A_1225 = arith.addi %mul3A_1223, %add3A_1224 : i32
        %get3A_1226 = arith.index_cast %add3A_1225 : i32 to index
        %get3A_1227 = arith.constant 48 : index
        %get3A_1228 = tpu.vector_load %arg9[%get3A_1226, %get3A_1227] {strides = array<i32>} : memref<800x64xf32, #tpu.memory_space<vmem>>, vector<16xf32>,
        %add3A_1229 = arith.addf %add3A_1197, %get3A_1228 : vector<16xf32>
        %mul3A_1230 = arith.constant 50 : i32
        %mul3A_1231 = arith.muli %scan3A_1049, %mul3A_1230 : i32
        %add3A_1232 = arith.constant 6 : i32
        %add3A_1233 = arith.addi %mul3A_1231, %add3A_1232 : i32
        %get3A_1234 = arith.index_cast %add3A_1233 : i32 to index
        %get3A_1235 = arith.constant 0 : index
        %get3A_1236 = tpu.vector_load %arg9[%get3A_1234, %get3A_1235] {strides = array<i32>} : memref<800x64xf32, #tpu.memory_space<vmem>>, vector<16xf32>,
        %add3A_1237 = arith.addf %add3A_1205, %get3A_1236 : vector<16xf32>
        %mul3A_1238 = arith.constant 50 : i32
        %mul3A_1239 = arith.muli %scan3A_1049, %mul3A_1238 : i32
        %add3A_1240 = arith.constant 6 : i32
        %add3A_1241 = arith.addi %mul3A_1239, %add3A_1240 : i32
        %get3A_1242 = arith.index_cast %add3A_1241 : i32 to index
        %get3A_1243 = arith.constant 16 : index
        %get3A_1244 = tpu.vector_load %arg9[%get3A_1242, %get3A_1243] {strides = array<i32>} : memref<800x64xf32, #tpu.memory_space<vmem>>, vector<16xf32>,
        %add3A_1245 = arith.addf %add3A_1213, %get3A_1244 : vector<16xf32>
        %mul3A_1246 = arith.constant 50 : i32
        %mul3A_1247 = arith.muli %scan3A_1049, %mul3A_1246 : i32
        %add3A_1248 = arith.constant 6 : i32
        %add3A_1249 = arith.addi %mul3A_1247, %add3A_1248 : i32
        %get3A_1250 = arith.index_cast %add3A_1249 : i32 to index
        %get3A_1251 = arith.constant 32 : index
        %get3A_1252 = tpu.vector_load %arg9[%get3A_1250, %get3A_1251] {strides = array<i32>} : memref<800x64xf32, #tpu.memory_space<vmem>>, vector<16xf32>,
        %add3A_1253 = arith.addf %add3A_1221, %get3A_1252 : vector<16xf32>
        %mul3A_1254 = arith.constant 50 : i32
        %mul3A_1255 = arith.muli %scan3A_1049, %mul3A_1254 : i32
        %add3A_1256 = arith.constant 6 : i32
        %add3A_1257 = arith.addi %mul3A_1255, %add3A_1256 : i32
        %get3A_1258 = arith.index_cast %add3A_1257 : i32 to index
        %get3A_1259 = arith.constant 48 : index
        %get3A_1260 = tpu.vector_load %arg9[%get3A_1258, %get3A_1259] {strides = array<i32>} : memref<800x64xf32, #tpu.memory_space<vmem>>, vector<16xf32>,
        %add3A_1261 = arith.addf %add3A_1229, %get3A_1260 : vector<16xf32>
        %mul3A_1262 = arith.constant 50 : i32
        %mul3A_1263 = arith.muli %scan3A_1049, %mul3A_1262 : i32
        %add3A_1264 = arith.constant 7 : i32
        %add3A_1265 = arith.addi %mul3A_1263, %add3A_1264 : i32
        %get3A_1266 = arith.index_cast %add3A_1265 : i32 to index
        %get3A_1267 = arith.constant 0 : index
        %get3A_1268 = tpu.vector_load %arg9[%get3A_1266, %get3A_1267] {strides = array<i32>} : memref<800x64xf32, #tpu.memory_space<vmem>>, vector<16xf32>,
        %add3A_1269 = arith.addf %add3A_1237, %get3A_1268 : vector<16xf32>
        %mul3A_1270 = arith.constant 50 : i32
        %mul3A_1271 = arith.muli %scan3A_1049, %mul3A_1270 : i32
        %add3A_1272 = arith.constant 7 : i32
        %add3A_1273 = arith.addi %mul3A_1271, %add3A_1272 : i32
        %get3A_1274 = arith.index_cast %add3A_1273 : i32 to index
        %get3A_1275 = arith.constant 16 : index
        %get3A_1276 = tpu.vector_load %arg9[%get3A_1274, %get3A_1275] {strides = array<i32>} : memref<800x64xf32, #tpu.memory_space<vmem>>, vector<16xf32>,
        %add3A_1277 = arith.addf %add3A_1245, %get3A_1276 : vector<16xf32>
        %mul3A_1278 = arith.constant 50 : i32
        %mul3A_1279 = arith.muli %scan3A_1049, %mul3A_1278 : i32
        %add3A_1280 = arith.constant 7 : i32
        %add3A_1281 = arith.addi %mul3A_1279, %add3A_1280 : i32
        %get3A_1282 = arith.index_cast %add3A_1281 : i32 to index
        %get3A_1283 = arith.constant 32 : index
        %get3A_1284 = tpu.vector_load %arg9[%get3A_1282, %get3A_1283] {strides = array<i32>} : memref<800x64xf32, #tpu.memory_space<vmem>>, vector<16xf32>,
        %add3A_1285 = arith.addf %add3A_1253, %get3A_1284 : vector<16xf32>
        %mul3A_1286 = arith.constant 50 : i32
        %mul3A_1287 = arith.muli %scan3A_1049, %mul3A_1286 : i32
        %add3A_1288 = arith.constant 7 : i32
        %add3A_1289 = arith.addi %mul3A_1287, %add3A_1288 : i32
        %get3A_1290 = arith.index_cast %add3A_1289 : i32 to index
        %get3A_1291 = arith.constant 48 : index
        %get3A_1292 = tpu.vector_load %arg9[%get3A_1290, %get3A_1291] {strides = array<i32>} : memref<800x64xf32, #tpu.memory_space<vmem>>, vector<16xf32>,
        %add3A_1293 = arith.addf %add3A_1261, %get3A_1292 : vector<16xf32>
        %mul3A_1294 = arith.constant 50 : i32
        %mul3A_1295 = arith.muli %scan3A_1049, %mul3A_1294 : i32
        %add3A_1296 = arith.constant 8 : i32
        %add3A_1297 = arith.addi %mul3A_1295, %add3A_1296 : i32
        %get3A_1298 = arith.index_cast %add3A_1297 : i32 to index
        %get3A_1299 = arith.constant 0 : index
        %get3A_1300 = tpu.vector_load %arg9[%get3A_1298, %get3A_1299] {strides = array<i32>} : memref<800x64xf32, #tpu.memory_space<vmem>>, vector<16xf32>,
        %add3A_1301 = arith.addf %add3A_1269, %get3A_1300 : vector<16xf32>
        %mul3A_1302 = arith.constant 50 : i32
        %mul3A_1303 = arith.muli %scan3A_1049, %mul3A_1302 : i32
        %add3A_1304 = arith.constant 8 : i32
        %add3A_1305 = arith.addi %mul3A_1303, %add3A_1304 : i32
        %get3A_1306 = arith.index_cast %add3A_1305 : i32 to index
        %get3A_1307 = arith.constant 16 : index
        %get3A_1308 = tpu.vector_load %arg9[%get3A_1306, %get3A_1307] {strides = array<i32>} : memref<800x64xf32, #tpu.memory_space<vmem>>, vector<16xf32>,
        %add3A_1309 = arith.addf %add3A_1277, %get3A_1308 : vector<16xf32>
        %mul3A_1310 = arith.constant 50 : i32
        %mul3A_1311 = arith.muli %scan3A_1049, %mul3A_1310 : i32
        %add3A_1312 = arith.constant 8 : i32
        %add3A_1313 = arith.addi %mul3A_1311, %add3A_1312 : i32
        %get3A_1314 = arith.index_cast %add3A_1313 : i32 to index
        %get3A_1315 = arith.constant 32 : index
        %get3A_1316 = tpu.vector_load %arg9[%get3A_1314, %get3A_1315] {strides = array<i32>} : memref<800x64xf32, #tpu.memory_space<vmem>>, vector<16xf32>,
        %add3A_1317 = arith.addf %add3A_1285, %get3A_1316 : vector<16xf32>
        %mul3A_1318 = arith.constant 50 : i32
        %mul3A_1319 = arith.muli %scan3A_1049, %mul3A_1318 : i32
        %add3A_1320 = arith.constant 8 : i32
        %add3A_1321 = arith.addi %mul3A_1319, %add3A_1320 : i32
        %get3A_1322 = arith.index_cast %add3A_1321 : i32 to index
        %get3A_1323 = arith.constant 48 : index
        %get3A_1324 = tpu.vector_load %arg9[%get3A_1322, %get3A_1323] {strides = array<i32>} : memref<800x64xf32, #tpu.memory_space<vmem>>, vector<16xf32>,
        %add3A_1325 = arith.addf %add3A_1293, %get3A_1324 : vector<16xf32>
        %mul3A_1326 = arith.constant 50 : i32
        %mul3A_1327 = arith.muli %scan3A_1049, %mul3A_1326 : i32
        %add3A_1328 = arith.constant 9 : i32
        %add3A_1329 = arith.addi %mul3A_1327, %add3A_1328 : i32
        %get3A_1330 = arith.index_cast %add3A_1329 : i32 to index
        %get3A_1331 = arith.constant 0 : index
        %get3A_1332 = tpu.vector_load %arg9[%get3A_1330, %get3A_1331] {strides = array<i32>} : memref<800x64xf32, #tpu.memory_space<vmem>>, vector<16xf32>,
        %add3A_1333 = arith.addf %add3A_1301, %get3A_1332 : vector<16xf32>
        %mul3A_1334 = arith.constant 50 : i32
        %mul3A_1335 = arith.muli %scan3A_1049, %mul3A_1334 : i32
        %add3A_1336 = arith.constant 9 : i32
        %add3A_1337 = arith.addi %mul3A_1335, %add3A_1336 : i32
        %get3A_1338 = arith.index_cast %add3A_1337 : i32 to index
        %get3A_1339 = arith.constant 16 : index
        %get3A_1340 = tpu.vector_load %arg9[%get3A_1338, %get3A_1339] {strides = array<i32>} : memref<800x64xf32, #tpu.memory_space<vmem>>, vector<16xf32>,
        %add3A_1341 = arith.addf %add3A_1309, %get3A_1340 : vector<16xf32>
        %mul3A_1342 = arith.constant 50 : i32
        %mul3A_1343 = arith.muli %scan3A_1049, %mul3A_1342 : i32
        %add3A_1344 = arith.constant 9 : i32
        %add3A_1345 = arith.addi %mul3A_1343, %add3A_1344 : i32
        %get3A_1346 = arith.index_cast %add3A_1345 : i32 to index
        %get3A_1347 = arith.constant 32 : index
        %get3A_1348 = tpu.vector_load %arg9[%get3A_1346, %get3A_1347] {strides = array<i32>} : memref<800x64xf32, #tpu.memory_space<vmem>>, vector<16xf32>,
        %add3A_1349 = arith.addf %add3A_1317, %get3A_1348 : vector<16xf32>
        %mul3A_1350 = arith.constant 50 : i32
        %mul3A_1351 = arith.muli %scan3A_1049, %mul3A_1350 : i32
        %add3A_1352 = arith.constant 9 : i32
        %add3A_1353 = arith.addi %mul3A_1351, %add3A_1352 : i32
        %get3A_1354 = arith.index_cast %add3A_1353 : i32 to index
        %get3A_1355 = arith.constant 48 : index
        %get3A_1356 = tpu.vector_load %arg9[%get3A_1354, %get3A_1355] {strides = array<i32>} : memref<800x64xf32, #tpu.memory_space<vmem>>, vector<16xf32>,
        %add3A_1357 = arith.addf %add3A_1325, %get3A_1356 : vector<16xf32>
        %mul3A_1358 = arith.constant 50 : i32
        %mul3A_1359 = arith.muli %scan3A_1049, %mul3A_1358 : i32
        %add3A_1360 = arith.constant 10 : i32
        %add3A_1361 = arith.addi %mul3A_1359, %add3A_1360 : i32
        %get3A_1362 = arith.index_cast %add3A_1361 : i32 to index
        %get3A_1363 = arith.constant 0 : index
        %get3A_1364 = tpu.vector_load %arg9[%get3A_1362, %get3A_1363] {strides = array<i32>} : memref<800x64xf32, #tpu.memory_space<vmem>>, vector<16xf32>,
        %add3A_1365 = arith.addf %add3A_1333, %get3A_1364 : vector<16xf32>
        %mul3A_1366 = arith.constant 50 : i32
        %mul3A_1367 = arith.muli %scan3A_1049, %mul3A_1366 : i32
        %add3A_1368 = arith.constant 10 : i32
        %add3A_1369 = arith.addi %mul3A_1367, %add3A_1368 : i32
        %get3A_1370 = arith.index_cast %add3A_1369 : i32 to index
        %get3A_1371 = arith.constant 16 : index
        %get3A_1372 = tpu.vector_load %arg9[%get3A_1370, %get3A_1371] {strides = array<i32>} : memref<800x64xf32, #tpu.memory_space<vmem>>, vector<16xf32>,
        %add3A_1373 = arith.addf %add3A_1341, %get3A_1372 : vector<16xf32>
        %mul3A_1374 = arith.constant 50 : i32
        %mul3A_1375 = arith.muli %scan3A_1049, %mul3A_1374 : i32
        %add3A_1376 = arith.constant 10 : i32
        %add3A_1377 = arith.addi %mul3A_1375, %add3A_1376 : i32
        %get3A_1378 = arith.index_cast %add3A_1377 : i32 to index
        %get3A_1379 = arith.constant 32 : index
        %get3A_1380 = tpu.vector_load %arg9[%get3A_1378, %get3A_1379] {strides = array<i32>} : memref<800x64xf32, #tpu.memory_space<vmem>>, vector<16xf32>,
        %add3A_1381 = arith.addf %add3A_1349, %get3A_1380 : vector<16xf32>
        %mul3A_1382 = arith.constant 50 : i32
        %mul3A_1383 = arith.muli %scan3A_1049, %mul3A_1382 : i32
        %add3A_1384 = arith.constant 10 : i32
        %add3A_1385 = arith.addi %mul3A_1383, %add3A_1384 : i32
        %get3A_1386 = arith.index_cast %add3A_1385 : i32 to index
        %get3A_1387 = arith.constant 48 : index
        %get3A_1388 = tpu.vector_load %arg9[%get3A_1386, %get3A_1387] {strides = array<i32>} : memref<800x64xf32, #tpu.memory_space<vmem>>, vector<16xf32>,
        %add3A_1389 = arith.addf %add3A_1357, %get3A_1388 : vector<16xf32>
        %mul3A_1390 = arith.constant 50 : i32
        %mul3A_1391 = arith.muli %scan3A_1049, %mul3A_1390 : i32
        %add3A_1392 = arith.constant 11 : i32
        %add3A_1393 = arith.addi %mul3A_1391, %add3A_1392 : i32
        %get3A_1394 = arith.index_cast %add3A_1393 : i32 to index
        %get3A_1395 = arith.constant 0 : index
        %get3A_1396 = tpu.vector_load %arg9[%get3A_1394, %get3A_1395] {strides = array<i32>} : memref<800x64xf32, #tpu.memory_space<vmem>>, vector<16xf32>,
        %add3A_1397 = arith.addf %add3A_1365, %get3A_1396 : vector<16xf32>
        %mul3A_1398 = arith.constant 50 : i32
        %mul3A_1399 = arith.muli %scan3A_1049, %mul3A_1398 : i32
        %add3A_1400 = arith.constant 11 : i32
        %add3A_1401 = arith.addi %mul3A_1399, %add3A_1400 : i32
        %get3A_1402 = arith.index_cast %add3A_1401 : i32 to index
        %get3A_1403 = arith.constant 16 : index
        %get3A_1404 = tpu.vector_load %arg9[%get3A_1402, %get3A_1403] {strides = array<i32>} : memref<800x64xf32, #tpu.memory_space<vmem>>, vector<16xf32>,
        %add3A_1405 = arith.addf %add3A_1373, %get3A_1404 : vector<16xf32>
        %mul3A_1406 = arith.constant 50 : i32
        %mul3A_1407 = arith.muli %scan3A_1049, %mul3A_1406 : i32
        %add3A_1408 = arith.constant 11 : i32
        %add3A_1409 = arith.addi %mul3A_1407, %add3A_1408 : i32
        %get3A_1410 = arith.index_cast %add3A_1409 : i32 to index
        %get3A_1411 = arith.constant 32 : index
        %get3A_1412 = tpu.vector_load %arg9[%get3A_1410, %get3A_1411] {strides = array<i32>} : memref<800x64xf32, #tpu.memory_space<vmem>>, vector<16xf32>,
        %add3A_1413 = arith.addf %add3A_1381, %get3A_1412 : vector<16xf32>
        %mul3A_1414 = arith.constant 50 : i32
        %mul3A_1415 = arith.muli %scan3A_1049, %mul3A_1414 : i32
        %add3A_1416 = arith.constant 11 : i32
        %add3A_1417 = arith.addi %mul3A_1415, %add3A_1416 : i32
        %get3A_1418 = arith.index_cast %add3A_1417 : i32 to index
        %get3A_1419 = arith.constant 48 : index
        %get3A_1420 = tpu.vector_load %arg9[%get3A_1418, %get3A_1419] {strides = array<i32>} : memref<800x64xf32, #tpu.memory_space<vmem>>, vector<16xf32>,
        %add3A_1421 = arith.addf %add3A_1389, %get3A_1420 : vector<16xf32>
        %mul3A_1422 = arith.constant 50 : i32
        %mul3A_1423 = arith.muli %scan3A_1049, %mul3A_1422 : i32
        %add3A_1424 = arith.constant 12 : i32
        %add3A_1425 = arith.addi %mul3A_1423, %add3A_1424 : i32
        %get3A_1426 = arith.index_cast %add3A_1425 : i32 to index
        %get3A_1427 = arith.constant 0 : index
        %get3A_1428 = tpu.vector_load %arg9[%get3A_1426, %get3A_1427] {strides = array<i32>} : memref<800x64xf32, #tpu.memory_space<vmem>>, vector<16xf32>,
        %add3A_1429 = arith.addf %add3A_1397, %get3A_1428 : vector<16xf32>
        %mul3A_1430 = arith.constant 50 : i32
        %mul3A_1431 = arith.muli %scan3A_1049, %mul3A_1430 : i32
        %add3A_1432 = arith.constant 12 : i32
        %add3A_1433 = arith.addi %mul3A_1431, %add3A_1432 : i32
        %get3A_1434 = arith.index_cast %add3A_1433 : i32 to index
        %get3A_1435 = arith.constant 16 : index
        %get3A_1436 = tpu.vector_load %arg9[%get3A_1434, %get3A_1435] {strides = array<i32>} : memref<800x64xf32, #tpu.memory_space<vmem>>, vector<16xf32>,
        %add3A_1437 = arith.addf %add3A_1405, %get3A_1436 : vector<16xf32>
        %mul3A_1438 = arith.constant 50 : i32
        %mul3A_1439 = arith.muli %scan3A_1049, %mul3A_1438 : i32
        %add3A_1440 = arith.constant 12 : i32
        %add3A_1441 = arith.addi %mul3A_1439, %add3A_1440 : i32
        %get3A_1442 = arith.index_cast %add3A_1441 : i32 to index
        %get3A_1443 = arith.constant 32 : index
        %get3A_1444 = tpu.vector_load %arg9[%get3A_1442, %get3A_1443] {strides = array<i32>} : memref<800x64xf32, #tpu.memory_space<vmem>>, vector<16xf32>,
        %add3A_1445 = arith.addf %add3A_1413, %get3A_1444 : vector<16xf32>
        %mul3A_1446 = arith.constant 50 : i32
        %mul3A_1447 = arith.muli %scan3A_1049, %mul3A_1446 : i32
        %add3A_1448 = arith.constant 12 : i32
        %add3A_1449 = arith.addi %mul3A_1447, %add3A_1448 : i32
        %get3A_1450 = arith.index_cast %add3A_1449 : i32 to index
        %get3A_1451 = arith.constant 48 : index
        %get3A_1452 = tpu.vector_load %arg9[%get3A_1450, %get3A_1451] {strides = array<i32>} : memref<800x64xf32, #tpu.memory_space<vmem>>, vector<16xf32>,
        %add3A_1453 = arith.addf %add3A_1421, %get3A_1452 : vector<16xf32>
        %mul3A_1454 = arith.constant 50 : i32
        %mul3A_1455 = arith.muli %scan3A_1049, %mul3A_1454 : i32
        %add3A_1456 = arith.constant 13 : i32
        %add3A_1457 = arith.addi %mul3A_1455, %add3A_1456 : i32
        %get3A_1458 = arith.index_cast %add3A_1457 : i32 to index
        %get3A_1459 = arith.constant 0 : index
        %get3A_1460 = tpu.vector_load %arg9[%get3A_1458, %get3A_1459] {strides = array<i32>} : memref<800x64xf32, #tpu.memory_space<vmem>>, vector<16xf32>,
        %add3A_1461 = arith.addf %add3A_1429, %get3A_1460 : vector<16xf32>
        %mul3A_1462 = arith.constant 50 : i32
        %mul3A_1463 = arith.muli %scan3A_1049, %mul3A_1462 : i32
        %add3A_1464 = arith.constant 13 : i32
        %add3A_1465 = arith.addi %mul3A_1463, %add3A_1464 : i32
        %get3A_1466 = arith.index_cast %add3A_1465 : i32 to index
        %get3A_1467 = arith.constant 16 : index
        %get3A_1468 = tpu.vector_load %arg9[%get3A_1466, %get3A_1467] {strides = array<i32>} : memref<800x64xf32, #tpu.memory_space<vmem>>, vector<16xf32>,
        %add3A_1469 = arith.addf %add3A_1437, %get3A_1468 : vector<16xf32>
        %mul3A_1470 = arith.constant 50 : i32
        %mul3A_1471 = arith.muli %scan3A_1049, %mul3A_1470 : i32
        %add3A_1472 = arith.constant 13 : i32
        %add3A_1473 = arith.addi %mul3A_1471, %add3A_1472 : i32
        %get3A_1474 = arith.index_cast %add3A_1473 : i32 to index
        %get3A_1475 = arith.constant 32 : index
        %get3A_1476 = tpu.vector_load %arg9[%get3A_1474, %get3A_1475] {strides = array<i32>} : memref<800x64xf32, #tpu.memory_space<vmem>>, vector<16xf32>,
        %add3A_1477 = arith.addf %add3A_1445, %get3A_1476 : vector<16xf32>
        %mul3A_1478 = arith.constant 50 : i32
        %mul3A_1479 = arith.muli %scan3A_1049, %mul3A_1478 : i32
        %add3A_1480 = arith.constant 13 : i32
        %add3A_1481 = arith.addi %mul3A_1479, %add3A_1480 : i32
        %get3A_1482 = arith.index_cast %add3A_1481 : i32 to index
        %get3A_1483 = arith.constant 48 : index
        %get3A_1484 = tpu.vector_load %arg9[%get3A_1482, %get3A_1483] {strides = array<i32>} : memref<800x64xf32, #tpu.memory_space<vmem>>, vector<16xf32>,
        %add3A_1485 = arith.addf %add3A_1453, %get3A_1484 : vector<16xf32>
        %mul3A_1486 = arith.constant 50 : i32
        %mul3A_1487 = arith.muli %scan3A_1049, %mul3A_1486 : i32
        %add3A_1488 = arith.constant 14 : i32
        %add3A_1489 = arith.addi %mul3A_1487, %add3A_1488 : i32
        %get3A_1490 = arith.index_cast %add3A_1489 : i32 to index
        %get3A_1491 = arith.constant 0 : index
        %get3A_1492 = tpu.vector_load %arg9[%get3A_1490, %get3A_1491] {strides = array<i32>} : memref<800x64xf32, #tpu.memory_space<vmem>>, vector<16xf32>,
        %add3A_1493 = arith.addf %add3A_1461, %get3A_1492 : vector<16xf32>
        %mul3A_1494 = arith.constant 50 : i32
        %mul3A_1495 = arith.muli %scan3A_1049, %mul3A_1494 : i32
        %add3A_1496 = arith.constant 14 : i32
        %add3A_1497 = arith.addi %mul3A_1495, %add3A_1496 : i32
        %get3A_1498 = arith.index_cast %add3A_1497 : i32 to index
        %get3A_1499 = arith.constant 16 : index
        %get3A_1500 = tpu.vector_load %arg9[%get3A_1498, %get3A_1499] {strides = array<i32>} : memref<800x64xf32, #tpu.memory_space<vmem>>, vector<16xf32>,
        %add3A_1501 = arith.addf %add3A_1469, %get3A_1500 : vector<16xf32>
        %mul3A_1502 = arith.constant 50 : i32
        %mul3A_1503 = arith.muli %scan3A_1049, %mul3A_1502 : i32
        %add3A_1504 = arith.constant 14 : i32
        %add3A_1505 = arith.addi %mul3A_1503, %add3A_1504 : i32
        %get3A_1506 = arith.index_cast %add3A_1505 : i32 to index
        %get3A_1507 = arith.constant 32 : index
        %get3A_1508 = tpu.vector_load %arg9[%get3A_1506, %get3A_1507] {strides = array<i32>} : memref<800x64xf32, #tpu.memory_space<vmem>>, vector<16xf32>,
        %add3A_1509 = arith.addf %add3A_1477, %get3A_1508 : vector<16xf32>
        %mul3A_1510 = arith.constant 50 : i32
        %mul3A_1511 = arith.muli %scan3A_1049, %mul3A_1510 : i32
        %add3A_1512 = arith.constant 14 : i32
        %add3A_1513 = arith.addi %mul3A_1511, %add3A_1512 : i32
        %get3A_1514 = arith.index_cast %add3A_1513 : i32 to index
        %get3A_1515 = arith.constant 48 : index
        %get3A_1516 = tpu.vector_load %arg9[%get3A_1514, %get3A_1515] {strides = array<i32>} : memref<800x64xf32, #tpu.memory_space<vmem>>, vector<16xf32>,
        %add3A_1517 = arith.addf %add3A_1485, %get3A_1516 : vector<16xf32>
        %mul3A_1518 = arith.constant 50 : i32
        %mul3A_1519 = arith.muli %scan3A_1049, %mul3A_1518 : i32
        %add3A_1520 = arith.constant 15 : i32
        %add3A_1521 = arith.addi %mul3A_1519, %add3A_1520 : i32
        %get3A_1522 = arith.index_cast %add3A_1521 : i32 to index
        %get3A_1523 = arith.constant 0 : index
        %get3A_1524 = tpu.vector_load %arg9[%get3A_1522, %get3A_1523] {strides = array<i32>} : memref<800x64xf32, #tpu.memory_space<vmem>>, vector<16xf32>,
        %add3A_1525 = arith.addf %add3A_1493, %get3A_1524 : vector<16xf32>
        %mul3A_1526 = arith.constant 50 : i32
        %mul3A_1527 = arith.muli %scan3A_1049, %mul3A_1526 : i32
        %add3A_1528 = arith.constant 15 : i32
        %add3A_1529 = arith.addi %mul3A_1527, %add3A_1528 : i32
        %get3A_1530 = arith.index_cast %add3A_1529 : i32 to index
        %get3A_1531 = arith.constant 16 : index
        %get3A_1532 = tpu.vector_load %arg9[%get3A_1530, %get3A_1531] {strides = array<i32>} : memref<800x64xf32, #tpu.memory_space<vmem>>, vector<16xf32>,
        %add3A_1533 = arith.addf %add3A_1501, %get3A_1532 : vector<16xf32>
        %mul3A_1534 = arith.constant 50 : i32
        %mul3A_1535 = arith.muli %scan3A_1049, %mul3A_1534 : i32
        %add3A_1536 = arith.constant 15 : i32
        %add3A_1537 = arith.addi %mul3A_1535, %add3A_1536 : i32
        %get3A_1538 = arith.index_cast %add3A_1537 : i32 to index
        %get3A_1539 = arith.constant 32 : index
        %get3A_1540 = tpu.vector_load %arg9[%get3A_1538, %get3A_1539] {strides = array<i32>} : memref<800x64xf32, #tpu.memory_space<vmem>>, vector<16xf32>,
        %add3A_1541 = arith.addf %add3A_1509, %get3A_1540 : vector<16xf32>
        %mul3A_1542 = arith.constant 50 : i32
        %mul3A_1543 = arith.muli %scan3A_1049, %mul3A_1542 : i32
        %add3A_1544 = arith.constant 15 : i32
        %add3A_1545 = arith.addi %mul3A_1543, %add3A_1544 : i32
        %get3A_1546 = arith.index_cast %add3A_1545 : i32 to index
        %get3A_1547 = arith.constant 48 : index
        %get3A_1548 = tpu.vector_load %arg9[%get3A_1546, %get3A_1547] {strides = array<i32>} : memref<800x64xf32, #tpu.memory_space<vmem>>, vector<16xf32>,
        %add3A_1549 = arith.addf %add3A_1517, %get3A_1548 : vector<16xf32>
        %mul3A_1550 = arith.constant 50 : i32
        %mul3A_1551 = arith.muli %scan3A_1049, %mul3A_1550 : i32
        %add3A_1552 = arith.constant 16 : i32
        %add3A_1553 = arith.addi %mul3A_1551, %add3A_1552 : i32
        %get3A_1554 = arith.index_cast %add3A_1553 : i32 to index
        %get3A_1555 = arith.constant 0 : index
        %get3A_1556 = tpu.vector_load %arg9[%get3A_1554, %get3A_1555] {strides = array<i32>} : memref<800x64xf32, #tpu.memory_space<vmem>>, vector<16xf32>,
        %add3A_1557 = arith.addf %add3A_1525, %get3A_1556 : vector<16xf32>
        %mul3A_1558 = arith.constant 50 : i32
        %mul3A_1559 = arith.muli %scan3A_1049, %mul3A_1558 : i32
        %add3A_1560 = arith.constant 16 : i32
        %add3A_1561 = arith.addi %mul3A_1559, %add3A_1560 : i32
        %get3A_1562 = arith.index_cast %add3A_1561 : i32 to index
        %get3A_1563 = arith.constant 16 : index
        %get3A_1564 = tpu.vector_load %arg9[%get3A_1562, %get3A_1563] {strides = array<i32>} : memref<800x64xf32, #tpu.memory_space<vmem>>, vector<16xf32>,
        %add3A_1565 = arith.addf %add3A_1533, %get3A_1564 : vector<16xf32>
        %mul3A_1566 = arith.constant 50 : i32
        %mul3A_1567 = arith.muli %scan3A_1049, %mul3A_1566 : i32
        %add3A_1568 = arith.constant 16 : i32
        %add3A_1569 = arith.addi %mul3A_1567, %add3A_1568 : i32
        %get3A_1570 = arith.index_cast %add3A_1569 : i32 to index
        %get3A_1571 = arith.constant 32 : index
        %get3A_1572 = tpu.vector_load %arg9[%get3A_1570, %get3A_1571] {strides = array<i32>} : memref<800x64xf32, #tpu.memory_space<vmem>>, vector<16xf32>,
        %add3A_1573 = arith.addf %add3A_1541, %get3A_1572 : vector<16xf32>
        %mul3A_1574 = arith.constant 50 : i32
        %mul3A_1575 = arith.muli %scan3A_1049, %mul3A_1574 : i32
        %add3A_1576 = arith.constant 16 : i32
        %add3A_1577 = arith.addi %mul3A_1575, %add3A_1576 : i32
        %get3A_1578 = arith.index_cast %add3A_1577 : i32 to index
        %get3A_1579 = arith.constant 48 : index
        %get3A_1580 = tpu.vector_load %arg9[%get3A_1578, %get3A_1579] {strides = array<i32>} : memref<800x64xf32, #tpu.memory_space<vmem>>, vector<16xf32>,
        %add3A_1581 = arith.addf %add3A_1549, %get3A_1580 : vector<16xf32>
        %mul3A_1582 = arith.constant 50 : i32
        %mul3A_1583 = arith.muli %scan3A_1049, %mul3A_1582 : i32
        %add3A_1584 = arith.constant 17 : i32
        %add3A_1585 = arith.addi %mul3A_1583, %add3A_1584 : i32
        %get3A_1586 = arith.index_cast %add3A_1585 : i32 to index
        %get3A_1587 = arith.constant 0 : index
        %get3A_1588 = tpu.vector_load %arg9[%get3A_1586, %get3A_1587] {strides = array<i32>} : memref<800x64xf32, #tpu.memory_space<vmem>>, vector<16xf32>,
        %add3A_1589 = arith.addf %add3A_1557, %get3A_1588 : vector<16xf32>
        %mul3A_1590 = arith.constant 50 : i32
        %mul3A_1591 = arith.muli %scan3A_1049, %mul3A_1590 : i32
        %add3A_1592 = arith.constant 17 : i32
        %add3A_1593 = arith.addi %mul3A_1591, %add3A_1592 : i32
        %get3A_1594 = arith.index_cast %add3A_1593 : i32 to index
        %get3A_1595 = arith.constant 16 : index
        %get3A_1596 = tpu.vector_load %arg9[%get3A_1594, %get3A_1595] {strides = array<i32>} : memref<800x64xf32, #tpu.memory_space<vmem>>, vector<16xf32>,
        %add3A_1597 = arith.addf %add3A_1565, %get3A_1596 : vector<16xf32>
        %mul3A_1598 = arith.constant 50 : i32
        %mul3A_1599 = arith.muli %scan3A_1049, %mul3A_1598 : i32
        %add3A_1600 = arith.constant 17 : i32
        %add3A_1601 = arith.addi %mul3A_1599, %add3A_1600 : i32
        %get3A_1602 = arith.index_cast %add3A_1601 : i32 to index
        %get3A_1603 = arith.constant 32 : index
        %get3A_1604 = tpu.vector_load %arg9[%get3A_1602, %get3A_1603] {strides = array<i32>} : memref<800x64xf32, #tpu.memory_space<vmem>>, vector<16xf32>,
        %add3A_1605 = arith.addf %add3A_1573, %get3A_1604 : vector<16xf32>
        %mul3A_1606 = arith.constant 50 : i32
        %mul3A_1607 = arith.muli %scan3A_1049, %mul3A_1606 : i32
        %add3A_1608 = arith.constant 17 : i32
        %add3A_1609 = arith.addi %mul3A_1607, %add3A_1608 : i32
        %get3A_1610 = arith.index_cast %add3A_1609 : i32 to index
        %get3A_1611 = arith.constant 48 : index
        %get3A_1612 = tpu.vector_load %arg9[%get3A_1610, %get3A_1611] {strides = array<i32>} : memref<800x64xf32, #tpu.memory_space<vmem>>, vector<16xf32>,
        %add3A_1613 = arith.addf %add3A_1581, %get3A_1612 : vector<16xf32>
        %mul3A_1614 = arith.constant 50 : i32
        %mul3A_1615 = arith.muli %scan3A_1049, %mul3A_1614 : i32
        %add3A_1616 = arith.constant 18 : i32
        %add3A_1617 = arith.addi %mul3A_1615, %add3A_1616 : i32
        %get3A_1618 = arith.index_cast %add3A_1617 : i32 to index
        %get3A_1619 = arith.constant 0 : index
        %get3A_1620 = tpu.vector_load %arg9[%get3A_1618, %get3A_1619] {strides = array<i32>} : memref<800x64xf32, #tpu.memory_space<vmem>>, vector<16xf32>,
        %add3A_1621 = arith.addf %add3A_1589, %get3A_1620 : vector<16xf32>
        %mul3A_1622 = arith.constant 50 : i32
        %mul3A_1623 = arith.muli %scan3A_1049, %mul3A_1622 : i32
        %add3A_1624 = arith.constant 18 : i32
        %add3A_1625 = arith.addi %mul3A_1623, %add3A_1624 : i32
        %get3A_1626 = arith.index_cast %add3A_1625 : i32 to index
        %get3A_1627 = arith.constant 16 : index
        %get3A_1628 = tpu.vector_load %arg9[%get3A_1626, %get3A_1627] {strides = array<i32>} : memref<800x64xf32, #tpu.memory_space<vmem>>, vector<16xf32>,
        %add3A_1629 = arith.addf %add3A_1597, %get3A_1628 : vector<16xf32>
        %mul3A_1630 = arith.constant 50 : i32
        %mul3A_1631 = arith.muli %scan3A_1049, %mul3A_1630 : i32
        %add3A_1632 = arith.constant 18 : i32
        %add3A_1633 = arith.addi %mul3A_1631, %add3A_1632 : i32
        %get3A_1634 = arith.index_cast %add3A_1633 : i32 to index
        %get3A_1635 = arith.constant 32 : index
        %get3A_1636 = tpu.vector_load %arg9[%get3A_1634, %get3A_1635] {strides = array<i32>} : memref<800x64xf32, #tpu.memory_space<vmem>>, vector<16xf32>,
        %add3A_1637 = arith.addf %add3A_1605, %get3A_1636 : vector<16xf32>
        %mul3A_1638 = arith.constant 50 : i32
        %mul3A_1639 = arith.muli %scan3A_1049, %mul3A_1638 : i32
        %add3A_1640 = arith.constant 18 : i32
        %add3A_1641 = arith.addi %mul3A_1639, %add3A_1640 : i32
        %get3A_1642 = arith.index_cast %add3A_1641 : i32 to index
        %get3A_1643 = arith.constant 48 : index
        %get3A_1644 = tpu.vector_load %arg9[%get3A_1642, %get3A_1643] {strides = array<i32>} : memref<800x64xf32, #tpu.memory_space<vmem>>, vector<16xf32>,
        %add3A_1645 = arith.addf %add3A_1613, %get3A_1644 : vector<16xf32>
        %mul3A_1646 = arith.constant 50 : i32
        %mul3A_1647 = arith.muli %scan3A_1049, %mul3A_1646 : i32
        %add3A_1648 = arith.constant 19 : i32
        %add3A_1649 = arith.addi %mul3A_1647, %add3A_1648 : i32
        %get3A_1650 = arith.index_cast %add3A_1649 : i32 to index
        %get3A_1651 = arith.constant 0 : index
        %get3A_1652 = tpu.vector_load %arg9[%get3A_1650, %get3A_1651] {strides = array<i32>} : memref<800x64xf32, #tpu.memory_space<vmem>>, vector<16xf32>,
        %add3A_1653 = arith.addf %add3A_1621, %get3A_1652 : vector<16xf32>
        %mul3A_1654 = arith.constant 50 : i32
        %mul3A_1655 = arith.muli %scan3A_1049, %mul3A_1654 : i32
        %add3A_1656 = arith.constant 19 : i32
        %add3A_1657 = arith.addi %mul3A_1655, %add3A_1656 : i32
        %get3A_1658 = arith.index_cast %add3A_1657 : i32 to index
        %get3A_1659 = arith.constant 16 : index
        %get3A_1660 = tpu.vector_load %arg9[%get3A_1658, %get3A_1659] {strides = array<i32>} : memref<800x64xf32, #tpu.memory_space<vmem>>, vector<16xf32>,
        %add3A_1661 = arith.addf %add3A_1629, %get3A_1660 : vector<16xf32>
        %mul3A_1662 = arith.constant 50 : i32
        %mul3A_1663 = arith.muli %scan3A_1049, %mul3A_1662 : i32
        %add3A_1664 = arith.constant 19 : i32
        %add3A_1665 = arith.addi %mul3A_1663, %add3A_1664 : i32
        %get3A_1666 = arith.index_cast %add3A_1665 : i32 to index
        %get3A_1667 = arith.constant 32 : index
        %get3A_1668 = tpu.vector_load %arg9[%get3A_1666, %get3A_1667] {strides = array<i32>} : memref<800x64xf32, #tpu.memory_space<vmem>>, vector<16xf32>,
        %add3A_1669 = arith.addf %add3A_1637, %get3A_1668 : vector<16xf32>
        %mul3A_1670 = arith.constant 50 : i32
        %mul3A_1671 = arith.muli %scan3A_1049, %mul3A_1670 : i32
        %add3A_1672 = arith.constant 19 : i32
        %add3A_1673 = arith.addi %mul3A_1671, %add3A_1672 : i32
        %get3A_1674 = arith.index_cast %add3A_1673 : i32 to index
        %get3A_1675 = arith.constant 48 : index
        %get3A_1676 = tpu.vector_load %arg9[%get3A_1674, %get3A_1675] {strides = array<i32>} : memref<800x64xf32, #tpu.memory_space<vmem>>, vector<16xf32>,
        %add3A_1677 = arith.addf %add3A_1645, %get3A_1676 : vector<16xf32>
        %mul3A_1678 = arith.constant 50 : i32
        %mul3A_1679 = arith.muli %scan3A_1049, %mul3A_1678 : i32
        %add3A_1680 = arith.constant 20 : i32
        %add3A_1681 = arith.addi %mul3A_1679, %add3A_1680 : i32
        %get3A_1682 = arith.index_cast %add3A_1681 : i32 to index
        %get3A_1683 = arith.constant 0 : index
        %get3A_1684 = tpu.vector_load %arg9[%get3A_1682, %get3A_1683] {strides = array<i32>} : memref<800x64xf32, #tpu.memory_space<vmem>>, vector<16xf32>,
        %add3A_1685 = arith.addf %add3A_1653, %get3A_1684 : vector<16xf32>
        %mul3A_1686 = arith.constant 50 : i32
        %mul3A_1687 = arith.muli %scan3A_1049, %mul3A_1686 : i32
        %add3A_1688 = arith.constant 20 : i32
        %add3A_1689 = arith.addi %mul3A_1687, %add3A_1688 : i32
        %get3A_1690 = arith.index_cast %add3A_1689 : i32 to index
        %get3A_1691 = arith.constant 16 : index
        %get3A_1692 = tpu.vector_load %arg9[%get3A_1690, %get3A_1691] {strides = array<i32>} : memref<800x64xf32, #tpu.memory_space<vmem>>, vector<16xf32>,
        %add3A_1693 = arith.addf %add3A_1661, %get3A_1692 : vector<16xf32>
        %mul3A_1694 = arith.constant 50 : i32
        %mul3A_1695 = arith.muli %scan3A_1049, %mul3A_1694 : i32
        %add3A_1696 = arith.constant 20 : i32
        %add3A_1697 = arith.addi %mul3A_1695, %add3A_1696 : i32
        %get3A_1698 = arith.index_cast %add3A_1697 : i32 to index
        %get3A_1699 = arith.constant 32 : index
        %get3A_1700 = tpu.vector_load %arg9[%get3A_1698, %get3A_1699] {strides = array<i32>} : memref<800x64xf32, #tpu.memory_space<vmem>>, vector<16xf32>,
        %add3A_1701 = arith.addf %add3A_1669, %get3A_1700 : vector<16xf32>
        %mul3A_1702 = arith.constant 50 : i32
        %mul3A_1703 = arith.muli %scan3A_1049, %mul3A_1702 : i32
        %add3A_1704 = arith.constant 20 : i32
        %add3A_1705 = arith.addi %mul3A_1703, %add3A_1704 : i32
        %get3A_1706 = arith.index_cast %add3A_1705 : i32 to index
        %get3A_1707 = arith.constant 48 : index
        %get3A_1708 = tpu.vector_load %arg9[%get3A_1706, %get3A_1707] {strides = array<i32>} : memref<800x64xf32, #tpu.memory_space<vmem>>, vector<16xf32>,
        %add3A_1709 = arith.addf %add3A_1677, %get3A_1708 : vector<16xf32>
        %mul3A_1710 = arith.constant 50 : i32
        %mul3A_1711 = arith.muli %scan3A_1049, %mul3A_1710 : i32
        %add3A_1712 = arith.constant 21 : i32
        %add3A_1713 = arith.addi %mul3A_1711, %add3A_1712 : i32
        %get3A_1714 = arith.index_cast %add3A_1713 : i32 to index
        %get3A_1715 = arith.constant 0 : index
        %get3A_1716 = tpu.vector_load %arg9[%get3A_1714, %get3A_1715] {strides = array<i32>} : memref<800x64xf32, #tpu.memory_space<vmem>>, vector<16xf32>,
        %add3A_1717 = arith.addf %add3A_1685, %get3A_1716 : vector<16xf32>
        %mul3A_1718 = arith.constant 50 : i32
        %mul3A_1719 = arith.muli %scan3A_1049, %mul3A_1718 : i32
        %add3A_1720 = arith.constant 21 : i32
        %add3A_1721 = arith.addi %mul3A_1719, %add3A_1720 : i32
        %get3A_1722 = arith.index_cast %add3A_1721 : i32 to index
        %get3A_1723 = arith.constant 16 : index
        %get3A_1724 = tpu.vector_load %arg9[%get3A_1722, %get3A_1723] {strides = array<i32>} : memref<800x64xf32, #tpu.memory_space<vmem>>, vector<16xf32>,
        %add3A_1725 = arith.addf %add3A_1693, %get3A_1724 : vector<16xf32>
        %mul3A_1726 = arith.constant 50 : i32
        %mul3A_1727 = arith.muli %scan3A_1049, %mul3A_1726 : i32
        %add3A_1728 = arith.constant 21 : i32
        %add3A_1729 = arith.addi %mul3A_1727, %add3A_1728 : i32
        %get3A_1730 = arith.index_cast %add3A_1729 : i32 to index
        %get3A_1731 = arith.constant 32 : index
        %get3A_1732 = tpu.vector_load %arg9[%get3A_1730, %get3A_1731] {strides = array<i32>} : memref<800x64xf32, #tpu.memory_space<vmem>>, vector<16xf32>,
        %add3A_1733 = arith.addf %add3A_1701, %get3A_1732 : vector<16xf32>
        %mul3A_1734 = arith.constant 50 : i32
        %mul3A_1735 = arith.muli %scan3A_1049, %mul3A_1734 : i32
        %add3A_1736 = arith.constant 21 : i32
        %add3A_1737 = arith.addi %mul3A_1735, %add3A_1736 : i32
        %get3A_1738 = arith.index_cast %add3A_1737 : i32 to index
        %get3A_1739 = arith.constant 48 : index
        %get3A_1740 = tpu.vector_load %arg9[%get3A_1738, %get3A_1739] {strides = array<i32>} : memref<800x64xf32, #tpu.memory_space<vmem>>, vector<16xf32>,
        %add3A_1741 = arith.addf %add3A_1709, %get3A_1740 : vector<16xf32>
        %mul3A_1742 = arith.constant 50 : i32
        %mul3A_1743 = arith.muli %scan3A_1049, %mul3A_1742 : i32
        %add3A_1744 = arith.constant 22 : i32
        %add3A_1745 = arith.addi %mul3A_1743, %add3A_1744 : i32
        %get3A_1746 = arith.index_cast %add3A_1745 : i32 to index
        %get3A_1747 = arith.constant 0 : index
        %get3A_1748 = tpu.vector_load %arg9[%get3A_1746, %get3A_1747] {strides = array<i32>} : memref<800x64xf32, #tpu.memory_space<vmem>>, vector<16xf32>,
        %add3A_1749 = arith.addf %add3A_1717, %get3A_1748 : vector<16xf32>
        %mul3A_1750 = arith.constant 50 : i32
        %mul3A_1751 = arith.muli %scan3A_1049, %mul3A_1750 : i32
        %add3A_1752 = arith.constant 22 : i32
        %add3A_1753 = arith.addi %mul3A_1751, %add3A_1752 : i32
        %get3A_1754 = arith.index_cast %add3A_1753 : i32 to index
        %get3A_1755 = arith.constant 16 : index
        %get3A_1756 = tpu.vector_load %arg9[%get3A_1754, %get3A_1755] {strides = array<i32>} : memref<800x64xf32, #tpu.memory_space<vmem>>, vector<16xf32>,
        %add3A_1757 = arith.addf %add3A_1725, %get3A_1756 : vector<16xf32>
        %mul3A_1758 = arith.constant 50 : i32
        %mul3A_1759 = arith.muli %scan3A_1049, %mul3A_1758 : i32
        %add3A_1760 = arith.constant 22 : i32
        %add3A_1761 = arith.addi %mul3A_1759, %add3A_1760 : i32
        %get3A_1762 = arith.index_cast %add3A_1761 : i32 to index
        %get3A_1763 = arith.constant 32 : index
        %get3A_1764 = tpu.vector_load %arg9[%get3A_1762, %get3A_1763] {strides = array<i32>} : memref<800x64xf32, #tpu.memory_space<vmem>>, vector<16xf32>,
        %add3A_1765 = arith.addf %add3A_1733, %get3A_1764 : vector<16xf32>
        %mul3A_1766 = arith.constant 50 : i32
        %mul3A_1767 = arith.muli %scan3A_1049, %mul3A_1766 : i32
        %add3A_1768 = arith.constant 22 : i32
        %add3A_1769 = arith.addi %mul3A_1767, %add3A_1768 : i32
        %get3A_1770 = arith.index_cast %add3A_1769 : i32 to index
        %get3A_1771 = arith.constant 48 : index
        %get3A_1772 = tpu.vector_load %arg9[%get3A_1770, %get3A_1771] {strides = array<i32>} : memref<800x64xf32, #tpu.memory_space<vmem>>, vector<16xf32>,
        %add3A_1773 = arith.addf %add3A_1741, %get3A_1772 : vector<16xf32>
        %mul3A_1774 = arith.constant 50 : i32
        %mul3A_1775 = arith.muli %scan3A_1049, %mul3A_1774 : i32
        %add3A_1776 = arith.constant 23 : i32
        %add3A_1777 = arith.addi %mul3A_1775, %add3A_1776 : i32
        %get3A_1778 = arith.index_cast %add3A_1777 : i32 to index
        %get3A_1779 = arith.constant 0 : index
        %get3A_1780 = tpu.vector_load %arg9[%get3A_1778, %get3A_1779] {strides = array<i32>} : memref<800x64xf32, #tpu.memory_space<vmem>>, vector<16xf32>,
        %add3A_1781 = arith.addf %add3A_1749, %get3A_1780 : vector<16xf32>
        %mul3A_1782 = arith.constant 50 : i32
        %mul3A_1783 = arith.muli %scan3A_1049, %mul3A_1782 : i32
        %add3A_1784 = arith.constant 23 : i32
        %add3A_1785 = arith.addi %mul3A_1783, %add3A_1784 : i32
        %get3A_1786 = arith.index_cast %add3A_1785 : i32 to index
        %get3A_1787 = arith.constant 16 : index
        %get3A_1788 = tpu.vector_load %arg9[%get3A_1786, %get3A_1787] {strides = array<i32>} : memref<800x64xf32, #tpu.memory_space<vmem>>, vector<16xf32>,
        %add3A_1789 = arith.addf %add3A_1757, %get3A_1788 : vector<16xf32>
        %mul3A_1790 = arith.constant 50 : i32
        %mul3A_1791 = arith.muli %scan3A_1049, %mul3A_1790 : i32
        %add3A_1792 = arith.constant 23 : i32
        %add3A_1793 = arith.addi %mul3A_1791, %add3A_1792 : i32
        %get3A_1794 = arith.index_cast %add3A_1793 : i32 to index
        %get3A_1795 = arith.constant 32 : index
        %get3A_1796 = tpu.vector_load %arg9[%get3A_1794, %get3A_1795] {strides = array<i32>} : memref<800x64xf32, #tpu.memory_space<vmem>>, vector<16xf32>,
        %add3A_1797 = arith.addf %add3A_1765, %get3A_1796 : vector<16xf32>
        %mul3A_1798 = arith.constant 50 : i32
        %mul3A_1799 = arith.muli %scan3A_1049, %mul3A_1798 : i32
        %add3A_1800 = arith.constant 23 : i32
        %add3A_1801 = arith.addi %mul3A_1799, %add3A_1800 : i32
        %get3A_1802 = arith.index_cast %add3A_1801 : i32 to index
        %get3A_1803 = arith.constant 48 : index
        %get3A_1804 = tpu.vector_load %arg9[%get3A_1802, %get3A_1803] {strides = array<i32>} : memref<800x64xf32, #tpu.memory_space<vmem>>, vector<16xf32>,
        %add3A_1805 = arith.addf %add3A_1773, %get3A_1804 : vector<16xf32>
        %mul3A_1806 = arith.constant 50 : i32
        %mul3A_1807 = arith.muli %scan3A_1049, %mul3A_1806 : i32
        %add3A_1808 = arith.constant 24 : i32
        %add3A_1809 = arith.addi %mul3A_1807, %add3A_1808 : i32
        %get3A_1810 = arith.index_cast %add3A_1809 : i32 to index
        %get3A_1811 = arith.constant 0 : index
        %get3A_1812 = tpu.vector_load %arg9[%get3A_1810, %get3A_1811] {strides = array<i32>} : memref<800x64xf32, #tpu.memory_space<vmem>>, vector<16xf32>,
        %add3A_1813 = arith.addf %add3A_1781, %get3A_1812 : vector<16xf32>
        %mul3A_1814 = arith.constant 50 : i32
        %mul3A_1815 = arith.muli %scan3A_1049, %mul3A_1814 : i32
        %add3A_1816 = arith.constant 24 : i32
        %add3A_1817 = arith.addi %mul3A_1815, %add3A_1816 : i32
        %get3A_1818 = arith.index_cast %add3A_1817 : i32 to index
        %get3A_1819 = arith.constant 16 : index
        %get3A_1820 = tpu.vector_load %arg9[%get3A_1818, %get3A_1819] {strides = array<i32>} : memref<800x64xf32, #tpu.memory_space<vmem>>, vector<16xf32>,
        %add3A_1821 = arith.addf %add3A_1789, %get3A_1820 : vector<16xf32>
        %mul3A_1822 = arith.constant 50 : i32
        %mul3A_1823 = arith.muli %scan3A_1049, %mul3A_1822 : i32
        %add3A_1824 = arith.constant 24 : i32
        %add3A_1825 = arith.addi %mul3A_1823, %add3A_1824 : i32
        %get3A_1826 = arith.index_cast %add3A_1825 : i32 to index
        %get3A_1827 = arith.constant 32 : index
        %get3A_1828 = tpu.vector_load %arg9[%get3A_1826, %get3A_1827] {strides = array<i32>} : memref<800x64xf32, #tpu.memory_space<vmem>>, vector<16xf32>,
        %add3A_1829 = arith.addf %add3A_1797, %get3A_1828 : vector<16xf32>
        %mul3A_1830 = arith.constant 50 : i32
        %mul3A_1831 = arith.muli %scan3A_1049, %mul3A_1830 : i32
        %add3A_1832 = arith.constant 24 : i32
        %add3A_1833 = arith.addi %mul3A_1831, %add3A_1832 : i32
        %get3A_1834 = arith.index_cast %add3A_1833 : i32 to index
        %get3A_1835 = arith.constant 48 : index
        %get3A_1836 = tpu.vector_load %arg9[%get3A_1834, %get3A_1835] {strides = array<i32>} : memref<800x64xf32, #tpu.memory_space<vmem>>, vector<16xf32>,
        %add3A_1837 = arith.addf %add3A_1805, %get3A_1836 : vector<16xf32>
        %mul3A_1838 = arith.constant 50 : i32
        %mul3A_1839 = arith.muli %scan3A_1049, %mul3A_1838 : i32
        %add3A_1840 = arith.constant 25 : i32
        %add3A_1841 = arith.addi %mul3A_1839, %add3A_1840 : i32
        %get3A_1842 = arith.index_cast %add3A_1841 : i32 to index
        %get3A_1843 = arith.constant 0 : index
        %get3A_1844 = tpu.vector_load %arg9[%get3A_1842, %get3A_1843] {strides = array<i32>} : memref<800x64xf32, #tpu.memory_space<vmem>>, vector<16xf32>,
        %add3A_1845 = arith.addf %add3A_1813, %get3A_1844 : vector<16xf32>
        %mul3A_1846 = arith.constant 50 : i32
        %mul3A_1847 = arith.muli %scan3A_1049, %mul3A_1846 : i32
        %add3A_1848 = arith.constant 25 : i32
        %add3A_1849 = arith.addi %mul3A_1847, %add3A_1848 : i32
        %get3A_1850 = arith.index_cast %add3A_1849 : i32 to index
        %get3A_1851 = arith.constant 16 : index
        %get3A_1852 = tpu.vector_load %arg9[%get3A_1850, %get3A_1851] {strides = array<i32>} : memref<800x64xf32, #tpu.memory_space<vmem>>, vector<16xf32>,
        %add3A_1853 = arith.addf %add3A_1821, %get3A_1852 : vector<16xf32>
        %mul3A_1854 = arith.constant 50 : i32
        %mul3A_1855 = arith.muli %scan3A_1049, %mul3A_1854 : i32
        %add3A_1856 = arith.constant 25 : i32
        %add3A_1857 = arith.addi %mul3A_1855, %add3A_1856 : i32
        %get3A_1858 = arith.index_cast %add3A_1857 : i32 to index
        %get3A_1859 = arith.constant 32 : index
        %get3A_1860 = tpu.vector_load %arg9[%get3A_1858, %get3A_1859] {strides = array<i32>} : memref<800x64xf32, #tpu.memory_space<vmem>>, vector<16xf32>,
        %add3A_1861 = arith.addf %add3A_1829, %get3A_1860 : vector<16xf32>
        %mul3A_1862 = arith.constant 50 : i32
        %mul3A_1863 = arith.muli %scan3A_1049, %mul3A_1862 : i32
        %add3A_1864 = arith.constant 25 : i32
        %add3A_1865 = arith.addi %mul3A_1863, %add3A_1864 : i32
        %get3A_1866 = arith.index_cast %add3A_1865 : i32 to index
        %get3A_1867 = arith.constant 48 : index
        %get3A_1868 = tpu.vector_load %arg9[%get3A_1866, %get3A_1867] {strides = array<i32>} : memref<800x64xf32, #tpu.memory_space<vmem>>, vector<16xf32>,
        %add3A_1869 = arith.addf %add3A_1837, %get3A_1868 : vector<16xf32>
        %mul3A_1870 = arith.constant 50 : i32
        %mul3A_1871 = arith.muli %scan3A_1049, %mul3A_1870 : i32
        %add3A_1872 = arith.constant 26 : i32
        %add3A_1873 = arith.addi %mul3A_1871, %add3A_1872 : i32
        %get3A_1874 = arith.index_cast %add3A_1873 : i32 to index
        %get3A_1875 = arith.constant 0 : index
        %get3A_1876 = tpu.vector_load %arg9[%get3A_1874, %get3A_1875] {strides = array<i32>} : memref<800x64xf32, #tpu.memory_space<vmem>>, vector<16xf32>,
        %add3A_1877 = arith.addf %add3A_1845, %get3A_1876 : vector<16xf32>
        %mul3A_1878 = arith.constant 50 : i32
        %mul3A_1879 = arith.muli %scan3A_1049, %mul3A_1878 : i32
        %add3A_1880 = arith.constant 26 : i32
        %add3A_1881 = arith.addi %mul3A_1879, %add3A_1880 : i32
        %get3A_1882 = arith.index_cast %add3A_1881 : i32 to index
        %get3A_1883 = arith.constant 16 : index
        %get3A_1884 = tpu.vector_load %arg9[%get3A_1882, %get3A_1883] {strides = array<i32>} : memref<800x64xf32, #tpu.memory_space<vmem>>, vector<16xf32>,
        %add3A_1885 = arith.addf %add3A_1853, %get3A_1884 : vector<16xf32>
        %mul3A_1886 = arith.constant 50 : i32
        %mul3A_1887 = arith.muli %scan3A_1049, %mul3A_1886 : i32
        %add3A_1888 = arith.constant 26 : i32
        %add3A_1889 = arith.addi %mul3A_1887, %add3A_1888 : i32
        %get3A_1890 = arith.index_cast %add3A_1889 : i32 to index
        %get3A_1891 = arith.constant 32 : index
        %get3A_1892 = tpu.vector_load %arg9[%get3A_1890, %get3A_1891] {strides = array<i32>} : memref<800x64xf32, #tpu.memory_space<vmem>>, vector<16xf32>,
        %add3A_1893 = arith.addf %add3A_1861, %get3A_1892 : vector<16xf32>
        %mul3A_1894 = arith.constant 50 : i32
        %mul3A_1895 = arith.muli %scan3A_1049, %mul3A_1894 : i32
        %add3A_1896 = arith.constant 26 : i32
        %add3A_1897 = arith.addi %mul3A_1895, %add3A_1896 : i32
        %get3A_1898 = arith.index_cast %add3A_1897 : i32 to index
        %get3A_1899 = arith.constant 48 : index
        %get3A_1900 = tpu.vector_load %arg9[%get3A_1898, %get3A_1899] {strides = array<i32>} : memref<800x64xf32, #tpu.memory_space<vmem>>, vector<16xf32>,
        %add3A_1901 = arith.addf %add3A_1869, %get3A_1900 : vector<16xf32>
        %mul3A_1902 = arith.constant 50 : i32
        %mul3A_1903 = arith.muli %scan3A_1049, %mul3A_1902 : i32
        %add3A_1904 = arith.constant 27 : i32
        %add3A_1905 = arith.addi %mul3A_1903, %add3A_1904 : i32
        %get3A_1906 = arith.index_cast %add3A_1905 : i32 to index
        %get3A_1907 = arith.constant 0 : index
        %get3A_1908 = tpu.vector_load %arg9[%get3A_1906, %get3A_1907] {strides = array<i32>} : memref<800x64xf32, #tpu.memory_space<vmem>>, vector<16xf32>,
        %add3A_1909 = arith.addf %add3A_1877, %get3A_1908 : vector<16xf32>
        %mul3A_1910 = arith.constant 50 : i32
        %mul3A_1911 = arith.muli %scan3A_1049, %mul3A_1910 : i32
        %add3A_1912 = arith.constant 27 : i32
        %add3A_1913 = arith.addi %mul3A_1911, %add3A_1912 : i32
        %get3A_1914 = arith.index_cast %add3A_1913 : i32 to index
        %get3A_1915 = arith.constant 16 : index
        %get3A_1916 = tpu.vector_load %arg9[%get3A_1914, %get3A_1915] {strides = array<i32>} : memref<800x64xf32, #tpu.memory_space<vmem>>, vector<16xf32>,
        %add3A_1917 = arith.addf %add3A_1885, %get3A_1916 : vector<16xf32>
        %mul3A_1918 = arith.constant 50 : i32
        %mul3A_1919 = arith.muli %scan3A_1049, %mul3A_1918 : i32
        %add3A_1920 = arith.constant 27 : i32
        %add3A_1921 = arith.addi %mul3A_1919, %add3A_1920 : i32
        %get3A_1922 = arith.index_cast %add3A_1921 : i32 to index
        %get3A_1923 = arith.constant 32 : index
        %get3A_1924 = tpu.vector_load %arg9[%get3A_1922, %get3A_1923] {strides = array<i32>} : memref<800x64xf32, #tpu.memory_space<vmem>>, vector<16xf32>,
        %add3A_1925 = arith.addf %add3A_1893, %get3A_1924 : vector<16xf32>
        %mul3A_1926 = arith.constant 50 : i32
        %mul3A_1927 = arith.muli %scan3A_1049, %mul3A_1926 : i32
        %add3A_1928 = arith.constant 27 : i32
        %add3A_1929 = arith.addi %mul3A_1927, %add3A_1928 : i32
        %get3A_1930 = arith.index_cast %add3A_1929 : i32 to index
        %get3A_1931 = arith.constant 48 : index
        %get3A_1932 = tpu.vector_load %arg9[%get3A_1930, %get3A_1931] {strides = array<i32>} : memref<800x64xf32, #tpu.memory_space<vmem>>, vector<16xf32>,
        %add3A_1933 = arith.addf %add3A_1901, %get3A_1932 : vector<16xf32>
        %mul3A_1934 = arith.constant 50 : i32
        %mul3A_1935 = arith.muli %scan3A_1049, %mul3A_1934 : i32
        %add3A_1936 = arith.constant 28 : i32
        %add3A_1937 = arith.addi %mul3A_1935, %add3A_1936 : i32
        %get3A_1938 = arith.index_cast %add3A_1937 : i32 to index
        %get3A_1939 = arith.constant 0 : index
        %get3A_1940 = tpu.vector_load %arg9[%get3A_1938, %get3A_1939] {strides = array<i32>} : memref<800x64xf32, #tpu.memory_space<vmem>>, vector<16xf32>,
        %add3A_1941 = arith.addf %add3A_1909, %get3A_1940 : vector<16xf32>
        %mul3A_1942 = arith.constant 50 : i32
        %mul3A_1943 = arith.muli %scan3A_1049, %mul3A_1942 : i32
        %add3A_1944 = arith.constant 28 : i32
        %add3A_1945 = arith.addi %mul3A_1943, %add3A_1944 : i32
        %get3A_1946 = arith.index_cast %add3A_1945 : i32 to index
        %get3A_1947 = arith.constant 16 : index
        %get3A_1948 = tpu.vector_load %arg9[%get3A_1946, %get3A_1947] {strides = array<i32>} : memref<800x64xf32, #tpu.memory_space<vmem>>, vector<16xf32>,
        %add3A_1949 = arith.addf %add3A_1917, %get3A_1948 : vector<16xf32>
        %mul3A_1950 = arith.constant 50 : i32
        %mul3A_1951 = arith.muli %scan3A_1049, %mul3A_1950 : i32
        %add3A_1952 = arith.constant 28 : i32
        %add3A_1953 = arith.addi %mul3A_1951, %add3A_1952 : i32
        %get3A_1954 = arith.index_cast %add3A_1953 : i32 to index
        %get3A_1955 = arith.constant 32 : index
        %get3A_1956 = tpu.vector_load %arg9[%get3A_1954, %get3A_1955] {strides = array<i32>} : memref<800x64xf32, #tpu.memory_space<vmem>>, vector<16xf32>,
        %add3A_1957 = arith.addf %add3A_1925, %get3A_1956 : vector<16xf32>
        %mul3A_1958 = arith.constant 50 : i32
        %mul3A_1959 = arith.muli %scan3A_1049, %mul3A_1958 : i32
        %add3A_1960 = arith.constant 28 : i32
        %add3A_1961 = arith.addi %mul3A_1959, %add3A_1960 : i32
        %get3A_1962 = arith.index_cast %add3A_1961 : i32 to index
        %get3A_1963 = arith.constant 48 : index
        %get3A_1964 = tpu.vector_load %arg9[%get3A_1962, %get3A_1963] {strides = array<i32>} : memref<800x64xf32, #tpu.memory_space<vmem>>, vector<16xf32>,
        %add3A_1965 = arith.addf %add3A_1933, %get3A_1964 : vector<16xf32>
        %mul3A_1966 = arith.constant 50 : i32
        %mul3A_1967 = arith.muli %scan3A_1049, %mul3A_1966 : i32
        %add3A_1968 = arith.constant 29 : i32
        %add3A_1969 = arith.addi %mul3A_1967, %add3A_1968 : i32
        %get3A_1970 = arith.index_cast %add3A_1969 : i32 to index
        %get3A_1971 = arith.constant 0 : index
        %get3A_1972 = tpu.vector_load %arg9[%get3A_1970, %get3A_1971] {strides = array<i32>} : memref<800x64xf32, #tpu.memory_space<vmem>>, vector<16xf32>,
        %add3A_1973 = arith.addf %add3A_1941, %get3A_1972 : vector<16xf32>
        %mul3A_1974 = arith.constant 50 : i32
        %mul3A_1975 = arith.muli %scan3A_1049, %mul3A_1974 : i32
        %add3A_1976 = arith.constant 29 : i32
        %add3A_1977 = arith.addi %mul3A_1975, %add3A_1976 : i32
        %get3A_1978 = arith.index_cast %add3A_1977 : i32 to index
        %get3A_1979 = arith.constant 16 : index
        %get3A_1980 = tpu.vector_load %arg9[%get3A_1978, %get3A_1979] {strides = array<i32>} : memref<800x64xf32, #tpu.memory_space<vmem>>, vector<16xf32>,
        %add3A_1981 = arith.addf %add3A_1949, %get3A_1980 : vector<16xf32>
        %mul3A_1982 = arith.constant 50 : i32
        %mul3A_1983 = arith.muli %scan3A_1049, %mul3A_1982 : i32
        %add3A_1984 = arith.constant 29 : i32
        %add3A_1985 = arith.addi %mul3A_1983, %add3A_1984 : i32
        %get3A_1986 = arith.index_cast %add3A_1985 : i32 to index
        %get3A_1987 = arith.constant 32 : index
        %get3A_1988 = tpu.vector_load %arg9[%get3A_1986, %get3A_1987] {strides = array<i32>} : memref<800x64xf32, #tpu.memory_space<vmem>>, vector<16xf32>,
        %add3A_1989 = arith.addf %add3A_1957, %get3A_1988 : vector<16xf32>
        %mul3A_1990 = arith.constant 50 : i32
        %mul3A_1991 = arith.muli %scan3A_1049, %mul3A_1990 : i32
        %add3A_1992 = arith.constant 29 : i32
        %add3A_1993 = arith.addi %mul3A_1991, %add3A_1992 : i32
        %get3A_1994 = arith.index_cast %add3A_1993 : i32 to index
        %get3A_1995 = arith.constant 48 : index
        %get3A_1996 = tpu.vector_load %arg9[%get3A_1994, %get3A_1995] {strides = array<i32>} : memref<800x64xf32, #tpu.memory_space<vmem>>, vector<16xf32>,
        %add3A_1997 = arith.addf %add3A_1965, %get3A_1996 : vector<16xf32>
        %mul3A_1998 = arith.constant 50 : i32
        %mul3A_1999 = arith.muli %scan3A_1049, %mul3A_1998 : i32
        %add3A_2000 = arith.constant 30 : i32
        %add3A_2001 = arith.addi %mul3A_1999, %add3A_2000 : i32
        %get3A_2002 = arith.index_cast %add3A_2001 : i32 to index
        %get3A_2003 = arith.constant 0 : index
        %get3A_2004 = tpu.vector_load %arg9[%get3A_2002, %get3A_2003] {strides = array<i32>} : memref<800x64xf32, #tpu.memory_space<vmem>>, vector<16xf32>,
        %add3A_2005 = arith.addf %add3A_1973, %get3A_2004 : vector<16xf32>
        %mul3A_2006 = arith.constant 50 : i32
        %mul3A_2007 = arith.muli %scan3A_1049, %mul3A_2006 : i32
        %add3A_2008 = arith.constant 30 : i32
        %add3A_2009 = arith.addi %mul3A_2007, %add3A_2008 : i32
        %get3A_2010 = arith.index_cast %add3A_2009 : i32 to index
        %get3A_2011 = arith.constant 16 : index
        %get3A_2012 = tpu.vector_load %arg9[%get3A_2010, %get3A_2011] {strides = array<i32>} : memref<800x64xf32, #tpu.memory_space<vmem>>, vector<16xf32>,
        %add3A_2013 = arith.addf %add3A_1981, %get3A_2012 : vector<16xf32>
        %mul3A_2014 = arith.constant 50 : i32
        %mul3A_2015 = arith.muli %scan3A_1049, %mul3A_2014 : i32
        %add3A_2016 = arith.constant 30 : i32
        %add3A_2017 = arith.addi %mul3A_2015, %add3A_2016 : i32
        %get3A_2018 = arith.index_cast %add3A_2017 : i32 to index
        %get3A_2019 = arith.constant 32 : index
        %get3A_2020 = tpu.vector_load %arg9[%get3A_2018, %get3A_2019] {strides = array<i32>} : memref<800x64xf32, #tpu.memory_space<vmem>>, vector<16xf32>,
        %add3A_2021 = arith.addf %add3A_1989, %get3A_2020 : vector<16xf32>
        %mul3A_2022 = arith.constant 50 : i32
        %mul3A_2023 = arith.muli %scan3A_1049, %mul3A_2022 : i32
        %add3A_2024 = arith.constant 30 : i32
        %add3A_2025 = arith.addi %mul3A_2023, %add3A_2024 : i32
        %get3A_2026 = arith.index_cast %add3A_2025 : i32 to index
        %get3A_2027 = arith.constant 48 : index
        %get3A_2028 = tpu.vector_load %arg9[%get3A_2026, %get3A_2027] {strides = array<i32>} : memref<800x64xf32, #tpu.memory_space<vmem>>, vector<16xf32>,
        %add3A_2029 = arith.addf %add3A_1997, %get3A_2028 : vector<16xf32>
        %mul3A_2030 = arith.constant 50 : i32
        %mul3A_2031 = arith.muli %scan3A_1049, %mul3A_2030 : i32
        %add3A_2032 = arith.constant 31 : i32
        %add3A_2033 = arith.addi %mul3A_2031, %add3A_2032 : i32
        %get3A_2034 = arith.index_cast %add3A_2033 : i32 to index
        %get3A_2035 = arith.constant 0 : index
        %get3A_2036 = tpu.vector_load %arg9[%get3A_2034, %get3A_2035] {strides = array<i32>} : memref<800x64xf32, #tpu.memory_space<vmem>>, vector<16xf32>,
        %add3A_2037 = arith.addf %add3A_2005, %get3A_2036 : vector<16xf32>
        %mul3A_2038 = arith.constant 50 : i32
        %mul3A_2039 = arith.muli %scan3A_1049, %mul3A_2038 : i32
        %add3A_2040 = arith.constant 31 : i32
        %add3A_2041 = arith.addi %mul3A_2039, %add3A_2040 : i32
        %get3A_2042 = arith.index_cast %add3A_2041 : i32 to index
        %get3A_2043 = arith.constant 16 : index
        %get3A_2044 = tpu.vector_load %arg9[%get3A_2042, %get3A_2043] {strides = array<i32>} : memref<800x64xf32, #tpu.memory_space<vmem>>, vector<16xf32>,
        %add3A_2045 = arith.addf %add3A_2013, %get3A_2044 : vector<16xf32>
        %mul3A_2046 = arith.constant 50 : i32
        %mul3A_2047 = arith.muli %scan3A_1049, %mul3A_2046 : i32
        %add3A_2048 = arith.constant 31 : i32
        %add3A_2049 = arith.addi %mul3A_2047, %add3A_2048 : i32
        %get3A_2050 = arith.index_cast %add3A_2049 : i32 to index
        %get3A_2051 = arith.constant 32 : index
        %get3A_2052 = tpu.vector_load %arg9[%get3A_2050, %get3A_2051] {strides = array<i32>} : memref<800x64xf32, #tpu.memory_space<vmem>>, vector<16xf32>,
        %add3A_2053 = arith.addf %add3A_2021, %get3A_2052 : vector<16xf32>
        %mul3A_2054 = arith.constant 50 : i32
        %mul3A_2055 = arith.muli %scan3A_1049, %mul3A_2054 : i32
        %add3A_2056 = arith.constant 31 : i32
        %add3A_2057 = arith.addi %mul3A_2055, %add3A_2056 : i32
        %get3A_2058 = arith.index_cast %add3A_2057 : i32 to index
        %get3A_2059 = arith.constant 48 : index
        %get3A_2060 = tpu.vector_load %arg9[%get3A_2058, %get3A_2059] {strides = array<i32>} : memref<800x64xf32, #tpu.memory_space<vmem>>, vector<16xf32>,
        %add3A_2061 = arith.addf %add3A_2029, %get3A_2060 : vector<16xf32>
        %mul3A_2062 = arith.constant 50 : i32
        %mul3A_2063 = arith.muli %scan3A_1049, %mul3A_2062 : i32
        %add3A_2064 = arith.constant 32 : i32
        %add3A_2065 = arith.addi %mul3A_2063, %add3A_2064 : i32
        %get3A_2066 = arith.index_cast %add3A_2065 : i32 to index
        %get3A_2067 = arith.constant 0 : index
        %get3A_2068 = tpu.vector_load %arg9[%get3A_2066, %get3A_2067] {strides = array<i32>} : memref<800x64xf32, #tpu.memory_space<vmem>>, vector<16xf32>,
        %add3A_2069 = arith.addf %add3A_2037, %get3A_2068 : vector<16xf32>
        %mul3A_2070 = arith.constant 50 : i32
        %mul3A_2071 = arith.muli %scan3A_1049, %mul3A_2070 : i32
        %add3A_2072 = arith.constant 32 : i32
        %add3A_2073 = arith.addi %mul3A_2071, %add3A_2072 : i32
        %get3A_2074 = arith.index_cast %add3A_2073 : i32 to index
        %get3A_2075 = arith.constant 16 : index
        %get3A_2076 = tpu.vector_load %arg9[%get3A_2074, %get3A_2075] {strides = array<i32>} : memref<800x64xf32, #tpu.memory_space<vmem>>, vector<16xf32>,
        %add3A_2077 = arith.addf %add3A_2045, %get3A_2076 : vector<16xf32>
        %mul3A_2078 = arith.constant 50 : i32
        %mul3A_2079 = arith.muli %scan3A_1049, %mul3A_2078 : i32
        %add3A_2080 = arith.constant 32 : i32
        %add3A_2081 = arith.addi %mul3A_2079, %add3A_2080 : i32
        %get3A_2082 = arith.index_cast %add3A_2081 : i32 to index
        %get3A_2083 = arith.constant 32 : index
        %get3A_2084 = tpu.vector_load %arg9[%get3A_2082, %get3A_2083] {strides = array<i32>} : memref<800x64xf32, #tpu.memory_space<vmem>>, vector<16xf32>,
        %add3A_2085 = arith.addf %add3A_2053, %get3A_2084 : vector<16xf32>
        %mul3A_2086 = arith.constant 50 : i32
        %mul3A_2087 = arith.muli %scan3A_1049, %mul3A_2086 : i32
        %add3A_2088 = arith.constant 32 : i32
        %add3A_2089 = arith.addi %mul3A_2087, %add3A_2088 : i32
        %get3A_2090 = arith.index_cast %add3A_2089 : i32 to index
        %get3A_2091 = arith.constant 48 : index
        %get3A_2092 = tpu.vector_load %arg9[%get3A_2090, %get3A_2091] {strides = array<i32>} : memref<800x64xf32, #tpu.memory_space<vmem>>, vector<16xf32>,
        %add3A_2093 = arith.addf %add3A_2061, %get3A_2092 : vector<16xf32>
        %mul3A_2094 = arith.constant 50 : i32
        %mul3A_2095 = arith.muli %scan3A_1049, %mul3A_2094 : i32
        %add3A_2096 = arith.constant 33 : i32
        %add3A_2097 = arith.addi %mul3A_2095, %add3A_2096 : i32
        %get3A_2098 = arith.index_cast %add3A_2097 : i32 to index
        %get3A_2099 = arith.constant 0 : index
        %get3A_2100 = tpu.vector_load %arg9[%get3A_2098, %get3A_2099] {strides = array<i32>} : memref<800x64xf32, #tpu.memory_space<vmem>>, vector<16xf32>,
        %add3A_2101 = arith.addf %add3A_2069, %get3A_2100 : vector<16xf32>
        %mul3A_2102 = arith.constant 50 : i32
        %mul3A_2103 = arith.muli %scan3A_1049, %mul3A_2102 : i32
        %add3A_2104 = arith.constant 33 : i32
        %add3A_2105 = arith.addi %mul3A_2103, %add3A_2104 : i32
        %get3A_2106 = arith.index_cast %add3A_2105 : i32 to index
        %get3A_2107 = arith.constant 16 : index
        %get3A_2108 = tpu.vector_load %arg9[%get3A_2106, %get3A_2107] {strides = array<i32>} : memref<800x64xf32, #tpu.memory_space<vmem>>, vector<16xf32>,
        %add3A_2109 = arith.addf %add3A_2077, %get3A_2108 : vector<16xf32>
        %mul3A_2110 = arith.constant 50 : i32
        %mul3A_2111 = arith.muli %scan3A_1049, %mul3A_2110 : i32
        %add3A_2112 = arith.constant 33 : i32
        %add3A_2113 = arith.addi %mul3A_2111, %add3A_2112 : i32
        %get3A_2114 = arith.index_cast %add3A_2113 : i32 to index
        %get3A_2115 = arith.constant 32 : index
        %get3A_2116 = tpu.vector_load %arg9[%get3A_2114, %get3A_2115] {strides = array<i32>} : memref<800x64xf32, #tpu.memory_space<vmem>>, vector<16xf32>,
        %add3A_2117 = arith.addf %add3A_2085, %get3A_2116 : vector<16xf32>
        %mul3A_2118 = arith.constant 50 : i32
        %mul3A_2119 = arith.muli %scan3A_1049, %mul3A_2118 : i32
        %add3A_2120 = arith.constant 33 : i32
        %add3A_2121 = arith.addi %mul3A_2119, %add3A_2120 : i32
        %get3A_2122 = arith.index_cast %add3A_2121 : i32 to index
        %get3A_2123 = arith.constant 48 : index
        %get3A_2124 = tpu.vector_load %arg9[%get3A_2122, %get3A_2123] {strides = array<i32>} : memref<800x64xf32, #tpu.memory_space<vmem>>, vector<16xf32>,
        %add3A_2125 = arith.addf %add3A_2093, %get3A_2124 : vector<16xf32>
        %mul3A_2126 = arith.constant 50 : i32
        %mul3A_2127 = arith.muli %scan3A_1049, %mul3A_2126 : i32
        %add3A_2128 = arith.constant 34 : i32
        %add3A_2129 = arith.addi %mul3A_2127, %add3A_2128 : i32
        %get3A_2130 = arith.index_cast %add3A_2129 : i32 to index
        %get3A_2131 = arith.constant 0 : index
        %get3A_2132 = tpu.vector_load %arg9[%get3A_2130, %get3A_2131] {strides = array<i32>} : memref<800x64xf32, #tpu.memory_space<vmem>>, vector<16xf32>,
        %add3A_2133 = arith.addf %add3A_2101, %get3A_2132 : vector<16xf32>
        %mul3A_2134 = arith.constant 50 : i32
        %mul3A_2135 = arith.muli %scan3A_1049, %mul3A_2134 : i32
        %add3A_2136 = arith.constant 34 : i32
        %add3A_2137 = arith.addi %mul3A_2135, %add3A_2136 : i32
        %get3A_2138 = arith.index_cast %add3A_2137 : i32 to index
        %get3A_2139 = arith.constant 16 : index
        %get3A_2140 = tpu.vector_load %arg9[%get3A_2138, %get3A_2139] {strides = array<i32>} : memref<800x64xf32, #tpu.memory_space<vmem>>, vector<16xf32>,
        %add3A_2141 = arith.addf %add3A_2109, %get3A_2140 : vector<16xf32>
        %mul3A_2142 = arith.constant 50 : i32
        %mul3A_2143 = arith.muli %scan3A_1049, %mul3A_2142 : i32
        %add3A_2144 = arith.constant 34 : i32
        %add3A_2145 = arith.addi %mul3A_2143, %add3A_2144 : i32
        %get3A_2146 = arith.index_cast %add3A_2145 : i32 to index
        %get3A_2147 = arith.constant 32 : index
        %get3A_2148 = tpu.vector_load %arg9[%get3A_2146, %get3A_2147] {strides = array<i32>} : memref<800x64xf32, #tpu.memory_space<vmem>>, vector<16xf32>,
        %add3A_2149 = arith.addf %add3A_2117, %get3A_2148 : vector<16xf32>
        %mul3A_2150 = arith.constant 50 : i32
        %mul3A_2151 = arith.muli %scan3A_1049, %mul3A_2150 : i32
        %add3A_2152 = arith.constant 34 : i32
        %add3A_2153 = arith.addi %mul3A_2151, %add3A_2152 : i32
        %get3A_2154 = arith.index_cast %add3A_2153 : i32 to index
        %get3A_2155 = arith.constant 48 : index
        %get3A_2156 = tpu.vector_load %arg9[%get3A_2154, %get3A_2155] {strides = array<i32>} : memref<800x64xf32, #tpu.memory_space<vmem>>, vector<16xf32>,
        %add3A_2157 = arith.addf %add3A_2125, %get3A_2156 : vector<16xf32>
        %mul3A_2158 = arith.constant 50 : i32
        %mul3A_2159 = arith.muli %scan3A_1049, %mul3A_2158 : i32
        %add3A_2160 = arith.constant 35 : i32
        %add3A_2161 = arith.addi %mul3A_2159, %add3A_2160 : i32
        %get3A_2162 = arith.index_cast %add3A_2161 : i32 to index
        %get3A_2163 = arith.constant 0 : index
        %get3A_2164 = tpu.vector_load %arg9[%get3A_2162, %get3A_2163] {strides = array<i32>} : memref<800x64xf32, #tpu.memory_space<vmem>>, vector<16xf32>,
        %add3A_2165 = arith.addf %add3A_2133, %get3A_2164 : vector<16xf32>
        %mul3A_2166 = arith.constant 50 : i32
        %mul3A_2167 = arith.muli %scan3A_1049, %mul3A_2166 : i32
        %add3A_2168 = arith.constant 35 : i32
        %add3A_2169 = arith.addi %mul3A_2167, %add3A_2168 : i32
        %get3A_2170 = arith.index_cast %add3A_2169 : i32 to index
        %get3A_2171 = arith.constant 16 : index
        %get3A_2172 = tpu.vector_load %arg9[%get3A_2170, %get3A_2171] {strides = array<i32>} : memref<800x64xf32, #tpu.memory_space<vmem>>, vector<16xf32>,
        %add3A_2173 = arith.addf %add3A_2141, %get3A_2172 : vector<16xf32>
        %mul3A_2174 = arith.constant 50 : i32
        %mul3A_2175 = arith.muli %scan3A_1049, %mul3A_2174 : i32
        %add3A_2176 = arith.constant 35 : i32
        %add3A_2177 = arith.addi %mul3A_2175, %add3A_2176 : i32
        %get3A_2178 = arith.index_cast %add3A_2177 : i32 to index
        %get3A_2179 = arith.constant 32 : index
        %get3A_2180 = tpu.vector_load %arg9[%get3A_2178, %get3A_2179] {strides = array<i32>} : memref<800x64xf32, #tpu.memory_space<vmem>>, vector<16xf32>,
        %add3A_2181 = arith.addf %add3A_2149, %get3A_2180 : vector<16xf32>
        %mul3A_2182 = arith.constant 50 : i32
        %mul3A_2183 = arith.muli %scan3A_1049, %mul3A_2182 : i32
        %add3A_2184 = arith.constant 35 : i32
        %add3A_2185 = arith.addi %mul3A_2183, %add3A_2184 : i32
        %get3A_2186 = arith.index_cast %add3A_2185 : i32 to index
        %get3A_2187 = arith.constant 48 : index
        %get3A_2188 = tpu.vector_load %arg9[%get3A_2186, %get3A_2187] {strides = array<i32>} : memref<800x64xf32, #tpu.memory_space<vmem>>, vector<16xf32>,
        %add3A_2189 = arith.addf %add3A_2157, %get3A_2188 : vector<16xf32>
        %mul3A_2190 = arith.constant 50 : i32
        %mul3A_2191 = arith.muli %scan3A_1049, %mul3A_2190 : i32
        %add3A_2192 = arith.constant 36 : i32
        %add3A_2193 = arith.addi %mul3A_2191, %add3A_2192 : i32
        %get3A_2194 = arith.index_cast %add3A_2193 : i32 to index
        %get3A_2195 = arith.constant 0 : index
        %get3A_2196 = tpu.vector_load %arg9[%get3A_2194, %get3A_2195] {strides = array<i32>} : memref<800x64xf32, #tpu.memory_space<vmem>>, vector<16xf32>,
        %add3A_2197 = arith.addf %add3A_2165, %get3A_2196 : vector<16xf32>
        %mul3A_2198 = arith.constant 50 : i32
        %mul3A_2199 = arith.muli %scan3A_1049, %mul3A_2198 : i32
        %add3A_2200 = arith.constant 36 : i32
        %add3A_2201 = arith.addi %mul3A_2199, %add3A_2200 : i32
        %get3A_2202 = arith.index_cast %add3A_2201 : i32 to index
        %get3A_2203 = arith.constant 16 : index
        %get3A_2204 = tpu.vector_load %arg9[%get3A_2202, %get3A_2203] {strides = array<i32>} : memref<800x64xf32, #tpu.memory_space<vmem>>, vector<16xf32>,
        %add3A_2205 = arith.addf %add3A_2173, %get3A_2204 : vector<16xf32>
        %mul3A_2206 = arith.constant 50 : i32
        %mul3A_2207 = arith.muli %scan3A_1049, %mul3A_2206 : i32
        %add3A_2208 = arith.constant 36 : i32
        %add3A_2209 = arith.addi %mul3A_2207, %add3A_2208 : i32
        %get3A_2210 = arith.index_cast %add3A_2209 : i32 to index
        %get3A_2211 = arith.constant 32 : index
        %get3A_2212 = tpu.vector_load %arg9[%get3A_2210, %get3A_2211] {strides = array<i32>} : memref<800x64xf32, #tpu.memory_space<vmem>>, vector<16xf32>,
        %add3A_2213 = arith.addf %add3A_2181, %get3A_2212 : vector<16xf32>
        %mul3A_2214 = arith.constant 50 : i32
        %mul3A_2215 = arith.muli %scan3A_1049, %mul3A_2214 : i32
        %add3A_2216 = arith.constant 36 : i32
        %add3A_2217 = arith.addi %mul3A_2215, %add3A_2216 : i32
        %get3A_2218 = arith.index_cast %add3A_2217 : i32 to index
        %get3A_2219 = arith.constant 48 : index
        %get3A_2220 = tpu.vector_load %arg9[%get3A_2218, %get3A_2219] {strides = array<i32>} : memref<800x64xf32, #tpu.memory_space<vmem>>, vector<16xf32>,
        %add3A_2221 = arith.addf %add3A_2189, %get3A_2220 : vector<16xf32>
        %mul3A_2222 = arith.constant 50 : i32
        %mul3A_2223 = arith.muli %scan3A_1049, %mul3A_2222 : i32
        %add3A_2224 = arith.constant 37 : i32
        %add3A_2225 = arith.addi %mul3A_2223, %add3A_2224 : i32
        %get3A_2226 = arith.index_cast %add3A_2225 : i32 to index
        %get3A_2227 = arith.constant 0 : index
        %get3A_2228 = tpu.vector_load %arg9[%get3A_2226, %get3A_2227] {strides = array<i32>} : memref<800x64xf32, #tpu.memory_space<vmem>>, vector<16xf32>,
        %add3A_2229 = arith.addf %add3A_2197, %get3A_2228 : vector<16xf32>
        %mul3A_2230 = arith.constant 50 : i32
        %mul3A_2231 = arith.muli %scan3A_1049, %mul3A_2230 : i32
        %add3A_2232 = arith.constant 37 : i32
        %add3A_2233 = arith.addi %mul3A_2231, %add3A_2232 : i32
        %get3A_2234 = arith.index_cast %add3A_2233 : i32 to index
        %get3A_2235 = arith.constant 16 : index
        %get3A_2236 = tpu.vector_load %arg9[%get3A_2234, %get3A_2235] {strides = array<i32>} : memref<800x64xf32, #tpu.memory_space<vmem>>, vector<16xf32>,
        %add3A_2237 = arith.addf %add3A_2205, %get3A_2236 : vector<16xf32>
        %mul3A_2238 = arith.constant 50 : i32
        %mul3A_2239 = arith.muli %scan3A_1049, %mul3A_2238 : i32
        %add3A_2240 = arith.constant 37 : i32
        %add3A_2241 = arith.addi %mul3A_2239, %add3A_2240 : i32
        %get3A_2242 = arith.index_cast %add3A_2241 : i32 to index
        %get3A_2243 = arith.constant 32 : index
        %get3A_2244 = tpu.vector_load %arg9[%get3A_2242, %get3A_2243] {strides = array<i32>} : memref<800x64xf32, #tpu.memory_space<vmem>>, vector<16xf32>,
        %add3A_2245 = arith.addf %add3A_2213, %get3A_2244 : vector<16xf32>
        %mul3A_2246 = arith.constant 50 : i32
        %mul3A_2247 = arith.muli %scan3A_1049, %mul3A_2246 : i32
        %add3A_2248 = arith.constant 37 : i32
        %add3A_2249 = arith.addi %mul3A_2247, %add3A_2248 : i32
        %get3A_2250 = arith.index_cast %add3A_2249 : i32 to index
        %get3A_2251 = arith.constant 48 : index
        %get3A_2252 = tpu.vector_load %arg9[%get3A_2250, %get3A_2251] {strides = array<i32>} : memref<800x64xf32, #tpu.memory_space<vmem>>, vector<16xf32>,
        %add3A_2253 = arith.addf %add3A_2221, %get3A_2252 : vector<16xf32>
        %mul3A_2254 = arith.constant 50 : i32
        %mul3A_2255 = arith.muli %scan3A_1049, %mul3A_2254 : i32
        %add3A_2256 = arith.constant 38 : i32
        %add3A_2257 = arith.addi %mul3A_2255, %add3A_2256 : i32
        %get3A_2258 = arith.index_cast %add3A_2257 : i32 to index
        %get3A_2259 = arith.constant 0 : index
        %get3A_2260 = tpu.vector_load %arg9[%get3A_2258, %get3A_2259] {strides = array<i32>} : memref<800x64xf32, #tpu.memory_space<vmem>>, vector<16xf32>,
        %add3A_2261 = arith.addf %add3A_2229, %get3A_2260 : vector<16xf32>
        %mul3A_2262 = arith.constant 50 : i32
        %mul3A_2263 = arith.muli %scan3A_1049, %mul3A_2262 : i32
        %add3A_2264 = arith.constant 38 : i32
        %add3A_2265 = arith.addi %mul3A_2263, %add3A_2264 : i32
        %get3A_2266 = arith.index_cast %add3A_2265 : i32 to index
        %get3A_2267 = arith.constant 16 : index
        %get3A_2268 = tpu.vector_load %arg9[%get3A_2266, %get3A_2267] {strides = array<i32>} : memref<800x64xf32, #tpu.memory_space<vmem>>, vector<16xf32>,
        %add3A_2269 = arith.addf %add3A_2237, %get3A_2268 : vector<16xf32>
        %mul3A_2270 = arith.constant 50 : i32
        %mul3A_2271 = arith.muli %scan3A_1049, %mul3A_2270 : i32
        %add3A_2272 = arith.constant 38 : i32
        %add3A_2273 = arith.addi %mul3A_2271, %add3A_2272 : i32
        %get3A_2274 = arith.index_cast %add3A_2273 : i32 to index
        %get3A_2275 = arith.constant 32 : index
        %get3A_2276 = tpu.vector_load %arg9[%get3A_2274, %get3A_2275] {strides = array<i32>} : memref<800x64xf32, #tpu.memory_space<vmem>>, vector<16xf32>,
        %add3A_2277 = arith.addf %add3A_2245, %get3A_2276 : vector<16xf32>
        %mul3A_2278 = arith.constant 50 : i32
        %mul3A_2279 = arith.muli %scan3A_1049, %mul3A_2278 : i32
        %add3A_2280 = arith.constant 38 : i32
        %add3A_2281 = arith.addi %mul3A_2279, %add3A_2280 : i32
        %get3A_2282 = arith.index_cast %add3A_2281 : i32 to index
        %get3A_2283 = arith.constant 48 : index
        %get3A_2284 = tpu.vector_load %arg9[%get3A_2282, %get3A_2283] {strides = array<i32>} : memref<800x64xf32, #tpu.memory_space<vmem>>, vector<16xf32>,
        %add3A_2285 = arith.addf %add3A_2253, %get3A_2284 : vector<16xf32>
        %mul3A_2286 = arith.constant 50 : i32
        %mul3A_2287 = arith.muli %scan3A_1049, %mul3A_2286 : i32
        %add3A_2288 = arith.constant 39 : i32
        %add3A_2289 = arith.addi %mul3A_2287, %add3A_2288 : i32
        %get3A_2290 = arith.index_cast %add3A_2289 : i32 to index
        %get3A_2291 = arith.constant 0 : index
        %get3A_2292 = tpu.vector_load %arg9[%get3A_2290, %get3A_2291] {strides = array<i32>} : memref<800x64xf32, #tpu.memory_space<vmem>>, vector<16xf32>,
        %add3A_2293 = arith.addf %add3A_2261, %get3A_2292 : vector<16xf32>
        %mul3A_2294 = arith.constant 50 : i32
        %mul3A_2295 = arith.muli %scan3A_1049, %mul3A_2294 : i32
        %add3A_2296 = arith.constant 39 : i32
        %add3A_2297 = arith.addi %mul3A_2295, %add3A_2296 : i32
        %get3A_2298 = arith.index_cast %add3A_2297 : i32 to index
        %get3A_2299 = arith.constant 16 : index
        %get3A_2300 = tpu.vector_load %arg9[%get3A_2298, %get3A_2299] {strides = array<i32>} : memref<800x64xf32, #tpu.memory_space<vmem>>, vector<16xf32>,
        %add3A_2301 = arith.addf %add3A_2269, %get3A_2300 : vector<16xf32>
        %mul3A_2302 = arith.constant 50 : i32
        %mul3A_2303 = arith.muli %scan3A_1049, %mul3A_2302 : i32
        %add3A_2304 = arith.constant 39 : i32
        %add3A_2305 = arith.addi %mul3A_2303, %add3A_2304 : i32
        %get3A_2306 = arith.index_cast %add3A_2305 : i32 to index
        %get3A_2307 = arith.constant 32 : index
        %get3A_2308 = tpu.vector_load %arg9[%get3A_2306, %get3A_2307] {strides = array<i32>} : memref<800x64xf32, #tpu.memory_space<vmem>>, vector<16xf32>,
        %add3A_2309 = arith.addf %add3A_2277, %get3A_2308 : vector<16xf32>
        %mul3A_2310 = arith.constant 50 : i32
        %mul3A_2311 = arith.muli %scan3A_1049, %mul3A_2310 : i32
        %add3A_2312 = arith.constant 39 : i32
        %add3A_2313 = arith.addi %mul3A_2311, %add3A_2312 : i32
        %get3A_2314 = arith.index_cast %add3A_2313 : i32 to index
        %get3A_2315 = arith.constant 48 : index
        %get3A_2316 = tpu.vector_load %arg9[%get3A_2314, %get3A_2315] {strides = array<i32>} : memref<800x64xf32, #tpu.memory_space<vmem>>, vector<16xf32>,
        %add3A_2317 = arith.addf %add3A_2285, %get3A_2316 : vector<16xf32>
        %mul3A_2318 = arith.constant 50 : i32
        %mul3A_2319 = arith.muli %scan3A_1049, %mul3A_2318 : i32
        %add3A_2320 = arith.constant 40 : i32
        %add3A_2321 = arith.addi %mul3A_2319, %add3A_2320 : i32
        %get3A_2322 = arith.index_cast %add3A_2321 : i32 to index
        %get3A_2323 = arith.constant 0 : index
        %get3A_2324 = tpu.vector_load %arg9[%get3A_2322, %get3A_2323] {strides = array<i32>} : memref<800x64xf32, #tpu.memory_space<vmem>>, vector<16xf32>,
        %add3A_2325 = arith.addf %add3A_2293, %get3A_2324 : vector<16xf32>
        %mul3A_2326 = arith.constant 50 : i32
        %mul3A_2327 = arith.muli %scan3A_1049, %mul3A_2326 : i32
        %add3A_2328 = arith.constant 40 : i32
        %add3A_2329 = arith.addi %mul3A_2327, %add3A_2328 : i32
        %get3A_2330 = arith.index_cast %add3A_2329 : i32 to index
        %get3A_2331 = arith.constant 16 : index
        %get3A_2332 = tpu.vector_load %arg9[%get3A_2330, %get3A_2331] {strides = array<i32>} : memref<800x64xf32, #tpu.memory_space<vmem>>, vector<16xf32>,
        %add3A_2333 = arith.addf %add3A_2301, %get3A_2332 : vector<16xf32>
        %mul3A_2334 = arith.constant 50 : i32
        %mul3A_2335 = arith.muli %scan3A_1049, %mul3A_2334 : i32
        %add3A_2336 = arith.constant 40 : i32
        %add3A_2337 = arith.addi %mul3A_2335, %add3A_2336 : i32
        %get3A_2338 = arith.index_cast %add3A_2337 : i32 to index
        %get3A_2339 = arith.constant 32 : index
        %get3A_2340 = tpu.vector_load %arg9[%get3A_2338, %get3A_2339] {strides = array<i32>} : memref<800x64xf32, #tpu.memory_space<vmem>>, vector<16xf32>,
        %add3A_2341 = arith.addf %add3A_2309, %get3A_2340 : vector<16xf32>
        %mul3A_2342 = arith.constant 50 : i32
        %mul3A_2343 = arith.muli %scan3A_1049, %mul3A_2342 : i32
        %add3A_2344 = arith.constant 40 : i32
        %add3A_2345 = arith.addi %mul3A_2343, %add3A_2344 : i32
        %get3A_2346 = arith.index_cast %add3A_2345 : i32 to index
        %get3A_2347 = arith.constant 48 : index
        %get3A_2348 = tpu.vector_load %arg9[%get3A_2346, %get3A_2347] {strides = array<i32>} : memref<800x64xf32, #tpu.memory_space<vmem>>, vector<16xf32>,
        %add3A_2349 = arith.addf %add3A_2317, %get3A_2348 : vector<16xf32>
        %mul3A_2350 = arith.constant 50 : i32
        %mul3A_2351 = arith.muli %scan3A_1049, %mul3A_2350 : i32
        %add3A_2352 = arith.constant 41 : i32
        %add3A_2353 = arith.addi %mul3A_2351, %add3A_2352 : i32
        %get3A_2354 = arith.index_cast %add3A_2353 : i32 to index
        %get3A_2355 = arith.constant 0 : index
        %get3A_2356 = tpu.vector_load %arg9[%get3A_2354, %get3A_2355] {strides = array<i32>} : memref<800x64xf32, #tpu.memory_space<vmem>>, vector<16xf32>,
        %add3A_2357 = arith.addf %add3A_2325, %get3A_2356 : vector<16xf32>
        %mul3A_2358 = arith.constant 50 : i32
        %mul3A_2359 = arith.muli %scan3A_1049, %mul3A_2358 : i32
        %add3A_2360 = arith.constant 41 : i32
        %add3A_2361 = arith.addi %mul3A_2359, %add3A_2360 : i32
        %get3A_2362 = arith.index_cast %add3A_2361 : i32 to index
        %get3A_2363 = arith.constant 16 : index
        %get3A_2364 = tpu.vector_load %arg9[%get3A_2362, %get3A_2363] {strides = array<i32>} : memref<800x64xf32, #tpu.memory_space<vmem>>, vector<16xf32>,
        %add3A_2365 = arith.addf %add3A_2333, %get3A_2364 : vector<16xf32>
        %mul3A_2366 = arith.constant 50 : i32
        %mul3A_2367 = arith.muli %scan3A_1049, %mul3A_2366 : i32
        %add3A_2368 = arith.constant 41 : i32
        %add3A_2369 = arith.addi %mul3A_2367, %add3A_2368 : i32
        %get3A_2370 = arith.index_cast %add3A_2369 : i32 to index
        %get3A_2371 = arith.constant 32 : index
        %get3A_2372 = tpu.vector_load %arg9[%get3A_2370, %get3A_2371] {strides = array<i32>} : memref<800x64xf32, #tpu.memory_space<vmem>>, vector<16xf32>,
        %add3A_2373 = arith.addf %add3A_2341, %get3A_2372 : vector<16xf32>
        %mul3A_2374 = arith.constant 50 : i32
        %mul3A_2375 = arith.muli %scan3A_1049, %mul3A_2374 : i32
        %add3A_2376 = arith.constant 41 : i32
        %add3A_2377 = arith.addi %mul3A_2375, %add3A_2376 : i32
        %get3A_2378 = arith.index_cast %add3A_2377 : i32 to index
        %get3A_2379 = arith.constant 48 : index
        %get3A_2380 = tpu.vector_load %arg9[%get3A_2378, %get3A_2379] {strides = array<i32>} : memref<800x64xf32, #tpu.memory_space<vmem>>, vector<16xf32>,
        %add3A_2381 = arith.addf %add3A_2349, %get3A_2380 : vector<16xf32>
        %mul3A_2382 = arith.constant 50 : i32
        %mul3A_2383 = arith.muli %scan3A_1049, %mul3A_2382 : i32
        %add3A_2384 = arith.constant 42 : i32
        %add3A_2385 = arith.addi %mul3A_2383, %add3A_2384 : i32
        %get3A_2386 = arith.index_cast %add3A_2385 : i32 to index
        %get3A_2387 = arith.constant 0 : index
        %get3A_2388 = tpu.vector_load %arg9[%get3A_2386, %get3A_2387] {strides = array<i32>} : memref<800x64xf32, #tpu.memory_space<vmem>>, vector<16xf32>,
        %add3A_2389 = arith.addf %add3A_2357, %get3A_2388 : vector<16xf32>
        %mul3A_2390 = arith.constant 50 : i32
        %mul3A_2391 = arith.muli %scan3A_1049, %mul3A_2390 : i32
        %add3A_2392 = arith.constant 42 : i32
        %add3A_2393 = arith.addi %mul3A_2391, %add3A_2392 : i32
        %get3A_2394 = arith.index_cast %add3A_2393 : i32 to index
        %get3A_2395 = arith.constant 16 : index
        %get3A_2396 = tpu.vector_load %arg9[%get3A_2394, %get3A_2395] {strides = array<i32>} : memref<800x64xf32, #tpu.memory_space<vmem>>, vector<16xf32>,
        %add3A_2397 = arith.addf %add3A_2365, %get3A_2396 : vector<16xf32>
        %mul3A_2398 = arith.constant 50 : i32
        %mul3A_2399 = arith.muli %scan3A_1049, %mul3A_2398 : i32
        %add3A_2400 = arith.constant 42 : i32
        %add3A_2401 = arith.addi %mul3A_2399, %add3A_2400 : i32
        %get3A_2402 = arith.index_cast %add3A_2401 : i32 to index
        %get3A_2403 = arith.constant 32 : index
        %get3A_2404 = tpu.vector_load %arg9[%get3A_2402, %get3A_2403] {strides = array<i32>} : memref<800x64xf32, #tpu.memory_space<vmem>>, vector<16xf32>,
        %add3A_2405 = arith.addf %add3A_2373, %get3A_2404 : vector<16xf32>
        %mul3A_2406 = arith.constant 50 : i32
        %mul3A_2407 = arith.muli %scan3A_1049, %mul3A_2406 : i32
        %add3A_2408 = arith.constant 42 : i32
        %add3A_2409 = arith.addi %mul3A_2407, %add3A_2408 : i32
        %get3A_2410 = arith.index_cast %add3A_2409 : i32 to index
        %get3A_2411 = arith.constant 48 : index
        %get3A_2412 = tpu.vector_load %arg9[%get3A_2410, %get3A_2411] {strides = array<i32>} : memref<800x64xf32, #tpu.memory_space<vmem>>, vector<16xf32>,
        %add3A_2413 = arith.addf %add3A_2381, %get3A_2412 : vector<16xf32>
        %mul3A_2414 = arith.constant 50 : i32
        %mul3A_2415 = arith.muli %scan3A_1049, %mul3A_2414 : i32
        %add3A_2416 = arith.constant 43 : i32
        %add3A_2417 = arith.addi %mul3A_2415, %add3A_2416 : i32
        %get3A_2418 = arith.index_cast %add3A_2417 : i32 to index
        %get3A_2419 = arith.constant 0 : index
        %get3A_2420 = tpu.vector_load %arg9[%get3A_2418, %get3A_2419] {strides = array<i32>} : memref<800x64xf32, #tpu.memory_space<vmem>>, vector<16xf32>,
        %add3A_2421 = arith.addf %add3A_2389, %get3A_2420 : vector<16xf32>
        %mul3A_2422 = arith.constant 50 : i32
        %mul3A_2423 = arith.muli %scan3A_1049, %mul3A_2422 : i32
        %add3A_2424 = arith.constant 43 : i32
        %add3A_2425 = arith.addi %mul3A_2423, %add3A_2424 : i32
        %get3A_2426 = arith.index_cast %add3A_2425 : i32 to index
        %get3A_2427 = arith.constant 16 : index
        %get3A_2428 = tpu.vector_load %arg9[%get3A_2426, %get3A_2427] {strides = array<i32>} : memref<800x64xf32, #tpu.memory_space<vmem>>, vector<16xf32>,
        %add3A_2429 = arith.addf %add3A_2397, %get3A_2428 : vector<16xf32>
        %mul3A_2430 = arith.constant 50 : i32
        %mul3A_2431 = arith.muli %scan3A_1049, %mul3A_2430 : i32
        %add3A_2432 = arith.constant 43 : i32
        %add3A_2433 = arith.addi %mul3A_2431, %add3A_2432 : i32
        %get3A_2434 = arith.index_cast %add3A_2433 : i32 to index
        %get3A_2435 = arith.constant 32 : index
        %get3A_2436 = tpu.vector_load %arg9[%get3A_2434, %get3A_2435] {strides = array<i32>} : memref<800x64xf32, #tpu.memory_space<vmem>>, vector<16xf32>,
        %add3A_2437 = arith.addf %add3A_2405, %get3A_2436 : vector<16xf32>
        %mul3A_2438 = arith.constant 50 : i32
        %mul3A_2439 = arith.muli %scan3A_1049, %mul3A_2438 : i32
        %add3A_2440 = arith.constant 43 : i32
        %add3A_2441 = arith.addi %mul3A_2439, %add3A_2440 : i32
        %get3A_2442 = arith.index_cast %add3A_2441 : i32 to index
        %get3A_2443 = arith.constant 48 : index
        %get3A_2444 = tpu.vector_load %arg9[%get3A_2442, %get3A_2443] {strides = array<i32>} : memref<800x64xf32, #tpu.memory_space<vmem>>, vector<16xf32>,
        %add3A_2445 = arith.addf %add3A_2413, %get3A_2444 : vector<16xf32>
        %mul3A_2446 = arith.constant 50 : i32
        %mul3A_2447 = arith.muli %scan3A_1049, %mul3A_2446 : i32
        %add3A_2448 = arith.constant 44 : i32
        %add3A_2449 = arith.addi %mul3A_2447, %add3A_2448 : i32
        %get3A_2450 = arith.index_cast %add3A_2449 : i32 to index
        %get3A_2451 = arith.constant 0 : index
        %get3A_2452 = tpu.vector_load %arg9[%get3A_2450, %get3A_2451] {strides = array<i32>} : memref<800x64xf32, #tpu.memory_space<vmem>>, vector<16xf32>,
        %add3A_2453 = arith.addf %add3A_2421, %get3A_2452 : vector<16xf32>
        %mul3A_2454 = arith.constant 50 : i32
        %mul3A_2455 = arith.muli %scan3A_1049, %mul3A_2454 : i32
        %add3A_2456 = arith.constant 44 : i32
        %add3A_2457 = arith.addi %mul3A_2455, %add3A_2456 : i32
        %get3A_2458 = arith.index_cast %add3A_2457 : i32 to index
        %get3A_2459 = arith.constant 16 : index
        %get3A_2460 = tpu.vector_load %arg9[%get3A_2458, %get3A_2459] {strides = array<i32>} : memref<800x64xf32, #tpu.memory_space<vmem>>, vector<16xf32>,
        %add3A_2461 = arith.addf %add3A_2429, %get3A_2460 : vector<16xf32>
        %mul3A_2462 = arith.constant 50 : i32
        %mul3A_2463 = arith.muli %scan3A_1049, %mul3A_2462 : i32
        %add3A_2464 = arith.constant 44 : i32
        %add3A_2465 = arith.addi %mul3A_2463, %add3A_2464 : i32
        %get3A_2466 = arith.index_cast %add3A_2465 : i32 to index
        %get3A_2467 = arith.constant 32 : index
        %get3A_2468 = tpu.vector_load %arg9[%get3A_2466, %get3A_2467] {strides = array<i32>} : memref<800x64xf32, #tpu.memory_space<vmem>>, vector<16xf32>,
        %add3A_2469 = arith.addf %add3A_2437, %get3A_2468 : vector<16xf32>
        %mul3A_2470 = arith.constant 50 : i32
        %mul3A_2471 = arith.muli %scan3A_1049, %mul3A_2470 : i32
        %add3A_2472 = arith.constant 44 : i32
        %add3A_2473 = arith.addi %mul3A_2471, %add3A_2472 : i32
        %get3A_2474 = arith.index_cast %add3A_2473 : i32 to index
        %get3A_2475 = arith.constant 48 : index
        %get3A_2476 = tpu.vector_load %arg9[%get3A_2474, %get3A_2475] {strides = array<i32>} : memref<800x64xf32, #tpu.memory_space<vmem>>, vector<16xf32>,
        %add3A_2477 = arith.addf %add3A_2445, %get3A_2476 : vector<16xf32>
        %mul3A_2478 = arith.constant 50 : i32
        %mul3A_2479 = arith.muli %scan3A_1049, %mul3A_2478 : i32
        %add3A_2480 = arith.constant 45 : i32
        %add3A_2481 = arith.addi %mul3A_2479, %add3A_2480 : i32
        %get3A_2482 = arith.index_cast %add3A_2481 : i32 to index
        %get3A_2483 = arith.constant 0 : index
        %get3A_2484 = tpu.vector_load %arg9[%get3A_2482, %get3A_2483] {strides = array<i32>} : memref<800x64xf32, #tpu.memory_space<vmem>>, vector<16xf32>,
        %add3A_2485 = arith.addf %add3A_2453, %get3A_2484 : vector<16xf32>
        %mul3A_2486 = arith.constant 50 : i32
        %mul3A_2487 = arith.muli %scan3A_1049, %mul3A_2486 : i32
        %add3A_2488 = arith.constant 45 : i32
        %add3A_2489 = arith.addi %mul3A_2487, %add3A_2488 : i32
        %get3A_2490 = arith.index_cast %add3A_2489 : i32 to index
        %get3A_2491 = arith.constant 16 : index
        %get3A_2492 = tpu.vector_load %arg9[%get3A_2490, %get3A_2491] {strides = array<i32>} : memref<800x64xf32, #tpu.memory_space<vmem>>, vector<16xf32>,
        %add3A_2493 = arith.addf %add3A_2461, %get3A_2492 : vector<16xf32>
        %mul3A_2494 = arith.constant 50 : i32
        %mul3A_2495 = arith.muli %scan3A_1049, %mul3A_2494 : i32
        %add3A_2496 = arith.constant 45 : i32
        %add3A_2497 = arith.addi %mul3A_2495, %add3A_2496 : i32
        %get3A_2498 = arith.index_cast %add3A_2497 : i32 to index
        %get3A_2499 = arith.constant 32 : index
        %get3A_2500 = tpu.vector_load %arg9[%get3A_2498, %get3A_2499] {strides = array<i32>} : memref<800x64xf32, #tpu.memory_space<vmem>>, vector<16xf32>,
        %add3A_2501 = arith.addf %add3A_2469, %get3A_2500 : vector<16xf32>
        %mul3A_2502 = arith.constant 50 : i32
        %mul3A_2503 = arith.muli %scan3A_1049, %mul3A_2502 : i32
        %add3A_2504 = arith.constant 45 : i32
        %add3A_2505 = arith.addi %mul3A_2503, %add3A_2504 : i32
        %get3A_2506 = arith.index_cast %add3A_2505 : i32 to index
        %get3A_2507 = arith.constant 48 : index
        %get3A_2508 = tpu.vector_load %arg9[%get3A_2506, %get3A_2507] {strides = array<i32>} : memref<800x64xf32, #tpu.memory_space<vmem>>, vector<16xf32>,
        %add3A_2509 = arith.addf %add3A_2477, %get3A_2508 : vector<16xf32>
        %mul3A_2510 = arith.constant 50 : i32
        %mul3A_2511 = arith.muli %scan3A_1049, %mul3A_2510 : i32
        %add3A_2512 = arith.constant 46 : i32
        %add3A_2513 = arith.addi %mul3A_2511, %add3A_2512 : i32
        %get3A_2514 = arith.index_cast %add3A_2513 : i32 to index
        %get3A_2515 = arith.constant 0 : index
        %get3A_2516 = tpu.vector_load %arg9[%get3A_2514, %get3A_2515] {strides = array<i32>} : memref<800x64xf32, #tpu.memory_space<vmem>>, vector<16xf32>,
        %add3A_2517 = arith.addf %add3A_2485, %get3A_2516 : vector<16xf32>
        %mul3A_2518 = arith.constant 50 : i32
        %mul3A_2519 = arith.muli %scan3A_1049, %mul3A_2518 : i32
        %add3A_2520 = arith.constant 46 : i32
        %add3A_2521 = arith.addi %mul3A_2519, %add3A_2520 : i32
        %get3A_2522 = arith.index_cast %add3A_2521 : i32 to index
        %get3A_2523 = arith.constant 16 : index
        %get3A_2524 = tpu.vector_load %arg9[%get3A_2522, %get3A_2523] {strides = array<i32>} : memref<800x64xf32, #tpu.memory_space<vmem>>, vector<16xf32>,
        %add3A_2525 = arith.addf %add3A_2493, %get3A_2524 : vector<16xf32>
        %mul3A_2526 = arith.constant 50 : i32
        %mul3A_2527 = arith.muli %scan3A_1049, %mul3A_2526 : i32
        %add3A_2528 = arith.constant 46 : i32
        %add3A_2529 = arith.addi %mul3A_2527, %add3A_2528 : i32
        %get3A_2530 = arith.index_cast %add3A_2529 : i32 to index
        %get3A_2531 = arith.constant 32 : index
        %get3A_2532 = tpu.vector_load %arg9[%get3A_2530, %get3A_2531] {strides = array<i32>} : memref<800x64xf32, #tpu.memory_space<vmem>>, vector<16xf32>,
        %add3A_2533 = arith.addf %add3A_2501, %get3A_2532 : vector<16xf32>
        %mul3A_2534 = arith.constant 50 : i32
        %mul3A_2535 = arith.muli %scan3A_1049, %mul3A_2534 : i32
        %add3A_2536 = arith.constant 46 : i32
        %add3A_2537 = arith.addi %mul3A_2535, %add3A_2536 : i32
        %get3A_2538 = arith.index_cast %add3A_2537 : i32 to index
        %get3A_2539 = arith.constant 48 : index
        %get3A_2540 = tpu.vector_load %arg9[%get3A_2538, %get3A_2539] {strides = array<i32>} : memref<800x64xf32, #tpu.memory_space<vmem>>, vector<16xf32>,
        %add3A_2541 = arith.addf %add3A_2509, %get3A_2540 : vector<16xf32>
        %mul3A_2542 = arith.constant 50 : i32
        %mul3A_2543 = arith.muli %scan3A_1049, %mul3A_2542 : i32
        %add3A_2544 = arith.constant 47 : i32
        %add3A_2545 = arith.addi %mul3A_2543, %add3A_2544 : i32
        %get3A_2546 = arith.index_cast %add3A_2545 : i32 to index
        %get3A_2547 = arith.constant 0 : index
        %get3A_2548 = tpu.vector_load %arg9[%get3A_2546, %get3A_2547] {strides = array<i32>} : memref<800x64xf32, #tpu.memory_space<vmem>>, vector<16xf32>,
        %add3A_2549 = arith.addf %add3A_2517, %get3A_2548 : vector<16xf32>
        %mul3A_2550 = arith.constant 50 : i32
        %mul3A_2551 = arith.muli %scan3A_1049, %mul3A_2550 : i32
        %add3A_2552 = arith.constant 47 : i32
        %add3A_2553 = arith.addi %mul3A_2551, %add3A_2552 : i32
        %get3A_2554 = arith.index_cast %add3A_2553 : i32 to index
        %get3A_2555 = arith.constant 16 : index
        %get3A_2556 = tpu.vector_load %arg9[%get3A_2554, %get3A_2555] {strides = array<i32>} : memref<800x64xf32, #tpu.memory_space<vmem>>, vector<16xf32>,
        %add3A_2557 = arith.addf %add3A_2525, %get3A_2556 : vector<16xf32>
        %mul3A_2558 = arith.constant 50 : i32
        %mul3A_2559 = arith.muli %scan3A_1049, %mul3A_2558 : i32
        %add3A_2560 = arith.constant 47 : i32
        %add3A_2561 = arith.addi %mul3A_2559, %add3A_2560 : i32
        %get3A_2562 = arith.index_cast %add3A_2561 : i32 to index
        %get3A_2563 = arith.constant 32 : index
        %get3A_2564 = tpu.vector_load %arg9[%get3A_2562, %get3A_2563] {strides = array<i32>} : memref<800x64xf32, #tpu.memory_space<vmem>>, vector<16xf32>,
        %add3A_2565 = arith.addf %add3A_2533, %get3A_2564 : vector<16xf32>
        %mul3A_2566 = arith.constant 50 : i32
        %mul3A_2567 = arith.muli %scan3A_1049, %mul3A_2566 : i32
        %add3A_2568 = arith.constant 47 : i32
        %add3A_2569 = arith.addi %mul3A_2567, %add3A_2568 : i32
        %get3A_2570 = arith.index_cast %add3A_2569 : i32 to index
        %get3A_2571 = arith.constant 48 : index
        %get3A_2572 = tpu.vector_load %arg9[%get3A_2570, %get3A_2571] {strides = array<i32>} : memref<800x64xf32, #tpu.memory_space<vmem>>, vector<16xf32>,
        %add3A_2573 = arith.addf %add3A_2541, %get3A_2572 : vector<16xf32>
        %mul3A_2574 = arith.constant 50 : i32
        %mul3A_2575 = arith.muli %scan3A_1049, %mul3A_2574 : i32
        %add3A_2576 = arith.constant 48 : i32
        %add3A_2577 = arith.addi %mul3A_2575, %add3A_2576 : i32
        %get3A_2578 = arith.index_cast %add3A_2577 : i32 to index
        %get3A_2579 = arith.constant 0 : index
        %get3A_2580 = tpu.vector_load %arg9[%get3A_2578, %get3A_2579] {strides = array<i32>} : memref<800x64xf32, #tpu.memory_space<vmem>>, vector<16xf32>,
        %add3A_2581 = arith.addf %add3A_2549, %get3A_2580 : vector<16xf32>
        %mul3A_2582 = arith.constant 50 : i32
        %mul3A_2583 = arith.muli %scan3A_1049, %mul3A_2582 : i32
        %add3A_2584 = arith.constant 48 : i32
        %add3A_2585 = arith.addi %mul3A_2583, %add3A_2584 : i32
        %get3A_2586 = arith.index_cast %add3A_2585 : i32 to index
        %get3A_2587 = arith.constant 16 : index
        %get3A_2588 = tpu.vector_load %arg9[%get3A_2586, %get3A_2587] {strides = array<i32>} : memref<800x64xf32, #tpu.memory_space<vmem>>, vector<16xf32>,
        %add3A_2589 = arith.addf %add3A_2557, %get3A_2588 : vector<16xf32>
        %mul3A_2590 = arith.constant 50 : i32
        %mul3A_2591 = arith.muli %scan3A_1049, %mul3A_2590 : i32
        %add3A_2592 = arith.constant 48 : i32
        %add3A_2593 = arith.addi %mul3A_2591, %add3A_2592 : i32
        %get3A_2594 = arith.index_cast %add3A_2593 : i32 to index
        %get3A_2595 = arith.constant 32 : index
        %get3A_2596 = tpu.vector_load %arg9[%get3A_2594, %get3A_2595] {strides = array<i32>} : memref<800x64xf32, #tpu.memory_space<vmem>>, vector<16xf32>,
        %add3A_2597 = arith.addf %add3A_2565, %get3A_2596 : vector<16xf32>
        %mul3A_2598 = arith.constant 50 : i32
        %mul3A_2599 = arith.muli %scan3A_1049, %mul3A_2598 : i32
        %add3A_2600 = arith.constant 48 : i32
        %add3A_2601 = arith.addi %mul3A_2599, %add3A_2600 : i32
        %get3A_2602 = arith.index_cast %add3A_2601 : i32 to index
        %get3A_2603 = arith.constant 48 : index
        %get3A_2604 = tpu.vector_load %arg9[%get3A_2602, %get3A_2603] {strides = array<i32>} : memref<800x64xf32, #tpu.memory_space<vmem>>, vector<16xf32>,
        %add3A_2605 = arith.addf %add3A_2573, %get3A_2604 : vector<16xf32>
        %mul3A_2606 = arith.constant 50 : i32
        %mul3A_2607 = arith.muli %scan3A_1049, %mul3A_2606 : i32
        %add3A_2608 = arith.constant 49 : i32
        %add3A_2609 = arith.addi %mul3A_2607, %add3A_2608 : i32
        %get3A_2610 = arith.index_cast %add3A_2609 : i32 to index
        %get3A_2611 = arith.constant 0 : index
        %get3A_2612 = tpu.vector_load %arg9[%get3A_2610, %get3A_2611] {strides = array<i32>} : memref<800x64xf32, #tpu.memory_space<vmem>>, vector<16xf32>,
        %add3A_2613 = arith.addf %add3A_2581, %get3A_2612 : vector<16xf32>
        %mul3A_2614 = arith.constant 50 : i32
        %mul3A_2615 = arith.muli %scan3A_1049, %mul3A_2614 : i32
        %add3A_2616 = arith.constant 49 : i32
        %add3A_2617 = arith.addi %mul3A_2615, %add3A_2616 : i32
        %get3A_2618 = arith.index_cast %add3A_2617 : i32 to index
        %get3A_2619 = arith.constant 16 : index
        %get3A_2620 = tpu.vector_load %arg9[%get3A_2618, %get3A_2619] {strides = array<i32>} : memref<800x64xf32, #tpu.memory_space<vmem>>, vector<16xf32>,
        %add3A_2621 = arith.addf %add3A_2589, %get3A_2620 : vector<16xf32>
        %mul3A_2622 = arith.constant 50 : i32
        %mul3A_2623 = arith.muli %scan3A_1049, %mul3A_2622 : i32
        %add3A_2624 = arith.constant 49 : i32
        %add3A_2625 = arith.addi %mul3A_2623, %add3A_2624 : i32
        %get3A_2626 = arith.index_cast %add3A_2625 : i32 to index
        %get3A_2627 = arith.constant 32 : index
        %get3A_2628 = tpu.vector_load %arg9[%get3A_2626, %get3A_2627] {strides = array<i32>} : memref<800x64xf32, #tpu.memory_space<vmem>>, vector<16xf32>,
        %add3A_2629 = arith.addf %add3A_2597, %get3A_2628 : vector<16xf32>
        %mul3A_2630 = arith.constant 50 : i32
        %mul3A_2631 = arith.muli %scan3A_1049, %mul3A_2630 : i32
        %add3A_2632 = arith.constant 49 : i32
        %add3A_2633 = arith.addi %mul3A_2631, %add3A_2632 : i32
        %get3A_2634 = arith.index_cast %add3A_2633 : i32 to index
        %get3A_2635 = arith.constant 48 : index
        %get3A_2636 = tpu.vector_load %arg9[%get3A_2634, %get3A_2635] {strides = array<i32>} : memref<800x64xf32, #tpu.memory_space<vmem>>, vector<16xf32>,
        %add3A_2637 = arith.addf %add3A_2605, %get3A_2636 : vector<16xf32>
        %swap3A = arith.index_cast %scan3A_1049 : i32 to index
        %swap3A_2638 = arith.constant 0 : index
        %swap3A_2639 = tpu.vector_load %arg11[%swap3A, %swap3A_2638] {strides = array<i32>} : memref<16x64xf32, #tpu.memory_space<vmem>>, vector<16xf32>,
        tpu.vector_store %arg11[%swap3A, %swap3A_2638], %add3A_2613 {strides = array<i32>} : memref<16x64xf32, #tpu.memory_space<vmem>>, vector<16xf32>,
        %swap3A_2640 = arith.index_cast %scan3A_1049 : i32 to index
        %swap3A_2641 = arith.constant 16 : index
        %swap3A_2642 = tpu.vector_load %arg11[%swap3A_2640, %swap3A_2641] {strides = array<i32>} : memref<16x64xf32, #tpu.memory_space<vmem>>, vector<16xf32>,
        tpu.vector_store %arg11[%swap3A_2640, %swap3A_2641], %add3A_2621 {strides = array<i32>} : memref<16x64xf32, #tpu.memory_space<vmem>>, vector<16xf32>,
        %swap3A_2643 = arith.index_cast %scan3A_1049 : i32 to index
        %swap3A_2644 = arith.constant 32 : index
        %swap3A_2645 = tpu.vector_load %arg11[%swap3A_2643, %swap3A_2644] {strides = array<i32>} : memref<16x64xf32, #tpu.memory_space<vmem>>, vector<16xf32>,
        tpu.vector_store %arg11[%swap3A_2643, %swap3A_2644], %add3A_2629 {strides = array<i32>} : memref<16x64xf32, #tpu.memory_space<vmem>>, vector<16xf32>,
        %swap3A_2646 = arith.index_cast %scan3A_1049 : i32 to index
        %swap3A_2647 = arith.constant 48 : index
        %swap3A_2648 = tpu.vector_load %arg11[%swap3A_2646, %swap3A_2647] {strides = array<i32>} : memref<16x64xf32, #tpu.memory_space<vmem>>, vector<16xf32>,
        tpu.vector_store %arg11[%swap3A_2646, %swap3A_2647], %add3A_2637 {strides = array<i32>} : memref<16x64xf32, #tpu.memory_space<vmem>>, vector<16xf32>,
      }
      %scan3A_1027 = arith.constant 16 : i32
      "tpu.region"() ({
        %run_scoped3A = tpu.sem_alloc : memref<!tpu.dma_semaphore, #tpu.memory_space<semaphore_mem>>
        %dma_start3A_1049 = arith.constant 0 : i32
        %dma_start3A_1050 = tpu.memref_slice %arg4[%add3A_1019, %dma_start3A_1049] : memref<16384x64xf32, #tpu.memory_space<hbm>> -> memref<16x64xf32, #tpu.memory_space<hbm>>
        %dma_start3A_1051 = arith.constant 0 : i32
        %dma_start3A_1052 = tpu.memref_slice %arg4[%add3A_1019, %dma_start3A_1051] : memref<16384x64xf32, #tpu.memory_space<hbm>> -> memref<16x64xf32, #tpu.memory_space<hbm>>
        tpu.enqueue_dma source(%arg11 : memref<16x64xf32, #tpu.memory_space<vmem>>) target(%dma_start3A_1052 : memref<16x64xf32, #tpu.memory_space<hbm>>) target_semaphore(%run_scoped3A : memref<!tpu.dma_semaphore, #tpu.memory_space<semaphore_mem>>)
        %dma_wait3A_1053 = arith.constant 0 : i32
        %dma_wait3A_1054 = tpu.memref_slice %arg4[%add3A_1019, %dma_wait3A_1053] : memref<16384x64xf32, #tpu.memory_space<hbm>> -> memref<16x64xf32, #tpu.memory_space<hbm>>
        %dma_wait3A_1055 = arith.constant 0 : i32
        %dma_wait3A_1056 = tpu.memref_slice %arg4[%add3A_1019, %dma_wait3A_1055] : memref<16384x64xf32, #tpu.memory_space<hbm>> -> memref<16x64xf32, #tpu.memory_space<hbm>>
        tpu.wait_dma2 semaphore(%run_scoped3A : memref<!tpu.dma_semaphore, #tpu.memory_space<semaphore_mem>>) src(%arg11 : memref<16x64xf32, #tpu.memory_space<vmem>>) dst(%dma_wait3A_1056 : memref<16x64xf32, #tpu.memory_space<hbm>>)
        tpu.yield
      }) : () -> ()
      %add3A_1028 = arith.constant 2 : i32
      %add3A_1029 = arith.addi %mul3A_508, %add3A_1028 : i32
      %lt3A_1030 = arith.constant 32 : i32
      %lt3A_1031 = arith.cmpi slt, %add3A_1029, %lt3A_1030 : i32
      %convert_element_type3A = arith.extui %lt3A_1031 : i1 to i32
      %cond3A = arith.constant 0 : i32
      %cond3A_1032 = arith.cmpi ne, %convert_element_type3A, %cond3A : i32
      scf.if %cond3A_1032 {
        %add3A_1049 = arith.constant 2 : i32
        %add3A_1050 = arith.addi %mul3A_508, %add3A_1049 : i32
        %mul3A_1051 = arith.constant 512 : i32
        %mul3A_1052 = arith.muli %add3A, %mul3A_1051 : i32
        %mul3A_1053 = arith.constant 16 : i32
        %mul3A_1054 = arith.muli %add3A_1050, %mul3A_1053 : i32
        %add3A_1055 = arith.addi %mul3A_1052, %mul3A_1054 : i32
        "tpu.region"() ({
          %run_scoped3A = tpu.sem_alloc : memref<!tpu.dma_semaphore, #tpu.memory_space<semaphore_mem>>
          %dma_start3A_1555 = arith.constant 0 : i32
          %dma_start3A_1556 = tpu.memref_slice %arg2[%add3A_1055, %dma_start3A_1555] : memref<16384x128xi32, #tpu.memory_space<hbm>> -> memref<16x128xi32, #tpu.memory_space<hbm>>
          %dma_start3A_1557 = arith.constant 0 : i32
          %dma_start3A_1558 = tpu.memref_slice %arg2[%add3A_1055, %dma_start3A_1557] : memref<16384x128xi32, #tpu.memory_space<hbm>> -> memref<16x128xi32, #tpu.memory_space<hbm>>
          tpu.enqueue_dma source(%dma_start3A_1558 : memref<16x128xi32, #tpu.memory_space<hbm>>) target(%arg5 : memref<16x128xi32, #tpu.memory_space<vmem>>) target_semaphore(%run_scoped3A : memref<!tpu.dma_semaphore, #tpu.memory_space<semaphore_mem>>)
          %dma_wait3A_1559 = arith.constant 0 : i32
          %dma_wait3A_1560 = tpu.memref_slice %arg2[%add3A_1055, %dma_wait3A_1559] : memref<16384x128xi32, #tpu.memory_space<hbm>> -> memref<16x128xi32, #tpu.memory_space<hbm>>
          %dma_wait3A_1561 = arith.constant 0 : i32
          %dma_wait3A_1562 = tpu.memref_slice %arg2[%add3A_1055, %dma_wait3A_1561] : memref<16384x128xi32, #tpu.memory_space<hbm>> -> memref<16x128xi32, #tpu.memory_space<hbm>>
          tpu.wait_dma2 semaphore(%run_scoped3A : memref<!tpu.dma_semaphore, #tpu.memory_space<semaphore_mem>>) src(%dma_wait3A_1562 : memref<16x128xi32, #tpu.memory_space<hbm>>) dst(%arg5 : memref<16x128xi32, #tpu.memory_space<vmem>>)
          tpu.yield
        }) : () -> ()
        %get3A_1056 = arith.constant 0 : i32
        %get3A_1057 = arith.index_cast %get3A_1056 : i32 to index
        %get3A_1058 = arith.constant 0 : index
        %get3A_1059 = tpu.vector_load %arg5[%get3A_1057, %get3A_1058] {strides = array<i32>} : memref<16x128xi32, #tpu.memory_space<vmem>>, vector<16xi32>,
        %add3A_1060 = arith.constant 0 : i32
        %add3A_1061 = vector.broadcast %add3A_1060 : i32 to vector<16xi32>
        %add3A_1062 = arith.addi %iota3A, %add3A_1061 : vector<16xi32>
        tpu.vector_store_idx %arg7[%add3A_1062], %get3A_1059 : memref<800xi32, #tpu.memory_space<vmem>>[vector<16xi32>], vector<16xi32>,
        %get3A_1063 = arith.constant 0 : i32
        %get3A_1064 = arith.index_cast %get3A_1063 : i32 to index
        %get3A_1065 = arith.constant 16 : index
        %get3A_1066 = tpu.vector_load %arg5[%get3A_1064, %get3A_1065] {strides = array<i32>} : memref<16x128xi32, #tpu.memory_space<vmem>>, vector<16xi32>,
        %add3A_1067 = arith.constant 16 : i32
        %add3A_1068 = vector.broadcast %add3A_1067 : i32 to vector<16xi32>
        %add3A_1069 = arith.addi %iota3A, %add3A_1068 : vector<16xi32>
        tpu.vector_store_idx %arg7[%add3A_1069], %get3A_1066 : memref<800xi32, #tpu.memory_space<vmem>>[vector<16xi32>], vector<16xi32>,
        %get3A_1070 = arith.constant 0 : i32
        %get3A_1071 = arith.index_cast %get3A_1070 : i32 to index
        %get3A_1072 = arith.constant 32 : index
        %get3A_1073 = tpu.vector_load %arg5[%get3A_1071, %get3A_1072] {strides = array<i32>} : memref<16x128xi32, #tpu.memory_space<vmem>>, vector<16xi32>,
        %add3A_1074 = arith.constant 32 : i32
        %add3A_1075 = vector.broadcast %add3A_1074 : i32 to vector<16xi32>
        %add3A_1076 = arith.addi %iota3A, %add3A_1075 : vector<16xi32>
        tpu.vector_store_idx %arg7[%add3A_1076], %get3A_1073 : memref<800xi32, #tpu.memory_space<vmem>>[vector<16xi32>], vector<16xi32>,
        %get3A_1077 = arith.constant 0 : i32
        %get3A_1078 = arith.index_cast %get3A_1077 : i32 to index
        %get3A_1079 = arith.constant 48 : index
        %get3A_1080 = tpu.vector_load %arg5[%get3A_1078, %get3A_1079] {strides = array<i32>} : memref<16x128xi32, #tpu.memory_space<vmem>>, vector<16xi32>,
        %add3A_1081 = arith.constant 48 : i32
        %add3A_1082 = vector.broadcast %add3A_1081 : i32 to vector<16xi32>
        %add3A_1083 = arith.addi %iota3A, %add3A_1082 : vector<16xi32>
        %lt3A_1084 = arith.constant 2 : i32
        %lt3A_1085 = vector.broadcast %lt3A_1084 : i32 to vector<16xi32>
        %lt3A_1086 = arith.cmpi slt, %iota3A, %lt3A_1085 : vector<16xi32>
        tpu.vector_store_idx %arg7[%add3A_1083], %get3A_1080 masked %lt3A_1086 : memref<800xi32, #tpu.memory_space<vmem>>[vector<16xi32>], vector<16xi32>, vector<16xi1>
        %get3A_1087 = arith.constant 1 : i32
        %get3A_1088 = arith.index_cast %get3A_1087 : i32 to index
        %get3A_1089 = arith.constant 0 : index
        %get3A_1090 = tpu.vector_load %arg5[%get3A_1088, %get3A_1089] {strides = array<i32>} : memref<16x128xi32, #tpu.memory_space<vmem>>, vector<16xi32>,
        %add3A_1091 = arith.constant 50 : i32
        %add3A_1092 = vector.broadcast %add3A_1091 : i32 to vector<16xi32>
        %add3A_1093 = arith.addi %iota3A, %add3A_1092 : vector<16xi32>
        tpu.vector_store_idx %arg7[%add3A_1093], %get3A_1090 : memref<800xi32, #tpu.memory_space<vmem>>[vector<16xi32>], vector<16xi32>,
        %get3A_1094 = arith.constant 1 : i32
        %get3A_1095 = arith.index_cast %get3A_1094 : i32 to index
        %get3A_1096 = arith.constant 16 : index
        %get3A_1097 = tpu.vector_load %arg5[%get3A_1095, %get3A_1096] {strides = array<i32>} : memref<16x128xi32, #tpu.memory_space<vmem>>, vector<16xi32>,
        %add3A_1098 = arith.constant 66 : i32
        %add3A_1099 = vector.broadcast %add3A_1098 : i32 to vector<16xi32>
        %add3A_1100 = arith.addi %iota3A, %add3A_1099 : vector<16xi32>
        tpu.vector_store_idx %arg7[%add3A_1100], %get3A_1097 : memref<800xi32, #tpu.memory_space<vmem>>[vector<16xi32>], vector<16xi32>,
        %get3A_1101 = arith.constant 1 : i32
        %get3A_1102 = arith.index_cast %get3A_1101 : i32 to index
        %get3A_1103 = arith.constant 32 : index
        %get3A_1104 = tpu.vector_load %arg5[%get3A_1102, %get3A_1103] {strides = array<i32>} : memref<16x128xi32, #tpu.memory_space<vmem>>, vector<16xi32>,
        %add3A_1105 = arith.constant 82 : i32
        %add3A_1106 = vector.broadcast %add3A_1105 : i32 to vector<16xi32>
        %add3A_1107 = arith.addi %iota3A, %add3A_1106 : vector<16xi32>
        tpu.vector_store_idx %arg7[%add3A_1107], %get3A_1104 : memref<800xi32, #tpu.memory_space<vmem>>[vector<16xi32>], vector<16xi32>,
        %get3A_1108 = arith.constant 1 : i32
        %get3A_1109 = arith.index_cast %get3A_1108 : i32 to index
        %get3A_1110 = arith.constant 48 : index
        %get3A_1111 = tpu.vector_load %arg5[%get3A_1109, %get3A_1110] {strides = array<i32>} : memref<16x128xi32, #tpu.memory_space<vmem>>, vector<16xi32>,
        %add3A_1112 = arith.constant 98 : i32
        %add3A_1113 = vector.broadcast %add3A_1112 : i32 to vector<16xi32>
        %add3A_1114 = arith.addi %iota3A, %add3A_1113 : vector<16xi32>
        %lt3A_1115 = arith.constant 2 : i32
        %lt3A_1116 = vector.broadcast %lt3A_1115 : i32 to vector<16xi32>
        %lt3A_1117 = arith.cmpi slt, %iota3A, %lt3A_1116 : vector<16xi32>
        tpu.vector_store_idx %arg7[%add3A_1114], %get3A_1111 masked %lt3A_1117 : memref<800xi32, #tpu.memory_space<vmem>>[vector<16xi32>], vector<16xi32>, vector<16xi1>
        %get3A_1118 = arith.constant 2 : i32
        %get3A_1119 = arith.index_cast %get3A_1118 : i32 to index
        %get3A_1120 = arith.constant 0 : index
        %get3A_1121 = tpu.vector_load %arg5[%get3A_1119, %get3A_1120] {strides = array<i32>} : memref<16x128xi32, #tpu.memory_space<vmem>>, vector<16xi32>,
        %add3A_1122 = arith.constant 100 : i32
        %add3A_1123 = vector.broadcast %add3A_1122 : i32 to vector<16xi32>
        %add3A_1124 = arith.addi %iota3A, %add3A_1123 : vector<16xi32>
        tpu.vector_store_idx %arg7[%add3A_1124], %get3A_1121 : memref<800xi32, #tpu.memory_space<vmem>>[vector<16xi32>], vector<16xi32>,
        %get3A_1125 = arith.constant 2 : i32
        %get3A_1126 = arith.index_cast %get3A_1125 : i32 to index
        %get3A_1127 = arith.constant 16 : index
        %get3A_1128 = tpu.vector_load %arg5[%get3A_1126, %get3A_1127] {strides = array<i32>} : memref<16x128xi32, #tpu.memory_space<vmem>>, vector<16xi32>,
        %add3A_1129 = arith.constant 116 : i32
        %add3A_1130 = vector.broadcast %add3A_1129 : i32 to vector<16xi32>
        %add3A_1131 = arith.addi %iota3A, %add3A_1130 : vector<16xi32>
        tpu.vector_store_idx %arg7[%add3A_1131], %get3A_1128 : memref<800xi32, #tpu.memory_space<vmem>>[vector<16xi32>], vector<16xi32>,
        %get3A_1132 = arith.constant 2 : i32
        %get3A_1133 = arith.index_cast %get3A_1132 : i32 to index
        %get3A_1134 = arith.constant 32 : index
        %get3A_1135 = tpu.vector_load %arg5[%get3A_1133, %get3A_1134] {strides = array<i32>} : memref<16x128xi32, #tpu.memory_space<vmem>>, vector<16xi32>,
        %add3A_1136 = arith.constant 132 : i32
        %add3A_1137 = vector.broadcast %add3A_1136 : i32 to vector<16xi32>
        %add3A_1138 = arith.addi %iota3A, %add3A_1137 : vector<16xi32>
        tpu.vector_store_idx %arg7[%add3A_1138], %get3A_1135 : memref<800xi32, #tpu.memory_space<vmem>>[vector<16xi32>], vector<16xi32>,
        %get3A_1139 = arith.constant 2 : i32
        %get3A_1140 = arith.index_cast %get3A_1139 : i32 to index
        %get3A_1141 = arith.constant 48 : index
        %get3A_1142 = tpu.vector_load %arg5[%get3A_1140, %get3A_1141] {strides = array<i32>} : memref<16x128xi32, #tpu.memory_space<vmem>>, vector<16xi32>,
        %add3A_1143 = arith.constant 148 : i32
        %add3A_1144 = vector.broadcast %add3A_1143 : i32 to vector<16xi32>
        %add3A_1145 = arith.addi %iota3A, %add3A_1144 : vector<16xi32>
        %lt3A_1146 = arith.constant 2 : i32
        %lt3A_1147 = vector.broadcast %lt3A_1146 : i32 to vector<16xi32>
        %lt3A_1148 = arith.cmpi slt, %iota3A, %lt3A_1147 : vector<16xi32>
        tpu.vector_store_idx %arg7[%add3A_1145], %get3A_1142 masked %lt3A_1148 : memref<800xi32, #tpu.memory_space<vmem>>[vector<16xi32>], vector<16xi32>, vector<16xi1>
        %get3A_1149 = arith.constant 3 : i32
        %get3A_1150 = arith.index_cast %get3A_1149 : i32 to index
        %get3A_1151 = arith.constant 0 : index
        %get3A_1152 = tpu.vector_load %arg5[%get3A_1150, %get3A_1151] {strides = array<i32>} : memref<16x128xi32, #tpu.memory_space<vmem>>, vector<16xi32>,
        %add3A_1153 = arith.constant 150 : i32
        %add3A_1154 = vector.broadcast %add3A_1153 : i32 to vector<16xi32>
        %add3A_1155 = arith.addi %iota3A, %add3A_1154 : vector<16xi32>
        tpu.vector_store_idx %arg7[%add3A_1155], %get3A_1152 : memref<800xi32, #tpu.memory_space<vmem>>[vector<16xi32>], vector<16xi32>,
        %get3A_1156 = arith.constant 3 : i32
        %get3A_1157 = arith.index_cast %get3A_1156 : i32 to index
        %get3A_1158 = arith.constant 16 : index
        %get3A_1159 = tpu.vector_load %arg5[%get3A_1157, %get3A_1158] {strides = array<i32>} : memref<16x128xi32, #tpu.memory_space<vmem>>, vector<16xi32>,
        %add3A_1160 = arith.constant 166 : i32
        %add3A_1161 = vector.broadcast %add3A_1160 : i32 to vector<16xi32>
        %add3A_1162 = arith.addi %iota3A, %add3A_1161 : vector<16xi32>
        tpu.vector_store_idx %arg7[%add3A_1162], %get3A_1159 : memref<800xi32, #tpu.memory_space<vmem>>[vector<16xi32>], vector<16xi32>,
        %get3A_1163 = arith.constant 3 : i32
        %get3A_1164 = arith.index_cast %get3A_1163 : i32 to index
        %get3A_1165 = arith.constant 32 : index
        %get3A_1166 = tpu.vector_load %arg5[%get3A_1164, %get3A_1165] {strides = array<i32>} : memref<16x128xi32, #tpu.memory_space<vmem>>, vector<16xi32>,
        %add3A_1167 = arith.constant 182 : i32
        %add3A_1168 = vector.broadcast %add3A_1167 : i32 to vector<16xi32>
        %add3A_1169 = arith.addi %iota3A, %add3A_1168 : vector<16xi32>
        tpu.vector_store_idx %arg7[%add3A_1169], %get3A_1166 : memref<800xi32, #tpu.memory_space<vmem>>[vector<16xi32>], vector<16xi32>,
        %get3A_1170 = arith.constant 3 : i32
        %get3A_1171 = arith.index_cast %get3A_1170 : i32 to index
        %get3A_1172 = arith.constant 48 : index
        %get3A_1173 = tpu.vector_load %arg5[%get3A_1171, %get3A_1172] {strides = array<i32>} : memref<16x128xi32, #tpu.memory_space<vmem>>, vector<16xi32>,
        %add3A_1174 = arith.constant 198 : i32
        %add3A_1175 = vector.broadcast %add3A_1174 : i32 to vector<16xi32>
        %add3A_1176 = arith.addi %iota3A, %add3A_1175 : vector<16xi32>
        %lt3A_1177 = arith.constant 2 : i32
        %lt3A_1178 = vector.broadcast %lt3A_1177 : i32 to vector<16xi32>
        %lt3A_1179 = arith.cmpi slt, %iota3A, %lt3A_1178 : vector<16xi32>
        tpu.vector_store_idx %arg7[%add3A_1176], %get3A_1173 masked %lt3A_1179 : memref<800xi32, #tpu.memory_space<vmem>>[vector<16xi32>], vector<16xi32>, vector<16xi1>
        %get3A_1180 = arith.constant 4 : i32
        %get3A_1181 = arith.index_cast %get3A_1180 : i32 to index
        %get3A_1182 = arith.constant 0 : index
        %get3A_1183 = tpu.vector_load %arg5[%get3A_1181, %get3A_1182] {strides = array<i32>} : memref<16x128xi32, #tpu.memory_space<vmem>>, vector<16xi32>,
        %add3A_1184 = arith.constant 200 : i32
        %add3A_1185 = vector.broadcast %add3A_1184 : i32 to vector<16xi32>
        %add3A_1186 = arith.addi %iota3A, %add3A_1185 : vector<16xi32>
        tpu.vector_store_idx %arg7[%add3A_1186], %get3A_1183 : memref<800xi32, #tpu.memory_space<vmem>>[vector<16xi32>], vector<16xi32>,
        %get3A_1187 = arith.constant 4 : i32
        %get3A_1188 = arith.index_cast %get3A_1187 : i32 to index
        %get3A_1189 = arith.constant 16 : index
        %get3A_1190 = tpu.vector_load %arg5[%get3A_1188, %get3A_1189] {strides = array<i32>} : memref<16x128xi32, #tpu.memory_space<vmem>>, vector<16xi32>,
        %add3A_1191 = arith.constant 216 : i32
        %add3A_1192 = vector.broadcast %add3A_1191 : i32 to vector<16xi32>
        %add3A_1193 = arith.addi %iota3A, %add3A_1192 : vector<16xi32>
        tpu.vector_store_idx %arg7[%add3A_1193], %get3A_1190 : memref<800xi32, #tpu.memory_space<vmem>>[vector<16xi32>], vector<16xi32>,
        %get3A_1194 = arith.constant 4 : i32
        %get3A_1195 = arith.index_cast %get3A_1194 : i32 to index
        %get3A_1196 = arith.constant 32 : index
        %get3A_1197 = tpu.vector_load %arg5[%get3A_1195, %get3A_1196] {strides = array<i32>} : memref<16x128xi32, #tpu.memory_space<vmem>>, vector<16xi32>,
        %add3A_1198 = arith.constant 232 : i32
        %add3A_1199 = vector.broadcast %add3A_1198 : i32 to vector<16xi32>
        %add3A_1200 = arith.addi %iota3A, %add3A_1199 : vector<16xi32>
        tpu.vector_store_idx %arg7[%add3A_1200], %get3A_1197 : memref<800xi32, #tpu.memory_space<vmem>>[vector<16xi32>], vector<16xi32>,
        %get3A_1201 = arith.constant 4 : i32
        %get3A_1202 = arith.index_cast %get3A_1201 : i32 to index
        %get3A_1203 = arith.constant 48 : index
        %get3A_1204 = tpu.vector_load %arg5[%get3A_1202, %get3A_1203] {strides = array<i32>} : memref<16x128xi32, #tpu.memory_space<vmem>>, vector<16xi32>,
        %add3A_1205 = arith.constant 248 : i32
        %add3A_1206 = vector.broadcast %add3A_1205 : i32 to vector<16xi32>
        %add3A_1207 = arith.addi %iota3A, %add3A_1206 : vector<16xi32>
        %lt3A_1208 = arith.constant 2 : i32
        %lt3A_1209 = vector.broadcast %lt3A_1208 : i32 to vector<16xi32>
        %lt3A_1210 = arith.cmpi slt, %iota3A, %lt3A_1209 : vector<16xi32>
        tpu.vector_store_idx %arg7[%add3A_1207], %get3A_1204 masked %lt3A_1210 : memref<800xi32, #tpu.memory_space<vmem>>[vector<16xi32>], vector<16xi32>, vector<16xi1>
        %get3A_1211 = arith.constant 5 : i32
        %get3A_1212 = arith.index_cast %get3A_1211 : i32 to index
        %get3A_1213 = arith.constant 0 : index
        %get3A_1214 = tpu.vector_load %arg5[%get3A_1212, %get3A_1213] {strides = array<i32>} : memref<16x128xi32, #tpu.memory_space<vmem>>, vector<16xi32>,
        %add3A_1215 = arith.constant 250 : i32
        %add3A_1216 = vector.broadcast %add3A_1215 : i32 to vector<16xi32>
        %add3A_1217 = arith.addi %iota3A, %add3A_1216 : vector<16xi32>
        tpu.vector_store_idx %arg7[%add3A_1217], %get3A_1214 : memref<800xi32, #tpu.memory_space<vmem>>[vector<16xi32>], vector<16xi32>,
        %get3A_1218 = arith.constant 5 : i32
        %get3A_1219 = arith.index_cast %get3A_1218 : i32 to index
        %get3A_1220 = arith.constant 16 : index
        %get3A_1221 = tpu.vector_load %arg5[%get3A_1219, %get3A_1220] {strides = array<i32>} : memref<16x128xi32, #tpu.memory_space<vmem>>, vector<16xi32>,
        %add3A_1222 = arith.constant 266 : i32
        %add3A_1223 = vector.broadcast %add3A_1222 : i32 to vector<16xi32>
        %add3A_1224 = arith.addi %iota3A, %add3A_1223 : vector<16xi32>
        tpu.vector_store_idx %arg7[%add3A_1224], %get3A_1221 : memref<800xi32, #tpu.memory_space<vmem>>[vector<16xi32>], vector<16xi32>,
        %get3A_1225 = arith.constant 5 : i32
        %get3A_1226 = arith.index_cast %get3A_1225 : i32 to index
        %get3A_1227 = arith.constant 32 : index
        %get3A_1228 = tpu.vector_load %arg5[%get3A_1226, %get3A_1227] {strides = array<i32>} : memref<16x128xi32, #tpu.memory_space<vmem>>, vector<16xi32>,
        %add3A_1229 = arith.constant 282 : i32
        %add3A_1230 = vector.broadcast %add3A_1229 : i32 to vector<16xi32>
        %add3A_1231 = arith.addi %iota3A, %add3A_1230 : vector<16xi32>
        tpu.vector_store_idx %arg7[%add3A_1231], %get3A_1228 : memref<800xi32, #tpu.memory_space<vmem>>[vector<16xi32>], vector<16xi32>,
        %get3A_1232 = arith.constant 5 : i32
        %get3A_1233 = arith.index_cast %get3A_1232 : i32 to index
        %get3A_1234 = arith.constant 48 : index
        %get3A_1235 = tpu.vector_load %arg5[%get3A_1233, %get3A_1234] {strides = array<i32>} : memref<16x128xi32, #tpu.memory_space<vmem>>, vector<16xi32>,
        %add3A_1236 = arith.constant 298 : i32
        %add3A_1237 = vector.broadcast %add3A_1236 : i32 to vector<16xi32>
        %add3A_1238 = arith.addi %iota3A, %add3A_1237 : vector<16xi32>
        %lt3A_1239 = arith.constant 2 : i32
        %lt3A_1240 = vector.broadcast %lt3A_1239 : i32 to vector<16xi32>
        %lt3A_1241 = arith.cmpi slt, %iota3A, %lt3A_1240 : vector<16xi32>
        tpu.vector_store_idx %arg7[%add3A_1238], %get3A_1235 masked %lt3A_1241 : memref<800xi32, #tpu.memory_space<vmem>>[vector<16xi32>], vector<16xi32>, vector<16xi1>
        %get3A_1242 = arith.constant 6 : i32
        %get3A_1243 = arith.index_cast %get3A_1242 : i32 to index
        %get3A_1244 = arith.constant 0 : index
        %get3A_1245 = tpu.vector_load %arg5[%get3A_1243, %get3A_1244] {strides = array<i32>} : memref<16x128xi32, #tpu.memory_space<vmem>>, vector<16xi32>,
        %add3A_1246 = arith.constant 300 : i32
        %add3A_1247 = vector.broadcast %add3A_1246 : i32 to vector<16xi32>
        %add3A_1248 = arith.addi %iota3A, %add3A_1247 : vector<16xi32>
        tpu.vector_store_idx %arg7[%add3A_1248], %get3A_1245 : memref<800xi32, #tpu.memory_space<vmem>>[vector<16xi32>], vector<16xi32>,
        %get3A_1249 = arith.constant 6 : i32
        %get3A_1250 = arith.index_cast %get3A_1249 : i32 to index
        %get3A_1251 = arith.constant 16 : index
        %get3A_1252 = tpu.vector_load %arg5[%get3A_1250, %get3A_1251] {strides = array<i32>} : memref<16x128xi32, #tpu.memory_space<vmem>>, vector<16xi32>,
        %add3A_1253 = arith.constant 316 : i32
        %add3A_1254 = vector.broadcast %add3A_1253 : i32 to vector<16xi32>
        %add3A_1255 = arith.addi %iota3A, %add3A_1254 : vector<16xi32>
        tpu.vector_store_idx %arg7[%add3A_1255], %get3A_1252 : memref<800xi32, #tpu.memory_space<vmem>>[vector<16xi32>], vector<16xi32>,
        %get3A_1256 = arith.constant 6 : i32
        %get3A_1257 = arith.index_cast %get3A_1256 : i32 to index
        %get3A_1258 = arith.constant 32 : index
        %get3A_1259 = tpu.vector_load %arg5[%get3A_1257, %get3A_1258] {strides = array<i32>} : memref<16x128xi32, #tpu.memory_space<vmem>>, vector<16xi32>,
        %add3A_1260 = arith.constant 332 : i32
        %add3A_1261 = vector.broadcast %add3A_1260 : i32 to vector<16xi32>
        %add3A_1262 = arith.addi %iota3A, %add3A_1261 : vector<16xi32>
        tpu.vector_store_idx %arg7[%add3A_1262], %get3A_1259 : memref<800xi32, #tpu.memory_space<vmem>>[vector<16xi32>], vector<16xi32>,
        %get3A_1263 = arith.constant 6 : i32
        %get3A_1264 = arith.index_cast %get3A_1263 : i32 to index
        %get3A_1265 = arith.constant 48 : index
        %get3A_1266 = tpu.vector_load %arg5[%get3A_1264, %get3A_1265] {strides = array<i32>} : memref<16x128xi32, #tpu.memory_space<vmem>>, vector<16xi32>,
        %add3A_1267 = arith.constant 348 : i32
        %add3A_1268 = vector.broadcast %add3A_1267 : i32 to vector<16xi32>
        %add3A_1269 = arith.addi %iota3A, %add3A_1268 : vector<16xi32>
        %lt3A_1270 = arith.constant 2 : i32
        %lt3A_1271 = vector.broadcast %lt3A_1270 : i32 to vector<16xi32>
        %lt3A_1272 = arith.cmpi slt, %iota3A, %lt3A_1271 : vector<16xi32>
        tpu.vector_store_idx %arg7[%add3A_1269], %get3A_1266 masked %lt3A_1272 : memref<800xi32, #tpu.memory_space<vmem>>[vector<16xi32>], vector<16xi32>, vector<16xi1>
        %get3A_1273 = arith.constant 7 : i32
        %get3A_1274 = arith.index_cast %get3A_1273 : i32 to index
        %get3A_1275 = arith.constant 0 : index
        %get3A_1276 = tpu.vector_load %arg5[%get3A_1274, %get3A_1275] {strides = array<i32>} : memref<16x128xi32, #tpu.memory_space<vmem>>, vector<16xi32>,
        %add3A_1277 = arith.constant 350 : i32
        %add3A_1278 = vector.broadcast %add3A_1277 : i32 to vector<16xi32>
        %add3A_1279 = arith.addi %iota3A, %add3A_1278 : vector<16xi32>
        tpu.vector_store_idx %arg7[%add3A_1279], %get3A_1276 : memref<800xi32, #tpu.memory_space<vmem>>[vector<16xi32>], vector<16xi32>,
        %get3A_1280 = arith.constant 7 : i32
        %get3A_1281 = arith.index_cast %get3A_1280 : i32 to index
        %get3A_1282 = arith.constant 16 : index
        %get3A_1283 = tpu.vector_load %arg5[%get3A_1281, %get3A_1282] {strides = array<i32>} : memref<16x128xi32, #tpu.memory_space<vmem>>, vector<16xi32>,
        %add3A_1284 = arith.constant 366 : i32
        %add3A_1285 = vector.broadcast %add3A_1284 : i32 to vector<16xi32>
        %add3A_1286 = arith.addi %iota3A, %add3A_1285 : vector<16xi32>
        tpu.vector_store_idx %arg7[%add3A_1286], %get3A_1283 : memref<800xi32, #tpu.memory_space<vmem>>[vector<16xi32>], vector<16xi32>,
        %get3A_1287 = arith.constant 7 : i32
        %get3A_1288 = arith.index_cast %get3A_1287 : i32 to index
        %get3A_1289 = arith.constant 32 : index
        %get3A_1290 = tpu.vector_load %arg5[%get3A_1288, %get3A_1289] {strides = array<i32>} : memref<16x128xi32, #tpu.memory_space<vmem>>, vector<16xi32>,
        %add3A_1291 = arith.constant 382 : i32
        %add3A_1292 = vector.broadcast %add3A_1291 : i32 to vector<16xi32>
        %add3A_1293 = arith.addi %iota3A, %add3A_1292 : vector<16xi32>
        tpu.vector_store_idx %arg7[%add3A_1293], %get3A_1290 : memref<800xi32, #tpu.memory_space<vmem>>[vector<16xi32>], vector<16xi32>,
        %get3A_1294 = arith.constant 7 : i32
        %get3A_1295 = arith.index_cast %get3A_1294 : i32 to index
        %get3A_1296 = arith.constant 48 : index
        %get3A_1297 = tpu.vector_load %arg5[%get3A_1295, %get3A_1296] {strides = array<i32>} : memref<16x128xi32, #tpu.memory_space<vmem>>, vector<16xi32>,
        %add3A_1298 = arith.constant 398 : i32
        %add3A_1299 = vector.broadcast %add3A_1298 : i32 to vector<16xi32>
        %add3A_1300 = arith.addi %iota3A, %add3A_1299 : vector<16xi32>
        %lt3A_1301 = arith.constant 2 : i32
        %lt3A_1302 = vector.broadcast %lt3A_1301 : i32 to vector<16xi32>
        %lt3A_1303 = arith.cmpi slt, %iota3A, %lt3A_1302 : vector<16xi32>
        tpu.vector_store_idx %arg7[%add3A_1300], %get3A_1297 masked %lt3A_1303 : memref<800xi32, #tpu.memory_space<vmem>>[vector<16xi32>], vector<16xi32>, vector<16xi1>
        %get3A_1304 = arith.constant 8 : i32
        %get3A_1305 = arith.index_cast %get3A_1304 : i32 to index
        %get3A_1306 = arith.constant 0 : index
        %get3A_1307 = tpu.vector_load %arg5[%get3A_1305, %get3A_1306] {strides = array<i32>} : memref<16x128xi32, #tpu.memory_space<vmem>>, vector<16xi32>,
        %add3A_1308 = arith.constant 400 : i32
        %add3A_1309 = vector.broadcast %add3A_1308 : i32 to vector<16xi32>
        %add3A_1310 = arith.addi %iota3A, %add3A_1309 : vector<16xi32>
        tpu.vector_store_idx %arg7[%add3A_1310], %get3A_1307 : memref<800xi32, #tpu.memory_space<vmem>>[vector<16xi32>], vector<16xi32>,
        %get3A_1311 = arith.constant 8 : i32
        %get3A_1312 = arith.index_cast %get3A_1311 : i32 to index
        %get3A_1313 = arith.constant 16 : index
        %get3A_1314 = tpu.vector_load %arg5[%get3A_1312, %get3A_1313] {strides = array<i32>} : memref<16x128xi32, #tpu.memory_space<vmem>>, vector<16xi32>,
        %add3A_1315 = arith.constant 416 : i32
        %add3A_1316 = vector.broadcast %add3A_1315 : i32 to vector<16xi32>
        %add3A_1317 = arith.addi %iota3A, %add3A_1316 : vector<16xi32>
        tpu.vector_store_idx %arg7[%add3A_1317], %get3A_1314 : memref<800xi32, #tpu.memory_space<vmem>>[vector<16xi32>], vector<16xi32>,
        %get3A_1318 = arith.constant 8 : i32
        %get3A_1319 = arith.index_cast %get3A_1318 : i32 to index
        %get3A_1320 = arith.constant 32 : index
        %get3A_1321 = tpu.vector_load %arg5[%get3A_1319, %get3A_1320] {strides = array<i32>} : memref<16x128xi32, #tpu.memory_space<vmem>>, vector<16xi32>,
        %add3A_1322 = arith.constant 432 : i32
        %add3A_1323 = vector.broadcast %add3A_1322 : i32 to vector<16xi32>
        %add3A_1324 = arith.addi %iota3A, %add3A_1323 : vector<16xi32>
        tpu.vector_store_idx %arg7[%add3A_1324], %get3A_1321 : memref<800xi32, #tpu.memory_space<vmem>>[vector<16xi32>], vector<16xi32>,
        %get3A_1325 = arith.constant 8 : i32
        %get3A_1326 = arith.index_cast %get3A_1325 : i32 to index
        %get3A_1327 = arith.constant 48 : index
        %get3A_1328 = tpu.vector_load %arg5[%get3A_1326, %get3A_1327] {strides = array<i32>} : memref<16x128xi32, #tpu.memory_space<vmem>>, vector<16xi32>,
        %add3A_1329 = arith.constant 448 : i32
        %add3A_1330 = vector.broadcast %add3A_1329 : i32 to vector<16xi32>
        %add3A_1331 = arith.addi %iota3A, %add3A_1330 : vector<16xi32>
        %lt3A_1332 = arith.constant 2 : i32
        %lt3A_1333 = vector.broadcast %lt3A_1332 : i32 to vector<16xi32>
        %lt3A_1334 = arith.cmpi slt, %iota3A, %lt3A_1333 : vector<16xi32>
        tpu.vector_store_idx %arg7[%add3A_1331], %get3A_1328 masked %lt3A_1334 : memref<800xi32, #tpu.memory_space<vmem>>[vector<16xi32>], vector<16xi32>, vector<16xi1>
        %get3A_1335 = arith.constant 9 : i32
        %get3A_1336 = arith.index_cast %get3A_1335 : i32 to index
        %get3A_1337 = arith.constant 0 : index
        %get3A_1338 = tpu.vector_load %arg5[%get3A_1336, %get3A_1337] {strides = array<i32>} : memref<16x128xi32, #tpu.memory_space<vmem>>, vector<16xi32>,
        %add3A_1339 = arith.constant 450 : i32
        %add3A_1340 = vector.broadcast %add3A_1339 : i32 to vector<16xi32>
        %add3A_1341 = arith.addi %iota3A, %add3A_1340 : vector<16xi32>
        tpu.vector_store_idx %arg7[%add3A_1341], %get3A_1338 : memref<800xi32, #tpu.memory_space<vmem>>[vector<16xi32>], vector<16xi32>,
        %get3A_1342 = arith.constant 9 : i32
        %get3A_1343 = arith.index_cast %get3A_1342 : i32 to index
        %get3A_1344 = arith.constant 16 : index
        %get3A_1345 = tpu.vector_load %arg5[%get3A_1343, %get3A_1344] {strides = array<i32>} : memref<16x128xi32, #tpu.memory_space<vmem>>, vector<16xi32>,
        %add3A_1346 = arith.constant 466 : i32
        %add3A_1347 = vector.broadcast %add3A_1346 : i32 to vector<16xi32>
        %add3A_1348 = arith.addi %iota3A, %add3A_1347 : vector<16xi32>
        tpu.vector_store_idx %arg7[%add3A_1348], %get3A_1345 : memref<800xi32, #tpu.memory_space<vmem>>[vector<16xi32>], vector<16xi32>,
        %get3A_1349 = arith.constant 9 : i32
        %get3A_1350 = arith.index_cast %get3A_1349 : i32 to index
        %get3A_1351 = arith.constant 32 : index
        %get3A_1352 = tpu.vector_load %arg5[%get3A_1350, %get3A_1351] {strides = array<i32>} : memref<16x128xi32, #tpu.memory_space<vmem>>, vector<16xi32>,
        %add3A_1353 = arith.constant 482 : i32
        %add3A_1354 = vector.broadcast %add3A_1353 : i32 to vector<16xi32>
        %add3A_1355 = arith.addi %iota3A, %add3A_1354 : vector<16xi32>
        tpu.vector_store_idx %arg7[%add3A_1355], %get3A_1352 : memref<800xi32, #tpu.memory_space<vmem>>[vector<16xi32>], vector<16xi32>,
        %get3A_1356 = arith.constant 9 : i32
        %get3A_1357 = arith.index_cast %get3A_1356 : i32 to index
        %get3A_1358 = arith.constant 48 : index
        %get3A_1359 = tpu.vector_load %arg5[%get3A_1357, %get3A_1358] {strides = array<i32>} : memref<16x128xi32, #tpu.memory_space<vmem>>, vector<16xi32>,
        %add3A_1360 = arith.constant 498 : i32
        %add3A_1361 = vector.broadcast %add3A_1360 : i32 to vector<16xi32>
        %add3A_1362 = arith.addi %iota3A, %add3A_1361 : vector<16xi32>
        %lt3A_1363 = arith.constant 2 : i32
        %lt3A_1364 = vector.broadcast %lt3A_1363 : i32 to vector<16xi32>
        %lt3A_1365 = arith.cmpi slt, %iota3A, %lt3A_1364 : vector<16xi32>
        tpu.vector_store_idx %arg7[%add3A_1362], %get3A_1359 masked %lt3A_1365 : memref<800xi32, #tpu.memory_space<vmem>>[vector<16xi32>], vector<16xi32>, vector<16xi1>
        %get3A_1366 = arith.constant 10 : i32
        %get3A_1367 = arith.index_cast %get3A_1366 : i32 to index
        %get3A_1368 = arith.constant 0 : index
        %get3A_1369 = tpu.vector_load %arg5[%get3A_1367, %get3A_1368] {strides = array<i32>} : memref<16x128xi32, #tpu.memory_space<vmem>>, vector<16xi32>,
        %add3A_1370 = arith.constant 500 : i32
        %add3A_1371 = vector.broadcast %add3A_1370 : i32 to vector<16xi32>
        %add3A_1372 = arith.addi %iota3A, %add3A_1371 : vector<16xi32>
        tpu.vector_store_idx %arg7[%add3A_1372], %get3A_1369 : memref<800xi32, #tpu.memory_space<vmem>>[vector<16xi32>], vector<16xi32>,
        %get3A_1373 = arith.constant 10 : i32
        %get3A_1374 = arith.index_cast %get3A_1373 : i32 to index
        %get3A_1375 = arith.constant 16 : index
        %get3A_1376 = tpu.vector_load %arg5[%get3A_1374, %get3A_1375] {strides = array<i32>} : memref<16x128xi32, #tpu.memory_space<vmem>>, vector<16xi32>,
        %add3A_1377 = arith.constant 516 : i32
        %add3A_1378 = vector.broadcast %add3A_1377 : i32 to vector<16xi32>
        %add3A_1379 = arith.addi %iota3A, %add3A_1378 : vector<16xi32>
        tpu.vector_store_idx %arg7[%add3A_1379], %get3A_1376 : memref<800xi32, #tpu.memory_space<vmem>>[vector<16xi32>], vector<16xi32>,
        %get3A_1380 = arith.constant 10 : i32
        %get3A_1381 = arith.index_cast %get3A_1380 : i32 to index
        %get3A_1382 = arith.constant 32 : index
        %get3A_1383 = tpu.vector_load %arg5[%get3A_1381, %get3A_1382] {strides = array<i32>} : memref<16x128xi32, #tpu.memory_space<vmem>>, vector<16xi32>,
        %add3A_1384 = arith.constant 532 : i32
        %add3A_1385 = vector.broadcast %add3A_1384 : i32 to vector<16xi32>
        %add3A_1386 = arith.addi %iota3A, %add3A_1385 : vector<16xi32>
        tpu.vector_store_idx %arg7[%add3A_1386], %get3A_1383 : memref<800xi32, #tpu.memory_space<vmem>>[vector<16xi32>], vector<16xi32>,
        %get3A_1387 = arith.constant 10 : i32
        %get3A_1388 = arith.index_cast %get3A_1387 : i32 to index
        %get3A_1389 = arith.constant 48 : index
        %get3A_1390 = tpu.vector_load %arg5[%get3A_1388, %get3A_1389] {strides = array<i32>} : memref<16x128xi32, #tpu.memory_space<vmem>>, vector<16xi32>,
        %add3A_1391 = arith.constant 548 : i32
        %add3A_1392 = vector.broadcast %add3A_1391 : i32 to vector<16xi32>
        %add3A_1393 = arith.addi %iota3A, %add3A_1392 : vector<16xi32>
        %lt3A_1394 = arith.constant 2 : i32
        %lt3A_1395 = vector.broadcast %lt3A_1394 : i32 to vector<16xi32>
        %lt3A_1396 = arith.cmpi slt, %iota3A, %lt3A_1395 : vector<16xi32>
        tpu.vector_store_idx %arg7[%add3A_1393], %get3A_1390 masked %lt3A_1396 : memref<800xi32, #tpu.memory_space<vmem>>[vector<16xi32>], vector<16xi32>, vector<16xi1>
        %get3A_1397 = arith.constant 11 : i32
        %get3A_1398 = arith.index_cast %get3A_1397 : i32 to index
        %get3A_1399 = arith.constant 0 : index
        %get3A_1400 = tpu.vector_load %arg5[%get3A_1398, %get3A_1399] {strides = array<i32>} : memref<16x128xi32, #tpu.memory_space<vmem>>, vector<16xi32>,
        %add3A_1401 = arith.constant 550 : i32
        %add3A_1402 = vector.broadcast %add3A_1401 : i32 to vector<16xi32>
        %add3A_1403 = arith.addi %iota3A, %add3A_1402 : vector<16xi32>
        tpu.vector_store_idx %arg7[%add3A_1403], %get3A_1400 : memref<800xi32, #tpu.memory_space<vmem>>[vector<16xi32>], vector<16xi32>,
        %get3A_1404 = arith.constant 11 : i32
        %get3A_1405 = arith.index_cast %get3A_1404 : i32 to index
        %get3A_1406 = arith.constant 16 : index
        %get3A_1407 = tpu.vector_load %arg5[%get3A_1405, %get3A_1406] {strides = array<i32>} : memref<16x128xi32, #tpu.memory_space<vmem>>, vector<16xi32>,
        %add3A_1408 = arith.constant 566 : i32
        %add3A_1409 = vector.broadcast %add3A_1408 : i32 to vector<16xi32>
        %add3A_1410 = arith.addi %iota3A, %add3A_1409 : vector<16xi32>
        tpu.vector_store_idx %arg7[%add3A_1410], %get3A_1407 : memref<800xi32, #tpu.memory_space<vmem>>[vector<16xi32>], vector<16xi32>,
        %get3A_1411 = arith.constant 11 : i32
        %get3A_1412 = arith.index_cast %get3A_1411 : i32 to index
        %get3A_1413 = arith.constant 32 : index
        %get3A_1414 = tpu.vector_load %arg5[%get3A_1412, %get3A_1413] {strides = array<i32>} : memref<16x128xi32, #tpu.memory_space<vmem>>, vector<16xi32>,
        %add3A_1415 = arith.constant 582 : i32
        %add3A_1416 = vector.broadcast %add3A_1415 : i32 to vector<16xi32>
        %add3A_1417 = arith.addi %iota3A, %add3A_1416 : vector<16xi32>
        tpu.vector_store_idx %arg7[%add3A_1417], %get3A_1414 : memref<800xi32, #tpu.memory_space<vmem>>[vector<16xi32>], vector<16xi32>,
        %get3A_1418 = arith.constant 11 : i32
        %get3A_1419 = arith.index_cast %get3A_1418 : i32 to index
        %get3A_1420 = arith.constant 48 : index
        %get3A_1421 = tpu.vector_load %arg5[%get3A_1419, %get3A_1420] {strides = array<i32>} : memref<16x128xi32, #tpu.memory_space<vmem>>, vector<16xi32>,
        %add3A_1422 = arith.constant 598 : i32
        %add3A_1423 = vector.broadcast %add3A_1422 : i32 to vector<16xi32>
        %add3A_1424 = arith.addi %iota3A, %add3A_1423 : vector<16xi32>
        %lt3A_1425 = arith.constant 2 : i32
        %lt3A_1426 = vector.broadcast %lt3A_1425 : i32 to vector<16xi32>
        %lt3A_1427 = arith.cmpi slt, %iota3A, %lt3A_1426 : vector<16xi32>
        tpu.vector_store_idx %arg7[%add3A_1424], %get3A_1421 masked %lt3A_1427 : memref<800xi32, #tpu.memory_space<vmem>>[vector<16xi32>], vector<16xi32>, vector<16xi1>
        %get3A_1428 = arith.constant 12 : i32
        %get3A_1429 = arith.index_cast %get3A_1428 : i32 to index
        %get3A_1430 = arith.constant 0 : index
        %get3A_1431 = tpu.vector_load %arg5[%get3A_1429, %get3A_1430] {strides = array<i32>} : memref<16x128xi32, #tpu.memory_space<vmem>>, vector<16xi32>,
        %add3A_1432 = arith.constant 600 : i32
        %add3A_1433 = vector.broadcast %add3A_1432 : i32 to vector<16xi32>
        %add3A_1434 = arith.addi %iota3A, %add3A_1433 : vector<16xi32>
        tpu.vector_store_idx %arg7[%add3A_1434], %get3A_1431 : memref<800xi32, #tpu.memory_space<vmem>>[vector<16xi32>], vector<16xi32>,
        %get3A_1435 = arith.constant 12 : i32
        %get3A_1436 = arith.index_cast %get3A_1435 : i32 to index
        %get3A_1437 = arith.constant 16 : index
        %get3A_1438 = tpu.vector_load %arg5[%get3A_1436, %get3A_1437] {strides = array<i32>} : memref<16x128xi32, #tpu.memory_space<vmem>>, vector<16xi32>,
        %add3A_1439 = arith.constant 616 : i32
        %add3A_1440 = vector.broadcast %add3A_1439 : i32 to vector<16xi32>
        %add3A_1441 = arith.addi %iota3A, %add3A_1440 : vector<16xi32>
        tpu.vector_store_idx %arg7[%add3A_1441], %get3A_1438 : memref<800xi32, #tpu.memory_space<vmem>>[vector<16xi32>], vector<16xi32>,
        %get3A_1442 = arith.constant 12 : i32
        %get3A_1443 = arith.index_cast %get3A_1442 : i32 to index
        %get3A_1444 = arith.constant 32 : index
        %get3A_1445 = tpu.vector_load %arg5[%get3A_1443, %get3A_1444] {strides = array<i32>} : memref<16x128xi32, #tpu.memory_space<vmem>>, vector<16xi32>,
        %add3A_1446 = arith.constant 632 : i32
        %add3A_1447 = vector.broadcast %add3A_1446 : i32 to vector<16xi32>
        %add3A_1448 = arith.addi %iota3A, %add3A_1447 : vector<16xi32>
        tpu.vector_store_idx %arg7[%add3A_1448], %get3A_1445 : memref<800xi32, #tpu.memory_space<vmem>>[vector<16xi32>], vector<16xi32>,
        %get3A_1449 = arith.constant 12 : i32
        %get3A_1450 = arith.index_cast %get3A_1449 : i32 to index
        %get3A_1451 = arith.constant 48 : index
        %get3A_1452 = tpu.vector_load %arg5[%get3A_1450, %get3A_1451] {strides = array<i32>} : memref<16x128xi32, #tpu.memory_space<vmem>>, vector<16xi32>,
        %add3A_1453 = arith.constant 648 : i32
        %add3A_1454 = vector.broadcast %add3A_1453 : i32 to vector<16xi32>
        %add3A_1455 = arith.addi %iota3A, %add3A_1454 : vector<16xi32>
        %lt3A_1456 = arith.constant 2 : i32
        %lt3A_1457 = vector.broadcast %lt3A_1456 : i32 to vector<16xi32>
        %lt3A_1458 = arith.cmpi slt, %iota3A, %lt3A_1457 : vector<16xi32>
        tpu.vector_store_idx %arg7[%add3A_1455], %get3A_1452 masked %lt3A_1458 : memref<800xi32, #tpu.memory_space<vmem>>[vector<16xi32>], vector<16xi32>, vector<16xi1>
        %get3A_1459 = arith.constant 13 : i32
        %get3A_1460 = arith.index_cast %get3A_1459 : i32 to index
        %get3A_1461 = arith.constant 0 : index
        %get3A_1462 = tpu.vector_load %arg5[%get3A_1460, %get3A_1461] {strides = array<i32>} : memref<16x128xi32, #tpu.memory_space<vmem>>, vector<16xi32>,
        %add3A_1463 = arith.constant 650 : i32
        %add3A_1464 = vector.broadcast %add3A_1463 : i32 to vector<16xi32>
        %add3A_1465 = arith.addi %iota3A, %add3A_1464 : vector<16xi32>
        tpu.vector_store_idx %arg7[%add3A_1465], %get3A_1462 : memref<800xi32, #tpu.memory_space<vmem>>[vector<16xi32>], vector<16xi32>,
        %get3A_1466 = arith.constant 13 : i32
        %get3A_1467 = arith.index_cast %get3A_1466 : i32 to index
        %get3A_1468 = arith.constant 16 : index
        %get3A_1469 = tpu.vector_load %arg5[%get3A_1467, %get3A_1468] {strides = array<i32>} : memref<16x128xi32, #tpu.memory_space<vmem>>, vector<16xi32>,
        %add3A_1470 = arith.constant 666 : i32
        %add3A_1471 = vector.broadcast %add3A_1470 : i32 to vector<16xi32>
        %add3A_1472 = arith.addi %iota3A, %add3A_1471 : vector<16xi32>
        tpu.vector_store_idx %arg7[%add3A_1472], %get3A_1469 : memref<800xi32, #tpu.memory_space<vmem>>[vector<16xi32>], vector<16xi32>,
        %get3A_1473 = arith.constant 13 : i32
        %get3A_1474 = arith.index_cast %get3A_1473 : i32 to index
        %get3A_1475 = arith.constant 32 : index
        %get3A_1476 = tpu.vector_load %arg5[%get3A_1474, %get3A_1475] {strides = array<i32>} : memref<16x128xi32, #tpu.memory_space<vmem>>, vector<16xi32>,
        %add3A_1477 = arith.constant 682 : i32
        %add3A_1478 = vector.broadcast %add3A_1477 : i32 to vector<16xi32>
        %add3A_1479 = arith.addi %iota3A, %add3A_1478 : vector<16xi32>
        tpu.vector_store_idx %arg7[%add3A_1479], %get3A_1476 : memref<800xi32, #tpu.memory_space<vmem>>[vector<16xi32>], vector<16xi32>,
        %get3A_1480 = arith.constant 13 : i32
        %get3A_1481 = arith.index_cast %get3A_1480 : i32 to index
        %get3A_1482 = arith.constant 48 : index
        %get3A_1483 = tpu.vector_load %arg5[%get3A_1481, %get3A_1482] {strides = array<i32>} : memref<16x128xi32, #tpu.memory_space<vmem>>, vector<16xi32>,
        %add3A_1484 = arith.constant 698 : i32
        %add3A_1485 = vector.broadcast %add3A_1484 : i32 to vector<16xi32>
        %add3A_1486 = arith.addi %iota3A, %add3A_1485 : vector<16xi32>
        %lt3A_1487 = arith.constant 2 : i32
        %lt3A_1488 = vector.broadcast %lt3A_1487 : i32 to vector<16xi32>
        %lt3A_1489 = arith.cmpi slt, %iota3A, %lt3A_1488 : vector<16xi32>
        tpu.vector_store_idx %arg7[%add3A_1486], %get3A_1483 masked %lt3A_1489 : memref<800xi32, #tpu.memory_space<vmem>>[vector<16xi32>], vector<16xi32>, vector<16xi1>
        %get3A_1490 = arith.constant 14 : i32
        %get3A_1491 = arith.index_cast %get3A_1490 : i32 to index
        %get3A_1492 = arith.constant 0 : index
        %get3A_1493 = tpu.vector_load %arg5[%get3A_1491, %get3A_1492] {strides = array<i32>} : memref<16x128xi32, #tpu.memory_space<vmem>>, vector<16xi32>,
        %add3A_1494 = arith.constant 700 : i32
        %add3A_1495 = vector.broadcast %add3A_1494 : i32 to vector<16xi32>
        %add3A_1496 = arith.addi %iota3A, %add3A_1495 : vector<16xi32>
        tpu.vector_store_idx %arg7[%add3A_1496], %get3A_1493 : memref<800xi32, #tpu.memory_space<vmem>>[vector<16xi32>], vector<16xi32>,
        %get3A_1497 = arith.constant 14 : i32
        %get3A_1498 = arith.index_cast %get3A_1497 : i32 to index
        %get3A_1499 = arith.constant 16 : index
        %get3A_1500 = tpu.vector_load %arg5[%get3A_1498, %get3A_1499] {strides = array<i32>} : memref<16x128xi32, #tpu.memory_space<vmem>>, vector<16xi32>,
        %add3A_1501 = arith.constant 716 : i32
        %add3A_1502 = vector.broadcast %add3A_1501 : i32 to vector<16xi32>
        %add3A_1503 = arith.addi %iota3A, %add3A_1502 : vector<16xi32>
        tpu.vector_store_idx %arg7[%add3A_1503], %get3A_1500 : memref<800xi32, #tpu.memory_space<vmem>>[vector<16xi32>], vector<16xi32>,
        %get3A_1504 = arith.constant 14 : i32
        %get3A_1505 = arith.index_cast %get3A_1504 : i32 to index
        %get3A_1506 = arith.constant 32 : index
        %get3A_1507 = tpu.vector_load %arg5[%get3A_1505, %get3A_1506] {strides = array<i32>} : memref<16x128xi32, #tpu.memory_space<vmem>>, vector<16xi32>,
        %add3A_1508 = arith.constant 732 : i32
        %add3A_1509 = vector.broadcast %add3A_1508 : i32 to vector<16xi32>
        %add3A_1510 = arith.addi %iota3A, %add3A_1509 : vector<16xi32>
        tpu.vector_store_idx %arg7[%add3A_1510], %get3A_1507 : memref<800xi32, #tpu.memory_space<vmem>>[vector<16xi32>], vector<16xi32>,
        %get3A_1511 = arith.constant 14 : i32
        %get3A_1512 = arith.index_cast %get3A_1511 : i32 to index
        %get3A_1513 = arith.constant 48 : index
        %get3A_1514 = tpu.vector_load %arg5[%get3A_1512, %get3A_1513] {strides = array<i32>} : memref<16x128xi32, #tpu.memory_space<vmem>>, vector<16xi32>,
        %add3A_1515 = arith.constant 748 : i32
        %add3A_1516 = vector.broadcast %add3A_1515 : i32 to vector<16xi32>
        %add3A_1517 = arith.addi %iota3A, %add3A_1516 : vector<16xi32>
        %lt3A_1518 = arith.constant 2 : i32
        %lt3A_1519 = vector.broadcast %lt3A_1518 : i32 to vector<16xi32>
        %lt3A_1520 = arith.cmpi slt, %iota3A, %lt3A_1519 : vector<16xi32>
        tpu.vector_store_idx %arg7[%add3A_1517], %get3A_1514 masked %lt3A_1520 : memref<800xi32, #tpu.memory_space<vmem>>[vector<16xi32>], vector<16xi32>, vector<16xi1>
        %get3A_1521 = arith.constant 15 : i32
        %get3A_1522 = arith.index_cast %get3A_1521 : i32 to index
        %get3A_1523 = arith.constant 0 : index
        %get3A_1524 = tpu.vector_load %arg5[%get3A_1522, %get3A_1523] {strides = array<i32>} : memref<16x128xi32, #tpu.memory_space<vmem>>, vector<16xi32>,
        %add3A_1525 = arith.constant 750 : i32
        %add3A_1526 = vector.broadcast %add3A_1525 : i32 to vector<16xi32>
        %add3A_1527 = arith.addi %iota3A, %add3A_1526 : vector<16xi32>
        tpu.vector_store_idx %arg7[%add3A_1527], %get3A_1524 : memref<800xi32, #tpu.memory_space<vmem>>[vector<16xi32>], vector<16xi32>,
        %get3A_1528 = arith.constant 15 : i32
        %get3A_1529 = arith.index_cast %get3A_1528 : i32 to index
        %get3A_1530 = arith.constant 16 : index
        %get3A_1531 = tpu.vector_load %arg5[%get3A_1529, %get3A_1530] {strides = array<i32>} : memref<16x128xi32, #tpu.memory_space<vmem>>, vector<16xi32>,
        %add3A_1532 = arith.constant 766 : i32
        %add3A_1533 = vector.broadcast %add3A_1532 : i32 to vector<16xi32>
        %add3A_1534 = arith.addi %iota3A, %add3A_1533 : vector<16xi32>
        tpu.vector_store_idx %arg7[%add3A_1534], %get3A_1531 : memref<800xi32, #tpu.memory_space<vmem>>[vector<16xi32>], vector<16xi32>,
        %get3A_1535 = arith.constant 15 : i32
        %get3A_1536 = arith.index_cast %get3A_1535 : i32 to index
        %get3A_1537 = arith.constant 32 : index
        %get3A_1538 = tpu.vector_load %arg5[%get3A_1536, %get3A_1537] {strides = array<i32>} : memref<16x128xi32, #tpu.memory_space<vmem>>, vector<16xi32>,
        %add3A_1539 = arith.constant 782 : i32
        %add3A_1540 = vector.broadcast %add3A_1539 : i32 to vector<16xi32>
        %add3A_1541 = arith.addi %iota3A, %add3A_1540 : vector<16xi32>
        tpu.vector_store_idx %arg7[%add3A_1541], %get3A_1538 : memref<800xi32, #tpu.memory_space<vmem>>[vector<16xi32>], vector<16xi32>,
        %get3A_1542 = arith.constant 15 : i32
        %get3A_1543 = arith.index_cast %get3A_1542 : i32 to index
        %get3A_1544 = arith.constant 48 : index
        %get3A_1545 = tpu.vector_load %arg5[%get3A_1543, %get3A_1544] {strides = array<i32>} : memref<16x128xi32, #tpu.memory_space<vmem>>, vector<16xi32>,
        %add3A_1546 = arith.constant 798 : i32
        %add3A_1547 = vector.broadcast %add3A_1546 : i32 to vector<16xi32>
        %add3A_1548 = arith.addi %iota3A, %add3A_1547 : vector<16xi32>
        %lt3A_1549 = arith.constant 2 : i32
        %lt3A_1550 = vector.broadcast %lt3A_1549 : i32 to vector<16xi32>
        %lt3A_1551 = arith.cmpi slt, %iota3A, %lt3A_1550 : vector<16xi32>
        tpu.vector_store_idx %arg7[%add3A_1548], %get3A_1545 masked %lt3A_1551 : memref<800xi32, #tpu.memory_space<vmem>>[vector<16xi32>], vector<16xi32>, vector<16xi1>
        %dma_start3A_1552 = arith.constant 0 : i32
        %dma_start3A_1553 = arith.constant 0 : i32
        %dma_start3A_1554 = tpu.memref_slice %arg3[%dma_start3A_1552, %dma_start3A_1553] : memref<1000000x64xf32, #tpu.memory_space<hbm>> -> memref<1000000x64xf32, #tpu.memory_space<hbm>>
        tpu.enqueue_indirect_dma source(%dma_start3A_1554 : memref<1000000x64xf32, #tpu.memory_space<hbm>>) target(%arg9 : memref<800x64xf32, #tpu.memory_space<vmem>>) offsets(%arg7 : memref<800xi32, #tpu.memory_space<vmem>>) semaphore(%arg13 : memref<!tpu.dma_semaphore, #tpu.memory_space<semaphore_mem>>)
      } else {
      }
      %add3A_1033 = arith.constant 1 : i32
      %add3A_1034 = arith.addi %mul3A_508, %add3A_1033 : i32
      %mul3A_1035 = arith.constant 512 : i32
      %mul3A_1036 = arith.muli %add3A, %mul3A_1035 : i32
      %mul3A_1037 = arith.constant 16 : i32
      %mul3A_1038 = arith.muli %add3A_1034, %mul3A_1037 : i32
      %add3A_1039 = arith.addi %mul3A_1036, %mul3A_1038 : i32
      %dma_wait3A_1040 = arith.constant 0 : i32
      %dma_wait3A_1041 = arith.constant 0 : i32
      %dma_wait3A_1042 = tpu.memref_slice %arg3[%dma_wait3A_1040, %dma_wait3A_1041] : memref<1000000x64xf32, #tpu.memory_space<hbm>> -> memref<1000000x64xf32, #tpu.memory_space<hbm>>
      tpu.wait_indirect_dma semaphore(%arg13 : memref<!tpu.dma_semaphore, #tpu.memory_space<semaphore_mem>>) src(%dma_wait3A_1042 : memref<1000000x64xf32, #tpu.memory_space<hbm>>) dst(%arg10 : memref<800x64xf32, #tpu.memory_space<vmem>>)
      %scan3A_1043 = arith.constant 0 : i32
      %scan3A_1044 = arith.constant 0 : i32
      %scan3A_1045 = arith.constant 16 : i32
      %scan3A_1046 = arith.addi %scan3A_1044, %scan3A_1045 : i32
      %scan3A_1047 = arith.constant 1 : i32
      scf.for %scan3A_1049 = %scan3A_1044 to %scan3A_1046 step %scan3A_1047  : i32 {
        %mul3A_1050 = arith.constant 50 : i32
        %mul3A_1051 = arith.muli %scan3A_1049, %mul3A_1050 : i32
        %get3A_1052 = arith.index_cast %mul3A_1051 : i32 to index
        %get3A_1053 = arith.constant 0 : index
        %get3A_1054 = tpu.vector_load %arg10[%get3A_1052, %get3A_1053] {strides = array<i32>} : memref<800x64xf32, #tpu.memory_space<vmem>>, vector<16xf32>,
        %mul3A_1055 = arith.constant 50 : i32
        %mul3A_1056 = arith.muli %scan3A_1049, %mul3A_1055 : i32
        %get3A_1057 = arith.index_cast %mul3A_1056 : i32 to index
        %get3A_1058 = arith.constant 16 : index
        %get3A_1059 = tpu.vector_load %arg10[%get3A_1057, %get3A_1058] {strides = array<i32>} : memref<800x64xf32, #tpu.memory_space<vmem>>, vector<16xf32>,
        %mul3A_1060 = arith.constant 50 : i32
        %mul3A_1061 = arith.muli %scan3A_1049, %mul3A_1060 : i32
        %get3A_1062 = arith.index_cast %mul3A_1061 : i32 to index
        %get3A_1063 = arith.constant 32 : index
        %get3A_1064 = tpu.vector_load %arg10[%get3A_1062, %get3A_1063] {strides = array<i32>} : memref<800x64xf32, #tpu.memory_space<vmem>>, vector<16xf32>,
        %mul3A_1065 = arith.constant 50 : i32
        %mul3A_1066 = arith.muli %scan3A_1049, %mul3A_1065 : i32
        %get3A_1067 = arith.index_cast %mul3A_1066 : i32 to index
        %get3A_1068 = arith.constant 48 : index
        %get3A_1069 = tpu.vector_load %arg10[%get3A_1067, %get3A_1068] {strides = array<i32>} : memref<800x64xf32, #tpu.memory_space<vmem>>, vector<16xf32>,
        %mul3A_1070 = arith.constant 50 : i32
        %mul3A_1071 = arith.muli %scan3A_1049, %mul3A_1070 : i32
        %add3A_1072 = arith.constant 1 : i32
        %add3A_1073 = arith.addi %mul3A_1071, %add3A_1072 : i32
        %get3A_1074 = arith.index_cast %add3A_1073 : i32 to index
        %get3A_1075 = arith.constant 0 : index
        %get3A_1076 = tpu.vector_load %arg10[%get3A_1074, %get3A_1075] {strides = array<i32>} : memref<800x64xf32, #tpu.memory_space<vmem>>, vector<16xf32>,
        %add3A_1077 = arith.addf %get3A_1054, %get3A_1076 : vector<16xf32>
        %mul3A_1078 = arith.constant 50 : i32
        %mul3A_1079 = arith.muli %scan3A_1049, %mul3A_1078 : i32
        %add3A_1080 = arith.constant 1 : i32
        %add3A_1081 = arith.addi %mul3A_1079, %add3A_1080 : i32
        %get3A_1082 = arith.index_cast %add3A_1081 : i32 to index
        %get3A_1083 = arith.constant 16 : index
        %get3A_1084 = tpu.vector_load %arg10[%get3A_1082, %get3A_1083] {strides = array<i32>} : memref<800x64xf32, #tpu.memory_space<vmem>>, vector<16xf32>,
        %add3A_1085 = arith.addf %get3A_1059, %get3A_1084 : vector<16xf32>
        %mul3A_1086 = arith.constant 50 : i32
        %mul3A_1087 = arith.muli %scan3A_1049, %mul3A_1086 : i32
        %add3A_1088 = arith.constant 1 : i32
        %add3A_1089 = arith.addi %mul3A_1087, %add3A_1088 : i32
        %get3A_1090 = arith.index_cast %add3A_1089 : i32 to index
        %get3A_1091 = arith.constant 32 : index
        %get3A_1092 = tpu.vector_load %arg10[%get3A_1090, %get3A_1091] {strides = array<i32>} : memref<800x64xf32, #tpu.memory_space<vmem>>, vector<16xf32>,
        %add3A_1093 = arith.addf %get3A_1064, %get3A_1092 : vector<16xf32>
        %mul3A_1094 = arith.constant 50 : i32
        %mul3A_1095 = arith.muli %scan3A_1049, %mul3A_1094 : i32
        %add3A_1096 = arith.constant 1 : i32
        %add3A_1097 = arith.addi %mul3A_1095, %add3A_1096 : i32
        %get3A_1098 = arith.index_cast %add3A_1097 : i32 to index
        %get3A_1099 = arith.constant 48 : index
        %get3A_1100 = tpu.vector_load %arg10[%get3A_1098, %get3A_1099] {strides = array<i32>} : memref<800x64xf32, #tpu.memory_space<vmem>>, vector<16xf32>,
        %add3A_1101 = arith.addf %get3A_1069, %get3A_1100 : vector<16xf32>
        %mul3A_1102 = arith.constant 50 : i32
        %mul3A_1103 = arith.muli %scan3A_1049, %mul3A_1102 : i32
        %add3A_1104 = arith.constant 2 : i32
        %add3A_1105 = arith.addi %mul3A_1103, %add3A_1104 : i32
        %get3A_1106 = arith.index_cast %add3A_1105 : i32 to index
        %get3A_1107 = arith.constant 0 : index
        %get3A_1108 = tpu.vector_load %arg10[%get3A_1106, %get3A_1107] {strides = array<i32>} : memref<800x64xf32, #tpu.memory_space<vmem>>, vector<16xf32>,
        %add3A_1109 = arith.addf %add3A_1077, %get3A_1108 : vector<16xf32>
        %mul3A_1110 = arith.constant 50 : i32
        %mul3A_1111 = arith.muli %scan3A_1049, %mul3A_1110 : i32
        %add3A_1112 = arith.constant 2 : i32
        %add3A_1113 = arith.addi %mul3A_1111, %add3A_1112 : i32
        %get3A_1114 = arith.index_cast %add3A_1113 : i32 to index
        %get3A_1115 = arith.constant 16 : index
        %get3A_1116 = tpu.vector_load %arg10[%get3A_1114, %get3A_1115] {strides = array<i32>} : memref<800x64xf32, #tpu.memory_space<vmem>>, vector<16xf32>,
        %add3A_1117 = arith.addf %add3A_1085, %get3A_1116 : vector<16xf32>
        %mul3A_1118 = arith.constant 50 : i32
        %mul3A_1119 = arith.muli %scan3A_1049, %mul3A_1118 : i32
        %add3A_1120 = arith.constant 2 : i32
        %add3A_1121 = arith.addi %mul3A_1119, %add3A_1120 : i32
        %get3A_1122 = arith.index_cast %add3A_1121 : i32 to index
        %get3A_1123 = arith.constant 32 : index
        %get3A_1124 = tpu.vector_load %arg10[%get3A_1122, %get3A_1123] {strides = array<i32>} : memref<800x64xf32, #tpu.memory_space<vmem>>, vector<16xf32>,
        %add3A_1125 = arith.addf %add3A_1093, %get3A_1124 : vector<16xf32>
        %mul3A_1126 = arith.constant 50 : i32
        %mul3A_1127 = arith.muli %scan3A_1049, %mul3A_1126 : i32
        %add3A_1128 = arith.constant 2 : i32
        %add3A_1129 = arith.addi %mul3A_1127, %add3A_1128 : i32
        %get3A_1130 = arith.index_cast %add3A_1129 : i32 to index
        %get3A_1131 = arith.constant 48 : index
        %get3A_1132 = tpu.vector_load %arg10[%get3A_1130, %get3A_1131] {strides = array<i32>} : memref<800x64xf32, #tpu.memory_space<vmem>>, vector<16xf32>,
        %add3A_1133 = arith.addf %add3A_1101, %get3A_1132 : vector<16xf32>
        %mul3A_1134 = arith.constant 50 : i32
        %mul3A_1135 = arith.muli %scan3A_1049, %mul3A_1134 : i32
        %add3A_1136 = arith.constant 3 : i32
        %add3A_1137 = arith.addi %mul3A_1135, %add3A_1136 : i32
        %get3A_1138 = arith.index_cast %add3A_1137 : i32 to index
        %get3A_1139 = arith.constant 0 : index
        %get3A_1140 = tpu.vector_load %arg10[%get3A_1138, %get3A_1139] {strides = array<i32>} : memref<800x64xf32, #tpu.memory_space<vmem>>, vector<16xf32>,
        %add3A_1141 = arith.addf %add3A_1109, %get3A_1140 : vector<16xf32>
        %mul3A_1142 = arith.constant 50 : i32
        %mul3A_1143 = arith.muli %scan3A_1049, %mul3A_1142 : i32
        %add3A_1144 = arith.constant 3 : i32
        %add3A_1145 = arith.addi %mul3A_1143, %add3A_1144 : i32
        %get3A_1146 = arith.index_cast %add3A_1145 : i32 to index
        %get3A_1147 = arith.constant 16 : index
        %get3A_1148 = tpu.vector_load %arg10[%get3A_1146, %get3A_1147] {strides = array<i32>} : memref<800x64xf32, #tpu.memory_space<vmem>>, vector<16xf32>,
        %add3A_1149 = arith.addf %add3A_1117, %get3A_1148 : vector<16xf32>
        %mul3A_1150 = arith.constant 50 : i32
        %mul3A_1151 = arith.muli %scan3A_1049, %mul3A_1150 : i32
        %add3A_1152 = arith.constant 3 : i32
        %add3A_1153 = arith.addi %mul3A_1151, %add3A_1152 : i32
        %get3A_1154 = arith.index_cast %add3A_1153 : i32 to index
        %get3A_1155 = arith.constant 32 : index
        %get3A_1156 = tpu.vector_load %arg10[%get3A_1154, %get3A_1155] {strides = array<i32>} : memref<800x64xf32, #tpu.memory_space<vmem>>, vector<16xf32>,
        %add3A_1157 = arith.addf %add3A_1125, %get3A_1156 : vector<16xf32>
        %mul3A_1158 = arith.constant 50 : i32
        %mul3A_1159 = arith.muli %scan3A_1049, %mul3A_1158 : i32
        %add3A_1160 = arith.constant 3 : i32
        %add3A_1161 = arith.addi %mul3A_1159, %add3A_1160 : i32
        %get3A_1162 = arith.index_cast %add3A_1161 : i32 to index
        %get3A_1163 = arith.constant 48 : index
        %get3A_1164 = tpu.vector_load %arg10[%get3A_1162, %get3A_1163] {strides = array<i32>} : memref<800x64xf32, #tpu.memory_space<vmem>>, vector<16xf32>,
        %add3A_1165 = arith.addf %add3A_1133, %get3A_1164 : vector<16xf32>
        %mul3A_1166 = arith.constant 50 : i32
        %mul3A_1167 = arith.muli %scan3A_1049, %mul3A_1166 : i32
        %add3A_1168 = arith.constant 4 : i32
        %add3A_1169 = arith.addi %mul3A_1167, %add3A_1168 : i32
        %get3A_1170 = arith.index_cast %add3A_1169 : i32 to index
        %get3A_1171 = arith.constant 0 : index
        %get3A_1172 = tpu.vector_load %arg10[%get3A_1170, %get3A_1171] {strides = array<i32>} : memref<800x64xf32, #tpu.memory_space<vmem>>, vector<16xf32>,
        %add3A_1173 = arith.addf %add3A_1141, %get3A_1172 : vector<16xf32>
        %mul3A_1174 = arith.constant 50 : i32
        %mul3A_1175 = arith.muli %scan3A_1049, %mul3A_1174 : i32
        %add3A_1176 = arith.constant 4 : i32
        %add3A_1177 = arith.addi %mul3A_1175, %add3A_1176 : i32
        %get3A_1178 = arith.index_cast %add3A_1177 : i32 to index
        %get3A_1179 = arith.constant 16 : index
        %get3A_1180 = tpu.vector_load %arg10[%get3A_1178, %get3A_1179] {strides = array<i32>} : memref<800x64xf32, #tpu.memory_space<vmem>>, vector<16xf32>,
        %add3A_1181 = arith.addf %add3A_1149, %get3A_1180 : vector<16xf32>
        %mul3A_1182 = arith.constant 50 : i32
        %mul3A_1183 = arith.muli %scan3A_1049, %mul3A_1182 : i32
        %add3A_1184 = arith.constant 4 : i32
        %add3A_1185 = arith.addi %mul3A_1183, %add3A_1184 : i32
        %get3A_1186 = arith.index_cast %add3A_1185 : i32 to index
        %get3A_1187 = arith.constant 32 : index
        %get3A_1188 = tpu.vector_load %arg10[%get3A_1186, %get3A_1187] {strides = array<i32>} : memref<800x64xf32, #tpu.memory_space<vmem>>, vector<16xf32>,
        %add3A_1189 = arith.addf %add3A_1157, %get3A_1188 : vector<16xf32>
        %mul3A_1190 = arith.constant 50 : i32
        %mul3A_1191 = arith.muli %scan3A_1049, %mul3A_1190 : i32
        %add3A_1192 = arith.constant 4 : i32
        %add3A_1193 = arith.addi %mul3A_1191, %add3A_1192 : i32
        %get3A_1194 = arith.index_cast %add3A_1193 : i32 to index
        %get3A_1195 = arith.constant 48 : index
        %get3A_1196 = tpu.vector_load %arg10[%get3A_1194, %get3A_1195] {strides = array<i32>} : memref<800x64xf32, #tpu.memory_space<vmem>>, vector<16xf32>,
        %add3A_1197 = arith.addf %add3A_1165, %get3A_1196 : vector<16xf32>
        %mul3A_1198 = arith.constant 50 : i32
        %mul3A_1199 = arith.muli %scan3A_1049, %mul3A_1198 : i32
        %add3A_1200 = arith.constant 5 : i32
        %add3A_1201 = arith.addi %mul3A_1199, %add3A_1200 : i32
        %get3A_1202 = arith.index_cast %add3A_1201 : i32 to index
        %get3A_1203 = arith.constant 0 : index
        %get3A_1204 = tpu.vector_load %arg10[%get3A_1202, %get3A_1203] {strides = array<i32>} : memref<800x64xf32, #tpu.memory_space<vmem>>, vector<16xf32>,
        %add3A_1205 = arith.addf %add3A_1173, %get3A_1204 : vector<16xf32>
        %mul3A_1206 = arith.constant 50 : i32
        %mul3A_1207 = arith.muli %scan3A_1049, %mul3A_1206 : i32
        %add3A_1208 = arith.constant 5 : i32
        %add3A_1209 = arith.addi %mul3A_1207, %add3A_1208 : i32
        %get3A_1210 = arith.index_cast %add3A_1209 : i32 to index
        %get3A_1211 = arith.constant 16 : index
        %get3A_1212 = tpu.vector_load %arg10[%get3A_1210, %get3A_1211] {strides = array<i32>} : memref<800x64xf32, #tpu.memory_space<vmem>>, vector<16xf32>,
        %add3A_1213 = arith.addf %add3A_1181, %get3A_1212 : vector<16xf32>
        %mul3A_1214 = arith.constant 50 : i32
        %mul3A_1215 = arith.muli %scan3A_1049, %mul3A_1214 : i32
        %add3A_1216 = arith.constant 5 : i32
        %add3A_1217 = arith.addi %mul3A_1215, %add3A_1216 : i32
        %get3A_1218 = arith.index_cast %add3A_1217 : i32 to index
        %get3A_1219 = arith.constant 32 : index
        %get3A_1220 = tpu.vector_load %arg10[%get3A_1218, %get3A_1219] {strides = array<i32>} : memref<800x64xf32, #tpu.memory_space<vmem>>, vector<16xf32>,
        %add3A_1221 = arith.addf %add3A_1189, %get3A_1220 : vector<16xf32>
        %mul3A_1222 = arith.constant 50 : i32
        %mul3A_1223 = arith.muli %scan3A_1049, %mul3A_1222 : i32
        %add3A_1224 = arith.constant 5 : i32
        %add3A_1225 = arith.addi %mul3A_1223, %add3A_1224 : i32
        %get3A_1226 = arith.index_cast %add3A_1225 : i32 to index
        %get3A_1227 = arith.constant 48 : index
        %get3A_1228 = tpu.vector_load %arg10[%get3A_1226, %get3A_1227] {strides = array<i32>} : memref<800x64xf32, #tpu.memory_space<vmem>>, vector<16xf32>,
        %add3A_1229 = arith.addf %add3A_1197, %get3A_1228 : vector<16xf32>
        %mul3A_1230 = arith.constant 50 : i32
        %mul3A_1231 = arith.muli %scan3A_1049, %mul3A_1230 : i32
        %add3A_1232 = arith.constant 6 : i32
        %add3A_1233 = arith.addi %mul3A_1231, %add3A_1232 : i32
        %get3A_1234 = arith.index_cast %add3A_1233 : i32 to index
        %get3A_1235 = arith.constant 0 : index
        %get3A_1236 = tpu.vector_load %arg10[%get3A_1234, %get3A_1235] {strides = array<i32>} : memref<800x64xf32, #tpu.memory_space<vmem>>, vector<16xf32>,
        %add3A_1237 = arith.addf %add3A_1205, %get3A_1236 : vector<16xf32>
        %mul3A_1238 = arith.constant 50 : i32
        %mul3A_1239 = arith.muli %scan3A_1049, %mul3A_1238 : i32
        %add3A_1240 = arith.constant 6 : i32
        %add3A_1241 = arith.addi %mul3A_1239, %add3A_1240 : i32
        %get3A_1242 = arith.index_cast %add3A_1241 : i32 to index
        %get3A_1243 = arith.constant 16 : index
        %get3A_1244 = tpu.vector_load %arg10[%get3A_1242, %get3A_1243] {strides = array<i32>} : memref<800x64xf32, #tpu.memory_space<vmem>>, vector<16xf32>,
        %add3A_1245 = arith.addf %add3A_1213, %get3A_1244 : vector<16xf32>
        %mul3A_1246 = arith.constant 50 : i32
        %mul3A_1247 = arith.muli %scan3A_1049, %mul3A_1246 : i32
        %add3A_1248 = arith.constant 6 : i32
        %add3A_1249 = arith.addi %mul3A_1247, %add3A_1248 : i32
        %get3A_1250 = arith.index_cast %add3A_1249 : i32 to index
        %get3A_1251 = arith.constant 32 : index
        %get3A_1252 = tpu.vector_load %arg10[%get3A_1250, %get3A_1251] {strides = array<i32>} : memref<800x64xf32, #tpu.memory_space<vmem>>, vector<16xf32>,
        %add3A_1253 = arith.addf %add3A_1221, %get3A_1252 : vector<16xf32>
        %mul3A_1254 = arith.constant 50 : i32
        %mul3A_1255 = arith.muli %scan3A_1049, %mul3A_1254 : i32
        %add3A_1256 = arith.constant 6 : i32
        %add3A_1257 = arith.addi %mul3A_1255, %add3A_1256 : i32
        %get3A_1258 = arith.index_cast %add3A_1257 : i32 to index
        %get3A_1259 = arith.constant 48 : index
        %get3A_1260 = tpu.vector_load %arg10[%get3A_1258, %get3A_1259] {strides = array<i32>} : memref<800x64xf32, #tpu.memory_space<vmem>>, vector<16xf32>,
        %add3A_1261 = arith.addf %add3A_1229, %get3A_1260 : vector<16xf32>
        %mul3A_1262 = arith.constant 50 : i32
        %mul3A_1263 = arith.muli %scan3A_1049, %mul3A_1262 : i32
        %add3A_1264 = arith.constant 7 : i32
        %add3A_1265 = arith.addi %mul3A_1263, %add3A_1264 : i32
        %get3A_1266 = arith.index_cast %add3A_1265 : i32 to index
        %get3A_1267 = arith.constant 0 : index
        %get3A_1268 = tpu.vector_load %arg10[%get3A_1266, %get3A_1267] {strides = array<i32>} : memref<800x64xf32, #tpu.memory_space<vmem>>, vector<16xf32>,
        %add3A_1269 = arith.addf %add3A_1237, %get3A_1268 : vector<16xf32>
        %mul3A_1270 = arith.constant 50 : i32
        %mul3A_1271 = arith.muli %scan3A_1049, %mul3A_1270 : i32
        %add3A_1272 = arith.constant 7 : i32
        %add3A_1273 = arith.addi %mul3A_1271, %add3A_1272 : i32
        %get3A_1274 = arith.index_cast %add3A_1273 : i32 to index
        %get3A_1275 = arith.constant 16 : index
        %get3A_1276 = tpu.vector_load %arg10[%get3A_1274, %get3A_1275] {strides = array<i32>} : memref<800x64xf32, #tpu.memory_space<vmem>>, vector<16xf32>,
        %add3A_1277 = arith.addf %add3A_1245, %get3A_1276 : vector<16xf32>
        %mul3A_1278 = arith.constant 50 : i32
        %mul3A_1279 = arith.muli %scan3A_1049, %mul3A_1278 : i32
        %add3A_1280 = arith.constant 7 : i32
        %add3A_1281 = arith.addi %mul3A_1279, %add3A_1280 : i32
        %get3A_1282 = arith.index_cast %add3A_1281 : i32 to index
        %get3A_1283 = arith.constant 32 : index
        %get3A_1284 = tpu.vector_load %arg10[%get3A_1282, %get3A_1283] {strides = array<i32>} : memref<800x64xf32, #tpu.memory_space<vmem>>, vector<16xf32>,
        %add3A_1285 = arith.addf %add3A_1253, %get3A_1284 : vector<16xf32>
        %mul3A_1286 = arith.constant 50 : i32
        %mul3A_1287 = arith.muli %scan3A_1049, %mul3A_1286 : i32
        %add3A_1288 = arith.constant 7 : i32
        %add3A_1289 = arith.addi %mul3A_1287, %add3A_1288 : i32
        %get3A_1290 = arith.index_cast %add3A_1289 : i32 to index
        %get3A_1291 = arith.constant 48 : index
        %get3A_1292 = tpu.vector_load %arg10[%get3A_1290, %get3A_1291] {strides = array<i32>} : memref<800x64xf32, #tpu.memory_space<vmem>>, vector<16xf32>,
        %add3A_1293 = arith.addf %add3A_1261, %get3A_1292 : vector<16xf32>
        %mul3A_1294 = arith.constant 50 : i32
        %mul3A_1295 = arith.muli %scan3A_1049, %mul3A_1294 : i32
        %add3A_1296 = arith.constant 8 : i32
        %add3A_1297 = arith.addi %mul3A_1295, %add3A_1296 : i32
        %get3A_1298 = arith.index_cast %add3A_1297 : i32 to index
        %get3A_1299 = arith.constant 0 : index
        %get3A_1300 = tpu.vector_load %arg10[%get3A_1298, %get3A_1299] {strides = array<i32>} : memref<800x64xf32, #tpu.memory_space<vmem>>, vector<16xf32>,
        %add3A_1301 = arith.addf %add3A_1269, %get3A_1300 : vector<16xf32>
        %mul3A_1302 = arith.constant 50 : i32
        %mul3A_1303 = arith.muli %scan3A_1049, %mul3A_1302 : i32
        %add3A_1304 = arith.constant 8 : i32
        %add3A_1305 = arith.addi %mul3A_1303, %add3A_1304 : i32
        %get3A_1306 = arith.index_cast %add3A_1305 : i32 to index
        %get3A_1307 = arith.constant 16 : index
        %get3A_1308 = tpu.vector_load %arg10[%get3A_1306, %get3A_1307] {strides = array<i32>} : memref<800x64xf32, #tpu.memory_space<vmem>>, vector<16xf32>,
        %add3A_1309 = arith.addf %add3A_1277, %get3A_1308 : vector<16xf32>
        %mul3A_1310 = arith.constant 50 : i32
        %mul3A_1311 = arith.muli %scan3A_1049, %mul3A_1310 : i32
        %add3A_1312 = arith.constant 8 : i32
        %add3A_1313 = arith.addi %mul3A_1311, %add3A_1312 : i32
        %get3A_1314 = arith.index_cast %add3A_1313 : i32 to index
        %get3A_1315 = arith.constant 32 : index
        %get3A_1316 = tpu.vector_load %arg10[%get3A_1314, %get3A_1315] {strides = array<i32>} : memref<800x64xf32, #tpu.memory_space<vmem>>, vector<16xf32>,
        %add3A_1317 = arith.addf %add3A_1285, %get3A_1316 : vector<16xf32>
        %mul3A_1318 = arith.constant 50 : i32
        %mul3A_1319 = arith.muli %scan3A_1049, %mul3A_1318 : i32
        %add3A_1320 = arith.constant 8 : i32
        %add3A_1321 = arith.addi %mul3A_1319, %add3A_1320 : i32
        %get3A_1322 = arith.index_cast %add3A_1321 : i32 to index
        %get3A_1323 = arith.constant 48 : index
        %get3A_1324 = tpu.vector_load %arg10[%get3A_1322, %get3A_1323] {strides = array<i32>} : memref<800x64xf32, #tpu.memory_space<vmem>>, vector<16xf32>,
        %add3A_1325 = arith.addf %add3A_1293, %get3A_1324 : vector<16xf32>
        %mul3A_1326 = arith.constant 50 : i32
        %mul3A_1327 = arith.muli %scan3A_1049, %mul3A_1326 : i32
        %add3A_1328 = arith.constant 9 : i32
        %add3A_1329 = arith.addi %mul3A_1327, %add3A_1328 : i32
        %get3A_1330 = arith.index_cast %add3A_1329 : i32 to index
        %get3A_1331 = arith.constant 0 : index
        %get3A_1332 = tpu.vector_load %arg10[%get3A_1330, %get3A_1331] {strides = array<i32>} : memref<800x64xf32, #tpu.memory_space<vmem>>, vector<16xf32>,
        %add3A_1333 = arith.addf %add3A_1301, %get3A_1332 : vector<16xf32>
        %mul3A_1334 = arith.constant 50 : i32
        %mul3A_1335 = arith.muli %scan3A_1049, %mul3A_1334 : i32
        %add3A_1336 = arith.constant 9 : i32
        %add3A_1337 = arith.addi %mul3A_1335, %add3A_1336 : i32
        %get3A_1338 = arith.index_cast %add3A_1337 : i32 to index
        %get3A_1339 = arith.constant 16 : index
        %get3A_1340 = tpu.vector_load %arg10[%get3A_1338, %get3A_1339] {strides = array<i32>} : memref<800x64xf32, #tpu.memory_space<vmem>>, vector<16xf32>,
        %add3A_1341 = arith.addf %add3A_1309, %get3A_1340 : vector<16xf32>
        %mul3A_1342 = arith.constant 50 : i32
        %mul3A_1343 = arith.muli %scan3A_1049, %mul3A_1342 : i32
        %add3A_1344 = arith.constant 9 : i32
        %add3A_1345 = arith.addi %mul3A_1343, %add3A_1344 : i32
        %get3A_1346 = arith.index_cast %add3A_1345 : i32 to index
        %get3A_1347 = arith.constant 32 : index
        %get3A_1348 = tpu.vector_load %arg10[%get3A_1346, %get3A_1347] {strides = array<i32>} : memref<800x64xf32, #tpu.memory_space<vmem>>, vector<16xf32>,
        %add3A_1349 = arith.addf %add3A_1317, %get3A_1348 : vector<16xf32>
        %mul3A_1350 = arith.constant 50 : i32
        %mul3A_1351 = arith.muli %scan3A_1049, %mul3A_1350 : i32
        %add3A_1352 = arith.constant 9 : i32
        %add3A_1353 = arith.addi %mul3A_1351, %add3A_1352 : i32
        %get3A_1354 = arith.index_cast %add3A_1353 : i32 to index
        %get3A_1355 = arith.constant 48 : index
        %get3A_1356 = tpu.vector_load %arg10[%get3A_1354, %get3A_1355] {strides = array<i32>} : memref<800x64xf32, #tpu.memory_space<vmem>>, vector<16xf32>,
        %add3A_1357 = arith.addf %add3A_1325, %get3A_1356 : vector<16xf32>
        %mul3A_1358 = arith.constant 50 : i32
        %mul3A_1359 = arith.muli %scan3A_1049, %mul3A_1358 : i32
        %add3A_1360 = arith.constant 10 : i32
        %add3A_1361 = arith.addi %mul3A_1359, %add3A_1360 : i32
        %get3A_1362 = arith.index_cast %add3A_1361 : i32 to index
        %get3A_1363 = arith.constant 0 : index
        %get3A_1364 = tpu.vector_load %arg10[%get3A_1362, %get3A_1363] {strides = array<i32>} : memref<800x64xf32, #tpu.memory_space<vmem>>, vector<16xf32>,
        %add3A_1365 = arith.addf %add3A_1333, %get3A_1364 : vector<16xf32>
        %mul3A_1366 = arith.constant 50 : i32
        %mul3A_1367 = arith.muli %scan3A_1049, %mul3A_1366 : i32
        %add3A_1368 = arith.constant 10 : i32
        %add3A_1369 = arith.addi %mul3A_1367, %add3A_1368 : i32
        %get3A_1370 = arith.index_cast %add3A_1369 : i32 to index
        %get3A_1371 = arith.constant 16 : index
        %get3A_1372 = tpu.vector_load %arg10[%get3A_1370, %get3A_1371] {strides = array<i32>} : memref<800x64xf32, #tpu.memory_space<vmem>>, vector<16xf32>,
        %add3A_1373 = arith.addf %add3A_1341, %get3A_1372 : vector<16xf32>
        %mul3A_1374 = arith.constant 50 : i32
        %mul3A_1375 = arith.muli %scan3A_1049, %mul3A_1374 : i32
        %add3A_1376 = arith.constant 10 : i32
        %add3A_1377 = arith.addi %mul3A_1375, %add3A_1376 : i32
        %get3A_1378 = arith.index_cast %add3A_1377 : i32 to index
        %get3A_1379 = arith.constant 32 : index
        %get3A_1380 = tpu.vector_load %arg10[%get3A_1378, %get3A_1379] {strides = array<i32>} : memref<800x64xf32, #tpu.memory_space<vmem>>, vector<16xf32>,
        %add3A_1381 = arith.addf %add3A_1349, %get3A_1380 : vector<16xf32>
        %mul3A_1382 = arith.constant 50 : i32
        %mul3A_1383 = arith.muli %scan3A_1049, %mul3A_1382 : i32
        %add3A_1384 = arith.constant 10 : i32
        %add3A_1385 = arith.addi %mul3A_1383, %add3A_1384 : i32
        %get3A_1386 = arith.index_cast %add3A_1385 : i32 to index
        %get3A_1387 = arith.constant 48 : index
        %get3A_1388 = tpu.vector_load %arg10[%get3A_1386, %get3A_1387] {strides = array<i32>} : memref<800x64xf32, #tpu.memory_space<vmem>>, vector<16xf32>,
        %add3A_1389 = arith.addf %add3A_1357, %get3A_1388 : vector<16xf32>
        %mul3A_1390 = arith.constant 50 : i32
        %mul3A_1391 = arith.muli %scan3A_1049, %mul3A_1390 : i32
        %add3A_1392 = arith.constant 11 : i32
        %add3A_1393 = arith.addi %mul3A_1391, %add3A_1392 : i32
        %get3A_1394 = arith.index_cast %add3A_1393 : i32 to index
        %get3A_1395 = arith.constant 0 : index
        %get3A_1396 = tpu.vector_load %arg10[%get3A_1394, %get3A_1395] {strides = array<i32>} : memref<800x64xf32, #tpu.memory_space<vmem>>, vector<16xf32>,
        %add3A_1397 = arith.addf %add3A_1365, %get3A_1396 : vector<16xf32>
        %mul3A_1398 = arith.constant 50 : i32
        %mul3A_1399 = arith.muli %scan3A_1049, %mul3A_1398 : i32
        %add3A_1400 = arith.constant 11 : i32
        %add3A_1401 = arith.addi %mul3A_1399, %add3A_1400 : i32
        %get3A_1402 = arith.index_cast %add3A_1401 : i32 to index
        %get3A_1403 = arith.constant 16 : index
        %get3A_1404 = tpu.vector_load %arg10[%get3A_1402, %get3A_1403] {strides = array<i32>} : memref<800x64xf32, #tpu.memory_space<vmem>>, vector<16xf32>,
        %add3A_1405 = arith.addf %add3A_1373, %get3A_1404 : vector<16xf32>
        %mul3A_1406 = arith.constant 50 : i32
        %mul3A_1407 = arith.muli %scan3A_1049, %mul3A_1406 : i32
        %add3A_1408 = arith.constant 11 : i32
        %add3A_1409 = arith.addi %mul3A_1407, %add3A_1408 : i32
        %get3A_1410 = arith.index_cast %add3A_1409 : i32 to index
        %get3A_1411 = arith.constant 32 : index
        %get3A_1412 = tpu.vector_load %arg10[%get3A_1410, %get3A_1411] {strides = array<i32>} : memref<800x64xf32, #tpu.memory_space<vmem>>, vector<16xf32>,
        %add3A_1413 = arith.addf %add3A_1381, %get3A_1412 : vector<16xf32>
        %mul3A_1414 = arith.constant 50 : i32
        %mul3A_1415 = arith.muli %scan3A_1049, %mul3A_1414 : i32
        %add3A_1416 = arith.constant 11 : i32
        %add3A_1417 = arith.addi %mul3A_1415, %add3A_1416 : i32
        %get3A_1418 = arith.index_cast %add3A_1417 : i32 to index
        %get3A_1419 = arith.constant 48 : index
        %get3A_1420 = tpu.vector_load %arg10[%get3A_1418, %get3A_1419] {strides = array<i32>} : memref<800x64xf32, #tpu.memory_space<vmem>>, vector<16xf32>,
        %add3A_1421 = arith.addf %add3A_1389, %get3A_1420 : vector<16xf32>
        %mul3A_1422 = arith.constant 50 : i32
        %mul3A_1423 = arith.muli %scan3A_1049, %mul3A_1422 : i32
        %add3A_1424 = arith.constant 12 : i32
        %add3A_1425 = arith.addi %mul3A_1423, %add3A_1424 : i32
        %get3A_1426 = arith.index_cast %add3A_1425 : i32 to index
        %get3A_1427 = arith.constant 0 : index
        %get3A_1428 = tpu.vector_load %arg10[%get3A_1426, %get3A_1427] {strides = array<i32>} : memref<800x64xf32, #tpu.memory_space<vmem>>, vector<16xf32>,
        %add3A_1429 = arith.addf %add3A_1397, %get3A_1428 : vector<16xf32>
        %mul3A_1430 = arith.constant 50 : i32
        %mul3A_1431 = arith.muli %scan3A_1049, %mul3A_1430 : i32
        %add3A_1432 = arith.constant 12 : i32
        %add3A_1433 = arith.addi %mul3A_1431, %add3A_1432 : i32
        %get3A_1434 = arith.index_cast %add3A_1433 : i32 to index
        %get3A_1435 = arith.constant 16 : index
        %get3A_1436 = tpu.vector_load %arg10[%get3A_1434, %get3A_1435] {strides = array<i32>} : memref<800x64xf32, #tpu.memory_space<vmem>>, vector<16xf32>,
        %add3A_1437 = arith.addf %add3A_1405, %get3A_1436 : vector<16xf32>
        %mul3A_1438 = arith.constant 50 : i32
        %mul3A_1439 = arith.muli %scan3A_1049, %mul3A_1438 : i32
        %add3A_1440 = arith.constant 12 : i32
        %add3A_1441 = arith.addi %mul3A_1439, %add3A_1440 : i32
        %get3A_1442 = arith.index_cast %add3A_1441 : i32 to index
        %get3A_1443 = arith.constant 32 : index
        %get3A_1444 = tpu.vector_load %arg10[%get3A_1442, %get3A_1443] {strides = array<i32>} : memref<800x64xf32, #tpu.memory_space<vmem>>, vector<16xf32>,
        %add3A_1445 = arith.addf %add3A_1413, %get3A_1444 : vector<16xf32>
        %mul3A_1446 = arith.constant 50 : i32
        %mul3A_1447 = arith.muli %scan3A_1049, %mul3A_1446 : i32
        %add3A_1448 = arith.constant 12 : i32
        %add3A_1449 = arith.addi %mul3A_1447, %add3A_1448 : i32
        %get3A_1450 = arith.index_cast %add3A_1449 : i32 to index
        %get3A_1451 = arith.constant 48 : index
        %get3A_1452 = tpu.vector_load %arg10[%get3A_1450, %get3A_1451] {strides = array<i32>} : memref<800x64xf32, #tpu.memory_space<vmem>>, vector<16xf32>,
        %add3A_1453 = arith.addf %add3A_1421, %get3A_1452 : vector<16xf32>
        %mul3A_1454 = arith.constant 50 : i32
        %mul3A_1455 = arith.muli %scan3A_1049, %mul3A_1454 : i32
        %add3A_1456 = arith.constant 13 : i32
        %add3A_1457 = arith.addi %mul3A_1455, %add3A_1456 : i32
        %get3A_1458 = arith.index_cast %add3A_1457 : i32 to index
        %get3A_1459 = arith.constant 0 : index
        %get3A_1460 = tpu.vector_load %arg10[%get3A_1458, %get3A_1459] {strides = array<i32>} : memref<800x64xf32, #tpu.memory_space<vmem>>, vector<16xf32>,
        %add3A_1461 = arith.addf %add3A_1429, %get3A_1460 : vector<16xf32>
        %mul3A_1462 = arith.constant 50 : i32
        %mul3A_1463 = arith.muli %scan3A_1049, %mul3A_1462 : i32
        %add3A_1464 = arith.constant 13 : i32
        %add3A_1465 = arith.addi %mul3A_1463, %add3A_1464 : i32
        %get3A_1466 = arith.index_cast %add3A_1465 : i32 to index
        %get3A_1467 = arith.constant 16 : index
        %get3A_1468 = tpu.vector_load %arg10[%get3A_1466, %get3A_1467] {strides = array<i32>} : memref<800x64xf32, #tpu.memory_space<vmem>>, vector<16xf32>,
        %add3A_1469 = arith.addf %add3A_1437, %get3A_1468 : vector<16xf32>
        %mul3A_1470 = arith.constant 50 : i32
        %mul3A_1471 = arith.muli %scan3A_1049, %mul3A_1470 : i32
        %add3A_1472 = arith.constant 13 : i32
        %add3A_1473 = arith.addi %mul3A_1471, %add3A_1472 : i32
        %get3A_1474 = arith.index_cast %add3A_1473 : i32 to index
        %get3A_1475 = arith.constant 32 : index
        %get3A_1476 = tpu.vector_load %arg10[%get3A_1474, %get3A_1475] {strides = array<i32>} : memref<800x64xf32, #tpu.memory_space<vmem>>, vector<16xf32>,
        %add3A_1477 = arith.addf %add3A_1445, %get3A_1476 : vector<16xf32>
        %mul3A_1478 = arith.constant 50 : i32
        %mul3A_1479 = arith.muli %scan3A_1049, %mul3A_1478 : i32
        %add3A_1480 = arith.constant 13 : i32
        %add3A_1481 = arith.addi %mul3A_1479, %add3A_1480 : i32
        %get3A_1482 = arith.index_cast %add3A_1481 : i32 to index
        %get3A_1483 = arith.constant 48 : index
        %get3A_1484 = tpu.vector_load %arg10[%get3A_1482, %get3A_1483] {strides = array<i32>} : memref<800x64xf32, #tpu.memory_space<vmem>>, vector<16xf32>,
        %add3A_1485 = arith.addf %add3A_1453, %get3A_1484 : vector<16xf32>
        %mul3A_1486 = arith.constant 50 : i32
        %mul3A_1487 = arith.muli %scan3A_1049, %mul3A_1486 : i32
        %add3A_1488 = arith.constant 14 : i32
        %add3A_1489 = arith.addi %mul3A_1487, %add3A_1488 : i32
        %get3A_1490 = arith.index_cast %add3A_1489 : i32 to index
        %get3A_1491 = arith.constant 0 : index
        %get3A_1492 = tpu.vector_load %arg10[%get3A_1490, %get3A_1491] {strides = array<i32>} : memref<800x64xf32, #tpu.memory_space<vmem>>, vector<16xf32>,
        %add3A_1493 = arith.addf %add3A_1461, %get3A_1492 : vector<16xf32>
        %mul3A_1494 = arith.constant 50 : i32
        %mul3A_1495 = arith.muli %scan3A_1049, %mul3A_1494 : i32
        %add3A_1496 = arith.constant 14 : i32
        %add3A_1497 = arith.addi %mul3A_1495, %add3A_1496 : i32
        %get3A_1498 = arith.index_cast %add3A_1497 : i32 to index
        %get3A_1499 = arith.constant 16 : index
        %get3A_1500 = tpu.vector_load %arg10[%get3A_1498, %get3A_1499] {strides = array<i32>} : memref<800x64xf32, #tpu.memory_space<vmem>>, vector<16xf32>,
        %add3A_1501 = arith.addf %add3A_1469, %get3A_1500 : vector<16xf32>
        %mul3A_1502 = arith.constant 50 : i32
        %mul3A_1503 = arith.muli %scan3A_1049, %mul3A_1502 : i32
        %add3A_1504 = arith.constant 14 : i32
        %add3A_1505 = arith.addi %mul3A_1503, %add3A_1504 : i32
        %get3A_1506 = arith.index_cast %add3A_1505 : i32 to index
        %get3A_1507 = arith.constant 32 : index
        %get3A_1508 = tpu.vector_load %arg10[%get3A_1506, %get3A_1507] {strides = array<i32>} : memref<800x64xf32, #tpu.memory_space<vmem>>, vector<16xf32>,
        %add3A_1509 = arith.addf %add3A_1477, %get3A_1508 : vector<16xf32>
        %mul3A_1510 = arith.constant 50 : i32
        %mul3A_1511 = arith.muli %scan3A_1049, %mul3A_1510 : i32
        %add3A_1512 = arith.constant 14 : i32
        %add3A_1513 = arith.addi %mul3A_1511, %add3A_1512 : i32
        %get3A_1514 = arith.index_cast %add3A_1513 : i32 to index
        %get3A_1515 = arith.constant 48 : index
        %get3A_1516 = tpu.vector_load %arg10[%get3A_1514, %get3A_1515] {strides = array<i32>} : memref<800x64xf32, #tpu.memory_space<vmem>>, vector<16xf32>,
        %add3A_1517 = arith.addf %add3A_1485, %get3A_1516 : vector<16xf32>
        %mul3A_1518 = arith.constant 50 : i32
        %mul3A_1519 = arith.muli %scan3A_1049, %mul3A_1518 : i32
        %add3A_1520 = arith.constant 15 : i32
        %add3A_1521 = arith.addi %mul3A_1519, %add3A_1520 : i32
        %get3A_1522 = arith.index_cast %add3A_1521 : i32 to index
        %get3A_1523 = arith.constant 0 : index
        %get3A_1524 = tpu.vector_load %arg10[%get3A_1522, %get3A_1523] {strides = array<i32>} : memref<800x64xf32, #tpu.memory_space<vmem>>, vector<16xf32>,
        %add3A_1525 = arith.addf %add3A_1493, %get3A_1524 : vector<16xf32>
        %mul3A_1526 = arith.constant 50 : i32
        %mul3A_1527 = arith.muli %scan3A_1049, %mul3A_1526 : i32
        %add3A_1528 = arith.constant 15 : i32
        %add3A_1529 = arith.addi %mul3A_1527, %add3A_1528 : i32
        %get3A_1530 = arith.index_cast %add3A_1529 : i32 to index
        %get3A_1531 = arith.constant 16 : index
        %get3A_1532 = tpu.vector_load %arg10[%get3A_1530, %get3A_1531] {strides = array<i32>} : memref<800x64xf32, #tpu.memory_space<vmem>>, vector<16xf32>,
        %add3A_1533 = arith.addf %add3A_1501, %get3A_1532 : vector<16xf32>
        %mul3A_1534 = arith.constant 50 : i32
        %mul3A_1535 = arith.muli %scan3A_1049, %mul3A_1534 : i32
        %add3A_1536 = arith.constant 15 : i32
        %add3A_1537 = arith.addi %mul3A_1535, %add3A_1536 : i32
        %get3A_1538 = arith.index_cast %add3A_1537 : i32 to index
        %get3A_1539 = arith.constant 32 : index
        %get3A_1540 = tpu.vector_load %arg10[%get3A_1538, %get3A_1539] {strides = array<i32>} : memref<800x64xf32, #tpu.memory_space<vmem>>, vector<16xf32>,
        %add3A_1541 = arith.addf %add3A_1509, %get3A_1540 : vector<16xf32>
        %mul3A_1542 = arith.constant 50 : i32
        %mul3A_1543 = arith.muli %scan3A_1049, %mul3A_1542 : i32
        %add3A_1544 = arith.constant 15 : i32
        %add3A_1545 = arith.addi %mul3A_1543, %add3A_1544 : i32
        %get3A_1546 = arith.index_cast %add3A_1545 : i32 to index
        %get3A_1547 = arith.constant 48 : index
        %get3A_1548 = tpu.vector_load %arg10[%get3A_1546, %get3A_1547] {strides = array<i32>} : memref<800x64xf32, #tpu.memory_space<vmem>>, vector<16xf32>,
        %add3A_1549 = arith.addf %add3A_1517, %get3A_1548 : vector<16xf32>
        %mul3A_1550 = arith.constant 50 : i32
        %mul3A_1551 = arith.muli %scan3A_1049, %mul3A_1550 : i32
        %add3A_1552 = arith.constant 16 : i32
        %add3A_1553 = arith.addi %mul3A_1551, %add3A_1552 : i32
        %get3A_1554 = arith.index_cast %add3A_1553 : i32 to index
        %get3A_1555 = arith.constant 0 : index
        %get3A_1556 = tpu.vector_load %arg10[%get3A_1554, %get3A_1555] {strides = array<i32>} : memref<800x64xf32, #tpu.memory_space<vmem>>, vector<16xf32>,
        %add3A_1557 = arith.addf %add3A_1525, %get3A_1556 : vector<16xf32>
        %mul3A_1558 = arith.constant 50 : i32
        %mul3A_1559 = arith.muli %scan3A_1049, %mul3A_1558 : i32
        %add3A_1560 = arith.constant 16 : i32
        %add3A_1561 = arith.addi %mul3A_1559, %add3A_1560 : i32
        %get3A_1562 = arith.index_cast %add3A_1561 : i32 to index
        %get3A_1563 = arith.constant 16 : index
        %get3A_1564 = tpu.vector_load %arg10[%get3A_1562, %get3A_1563] {strides = array<i32>} : memref<800x64xf32, #tpu.memory_space<vmem>>, vector<16xf32>,
        %add3A_1565 = arith.addf %add3A_1533, %get3A_1564 : vector<16xf32>
        %mul3A_1566 = arith.constant 50 : i32
        %mul3A_1567 = arith.muli %scan3A_1049, %mul3A_1566 : i32
        %add3A_1568 = arith.constant 16 : i32
        %add3A_1569 = arith.addi %mul3A_1567, %add3A_1568 : i32
        %get3A_1570 = arith.index_cast %add3A_1569 : i32 to index
        %get3A_1571 = arith.constant 32 : index
        %get3A_1572 = tpu.vector_load %arg10[%get3A_1570, %get3A_1571] {strides = array<i32>} : memref<800x64xf32, #tpu.memory_space<vmem>>, vector<16xf32>,
        %add3A_1573 = arith.addf %add3A_1541, %get3A_1572 : vector<16xf32>
        %mul3A_1574 = arith.constant 50 : i32
        %mul3A_1575 = arith.muli %scan3A_1049, %mul3A_1574 : i32
        %add3A_1576 = arith.constant 16 : i32
        %add3A_1577 = arith.addi %mul3A_1575, %add3A_1576 : i32
        %get3A_1578 = arith.index_cast %add3A_1577 : i32 to index
        %get3A_1579 = arith.constant 48 : index
        %get3A_1580 = tpu.vector_load %arg10[%get3A_1578, %get3A_1579] {strides = array<i32>} : memref<800x64xf32, #tpu.memory_space<vmem>>, vector<16xf32>,
        %add3A_1581 = arith.addf %add3A_1549, %get3A_1580 : vector<16xf32>
        %mul3A_1582 = arith.constant 50 : i32
        %mul3A_1583 = arith.muli %scan3A_1049, %mul3A_1582 : i32
        %add3A_1584 = arith.constant 17 : i32
        %add3A_1585 = arith.addi %mul3A_1583, %add3A_1584 : i32
        %get3A_1586 = arith.index_cast %add3A_1585 : i32 to index
        %get3A_1587 = arith.constant 0 : index
        %get3A_1588 = tpu.vector_load %arg10[%get3A_1586, %get3A_1587] {strides = array<i32>} : memref<800x64xf32, #tpu.memory_space<vmem>>, vector<16xf32>,
        %add3A_1589 = arith.addf %add3A_1557, %get3A_1588 : vector<16xf32>
        %mul3A_1590 = arith.constant 50 : i32
        %mul3A_1591 = arith.muli %scan3A_1049, %mul3A_1590 : i32
        %add3A_1592 = arith.constant 17 : i32
        %add3A_1593 = arith.addi %mul3A_1591, %add3A_1592 : i32
        %get3A_1594 = arith.index_cast %add3A_1593 : i32 to index
        %get3A_1595 = arith.constant 16 : index
        %get3A_1596 = tpu.vector_load %arg10[%get3A_1594, %get3A_1595] {strides = array<i32>} : memref<800x64xf32, #tpu.memory_space<vmem>>, vector<16xf32>,
        %add3A_1597 = arith.addf %add3A_1565, %get3A_1596 : vector<16xf32>
        %mul3A_1598 = arith.constant 50 : i32
        %mul3A_1599 = arith.muli %scan3A_1049, %mul3A_1598 : i32
        %add3A_1600 = arith.constant 17 : i32
        %add3A_1601 = arith.addi %mul3A_1599, %add3A_1600 : i32
        %get3A_1602 = arith.index_cast %add3A_1601 : i32 to index
        %get3A_1603 = arith.constant 32 : index
        %get3A_1604 = tpu.vector_load %arg10[%get3A_1602, %get3A_1603] {strides = array<i32>} : memref<800x64xf32, #tpu.memory_space<vmem>>, vector<16xf32>,
        %add3A_1605 = arith.addf %add3A_1573, %get3A_1604 : vector<16xf32>
        %mul3A_1606 = arith.constant 50 : i32
        %mul3A_1607 = arith.muli %scan3A_1049, %mul3A_1606 : i32
        %add3A_1608 = arith.constant 17 : i32
        %add3A_1609 = arith.addi %mul3A_1607, %add3A_1608 : i32
        %get3A_1610 = arith.index_cast %add3A_1609 : i32 to index
        %get3A_1611 = arith.constant 48 : index
        %get3A_1612 = tpu.vector_load %arg10[%get3A_1610, %get3A_1611] {strides = array<i32>} : memref<800x64xf32, #tpu.memory_space<vmem>>, vector<16xf32>,
        %add3A_1613 = arith.addf %add3A_1581, %get3A_1612 : vector<16xf32>
        %mul3A_1614 = arith.constant 50 : i32
        %mul3A_1615 = arith.muli %scan3A_1049, %mul3A_1614 : i32
        %add3A_1616 = arith.constant 18 : i32
        %add3A_1617 = arith.addi %mul3A_1615, %add3A_1616 : i32
        %get3A_1618 = arith.index_cast %add3A_1617 : i32 to index
        %get3A_1619 = arith.constant 0 : index
        %get3A_1620 = tpu.vector_load %arg10[%get3A_1618, %get3A_1619] {strides = array<i32>} : memref<800x64xf32, #tpu.memory_space<vmem>>, vector<16xf32>,
        %add3A_1621 = arith.addf %add3A_1589, %get3A_1620 : vector<16xf32>
        %mul3A_1622 = arith.constant 50 : i32
        %mul3A_1623 = arith.muli %scan3A_1049, %mul3A_1622 : i32
        %add3A_1624 = arith.constant 18 : i32
        %add3A_1625 = arith.addi %mul3A_1623, %add3A_1624 : i32
        %get3A_1626 = arith.index_cast %add3A_1625 : i32 to index
        %get3A_1627 = arith.constant 16 : index
        %get3A_1628 = tpu.vector_load %arg10[%get3A_1626, %get3A_1627] {strides = array<i32>} : memref<800x64xf32, #tpu.memory_space<vmem>>, vector<16xf32>,
        %add3A_1629 = arith.addf %add3A_1597, %get3A_1628 : vector<16xf32>
        %mul3A_1630 = arith.constant 50 : i32
        %mul3A_1631 = arith.muli %scan3A_1049, %mul3A_1630 : i32
        %add3A_1632 = arith.constant 18 : i32
        %add3A_1633 = arith.addi %mul3A_1631, %add3A_1632 : i32
        %get3A_1634 = arith.index_cast %add3A_1633 : i32 to index
        %get3A_1635 = arith.constant 32 : index
        %get3A_1636 = tpu.vector_load %arg10[%get3A_1634, %get3A_1635] {strides = array<i32>} : memref<800x64xf32, #tpu.memory_space<vmem>>, vector<16xf32>,
        %add3A_1637 = arith.addf %add3A_1605, %get3A_1636 : vector<16xf32>
        %mul3A_1638 = arith.constant 50 : i32
        %mul3A_1639 = arith.muli %scan3A_1049, %mul3A_1638 : i32
        %add3A_1640 = arith.constant 18 : i32
        %add3A_1641 = arith.addi %mul3A_1639, %add3A_1640 : i32
        %get3A_1642 = arith.index_cast %add3A_1641 : i32 to index
        %get3A_1643 = arith.constant 48 : index
        %get3A_1644 = tpu.vector_load %arg10[%get3A_1642, %get3A_1643] {strides = array<i32>} : memref<800x64xf32, #tpu.memory_space<vmem>>, vector<16xf32>,
        %add3A_1645 = arith.addf %add3A_1613, %get3A_1644 : vector<16xf32>
        %mul3A_1646 = arith.constant 50 : i32
        %mul3A_1647 = arith.muli %scan3A_1049, %mul3A_1646 : i32
        %add3A_1648 = arith.constant 19 : i32
        %add3A_1649 = arith.addi %mul3A_1647, %add3A_1648 : i32
        %get3A_1650 = arith.index_cast %add3A_1649 : i32 to index
        %get3A_1651 = arith.constant 0 : index
        %get3A_1652 = tpu.vector_load %arg10[%get3A_1650, %get3A_1651] {strides = array<i32>} : memref<800x64xf32, #tpu.memory_space<vmem>>, vector<16xf32>,
        %add3A_1653 = arith.addf %add3A_1621, %get3A_1652 : vector<16xf32>
        %mul3A_1654 = arith.constant 50 : i32
        %mul3A_1655 = arith.muli %scan3A_1049, %mul3A_1654 : i32
        %add3A_1656 = arith.constant 19 : i32
        %add3A_1657 = arith.addi %mul3A_1655, %add3A_1656 : i32
        %get3A_1658 = arith.index_cast %add3A_1657 : i32 to index
        %get3A_1659 = arith.constant 16 : index
        %get3A_1660 = tpu.vector_load %arg10[%get3A_1658, %get3A_1659] {strides = array<i32>} : memref<800x64xf32, #tpu.memory_space<vmem>>, vector<16xf32>,
        %add3A_1661 = arith.addf %add3A_1629, %get3A_1660 : vector<16xf32>
        %mul3A_1662 = arith.constant 50 : i32
        %mul3A_1663 = arith.muli %scan3A_1049, %mul3A_1662 : i32
        %add3A_1664 = arith.constant 19 : i32
        %add3A_1665 = arith.addi %mul3A_1663, %add3A_1664 : i32
        %get3A_1666 = arith.index_cast %add3A_1665 : i32 to index
        %get3A_1667 = arith.constant 32 : index
        %get3A_1668 = tpu.vector_load %arg10[%get3A_1666, %get3A_1667] {strides = array<i32>} : memref<800x64xf32, #tpu.memory_space<vmem>>, vector<16xf32>,
        %add3A_1669 = arith.addf %add3A_1637, %get3A_1668 : vector<16xf32>
        %mul3A_1670 = arith.constant 50 : i32
        %mul3A_1671 = arith.muli %scan3A_1049, %mul3A_1670 : i32
        %add3A_1672 = arith.constant 19 : i32
        %add3A_1673 = arith.addi %mul3A_1671, %add3A_1672 : i32
        %get3A_1674 = arith.index_cast %add3A_1673 : i32 to index
        %get3A_1675 = arith.constant 48 : index
        %get3A_1676 = tpu.vector_load %arg10[%get3A_1674, %get3A_1675] {strides = array<i32>} : memref<800x64xf32, #tpu.memory_space<vmem>>, vector<16xf32>,
        %add3A_1677 = arith.addf %add3A_1645, %get3A_1676 : vector<16xf32>
        %mul3A_1678 = arith.constant 50 : i32
        %mul3A_1679 = arith.muli %scan3A_1049, %mul3A_1678 : i32
        %add3A_1680 = arith.constant 20 : i32
        %add3A_1681 = arith.addi %mul3A_1679, %add3A_1680 : i32
        %get3A_1682 = arith.index_cast %add3A_1681 : i32 to index
        %get3A_1683 = arith.constant 0 : index
        %get3A_1684 = tpu.vector_load %arg10[%get3A_1682, %get3A_1683] {strides = array<i32>} : memref<800x64xf32, #tpu.memory_space<vmem>>, vector<16xf32>,
        %add3A_1685 = arith.addf %add3A_1653, %get3A_1684 : vector<16xf32>
        %mul3A_1686 = arith.constant 50 : i32
        %mul3A_1687 = arith.muli %scan3A_1049, %mul3A_1686 : i32
        %add3A_1688 = arith.constant 20 : i32
        %add3A_1689 = arith.addi %mul3A_1687, %add3A_1688 : i32
        %get3A_1690 = arith.index_cast %add3A_1689 : i32 to index
        %get3A_1691 = arith.constant 16 : index
        %get3A_1692 = tpu.vector_load %arg10[%get3A_1690, %get3A_1691] {strides = array<i32>} : memref<800x64xf32, #tpu.memory_space<vmem>>, vector<16xf32>,
        %add3A_1693 = arith.addf %add3A_1661, %get3A_1692 : vector<16xf32>
        %mul3A_1694 = arith.constant 50 : i32
        %mul3A_1695 = arith.muli %scan3A_1049, %mul3A_1694 : i32
        %add3A_1696 = arith.constant 20 : i32
        %add3A_1697 = arith.addi %mul3A_1695, %add3A_1696 : i32
        %get3A_1698 = arith.index_cast %add3A_1697 : i32 to index
        %get3A_1699 = arith.constant 32 : index
        %get3A_1700 = tpu.vector_load %arg10[%get3A_1698, %get3A_1699] {strides = array<i32>} : memref<800x64xf32, #tpu.memory_space<vmem>>, vector<16xf32>,
        %add3A_1701 = arith.addf %add3A_1669, %get3A_1700 : vector<16xf32>
        %mul3A_1702 = arith.constant 50 : i32
        %mul3A_1703 = arith.muli %scan3A_1049, %mul3A_1702 : i32
        %add3A_1704 = arith.constant 20 : i32
        %add3A_1705 = arith.addi %mul3A_1703, %add3A_1704 : i32
        %get3A_1706 = arith.index_cast %add3A_1705 : i32 to index
        %get3A_1707 = arith.constant 48 : index
        %get3A_1708 = tpu.vector_load %arg10[%get3A_1706, %get3A_1707] {strides = array<i32>} : memref<800x64xf32, #tpu.memory_space<vmem>>, vector<16xf32>,
        %add3A_1709 = arith.addf %add3A_1677, %get3A_1708 : vector<16xf32>
        %mul3A_1710 = arith.constant 50 : i32
        %mul3A_1711 = arith.muli %scan3A_1049, %mul3A_1710 : i32
        %add3A_1712 = arith.constant 21 : i32
        %add3A_1713 = arith.addi %mul3A_1711, %add3A_1712 : i32
        %get3A_1714 = arith.index_cast %add3A_1713 : i32 to index
        %get3A_1715 = arith.constant 0 : index
        %get3A_1716 = tpu.vector_load %arg10[%get3A_1714, %get3A_1715] {strides = array<i32>} : memref<800x64xf32, #tpu.memory_space<vmem>>, vector<16xf32>,
        %add3A_1717 = arith.addf %add3A_1685, %get3A_1716 : vector<16xf32>
        %mul3A_1718 = arith.constant 50 : i32
        %mul3A_1719 = arith.muli %scan3A_1049, %mul3A_1718 : i32
        %add3A_1720 = arith.constant 21 : i32
        %add3A_1721 = arith.addi %mul3A_1719, %add3A_1720 : i32
        %get3A_1722 = arith.index_cast %add3A_1721 : i32 to index
        %get3A_1723 = arith.constant 16 : index
        %get3A_1724 = tpu.vector_load %arg10[%get3A_1722, %get3A_1723] {strides = array<i32>} : memref<800x64xf32, #tpu.memory_space<vmem>>, vector<16xf32>,
        %add3A_1725 = arith.addf %add3A_1693, %get3A_1724 : vector<16xf32>
        %mul3A_1726 = arith.constant 50 : i32
        %mul3A_1727 = arith.muli %scan3A_1049, %mul3A_1726 : i32
        %add3A_1728 = arith.constant 21 : i32
        %add3A_1729 = arith.addi %mul3A_1727, %add3A_1728 : i32
        %get3A_1730 = arith.index_cast %add3A_1729 : i32 to index
        %get3A_1731 = arith.constant 32 : index
        %get3A_1732 = tpu.vector_load %arg10[%get3A_1730, %get3A_1731] {strides = array<i32>} : memref<800x64xf32, #tpu.memory_space<vmem>>, vector<16xf32>,
        %add3A_1733 = arith.addf %add3A_1701, %get3A_1732 : vector<16xf32>
        %mul3A_1734 = arith.constant 50 : i32
        %mul3A_1735 = arith.muli %scan3A_1049, %mul3A_1734 : i32
        %add3A_1736 = arith.constant 21 : i32
        %add3A_1737 = arith.addi %mul3A_1735, %add3A_1736 : i32
        %get3A_1738 = arith.index_cast %add3A_1737 : i32 to index
        %get3A_1739 = arith.constant 48 : index
        %get3A_1740 = tpu.vector_load %arg10[%get3A_1738, %get3A_1739] {strides = array<i32>} : memref<800x64xf32, #tpu.memory_space<vmem>>, vector<16xf32>,
        %add3A_1741 = arith.addf %add3A_1709, %get3A_1740 : vector<16xf32>
        %mul3A_1742 = arith.constant 50 : i32
        %mul3A_1743 = arith.muli %scan3A_1049, %mul3A_1742 : i32
        %add3A_1744 = arith.constant 22 : i32
        %add3A_1745 = arith.addi %mul3A_1743, %add3A_1744 : i32
        %get3A_1746 = arith.index_cast %add3A_1745 : i32 to index
        %get3A_1747 = arith.constant 0 : index
        %get3A_1748 = tpu.vector_load %arg10[%get3A_1746, %get3A_1747] {strides = array<i32>} : memref<800x64xf32, #tpu.memory_space<vmem>>, vector<16xf32>,
        %add3A_1749 = arith.addf %add3A_1717, %get3A_1748 : vector<16xf32>
        %mul3A_1750 = arith.constant 50 : i32
        %mul3A_1751 = arith.muli %scan3A_1049, %mul3A_1750 : i32
        %add3A_1752 = arith.constant 22 : i32
        %add3A_1753 = arith.addi %mul3A_1751, %add3A_1752 : i32
        %get3A_1754 = arith.index_cast %add3A_1753 : i32 to index
        %get3A_1755 = arith.constant 16 : index
        %get3A_1756 = tpu.vector_load %arg10[%get3A_1754, %get3A_1755] {strides = array<i32>} : memref<800x64xf32, #tpu.memory_space<vmem>>, vector<16xf32>,
        %add3A_1757 = arith.addf %add3A_1725, %get3A_1756 : vector<16xf32>
        %mul3A_1758 = arith.constant 50 : i32
        %mul3A_1759 = arith.muli %scan3A_1049, %mul3A_1758 : i32
        %add3A_1760 = arith.constant 22 : i32
        %add3A_1761 = arith.addi %mul3A_1759, %add3A_1760 : i32
        %get3A_1762 = arith.index_cast %add3A_1761 : i32 to index
        %get3A_1763 = arith.constant 32 : index
        %get3A_1764 = tpu.vector_load %arg10[%get3A_1762, %get3A_1763] {strides = array<i32>} : memref<800x64xf32, #tpu.memory_space<vmem>>, vector<16xf32>,
        %add3A_1765 = arith.addf %add3A_1733, %get3A_1764 : vector<16xf32>
        %mul3A_1766 = arith.constant 50 : i32
        %mul3A_1767 = arith.muli %scan3A_1049, %mul3A_1766 : i32
        %add3A_1768 = arith.constant 22 : i32
        %add3A_1769 = arith.addi %mul3A_1767, %add3A_1768 : i32
        %get3A_1770 = arith.index_cast %add3A_1769 : i32 to index
        %get3A_1771 = arith.constant 48 : index
        %get3A_1772 = tpu.vector_load %arg10[%get3A_1770, %get3A_1771] {strides = array<i32>} : memref<800x64xf32, #tpu.memory_space<vmem>>, vector<16xf32>,
        %add3A_1773 = arith.addf %add3A_1741, %get3A_1772 : vector<16xf32>
        %mul3A_1774 = arith.constant 50 : i32
        %mul3A_1775 = arith.muli %scan3A_1049, %mul3A_1774 : i32
        %add3A_1776 = arith.constant 23 : i32
        %add3A_1777 = arith.addi %mul3A_1775, %add3A_1776 : i32
        %get3A_1778 = arith.index_cast %add3A_1777 : i32 to index
        %get3A_1779 = arith.constant 0 : index
        %get3A_1780 = tpu.vector_load %arg10[%get3A_1778, %get3A_1779] {strides = array<i32>} : memref<800x64xf32, #tpu.memory_space<vmem>>, vector<16xf32>,
        %add3A_1781 = arith.addf %add3A_1749, %get3A_1780 : vector<16xf32>
        %mul3A_1782 = arith.constant 50 : i32
        %mul3A_1783 = arith.muli %scan3A_1049, %mul3A_1782 : i32
        %add3A_1784 = arith.constant 23 : i32
        %add3A_1785 = arith.addi %mul3A_1783, %add3A_1784 : i32
        %get3A_1786 = arith.index_cast %add3A_1785 : i32 to index
        %get3A_1787 = arith.constant 16 : index
        %get3A_1788 = tpu.vector_load %arg10[%get3A_1786, %get3A_1787] {strides = array<i32>} : memref<800x64xf32, #tpu.memory_space<vmem>>, vector<16xf32>,
        %add3A_1789 = arith.addf %add3A_1757, %get3A_1788 : vector<16xf32>
        %mul3A_1790 = arith.constant 50 : i32
        %mul3A_1791 = arith.muli %scan3A_1049, %mul3A_1790 : i32
        %add3A_1792 = arith.constant 23 : i32
        %add3A_1793 = arith.addi %mul3A_1791, %add3A_1792 : i32
        %get3A_1794 = arith.index_cast %add3A_1793 : i32 to index
        %get3A_1795 = arith.constant 32 : index
        %get3A_1796 = tpu.vector_load %arg10[%get3A_1794, %get3A_1795] {strides = array<i32>} : memref<800x64xf32, #tpu.memory_space<vmem>>, vector<16xf32>,
        %add3A_1797 = arith.addf %add3A_1765, %get3A_1796 : vector<16xf32>
        %mul3A_1798 = arith.constant 50 : i32
        %mul3A_1799 = arith.muli %scan3A_1049, %mul3A_1798 : i32
        %add3A_1800 = arith.constant 23 : i32
        %add3A_1801 = arith.addi %mul3A_1799, %add3A_1800 : i32
        %get3A_1802 = arith.index_cast %add3A_1801 : i32 to index
        %get3A_1803 = arith.constant 48 : index
        %get3A_1804 = tpu.vector_load %arg10[%get3A_1802, %get3A_1803] {strides = array<i32>} : memref<800x64xf32, #tpu.memory_space<vmem>>, vector<16xf32>,
        %add3A_1805 = arith.addf %add3A_1773, %get3A_1804 : vector<16xf32>
        %mul3A_1806 = arith.constant 50 : i32
        %mul3A_1807 = arith.muli %scan3A_1049, %mul3A_1806 : i32
        %add3A_1808 = arith.constant 24 : i32
        %add3A_1809 = arith.addi %mul3A_1807, %add3A_1808 : i32
        %get3A_1810 = arith.index_cast %add3A_1809 : i32 to index
        %get3A_1811 = arith.constant 0 : index
        %get3A_1812 = tpu.vector_load %arg10[%get3A_1810, %get3A_1811] {strides = array<i32>} : memref<800x64xf32, #tpu.memory_space<vmem>>, vector<16xf32>,
        %add3A_1813 = arith.addf %add3A_1781, %get3A_1812 : vector<16xf32>
        %mul3A_1814 = arith.constant 50 : i32
        %mul3A_1815 = arith.muli %scan3A_1049, %mul3A_1814 : i32
        %add3A_1816 = arith.constant 24 : i32
        %add3A_1817 = arith.addi %mul3A_1815, %add3A_1816 : i32
        %get3A_1818 = arith.index_cast %add3A_1817 : i32 to index
        %get3A_1819 = arith.constant 16 : index
        %get3A_1820 = tpu.vector_load %arg10[%get3A_1818, %get3A_1819] {strides = array<i32>} : memref<800x64xf32, #tpu.memory_space<vmem>>, vector<16xf32>,
        %add3A_1821 = arith.addf %add3A_1789, %get3A_1820 : vector<16xf32>
        %mul3A_1822 = arith.constant 50 : i32
        %mul3A_1823 = arith.muli %scan3A_1049, %mul3A_1822 : i32
        %add3A_1824 = arith.constant 24 : i32
        %add3A_1825 = arith.addi %mul3A_1823, %add3A_1824 : i32
        %get3A_1826 = arith.index_cast %add3A_1825 : i32 to index
        %get3A_1827 = arith.constant 32 : index
        %get3A_1828 = tpu.vector_load %arg10[%get3A_1826, %get3A_1827] {strides = array<i32>} : memref<800x64xf32, #tpu.memory_space<vmem>>, vector<16xf32>,
        %add3A_1829 = arith.addf %add3A_1797, %get3A_1828 : vector<16xf32>
        %mul3A_1830 = arith.constant 50 : i32
        %mul3A_1831 = arith.muli %scan3A_1049, %mul3A_1830 : i32
        %add3A_1832 = arith.constant 24 : i32
        %add3A_1833 = arith.addi %mul3A_1831, %add3A_1832 : i32
        %get3A_1834 = arith.index_cast %add3A_1833 : i32 to index
        %get3A_1835 = arith.constant 48 : index
        %get3A_1836 = tpu.vector_load %arg10[%get3A_1834, %get3A_1835] {strides = array<i32>} : memref<800x64xf32, #tpu.memory_space<vmem>>, vector<16xf32>,
        %add3A_1837 = arith.addf %add3A_1805, %get3A_1836 : vector<16xf32>
        %mul3A_1838 = arith.constant 50 : i32
        %mul3A_1839 = arith.muli %scan3A_1049, %mul3A_1838 : i32
        %add3A_1840 = arith.constant 25 : i32
        %add3A_1841 = arith.addi %mul3A_1839, %add3A_1840 : i32
        %get3A_1842 = arith.index_cast %add3A_1841 : i32 to index
        %get3A_1843 = arith.constant 0 : index
        %get3A_1844 = tpu.vector_load %arg10[%get3A_1842, %get3A_1843] {strides = array<i32>} : memref<800x64xf32, #tpu.memory_space<vmem>>, vector<16xf32>,
        %add3A_1845 = arith.addf %add3A_1813, %get3A_1844 : vector<16xf32>
        %mul3A_1846 = arith.constant 50 : i32
        %mul3A_1847 = arith.muli %scan3A_1049, %mul3A_1846 : i32
        %add3A_1848 = arith.constant 25 : i32
        %add3A_1849 = arith.addi %mul3A_1847, %add3A_1848 : i32
        %get3A_1850 = arith.index_cast %add3A_1849 : i32 to index
        %get3A_1851 = arith.constant 16 : index
        %get3A_1852 = tpu.vector_load %arg10[%get3A_1850, %get3A_1851] {strides = array<i32>} : memref<800x64xf32, #tpu.memory_space<vmem>>, vector<16xf32>,
        %add3A_1853 = arith.addf %add3A_1821, %get3A_1852 : vector<16xf32>
        %mul3A_1854 = arith.constant 50 : i32
        %mul3A_1855 = arith.muli %scan3A_1049, %mul3A_1854 : i32
        %add3A_1856 = arith.constant 25 : i32
        %add3A_1857 = arith.addi %mul3A_1855, %add3A_1856 : i32
        %get3A_1858 = arith.index_cast %add3A_1857 : i32 to index
        %get3A_1859 = arith.constant 32 : index
        %get3A_1860 = tpu.vector_load %arg10[%get3A_1858, %get3A_1859] {strides = array<i32>} : memref<800x64xf32, #tpu.memory_space<vmem>>, vector<16xf32>,
        %add3A_1861 = arith.addf %add3A_1829, %get3A_1860 : vector<16xf32>
        %mul3A_1862 = arith.constant 50 : i32
        %mul3A_1863 = arith.muli %scan3A_1049, %mul3A_1862 : i32
        %add3A_1864 = arith.constant 25 : i32
        %add3A_1865 = arith.addi %mul3A_1863, %add3A_1864 : i32
        %get3A_1866 = arith.index_cast %add3A_1865 : i32 to index
        %get3A_1867 = arith.constant 48 : index
        %get3A_1868 = tpu.vector_load %arg10[%get3A_1866, %get3A_1867] {strides = array<i32>} : memref<800x64xf32, #tpu.memory_space<vmem>>, vector<16xf32>,
        %add3A_1869 = arith.addf %add3A_1837, %get3A_1868 : vector<16xf32>
        %mul3A_1870 = arith.constant 50 : i32
        %mul3A_1871 = arith.muli %scan3A_1049, %mul3A_1870 : i32
        %add3A_1872 = arith.constant 26 : i32
        %add3A_1873 = arith.addi %mul3A_1871, %add3A_1872 : i32
        %get3A_1874 = arith.index_cast %add3A_1873 : i32 to index
        %get3A_1875 = arith.constant 0 : index
        %get3A_1876 = tpu.vector_load %arg10[%get3A_1874, %get3A_1875] {strides = array<i32>} : memref<800x64xf32, #tpu.memory_space<vmem>>, vector<16xf32>,
        %add3A_1877 = arith.addf %add3A_1845, %get3A_1876 : vector<16xf32>
        %mul3A_1878 = arith.constant 50 : i32
        %mul3A_1879 = arith.muli %scan3A_1049, %mul3A_1878 : i32
        %add3A_1880 = arith.constant 26 : i32
        %add3A_1881 = arith.addi %mul3A_1879, %add3A_1880 : i32
        %get3A_1882 = arith.index_cast %add3A_1881 : i32 to index
        %get3A_1883 = arith.constant 16 : index
        %get3A_1884 = tpu.vector_load %arg10[%get3A_1882, %get3A_1883] {strides = array<i32>} : memref<800x64xf32, #tpu.memory_space<vmem>>, vector<16xf32>,
        %add3A_1885 = arith.addf %add3A_1853, %get3A_1884 : vector<16xf32>
        %mul3A_1886 = arith.constant 50 : i32
        %mul3A_1887 = arith.muli %scan3A_1049, %mul3A_1886 : i32
        %add3A_1888 = arith.constant 26 : i32
        %add3A_1889 = arith.addi %mul3A_1887, %add3A_1888 : i32
        %get3A_1890 = arith.index_cast %add3A_1889 : i32 to index
        %get3A_1891 = arith.constant 32 : index
        %get3A_1892 = tpu.vector_load %arg10[%get3A_1890, %get3A_1891] {strides = array<i32>} : memref<800x64xf32, #tpu.memory_space<vmem>>, vector<16xf32>,
        %add3A_1893 = arith.addf %add3A_1861, %get3A_1892 : vector<16xf32>
        %mul3A_1894 = arith.constant 50 : i32
        %mul3A_1895 = arith.muli %scan3A_1049, %mul3A_1894 : i32
        %add3A_1896 = arith.constant 26 : i32
        %add3A_1897 = arith.addi %mul3A_1895, %add3A_1896 : i32
        %get3A_1898 = arith.index_cast %add3A_1897 : i32 to index
        %get3A_1899 = arith.constant 48 : index
        %get3A_1900 = tpu.vector_load %arg10[%get3A_1898, %get3A_1899] {strides = array<i32>} : memref<800x64xf32, #tpu.memory_space<vmem>>, vector<16xf32>,
        %add3A_1901 = arith.addf %add3A_1869, %get3A_1900 : vector<16xf32>
        %mul3A_1902 = arith.constant 50 : i32
        %mul3A_1903 = arith.muli %scan3A_1049, %mul3A_1902 : i32
        %add3A_1904 = arith.constant 27 : i32
        %add3A_1905 = arith.addi %mul3A_1903, %add3A_1904 : i32
        %get3A_1906 = arith.index_cast %add3A_1905 : i32 to index
        %get3A_1907 = arith.constant 0 : index
        %get3A_1908 = tpu.vector_load %arg10[%get3A_1906, %get3A_1907] {strides = array<i32>} : memref<800x64xf32, #tpu.memory_space<vmem>>, vector<16xf32>,
        %add3A_1909 = arith.addf %add3A_1877, %get3A_1908 : vector<16xf32>
        %mul3A_1910 = arith.constant 50 : i32
        %mul3A_1911 = arith.muli %scan3A_1049, %mul3A_1910 : i32
        %add3A_1912 = arith.constant 27 : i32
        %add3A_1913 = arith.addi %mul3A_1911, %add3A_1912 : i32
        %get3A_1914 = arith.index_cast %add3A_1913 : i32 to index
        %get3A_1915 = arith.constant 16 : index
        %get3A_1916 = tpu.vector_load %arg10[%get3A_1914, %get3A_1915] {strides = array<i32>} : memref<800x64xf32, #tpu.memory_space<vmem>>, vector<16xf32>,
        %add3A_1917 = arith.addf %add3A_1885, %get3A_1916 : vector<16xf32>
        %mul3A_1918 = arith.constant 50 : i32
        %mul3A_1919 = arith.muli %scan3A_1049, %mul3A_1918 : i32
        %add3A_1920 = arith.constant 27 : i32
        %add3A_1921 = arith.addi %mul3A_1919, %add3A_1920 : i32
        %get3A_1922 = arith.index_cast %add3A_1921 : i32 to index
        %get3A_1923 = arith.constant 32 : index
        %get3A_1924 = tpu.vector_load %arg10[%get3A_1922, %get3A_1923] {strides = array<i32>} : memref<800x64xf32, #tpu.memory_space<vmem>>, vector<16xf32>,
        %add3A_1925 = arith.addf %add3A_1893, %get3A_1924 : vector<16xf32>
        %mul3A_1926 = arith.constant 50 : i32
        %mul3A_1927 = arith.muli %scan3A_1049, %mul3A_1926 : i32
        %add3A_1928 = arith.constant 27 : i32
        %add3A_1929 = arith.addi %mul3A_1927, %add3A_1928 : i32
        %get3A_1930 = arith.index_cast %add3A_1929 : i32 to index
        %get3A_1931 = arith.constant 48 : index
        %get3A_1932 = tpu.vector_load %arg10[%get3A_1930, %get3A_1931] {strides = array<i32>} : memref<800x64xf32, #tpu.memory_space<vmem>>, vector<16xf32>,
        %add3A_1933 = arith.addf %add3A_1901, %get3A_1932 : vector<16xf32>
        %mul3A_1934 = arith.constant 50 : i32
        %mul3A_1935 = arith.muli %scan3A_1049, %mul3A_1934 : i32
        %add3A_1936 = arith.constant 28 : i32
        %add3A_1937 = arith.addi %mul3A_1935, %add3A_1936 : i32
        %get3A_1938 = arith.index_cast %add3A_1937 : i32 to index
        %get3A_1939 = arith.constant 0 : index
        %get3A_1940 = tpu.vector_load %arg10[%get3A_1938, %get3A_1939] {strides = array<i32>} : memref<800x64xf32, #tpu.memory_space<vmem>>, vector<16xf32>,
        %add3A_1941 = arith.addf %add3A_1909, %get3A_1940 : vector<16xf32>
        %mul3A_1942 = arith.constant 50 : i32
        %mul3A_1943 = arith.muli %scan3A_1049, %mul3A_1942 : i32
        %add3A_1944 = arith.constant 28 : i32
        %add3A_1945 = arith.addi %mul3A_1943, %add3A_1944 : i32
        %get3A_1946 = arith.index_cast %add3A_1945 : i32 to index
        %get3A_1947 = arith.constant 16 : index
        %get3A_1948 = tpu.vector_load %arg10[%get3A_1946, %get3A_1947] {strides = array<i32>} : memref<800x64xf32, #tpu.memory_space<vmem>>, vector<16xf32>,
        %add3A_1949 = arith.addf %add3A_1917, %get3A_1948 : vector<16xf32>
        %mul3A_1950 = arith.constant 50 : i32
        %mul3A_1951 = arith.muli %scan3A_1049, %mul3A_1950 : i32
        %add3A_1952 = arith.constant 28 : i32
        %add3A_1953 = arith.addi %mul3A_1951, %add3A_1952 : i32
        %get3A_1954 = arith.index_cast %add3A_1953 : i32 to index
        %get3A_1955 = arith.constant 32 : index
        %get3A_1956 = tpu.vector_load %arg10[%get3A_1954, %get3A_1955] {strides = array<i32>} : memref<800x64xf32, #tpu.memory_space<vmem>>, vector<16xf32>,
        %add3A_1957 = arith.addf %add3A_1925, %get3A_1956 : vector<16xf32>
        %mul3A_1958 = arith.constant 50 : i32
        %mul3A_1959 = arith.muli %scan3A_1049, %mul3A_1958 : i32
        %add3A_1960 = arith.constant 28 : i32
        %add3A_1961 = arith.addi %mul3A_1959, %add3A_1960 : i32
        %get3A_1962 = arith.index_cast %add3A_1961 : i32 to index
        %get3A_1963 = arith.constant 48 : index
        %get3A_1964 = tpu.vector_load %arg10[%get3A_1962, %get3A_1963] {strides = array<i32>} : memref<800x64xf32, #tpu.memory_space<vmem>>, vector<16xf32>,
        %add3A_1965 = arith.addf %add3A_1933, %get3A_1964 : vector<16xf32>
        %mul3A_1966 = arith.constant 50 : i32
        %mul3A_1967 = arith.muli %scan3A_1049, %mul3A_1966 : i32
        %add3A_1968 = arith.constant 29 : i32
        %add3A_1969 = arith.addi %mul3A_1967, %add3A_1968 : i32
        %get3A_1970 = arith.index_cast %add3A_1969 : i32 to index
        %get3A_1971 = arith.constant 0 : index
        %get3A_1972 = tpu.vector_load %arg10[%get3A_1970, %get3A_1971] {strides = array<i32>} : memref<800x64xf32, #tpu.memory_space<vmem>>, vector<16xf32>,
        %add3A_1973 = arith.addf %add3A_1941, %get3A_1972 : vector<16xf32>
        %mul3A_1974 = arith.constant 50 : i32
        %mul3A_1975 = arith.muli %scan3A_1049, %mul3A_1974 : i32
        %add3A_1976 = arith.constant 29 : i32
        %add3A_1977 = arith.addi %mul3A_1975, %add3A_1976 : i32
        %get3A_1978 = arith.index_cast %add3A_1977 : i32 to index
        %get3A_1979 = arith.constant 16 : index
        %get3A_1980 = tpu.vector_load %arg10[%get3A_1978, %get3A_1979] {strides = array<i32>} : memref<800x64xf32, #tpu.memory_space<vmem>>, vector<16xf32>,
        %add3A_1981 = arith.addf %add3A_1949, %get3A_1980 : vector<16xf32>
        %mul3A_1982 = arith.constant 50 : i32
        %mul3A_1983 = arith.muli %scan3A_1049, %mul3A_1982 : i32
        %add3A_1984 = arith.constant 29 : i32
        %add3A_1985 = arith.addi %mul3A_1983, %add3A_1984 : i32
        %get3A_1986 = arith.index_cast %add3A_1985 : i32 to index
        %get3A_1987 = arith.constant 32 : index
        %get3A_1988 = tpu.vector_load %arg10[%get3A_1986, %get3A_1987] {strides = array<i32>} : memref<800x64xf32, #tpu.memory_space<vmem>>, vector<16xf32>,
        %add3A_1989 = arith.addf %add3A_1957, %get3A_1988 : vector<16xf32>
        %mul3A_1990 = arith.constant 50 : i32
        %mul3A_1991 = arith.muli %scan3A_1049, %mul3A_1990 : i32
        %add3A_1992 = arith.constant 29 : i32
        %add3A_1993 = arith.addi %mul3A_1991, %add3A_1992 : i32
        %get3A_1994 = arith.index_cast %add3A_1993 : i32 to index
        %get3A_1995 = arith.constant 48 : index
        %get3A_1996 = tpu.vector_load %arg10[%get3A_1994, %get3A_1995] {strides = array<i32>} : memref<800x64xf32, #tpu.memory_space<vmem>>, vector<16xf32>,
        %add3A_1997 = arith.addf %add3A_1965, %get3A_1996 : vector<16xf32>
        %mul3A_1998 = arith.constant 50 : i32
        %mul3A_1999 = arith.muli %scan3A_1049, %mul3A_1998 : i32
        %add3A_2000 = arith.constant 30 : i32
        %add3A_2001 = arith.addi %mul3A_1999, %add3A_2000 : i32
        %get3A_2002 = arith.index_cast %add3A_2001 : i32 to index
        %get3A_2003 = arith.constant 0 : index
        %get3A_2004 = tpu.vector_load %arg10[%get3A_2002, %get3A_2003] {strides = array<i32>} : memref<800x64xf32, #tpu.memory_space<vmem>>, vector<16xf32>,
        %add3A_2005 = arith.addf %add3A_1973, %get3A_2004 : vector<16xf32>
        %mul3A_2006 = arith.constant 50 : i32
        %mul3A_2007 = arith.muli %scan3A_1049, %mul3A_2006 : i32
        %add3A_2008 = arith.constant 30 : i32
        %add3A_2009 = arith.addi %mul3A_2007, %add3A_2008 : i32
        %get3A_2010 = arith.index_cast %add3A_2009 : i32 to index
        %get3A_2011 = arith.constant 16 : index
        %get3A_2012 = tpu.vector_load %arg10[%get3A_2010, %get3A_2011] {strides = array<i32>} : memref<800x64xf32, #tpu.memory_space<vmem>>, vector<16xf32>,
        %add3A_2013 = arith.addf %add3A_1981, %get3A_2012 : vector<16xf32>
        %mul3A_2014 = arith.constant 50 : i32
        %mul3A_2015 = arith.muli %scan3A_1049, %mul3A_2014 : i32
        %add3A_2016 = arith.constant 30 : i32
        %add3A_2017 = arith.addi %mul3A_2015, %add3A_2016 : i32
        %get3A_2018 = arith.index_cast %add3A_2017 : i32 to index
        %get3A_2019 = arith.constant 32 : index
        %get3A_2020 = tpu.vector_load %arg10[%get3A_2018, %get3A_2019] {strides = array<i32>} : memref<800x64xf32, #tpu.memory_space<vmem>>, vector<16xf32>,
        %add3A_2021 = arith.addf %add3A_1989, %get3A_2020 : vector<16xf32>
        %mul3A_2022 = arith.constant 50 : i32
        %mul3A_2023 = arith.muli %scan3A_1049, %mul3A_2022 : i32
        %add3A_2024 = arith.constant 30 : i32
        %add3A_2025 = arith.addi %mul3A_2023, %add3A_2024 : i32
        %get3A_2026 = arith.index_cast %add3A_2025 : i32 to index
        %get3A_2027 = arith.constant 48 : index
        %get3A_2028 = tpu.vector_load %arg10[%get3A_2026, %get3A_2027] {strides = array<i32>} : memref<800x64xf32, #tpu.memory_space<vmem>>, vector<16xf32>,
        %add3A_2029 = arith.addf %add3A_1997, %get3A_2028 : vector<16xf32>
        %mul3A_2030 = arith.constant 50 : i32
        %mul3A_2031 = arith.muli %scan3A_1049, %mul3A_2030 : i32
        %add3A_2032 = arith.constant 31 : i32
        %add3A_2033 = arith.addi %mul3A_2031, %add3A_2032 : i32
        %get3A_2034 = arith.index_cast %add3A_2033 : i32 to index
        %get3A_2035 = arith.constant 0 : index
        %get3A_2036 = tpu.vector_load %arg10[%get3A_2034, %get3A_2035] {strides = array<i32>} : memref<800x64xf32, #tpu.memory_space<vmem>>, vector<16xf32>,
        %add3A_2037 = arith.addf %add3A_2005, %get3A_2036 : vector<16xf32>
        %mul3A_2038 = arith.constant 50 : i32
        %mul3A_2039 = arith.muli %scan3A_1049, %mul3A_2038 : i32
        %add3A_2040 = arith.constant 31 : i32
        %add3A_2041 = arith.addi %mul3A_2039, %add3A_2040 : i32
        %get3A_2042 = arith.index_cast %add3A_2041 : i32 to index
        %get3A_2043 = arith.constant 16 : index
        %get3A_2044 = tpu.vector_load %arg10[%get3A_2042, %get3A_2043] {strides = array<i32>} : memref<800x64xf32, #tpu.memory_space<vmem>>, vector<16xf32>,
        %add3A_2045 = arith.addf %add3A_2013, %get3A_2044 : vector<16xf32>
        %mul3A_2046 = arith.constant 50 : i32
        %mul3A_2047 = arith.muli %scan3A_1049, %mul3A_2046 : i32
        %add3A_2048 = arith.constant 31 : i32
        %add3A_2049 = arith.addi %mul3A_2047, %add3A_2048 : i32
        %get3A_2050 = arith.index_cast %add3A_2049 : i32 to index
        %get3A_2051 = arith.constant 32 : index
        %get3A_2052 = tpu.vector_load %arg10[%get3A_2050, %get3A_2051] {strides = array<i32>} : memref<800x64xf32, #tpu.memory_space<vmem>>, vector<16xf32>,
        %add3A_2053 = arith.addf %add3A_2021, %get3A_2052 : vector<16xf32>
        %mul3A_2054 = arith.constant 50 : i32
        %mul3A_2055 = arith.muli %scan3A_1049, %mul3A_2054 : i32
        %add3A_2056 = arith.constant 31 : i32
        %add3A_2057 = arith.addi %mul3A_2055, %add3A_2056 : i32
        %get3A_2058 = arith.index_cast %add3A_2057 : i32 to index
        %get3A_2059 = arith.constant 48 : index
        %get3A_2060 = tpu.vector_load %arg10[%get3A_2058, %get3A_2059] {strides = array<i32>} : memref<800x64xf32, #tpu.memory_space<vmem>>, vector<16xf32>,
        %add3A_2061 = arith.addf %add3A_2029, %get3A_2060 : vector<16xf32>
        %mul3A_2062 = arith.constant 50 : i32
        %mul3A_2063 = arith.muli %scan3A_1049, %mul3A_2062 : i32
        %add3A_2064 = arith.constant 32 : i32
        %add3A_2065 = arith.addi %mul3A_2063, %add3A_2064 : i32
        %get3A_2066 = arith.index_cast %add3A_2065 : i32 to index
        %get3A_2067 = arith.constant 0 : index
        %get3A_2068 = tpu.vector_load %arg10[%get3A_2066, %get3A_2067] {strides = array<i32>} : memref<800x64xf32, #tpu.memory_space<vmem>>, vector<16xf32>,
        %add3A_2069 = arith.addf %add3A_2037, %get3A_2068 : vector<16xf32>
        %mul3A_2070 = arith.constant 50 : i32
        %mul3A_2071 = arith.muli %scan3A_1049, %mul3A_2070 : i32
        %add3A_2072 = arith.constant 32 : i32
        %add3A_2073 = arith.addi %mul3A_2071, %add3A_2072 : i32
        %get3A_2074 = arith.index_cast %add3A_2073 : i32 to index
        %get3A_2075 = arith.constant 16 : index
        %get3A_2076 = tpu.vector_load %arg10[%get3A_2074, %get3A_2075] {strides = array<i32>} : memref<800x64xf32, #tpu.memory_space<vmem>>, vector<16xf32>,
        %add3A_2077 = arith.addf %add3A_2045, %get3A_2076 : vector<16xf32>
        %mul3A_2078 = arith.constant 50 : i32
        %mul3A_2079 = arith.muli %scan3A_1049, %mul3A_2078 : i32
        %add3A_2080 = arith.constant 32 : i32
        %add3A_2081 = arith.addi %mul3A_2079, %add3A_2080 : i32
        %get3A_2082 = arith.index_cast %add3A_2081 : i32 to index
        %get3A_2083 = arith.constant 32 : index
        %get3A_2084 = tpu.vector_load %arg10[%get3A_2082, %get3A_2083] {strides = array<i32>} : memref<800x64xf32, #tpu.memory_space<vmem>>, vector<16xf32>,
        %add3A_2085 = arith.addf %add3A_2053, %get3A_2084 : vector<16xf32>
        %mul3A_2086 = arith.constant 50 : i32
        %mul3A_2087 = arith.muli %scan3A_1049, %mul3A_2086 : i32
        %add3A_2088 = arith.constant 32 : i32
        %add3A_2089 = arith.addi %mul3A_2087, %add3A_2088 : i32
        %get3A_2090 = arith.index_cast %add3A_2089 : i32 to index
        %get3A_2091 = arith.constant 48 : index
        %get3A_2092 = tpu.vector_load %arg10[%get3A_2090, %get3A_2091] {strides = array<i32>} : memref<800x64xf32, #tpu.memory_space<vmem>>, vector<16xf32>,
        %add3A_2093 = arith.addf %add3A_2061, %get3A_2092 : vector<16xf32>
        %mul3A_2094 = arith.constant 50 : i32
        %mul3A_2095 = arith.muli %scan3A_1049, %mul3A_2094 : i32
        %add3A_2096 = arith.constant 33 : i32
        %add3A_2097 = arith.addi %mul3A_2095, %add3A_2096 : i32
        %get3A_2098 = arith.index_cast %add3A_2097 : i32 to index
        %get3A_2099 = arith.constant 0 : index
        %get3A_2100 = tpu.vector_load %arg10[%get3A_2098, %get3A_2099] {strides = array<i32>} : memref<800x64xf32, #tpu.memory_space<vmem>>, vector<16xf32>,
        %add3A_2101 = arith.addf %add3A_2069, %get3A_2100 : vector<16xf32>
        %mul3A_2102 = arith.constant 50 : i32
        %mul3A_2103 = arith.muli %scan3A_1049, %mul3A_2102 : i32
        %add3A_2104 = arith.constant 33 : i32
        %add3A_2105 = arith.addi %mul3A_2103, %add3A_2104 : i32
        %get3A_2106 = arith.index_cast %add3A_2105 : i32 to index
        %get3A_2107 = arith.constant 16 : index
        %get3A_2108 = tpu.vector_load %arg10[%get3A_2106, %get3A_2107] {strides = array<i32>} : memref<800x64xf32, #tpu.memory_space<vmem>>, vector<16xf32>,
        %add3A_2109 = arith.addf %add3A_2077, %get3A_2108 : vector<16xf32>
        %mul3A_2110 = arith.constant 50 : i32
        %mul3A_2111 = arith.muli %scan3A_1049, %mul3A_2110 : i32
        %add3A_2112 = arith.constant 33 : i32
        %add3A_2113 = arith.addi %mul3A_2111, %add3A_2112 : i32
        %get3A_2114 = arith.index_cast %add3A_2113 : i32 to index
        %get3A_2115 = arith.constant 32 : index
        %get3A_2116 = tpu.vector_load %arg10[%get3A_2114, %get3A_2115] {strides = array<i32>} : memref<800x64xf32, #tpu.memory_space<vmem>>, vector<16xf32>,
        %add3A_2117 = arith.addf %add3A_2085, %get3A_2116 : vector<16xf32>
        %mul3A_2118 = arith.constant 50 : i32
        %mul3A_2119 = arith.muli %scan3A_1049, %mul3A_2118 : i32
        %add3A_2120 = arith.constant 33 : i32
        %add3A_2121 = arith.addi %mul3A_2119, %add3A_2120 : i32
        %get3A_2122 = arith.index_cast %add3A_2121 : i32 to index
        %get3A_2123 = arith.constant 48 : index
        %get3A_2124 = tpu.vector_load %arg10[%get3A_2122, %get3A_2123] {strides = array<i32>} : memref<800x64xf32, #tpu.memory_space<vmem>>, vector<16xf32>,
        %add3A_2125 = arith.addf %add3A_2093, %get3A_2124 : vector<16xf32>
        %mul3A_2126 = arith.constant 50 : i32
        %mul3A_2127 = arith.muli %scan3A_1049, %mul3A_2126 : i32
        %add3A_2128 = arith.constant 34 : i32
        %add3A_2129 = arith.addi %mul3A_2127, %add3A_2128 : i32
        %get3A_2130 = arith.index_cast %add3A_2129 : i32 to index
        %get3A_2131 = arith.constant 0 : index
        %get3A_2132 = tpu.vector_load %arg10[%get3A_2130, %get3A_2131] {strides = array<i32>} : memref<800x64xf32, #tpu.memory_space<vmem>>, vector<16xf32>,
        %add3A_2133 = arith.addf %add3A_2101, %get3A_2132 : vector<16xf32>
        %mul3A_2134 = arith.constant 50 : i32
        %mul3A_2135 = arith.muli %scan3A_1049, %mul3A_2134 : i32
        %add3A_2136 = arith.constant 34 : i32
        %add3A_2137 = arith.addi %mul3A_2135, %add3A_2136 : i32
        %get3A_2138 = arith.index_cast %add3A_2137 : i32 to index
        %get3A_2139 = arith.constant 16 : index
        %get3A_2140 = tpu.vector_load %arg10[%get3A_2138, %get3A_2139] {strides = array<i32>} : memref<800x64xf32, #tpu.memory_space<vmem>>, vector<16xf32>,
        %add3A_2141 = arith.addf %add3A_2109, %get3A_2140 : vector<16xf32>
        %mul3A_2142 = arith.constant 50 : i32
        %mul3A_2143 = arith.muli %scan3A_1049, %mul3A_2142 : i32
        %add3A_2144 = arith.constant 34 : i32
        %add3A_2145 = arith.addi %mul3A_2143, %add3A_2144 : i32
        %get3A_2146 = arith.index_cast %add3A_2145 : i32 to index
        %get3A_2147 = arith.constant 32 : index
        %get3A_2148 = tpu.vector_load %arg10[%get3A_2146, %get3A_2147] {strides = array<i32>} : memref<800x64xf32, #tpu.memory_space<vmem>>, vector<16xf32>,
        %add3A_2149 = arith.addf %add3A_2117, %get3A_2148 : vector<16xf32>
        %mul3A_2150 = arith.constant 50 : i32
        %mul3A_2151 = arith.muli %scan3A_1049, %mul3A_2150 : i32
        %add3A_2152 = arith.constant 34 : i32
        %add3A_2153 = arith.addi %mul3A_2151, %add3A_2152 : i32
        %get3A_2154 = arith.index_cast %add3A_2153 : i32 to index
        %get3A_2155 = arith.constant 48 : index
        %get3A_2156 = tpu.vector_load %arg10[%get3A_2154, %get3A_2155] {strides = array<i32>} : memref<800x64xf32, #tpu.memory_space<vmem>>, vector<16xf32>,
        %add3A_2157 = arith.addf %add3A_2125, %get3A_2156 : vector<16xf32>
        %mul3A_2158 = arith.constant 50 : i32
        %mul3A_2159 = arith.muli %scan3A_1049, %mul3A_2158 : i32
        %add3A_2160 = arith.constant 35 : i32
        %add3A_2161 = arith.addi %mul3A_2159, %add3A_2160 : i32
        %get3A_2162 = arith.index_cast %add3A_2161 : i32 to index
        %get3A_2163 = arith.constant 0 : index
        %get3A_2164 = tpu.vector_load %arg10[%get3A_2162, %get3A_2163] {strides = array<i32>} : memref<800x64xf32, #tpu.memory_space<vmem>>, vector<16xf32>,
        %add3A_2165 = arith.addf %add3A_2133, %get3A_2164 : vector<16xf32>
        %mul3A_2166 = arith.constant 50 : i32
        %mul3A_2167 = arith.muli %scan3A_1049, %mul3A_2166 : i32
        %add3A_2168 = arith.constant 35 : i32
        %add3A_2169 = arith.addi %mul3A_2167, %add3A_2168 : i32
        %get3A_2170 = arith.index_cast %add3A_2169 : i32 to index
        %get3A_2171 = arith.constant 16 : index
        %get3A_2172 = tpu.vector_load %arg10[%get3A_2170, %get3A_2171] {strides = array<i32>} : memref<800x64xf32, #tpu.memory_space<vmem>>, vector<16xf32>,
        %add3A_2173 = arith.addf %add3A_2141, %get3A_2172 : vector<16xf32>
        %mul3A_2174 = arith.constant 50 : i32
        %mul3A_2175 = arith.muli %scan3A_1049, %mul3A_2174 : i32
        %add3A_2176 = arith.constant 35 : i32
        %add3A_2177 = arith.addi %mul3A_2175, %add3A_2176 : i32
        %get3A_2178 = arith.index_cast %add3A_2177 : i32 to index
        %get3A_2179 = arith.constant 32 : index
        %get3A_2180 = tpu.vector_load %arg10[%get3A_2178, %get3A_2179] {strides = array<i32>} : memref<800x64xf32, #tpu.memory_space<vmem>>, vector<16xf32>,
        %add3A_2181 = arith.addf %add3A_2149, %get3A_2180 : vector<16xf32>
        %mul3A_2182 = arith.constant 50 : i32
        %mul3A_2183 = arith.muli %scan3A_1049, %mul3A_2182 : i32
        %add3A_2184 = arith.constant 35 : i32
        %add3A_2185 = arith.addi %mul3A_2183, %add3A_2184 : i32
        %get3A_2186 = arith.index_cast %add3A_2185 : i32 to index
        %get3A_2187 = arith.constant 48 : index
        %get3A_2188 = tpu.vector_load %arg10[%get3A_2186, %get3A_2187] {strides = array<i32>} : memref<800x64xf32, #tpu.memory_space<vmem>>, vector<16xf32>,
        %add3A_2189 = arith.addf %add3A_2157, %get3A_2188 : vector<16xf32>
        %mul3A_2190 = arith.constant 50 : i32
        %mul3A_2191 = arith.muli %scan3A_1049, %mul3A_2190 : i32
        %add3A_2192 = arith.constant 36 : i32
        %add3A_2193 = arith.addi %mul3A_2191, %add3A_2192 : i32
        %get3A_2194 = arith.index_cast %add3A_2193 : i32 to index
        %get3A_2195 = arith.constant 0 : index
        %get3A_2196 = tpu.vector_load %arg10[%get3A_2194, %get3A_2195] {strides = array<i32>} : memref<800x64xf32, #tpu.memory_space<vmem>>, vector<16xf32>,
        %add3A_2197 = arith.addf %add3A_2165, %get3A_2196 : vector<16xf32>
        %mul3A_2198 = arith.constant 50 : i32
        %mul3A_2199 = arith.muli %scan3A_1049, %mul3A_2198 : i32
        %add3A_2200 = arith.constant 36 : i32
        %add3A_2201 = arith.addi %mul3A_2199, %add3A_2200 : i32
        %get3A_2202 = arith.index_cast %add3A_2201 : i32 to index
        %get3A_2203 = arith.constant 16 : index
        %get3A_2204 = tpu.vector_load %arg10[%get3A_2202, %get3A_2203] {strides = array<i32>} : memref<800x64xf32, #tpu.memory_space<vmem>>, vector<16xf32>,
        %add3A_2205 = arith.addf %add3A_2173, %get3A_2204 : vector<16xf32>
        %mul3A_2206 = arith.constant 50 : i32
        %mul3A_2207 = arith.muli %scan3A_1049, %mul3A_2206 : i32
        %add3A_2208 = arith.constant 36 : i32
        %add3A_2209 = arith.addi %mul3A_2207, %add3A_2208 : i32
        %get3A_2210 = arith.index_cast %add3A_2209 : i32 to index
        %get3A_2211 = arith.constant 32 : index
        %get3A_2212 = tpu.vector_load %arg10[%get3A_2210, %get3A_2211] {strides = array<i32>} : memref<800x64xf32, #tpu.memory_space<vmem>>, vector<16xf32>,
        %add3A_2213 = arith.addf %add3A_2181, %get3A_2212 : vector<16xf32>
        %mul3A_2214 = arith.constant 50 : i32
        %mul3A_2215 = arith.muli %scan3A_1049, %mul3A_2214 : i32
        %add3A_2216 = arith.constant 36 : i32
        %add3A_2217 = arith.addi %mul3A_2215, %add3A_2216 : i32
        %get3A_2218 = arith.index_cast %add3A_2217 : i32 to index
        %get3A_2219 = arith.constant 48 : index
        %get3A_2220 = tpu.vector_load %arg10[%get3A_2218, %get3A_2219] {strides = array<i32>} : memref<800x64xf32, #tpu.memory_space<vmem>>, vector<16xf32>,
        %add3A_2221 = arith.addf %add3A_2189, %get3A_2220 : vector<16xf32>
        %mul3A_2222 = arith.constant 50 : i32
        %mul3A_2223 = arith.muli %scan3A_1049, %mul3A_2222 : i32
        %add3A_2224 = arith.constant 37 : i32
        %add3A_2225 = arith.addi %mul3A_2223, %add3A_2224 : i32
        %get3A_2226 = arith.index_cast %add3A_2225 : i32 to index
        %get3A_2227 = arith.constant 0 : index
        %get3A_2228 = tpu.vector_load %arg10[%get3A_2226, %get3A_2227] {strides = array<i32>} : memref<800x64xf32, #tpu.memory_space<vmem>>, vector<16xf32>,
        %add3A_2229 = arith.addf %add3A_2197, %get3A_2228 : vector<16xf32>
        %mul3A_2230 = arith.constant 50 : i32
        %mul3A_2231 = arith.muli %scan3A_1049, %mul3A_2230 : i32
        %add3A_2232 = arith.constant 37 : i32
        %add3A_2233 = arith.addi %mul3A_2231, %add3A_2232 : i32
        %get3A_2234 = arith.index_cast %add3A_2233 : i32 to index
        %get3A_2235 = arith.constant 16 : index
        %get3A_2236 = tpu.vector_load %arg10[%get3A_2234, %get3A_2235] {strides = array<i32>} : memref<800x64xf32, #tpu.memory_space<vmem>>, vector<16xf32>,
        %add3A_2237 = arith.addf %add3A_2205, %get3A_2236 : vector<16xf32>
        %mul3A_2238 = arith.constant 50 : i32
        %mul3A_2239 = arith.muli %scan3A_1049, %mul3A_2238 : i32
        %add3A_2240 = arith.constant 37 : i32
        %add3A_2241 = arith.addi %mul3A_2239, %add3A_2240 : i32
        %get3A_2242 = arith.index_cast %add3A_2241 : i32 to index
        %get3A_2243 = arith.constant 32 : index
        %get3A_2244 = tpu.vector_load %arg10[%get3A_2242, %get3A_2243] {strides = array<i32>} : memref<800x64xf32, #tpu.memory_space<vmem>>, vector<16xf32>,
        %add3A_2245 = arith.addf %add3A_2213, %get3A_2244 : vector<16xf32>
        %mul3A_2246 = arith.constant 50 : i32
        %mul3A_2247 = arith.muli %scan3A_1049, %mul3A_2246 : i32
        %add3A_2248 = arith.constant 37 : i32
        %add3A_2249 = arith.addi %mul3A_2247, %add3A_2248 : i32
        %get3A_2250 = arith.index_cast %add3A_2249 : i32 to index
        %get3A_2251 = arith.constant 48 : index
        %get3A_2252 = tpu.vector_load %arg10[%get3A_2250, %get3A_2251] {strides = array<i32>} : memref<800x64xf32, #tpu.memory_space<vmem>>, vector<16xf32>,
        %add3A_2253 = arith.addf %add3A_2221, %get3A_2252 : vector<16xf32>
        %mul3A_2254 = arith.constant 50 : i32
        %mul3A_2255 = arith.muli %scan3A_1049, %mul3A_2254 : i32
        %add3A_2256 = arith.constant 38 : i32
        %add3A_2257 = arith.addi %mul3A_2255, %add3A_2256 : i32
        %get3A_2258 = arith.index_cast %add3A_2257 : i32 to index
        %get3A_2259 = arith.constant 0 : index
        %get3A_2260 = tpu.vector_load %arg10[%get3A_2258, %get3A_2259] {strides = array<i32>} : memref<800x64xf32, #tpu.memory_space<vmem>>, vector<16xf32>,
        %add3A_2261 = arith.addf %add3A_2229, %get3A_2260 : vector<16xf32>
        %mul3A_2262 = arith.constant 50 : i32
        %mul3A_2263 = arith.muli %scan3A_1049, %mul3A_2262 : i32
        %add3A_2264 = arith.constant 38 : i32
        %add3A_2265 = arith.addi %mul3A_2263, %add3A_2264 : i32
        %get3A_2266 = arith.index_cast %add3A_2265 : i32 to index
        %get3A_2267 = arith.constant 16 : index
        %get3A_2268 = tpu.vector_load %arg10[%get3A_2266, %get3A_2267] {strides = array<i32>} : memref<800x64xf32, #tpu.memory_space<vmem>>, vector<16xf32>,
        %add3A_2269 = arith.addf %add3A_2237, %get3A_2268 : vector<16xf32>
        %mul3A_2270 = arith.constant 50 : i32
        %mul3A_2271 = arith.muli %scan3A_1049, %mul3A_2270 : i32
        %add3A_2272 = arith.constant 38 : i32
        %add3A_2273 = arith.addi %mul3A_2271, %add3A_2272 : i32
        %get3A_2274 = arith.index_cast %add3A_2273 : i32 to index
        %get3A_2275 = arith.constant 32 : index
        %get3A_2276 = tpu.vector_load %arg10[%get3A_2274, %get3A_2275] {strides = array<i32>} : memref<800x64xf32, #tpu.memory_space<vmem>>, vector<16xf32>,
        %add3A_2277 = arith.addf %add3A_2245, %get3A_2276 : vector<16xf32>
        %mul3A_2278 = arith.constant 50 : i32
        %mul3A_2279 = arith.muli %scan3A_1049, %mul3A_2278 : i32
        %add3A_2280 = arith.constant 38 : i32
        %add3A_2281 = arith.addi %mul3A_2279, %add3A_2280 : i32
        %get3A_2282 = arith.index_cast %add3A_2281 : i32 to index
        %get3A_2283 = arith.constant 48 : index
        %get3A_2284 = tpu.vector_load %arg10[%get3A_2282, %get3A_2283] {strides = array<i32>} : memref<800x64xf32, #tpu.memory_space<vmem>>, vector<16xf32>,
        %add3A_2285 = arith.addf %add3A_2253, %get3A_2284 : vector<16xf32>
        %mul3A_2286 = arith.constant 50 : i32
        %mul3A_2287 = arith.muli %scan3A_1049, %mul3A_2286 : i32
        %add3A_2288 = arith.constant 39 : i32
        %add3A_2289 = arith.addi %mul3A_2287, %add3A_2288 : i32
        %get3A_2290 = arith.index_cast %add3A_2289 : i32 to index
        %get3A_2291 = arith.constant 0 : index
        %get3A_2292 = tpu.vector_load %arg10[%get3A_2290, %get3A_2291] {strides = array<i32>} : memref<800x64xf32, #tpu.memory_space<vmem>>, vector<16xf32>,
        %add3A_2293 = arith.addf %add3A_2261, %get3A_2292 : vector<16xf32>
        %mul3A_2294 = arith.constant 50 : i32
        %mul3A_2295 = arith.muli %scan3A_1049, %mul3A_2294 : i32
        %add3A_2296 = arith.constant 39 : i32
        %add3A_2297 = arith.addi %mul3A_2295, %add3A_2296 : i32
        %get3A_2298 = arith.index_cast %add3A_2297 : i32 to index
        %get3A_2299 = arith.constant 16 : index
        %get3A_2300 = tpu.vector_load %arg10[%get3A_2298, %get3A_2299] {strides = array<i32>} : memref<800x64xf32, #tpu.memory_space<vmem>>, vector<16xf32>,
        %add3A_2301 = arith.addf %add3A_2269, %get3A_2300 : vector<16xf32>
        %mul3A_2302 = arith.constant 50 : i32
        %mul3A_2303 = arith.muli %scan3A_1049, %mul3A_2302 : i32
        %add3A_2304 = arith.constant 39 : i32
        %add3A_2305 = arith.addi %mul3A_2303, %add3A_2304 : i32
        %get3A_2306 = arith.index_cast %add3A_2305 : i32 to index
        %get3A_2307 = arith.constant 32 : index
        %get3A_2308 = tpu.vector_load %arg10[%get3A_2306, %get3A_2307] {strides = array<i32>} : memref<800x64xf32, #tpu.memory_space<vmem>>, vector<16xf32>,
        %add3A_2309 = arith.addf %add3A_2277, %get3A_2308 : vector<16xf32>
        %mul3A_2310 = arith.constant 50 : i32
        %mul3A_2311 = arith.muli %scan3A_1049, %mul3A_2310 : i32
        %add3A_2312 = arith.constant 39 : i32
        %add3A_2313 = arith.addi %mul3A_2311, %add3A_2312 : i32
        %get3A_2314 = arith.index_cast %add3A_2313 : i32 to index
        %get3A_2315 = arith.constant 48 : index
        %get3A_2316 = tpu.vector_load %arg10[%get3A_2314, %get3A_2315] {strides = array<i32>} : memref<800x64xf32, #tpu.memory_space<vmem>>, vector<16xf32>,
        %add3A_2317 = arith.addf %add3A_2285, %get3A_2316 : vector<16xf32>
        %mul3A_2318 = arith.constant 50 : i32
        %mul3A_2319 = arith.muli %scan3A_1049, %mul3A_2318 : i32
        %add3A_2320 = arith.constant 40 : i32
        %add3A_2321 = arith.addi %mul3A_2319, %add3A_2320 : i32
        %get3A_2322 = arith.index_cast %add3A_2321 : i32 to index
        %get3A_2323 = arith.constant 0 : index
        %get3A_2324 = tpu.vector_load %arg10[%get3A_2322, %get3A_2323] {strides = array<i32>} : memref<800x64xf32, #tpu.memory_space<vmem>>, vector<16xf32>,
        %add3A_2325 = arith.addf %add3A_2293, %get3A_2324 : vector<16xf32>
        %mul3A_2326 = arith.constant 50 : i32
        %mul3A_2327 = arith.muli %scan3A_1049, %mul3A_2326 : i32
        %add3A_2328 = arith.constant 40 : i32
        %add3A_2329 = arith.addi %mul3A_2327, %add3A_2328 : i32
        %get3A_2330 = arith.index_cast %add3A_2329 : i32 to index
        %get3A_2331 = arith.constant 16 : index
        %get3A_2332 = tpu.vector_load %arg10[%get3A_2330, %get3A_2331] {strides = array<i32>} : memref<800x64xf32, #tpu.memory_space<vmem>>, vector<16xf32>,
        %add3A_2333 = arith.addf %add3A_2301, %get3A_2332 : vector<16xf32>
        %mul3A_2334 = arith.constant 50 : i32
        %mul3A_2335 = arith.muli %scan3A_1049, %mul3A_2334 : i32
        %add3A_2336 = arith.constant 40 : i32
        %add3A_2337 = arith.addi %mul3A_2335, %add3A_2336 : i32
        %get3A_2338 = arith.index_cast %add3A_2337 : i32 to index
        %get3A_2339 = arith.constant 32 : index
        %get3A_2340 = tpu.vector_load %arg10[%get3A_2338, %get3A_2339] {strides = array<i32>} : memref<800x64xf32, #tpu.memory_space<vmem>>, vector<16xf32>,
        %add3A_2341 = arith.addf %add3A_2309, %get3A_2340 : vector<16xf32>
        %mul3A_2342 = arith.constant 50 : i32
        %mul3A_2343 = arith.muli %scan3A_1049, %mul3A_2342 : i32
        %add3A_2344 = arith.constant 40 : i32
        %add3A_2345 = arith.addi %mul3A_2343, %add3A_2344 : i32
        %get3A_2346 = arith.index_cast %add3A_2345 : i32 to index
        %get3A_2347 = arith.constant 48 : index
        %get3A_2348 = tpu.vector_load %arg10[%get3A_2346, %get3A_2347] {strides = array<i32>} : memref<800x64xf32, #tpu.memory_space<vmem>>, vector<16xf32>,
        %add3A_2349 = arith.addf %add3A_2317, %get3A_2348 : vector<16xf32>
        %mul3A_2350 = arith.constant 50 : i32
        %mul3A_2351 = arith.muli %scan3A_1049, %mul3A_2350 : i32
        %add3A_2352 = arith.constant 41 : i32
        %add3A_2353 = arith.addi %mul3A_2351, %add3A_2352 : i32
        %get3A_2354 = arith.index_cast %add3A_2353 : i32 to index
        %get3A_2355 = arith.constant 0 : index
        %get3A_2356 = tpu.vector_load %arg10[%get3A_2354, %get3A_2355] {strides = array<i32>} : memref<800x64xf32, #tpu.memory_space<vmem>>, vector<16xf32>,
        %add3A_2357 = arith.addf %add3A_2325, %get3A_2356 : vector<16xf32>
        %mul3A_2358 = arith.constant 50 : i32
        %mul3A_2359 = arith.muli %scan3A_1049, %mul3A_2358 : i32
        %add3A_2360 = arith.constant 41 : i32
        %add3A_2361 = arith.addi %mul3A_2359, %add3A_2360 : i32
        %get3A_2362 = arith.index_cast %add3A_2361 : i32 to index
        %get3A_2363 = arith.constant 16 : index
        %get3A_2364 = tpu.vector_load %arg10[%get3A_2362, %get3A_2363] {strides = array<i32>} : memref<800x64xf32, #tpu.memory_space<vmem>>, vector<16xf32>,
        %add3A_2365 = arith.addf %add3A_2333, %get3A_2364 : vector<16xf32>
        %mul3A_2366 = arith.constant 50 : i32
        %mul3A_2367 = arith.muli %scan3A_1049, %mul3A_2366 : i32
        %add3A_2368 = arith.constant 41 : i32
        %add3A_2369 = arith.addi %mul3A_2367, %add3A_2368 : i32
        %get3A_2370 = arith.index_cast %add3A_2369 : i32 to index
        %get3A_2371 = arith.constant 32 : index
        %get3A_2372 = tpu.vector_load %arg10[%get3A_2370, %get3A_2371] {strides = array<i32>} : memref<800x64xf32, #tpu.memory_space<vmem>>, vector<16xf32>,
        %add3A_2373 = arith.addf %add3A_2341, %get3A_2372 : vector<16xf32>
        %mul3A_2374 = arith.constant 50 : i32
        %mul3A_2375 = arith.muli %scan3A_1049, %mul3A_2374 : i32
        %add3A_2376 = arith.constant 41 : i32
        %add3A_2377 = arith.addi %mul3A_2375, %add3A_2376 : i32
        %get3A_2378 = arith.index_cast %add3A_2377 : i32 to index
        %get3A_2379 = arith.constant 48 : index
        %get3A_2380 = tpu.vector_load %arg10[%get3A_2378, %get3A_2379] {strides = array<i32>} : memref<800x64xf32, #tpu.memory_space<vmem>>, vector<16xf32>,
        %add3A_2381 = arith.addf %add3A_2349, %get3A_2380 : vector<16xf32>
        %mul3A_2382 = arith.constant 50 : i32
        %mul3A_2383 = arith.muli %scan3A_1049, %mul3A_2382 : i32
        %add3A_2384 = arith.constant 42 : i32
        %add3A_2385 = arith.addi %mul3A_2383, %add3A_2384 : i32
        %get3A_2386 = arith.index_cast %add3A_2385 : i32 to index
        %get3A_2387 = arith.constant 0 : index
        %get3A_2388 = tpu.vector_load %arg10[%get3A_2386, %get3A_2387] {strides = array<i32>} : memref<800x64xf32, #tpu.memory_space<vmem>>, vector<16xf32>,
        %add3A_2389 = arith.addf %add3A_2357, %get3A_2388 : vector<16xf32>
        %mul3A_2390 = arith.constant 50 : i32
        %mul3A_2391 = arith.muli %scan3A_1049, %mul3A_2390 : i32
        %add3A_2392 = arith.constant 42 : i32
        %add3A_2393 = arith.addi %mul3A_2391, %add3A_2392 : i32
        %get3A_2394 = arith.index_cast %add3A_2393 : i32 to index
        %get3A_2395 = arith.constant 16 : index
        %get3A_2396 = tpu.vector_load %arg10[%get3A_2394, %get3A_2395] {strides = array<i32>} : memref<800x64xf32, #tpu.memory_space<vmem>>, vector<16xf32>,
        %add3A_2397 = arith.addf %add3A_2365, %get3A_2396 : vector<16xf32>
        %mul3A_2398 = arith.constant 50 : i32
        %mul3A_2399 = arith.muli %scan3A_1049, %mul3A_2398 : i32
        %add3A_2400 = arith.constant 42 : i32
        %add3A_2401 = arith.addi %mul3A_2399, %add3A_2400 : i32
        %get3A_2402 = arith.index_cast %add3A_2401 : i32 to index
        %get3A_2403 = arith.constant 32 : index
        %get3A_2404 = tpu.vector_load %arg10[%get3A_2402, %get3A_2403] {strides = array<i32>} : memref<800x64xf32, #tpu.memory_space<vmem>>, vector<16xf32>,
        %add3A_2405 = arith.addf %add3A_2373, %get3A_2404 : vector<16xf32>
        %mul3A_2406 = arith.constant 50 : i32
        %mul3A_2407 = arith.muli %scan3A_1049, %mul3A_2406 : i32
        %add3A_2408 = arith.constant 42 : i32
        %add3A_2409 = arith.addi %mul3A_2407, %add3A_2408 : i32
        %get3A_2410 = arith.index_cast %add3A_2409 : i32 to index
        %get3A_2411 = arith.constant 48 : index
        %get3A_2412 = tpu.vector_load %arg10[%get3A_2410, %get3A_2411] {strides = array<i32>} : memref<800x64xf32, #tpu.memory_space<vmem>>, vector<16xf32>,
        %add3A_2413 = arith.addf %add3A_2381, %get3A_2412 : vector<16xf32>
        %mul3A_2414 = arith.constant 50 : i32
        %mul3A_2415 = arith.muli %scan3A_1049, %mul3A_2414 : i32
        %add3A_2416 = arith.constant 43 : i32
        %add3A_2417 = arith.addi %mul3A_2415, %add3A_2416 : i32
        %get3A_2418 = arith.index_cast %add3A_2417 : i32 to index
        %get3A_2419 = arith.constant 0 : index
        %get3A_2420 = tpu.vector_load %arg10[%get3A_2418, %get3A_2419] {strides = array<i32>} : memref<800x64xf32, #tpu.memory_space<vmem>>, vector<16xf32>,
        %add3A_2421 = arith.addf %add3A_2389, %get3A_2420 : vector<16xf32>
        %mul3A_2422 = arith.constant 50 : i32
        %mul3A_2423 = arith.muli %scan3A_1049, %mul3A_2422 : i32
        %add3A_2424 = arith.constant 43 : i32
        %add3A_2425 = arith.addi %mul3A_2423, %add3A_2424 : i32
        %get3A_2426 = arith.index_cast %add3A_2425 : i32 to index
        %get3A_2427 = arith.constant 16 : index
        %get3A_2428 = tpu.vector_load %arg10[%get3A_2426, %get3A_2427] {strides = array<i32>} : memref<800x64xf32, #tpu.memory_space<vmem>>, vector<16xf32>,
        %add3A_2429 = arith.addf %add3A_2397, %get3A_2428 : vector<16xf32>
        %mul3A_2430 = arith.constant 50 : i32
        %mul3A_2431 = arith.muli %scan3A_1049, %mul3A_2430 : i32
        %add3A_2432 = arith.constant 43 : i32
        %add3A_2433 = arith.addi %mul3A_2431, %add3A_2432 : i32
        %get3A_2434 = arith.index_cast %add3A_2433 : i32 to index
        %get3A_2435 = arith.constant 32 : index
        %get3A_2436 = tpu.vector_load %arg10[%get3A_2434, %get3A_2435] {strides = array<i32>} : memref<800x64xf32, #tpu.memory_space<vmem>>, vector<16xf32>,
        %add3A_2437 = arith.addf %add3A_2405, %get3A_2436 : vector<16xf32>
        %mul3A_2438 = arith.constant 50 : i32
        %mul3A_2439 = arith.muli %scan3A_1049, %mul3A_2438 : i32
        %add3A_2440 = arith.constant 43 : i32
        %add3A_2441 = arith.addi %mul3A_2439, %add3A_2440 : i32
        %get3A_2442 = arith.index_cast %add3A_2441 : i32 to index
        %get3A_2443 = arith.constant 48 : index
        %get3A_2444 = tpu.vector_load %arg10[%get3A_2442, %get3A_2443] {strides = array<i32>} : memref<800x64xf32, #tpu.memory_space<vmem>>, vector<16xf32>,
        %add3A_2445 = arith.addf %add3A_2413, %get3A_2444 : vector<16xf32>
        %mul3A_2446 = arith.constant 50 : i32
        %mul3A_2447 = arith.muli %scan3A_1049, %mul3A_2446 : i32
        %add3A_2448 = arith.constant 44 : i32
        %add3A_2449 = arith.addi %mul3A_2447, %add3A_2448 : i32
        %get3A_2450 = arith.index_cast %add3A_2449 : i32 to index
        %get3A_2451 = arith.constant 0 : index
        %get3A_2452 = tpu.vector_load %arg10[%get3A_2450, %get3A_2451] {strides = array<i32>} : memref<800x64xf32, #tpu.memory_space<vmem>>, vector<16xf32>,
        %add3A_2453 = arith.addf %add3A_2421, %get3A_2452 : vector<16xf32>
        %mul3A_2454 = arith.constant 50 : i32
        %mul3A_2455 = arith.muli %scan3A_1049, %mul3A_2454 : i32
        %add3A_2456 = arith.constant 44 : i32
        %add3A_2457 = arith.addi %mul3A_2455, %add3A_2456 : i32
        %get3A_2458 = arith.index_cast %add3A_2457 : i32 to index
        %get3A_2459 = arith.constant 16 : index
        %get3A_2460 = tpu.vector_load %arg10[%get3A_2458, %get3A_2459] {strides = array<i32>} : memref<800x64xf32, #tpu.memory_space<vmem>>, vector<16xf32>,
        %add3A_2461 = arith.addf %add3A_2429, %get3A_2460 : vector<16xf32>
        %mul3A_2462 = arith.constant 50 : i32
        %mul3A_2463 = arith.muli %scan3A_1049, %mul3A_2462 : i32
        %add3A_2464 = arith.constant 44 : i32
        %add3A_2465 = arith.addi %mul3A_2463, %add3A_2464 : i32
        %get3A_2466 = arith.index_cast %add3A_2465 : i32 to index
        %get3A_2467 = arith.constant 32 : index
        %get3A_2468 = tpu.vector_load %arg10[%get3A_2466, %get3A_2467] {strides = array<i32>} : memref<800x64xf32, #tpu.memory_space<vmem>>, vector<16xf32>,
        %add3A_2469 = arith.addf %add3A_2437, %get3A_2468 : vector<16xf32>
        %mul3A_2470 = arith.constant 50 : i32
        %mul3A_2471 = arith.muli %scan3A_1049, %mul3A_2470 : i32
        %add3A_2472 = arith.constant 44 : i32
        %add3A_2473 = arith.addi %mul3A_2471, %add3A_2472 : i32
        %get3A_2474 = arith.index_cast %add3A_2473 : i32 to index
        %get3A_2475 = arith.constant 48 : index
        %get3A_2476 = tpu.vector_load %arg10[%get3A_2474, %get3A_2475] {strides = array<i32>} : memref<800x64xf32, #tpu.memory_space<vmem>>, vector<16xf32>,
        %add3A_2477 = arith.addf %add3A_2445, %get3A_2476 : vector<16xf32>
        %mul3A_2478 = arith.constant 50 : i32
        %mul3A_2479 = arith.muli %scan3A_1049, %mul3A_2478 : i32
        %add3A_2480 = arith.constant 45 : i32
        %add3A_2481 = arith.addi %mul3A_2479, %add3A_2480 : i32
        %get3A_2482 = arith.index_cast %add3A_2481 : i32 to index
        %get3A_2483 = arith.constant 0 : index
        %get3A_2484 = tpu.vector_load %arg10[%get3A_2482, %get3A_2483] {strides = array<i32>} : memref<800x64xf32, #tpu.memory_space<vmem>>, vector<16xf32>,
        %add3A_2485 = arith.addf %add3A_2453, %get3A_2484 : vector<16xf32>
        %mul3A_2486 = arith.constant 50 : i32
        %mul3A_2487 = arith.muli %scan3A_1049, %mul3A_2486 : i32
        %add3A_2488 = arith.constant 45 : i32
        %add3A_2489 = arith.addi %mul3A_2487, %add3A_2488 : i32
        %get3A_2490 = arith.index_cast %add3A_2489 : i32 to index
        %get3A_2491 = arith.constant 16 : index
        %get3A_2492 = tpu.vector_load %arg10[%get3A_2490, %get3A_2491] {strides = array<i32>} : memref<800x64xf32, #tpu.memory_space<vmem>>, vector<16xf32>,
        %add3A_2493 = arith.addf %add3A_2461, %get3A_2492 : vector<16xf32>
        %mul3A_2494 = arith.constant 50 : i32
        %mul3A_2495 = arith.muli %scan3A_1049, %mul3A_2494 : i32
        %add3A_2496 = arith.constant 45 : i32
        %add3A_2497 = arith.addi %mul3A_2495, %add3A_2496 : i32
        %get3A_2498 = arith.index_cast %add3A_2497 : i32 to index
        %get3A_2499 = arith.constant 32 : index
        %get3A_2500 = tpu.vector_load %arg10[%get3A_2498, %get3A_2499] {strides = array<i32>} : memref<800x64xf32, #tpu.memory_space<vmem>>, vector<16xf32>,
        %add3A_2501 = arith.addf %add3A_2469, %get3A_2500 : vector<16xf32>
        %mul3A_2502 = arith.constant 50 : i32
        %mul3A_2503 = arith.muli %scan3A_1049, %mul3A_2502 : i32
        %add3A_2504 = arith.constant 45 : i32
        %add3A_2505 = arith.addi %mul3A_2503, %add3A_2504 : i32
        %get3A_2506 = arith.index_cast %add3A_2505 : i32 to index
        %get3A_2507 = arith.constant 48 : index
        %get3A_2508 = tpu.vector_load %arg10[%get3A_2506, %get3A_2507] {strides = array<i32>} : memref<800x64xf32, #tpu.memory_space<vmem>>, vector<16xf32>,
        %add3A_2509 = arith.addf %add3A_2477, %get3A_2508 : vector<16xf32>
        %mul3A_2510 = arith.constant 50 : i32
        %mul3A_2511 = arith.muli %scan3A_1049, %mul3A_2510 : i32
        %add3A_2512 = arith.constant 46 : i32
        %add3A_2513 = arith.addi %mul3A_2511, %add3A_2512 : i32
        %get3A_2514 = arith.index_cast %add3A_2513 : i32 to index
        %get3A_2515 = arith.constant 0 : index
        %get3A_2516 = tpu.vector_load %arg10[%get3A_2514, %get3A_2515] {strides = array<i32>} : memref<800x64xf32, #tpu.memory_space<vmem>>, vector<16xf32>,
        %add3A_2517 = arith.addf %add3A_2485, %get3A_2516 : vector<16xf32>
        %mul3A_2518 = arith.constant 50 : i32
        %mul3A_2519 = arith.muli %scan3A_1049, %mul3A_2518 : i32
        %add3A_2520 = arith.constant 46 : i32
        %add3A_2521 = arith.addi %mul3A_2519, %add3A_2520 : i32
        %get3A_2522 = arith.index_cast %add3A_2521 : i32 to index
        %get3A_2523 = arith.constant 16 : index
        %get3A_2524 = tpu.vector_load %arg10[%get3A_2522, %get3A_2523] {strides = array<i32>} : memref<800x64xf32, #tpu.memory_space<vmem>>, vector<16xf32>,
        %add3A_2525 = arith.addf %add3A_2493, %get3A_2524 : vector<16xf32>
        %mul3A_2526 = arith.constant 50 : i32
        %mul3A_2527 = arith.muli %scan3A_1049, %mul3A_2526 : i32
        %add3A_2528 = arith.constant 46 : i32
        %add3A_2529 = arith.addi %mul3A_2527, %add3A_2528 : i32
        %get3A_2530 = arith.index_cast %add3A_2529 : i32 to index
        %get3A_2531 = arith.constant 32 : index
        %get3A_2532 = tpu.vector_load %arg10[%get3A_2530, %get3A_2531] {strides = array<i32>} : memref<800x64xf32, #tpu.memory_space<vmem>>, vector<16xf32>,
        %add3A_2533 = arith.addf %add3A_2501, %get3A_2532 : vector<16xf32>
        %mul3A_2534 = arith.constant 50 : i32
        %mul3A_2535 = arith.muli %scan3A_1049, %mul3A_2534 : i32
        %add3A_2536 = arith.constant 46 : i32
        %add3A_2537 = arith.addi %mul3A_2535, %add3A_2536 : i32
        %get3A_2538 = arith.index_cast %add3A_2537 : i32 to index
        %get3A_2539 = arith.constant 48 : index
        %get3A_2540 = tpu.vector_load %arg10[%get3A_2538, %get3A_2539] {strides = array<i32>} : memref<800x64xf32, #tpu.memory_space<vmem>>, vector<16xf32>,
        %add3A_2541 = arith.addf %add3A_2509, %get3A_2540 : vector<16xf32>
        %mul3A_2542 = arith.constant 50 : i32
        %mul3A_2543 = arith.muli %scan3A_1049, %mul3A_2542 : i32
        %add3A_2544 = arith.constant 47 : i32
        %add3A_2545 = arith.addi %mul3A_2543, %add3A_2544 : i32
        %get3A_2546 = arith.index_cast %add3A_2545 : i32 to index
        %get3A_2547 = arith.constant 0 : index
        %get3A_2548 = tpu.vector_load %arg10[%get3A_2546, %get3A_2547] {strides = array<i32>} : memref<800x64xf32, #tpu.memory_space<vmem>>, vector<16xf32>,
        %add3A_2549 = arith.addf %add3A_2517, %get3A_2548 : vector<16xf32>
        %mul3A_2550 = arith.constant 50 : i32
        %mul3A_2551 = arith.muli %scan3A_1049, %mul3A_2550 : i32
        %add3A_2552 = arith.constant 47 : i32
        %add3A_2553 = arith.addi %mul3A_2551, %add3A_2552 : i32
        %get3A_2554 = arith.index_cast %add3A_2553 : i32 to index
        %get3A_2555 = arith.constant 16 : index
        %get3A_2556 = tpu.vector_load %arg10[%get3A_2554, %get3A_2555] {strides = array<i32>} : memref<800x64xf32, #tpu.memory_space<vmem>>, vector<16xf32>,
        %add3A_2557 = arith.addf %add3A_2525, %get3A_2556 : vector<16xf32>
        %mul3A_2558 = arith.constant 50 : i32
        %mul3A_2559 = arith.muli %scan3A_1049, %mul3A_2558 : i32
        %add3A_2560 = arith.constant 47 : i32
        %add3A_2561 = arith.addi %mul3A_2559, %add3A_2560 : i32
        %get3A_2562 = arith.index_cast %add3A_2561 : i32 to index
        %get3A_2563 = arith.constant 32 : index
        %get3A_2564 = tpu.vector_load %arg10[%get3A_2562, %get3A_2563] {strides = array<i32>} : memref<800x64xf32, #tpu.memory_space<vmem>>, vector<16xf32>,
        %add3A_2565 = arith.addf %add3A_2533, %get3A_2564 : vector<16xf32>
        %mul3A_2566 = arith.constant 50 : i32
        %mul3A_2567 = arith.muli %scan3A_1049, %mul3A_2566 : i32
        %add3A_2568 = arith.constant 47 : i32
        %add3A_2569 = arith.addi %mul3A_2567, %add3A_2568 : i32
        %get3A_2570 = arith.index_cast %add3A_2569 : i32 to index
        %get3A_2571 = arith.constant 48 : index
        %get3A_2572 = tpu.vector_load %arg10[%get3A_2570, %get3A_2571] {strides = array<i32>} : memref<800x64xf32, #tpu.memory_space<vmem>>, vector<16xf32>,
        %add3A_2573 = arith.addf %add3A_2541, %get3A_2572 : vector<16xf32>
        %mul3A_2574 = arith.constant 50 : i32
        %mul3A_2575 = arith.muli %scan3A_1049, %mul3A_2574 : i32
        %add3A_2576 = arith.constant 48 : i32
        %add3A_2577 = arith.addi %mul3A_2575, %add3A_2576 : i32
        %get3A_2578 = arith.index_cast %add3A_2577 : i32 to index
        %get3A_2579 = arith.constant 0 : index
        %get3A_2580 = tpu.vector_load %arg10[%get3A_2578, %get3A_2579] {strides = array<i32>} : memref<800x64xf32, #tpu.memory_space<vmem>>, vector<16xf32>,
        %add3A_2581 = arith.addf %add3A_2549, %get3A_2580 : vector<16xf32>
        %mul3A_2582 = arith.constant 50 : i32
        %mul3A_2583 = arith.muli %scan3A_1049, %mul3A_2582 : i32
        %add3A_2584 = arith.constant 48 : i32
        %add3A_2585 = arith.addi %mul3A_2583, %add3A_2584 : i32
        %get3A_2586 = arith.index_cast %add3A_2585 : i32 to index
        %get3A_2587 = arith.constant 16 : index
        %get3A_2588 = tpu.vector_load %arg10[%get3A_2586, %get3A_2587] {strides = array<i32>} : memref<800x64xf32, #tpu.memory_space<vmem>>, vector<16xf32>,
        %add3A_2589 = arith.addf %add3A_2557, %get3A_2588 : vector<16xf32>
        %mul3A_2590 = arith.constant 50 : i32
        %mul3A_2591 = arith.muli %scan3A_1049, %mul3A_2590 : i32
        %add3A_2592 = arith.constant 48 : i32
        %add3A_2593 = arith.addi %mul3A_2591, %add3A_2592 : i32
        %get3A_2594 = arith.index_cast %add3A_2593 : i32 to index
        %get3A_2595 = arith.constant 32 : index
        %get3A_2596 = tpu.vector_load %arg10[%get3A_2594, %get3A_2595] {strides = array<i32>} : memref<800x64xf32, #tpu.memory_space<vmem>>, vector<16xf32>,
        %add3A_2597 = arith.addf %add3A_2565, %get3A_2596 : vector<16xf32>
        %mul3A_2598 = arith.constant 50 : i32
        %mul3A_2599 = arith.muli %scan3A_1049, %mul3A_2598 : i32
        %add3A_2600 = arith.constant 48 : i32
        %add3A_2601 = arith.addi %mul3A_2599, %add3A_2600 : i32
        %get3A_2602 = arith.index_cast %add3A_2601 : i32 to index
        %get3A_2603 = arith.constant 48 : index
        %get3A_2604 = tpu.vector_load %arg10[%get3A_2602, %get3A_2603] {strides = array<i32>} : memref<800x64xf32, #tpu.memory_space<vmem>>, vector<16xf32>,
        %add3A_2605 = arith.addf %add3A_2573, %get3A_2604 : vector<16xf32>
        %mul3A_2606 = arith.constant 50 : i32
        %mul3A_2607 = arith.muli %scan3A_1049, %mul3A_2606 : i32
        %add3A_2608 = arith.constant 49 : i32
        %add3A_2609 = arith.addi %mul3A_2607, %add3A_2608 : i32
        %get3A_2610 = arith.index_cast %add3A_2609 : i32 to index
        %get3A_2611 = arith.constant 0 : index
        %get3A_2612 = tpu.vector_load %arg10[%get3A_2610, %get3A_2611] {strides = array<i32>} : memref<800x64xf32, #tpu.memory_space<vmem>>, vector<16xf32>,
        %add3A_2613 = arith.addf %add3A_2581, %get3A_2612 : vector<16xf32>
        %mul3A_2614 = arith.constant 50 : i32
        %mul3A_2615 = arith.muli %scan3A_1049, %mul3A_2614 : i32
        %add3A_2616 = arith.constant 49 : i32
        %add3A_2617 = arith.addi %mul3A_2615, %add3A_2616 : i32
        %get3A_2618 = arith.index_cast %add3A_2617 : i32 to index
        %get3A_2619 = arith.constant 16 : index
        %get3A_2620 = tpu.vector_load %arg10[%get3A_2618, %get3A_2619] {strides = array<i32>} : memref<800x64xf32, #tpu.memory_space<vmem>>, vector<16xf32>,
        %add3A_2621 = arith.addf %add3A_2589, %get3A_2620 : vector<16xf32>
        %mul3A_2622 = arith.constant 50 : i32
        %mul3A_2623 = arith.muli %scan3A_1049, %mul3A_2622 : i32
        %add3A_2624 = arith.constant 49 : i32
        %add3A_2625 = arith.addi %mul3A_2623, %add3A_2624 : i32
        %get3A_2626 = arith.index_cast %add3A_2625 : i32 to index
        %get3A_2627 = arith.constant 32 : index
        %get3A_2628 = tpu.vector_load %arg10[%get3A_2626, %get3A_2627] {strides = array<i32>} : memref<800x64xf32, #tpu.memory_space<vmem>>, vector<16xf32>,
        %add3A_2629 = arith.addf %add3A_2597, %get3A_2628 : vector<16xf32>
        %mul3A_2630 = arith.constant 50 : i32
        %mul3A_2631 = arith.muli %scan3A_1049, %mul3A_2630 : i32
        %add3A_2632 = arith.constant 49 : i32
        %add3A_2633 = arith.addi %mul3A_2631, %add3A_2632 : i32
        %get3A_2634 = arith.index_cast %add3A_2633 : i32 to index
        %get3A_2635 = arith.constant 48 : index
        %get3A_2636 = tpu.vector_load %arg10[%get3A_2634, %get3A_2635] {strides = array<i32>} : memref<800x64xf32, #tpu.memory_space<vmem>>, vector<16xf32>,
        %add3A_2637 = arith.addf %add3A_2605, %get3A_2636 : vector<16xf32>
        %swap3A = arith.index_cast %scan3A_1049 : i32 to index
        %swap3A_2638 = arith.constant 0 : index
        %swap3A_2639 = tpu.vector_load %arg12[%swap3A, %swap3A_2638] {strides = array<i32>} : memref<16x64xf32, #tpu.memory_space<vmem>>, vector<16xf32>,
        tpu.vector_store %arg12[%swap3A, %swap3A_2638], %add3A_2613 {strides = array<i32>} : memref<16x64xf32, #tpu.memory_space<vmem>>, vector<16xf32>,
        %swap3A_2640 = arith.index_cast %scan3A_1049 : i32 to index
        %swap3A_2641 = arith.constant 16 : index
        %swap3A_2642 = tpu.vector_load %arg12[%swap3A_2640, %swap3A_2641] {strides = array<i32>} : memref<16x64xf32, #tpu.memory_space<vmem>>, vector<16xf32>,
        tpu.vector_store %arg12[%swap3A_2640, %swap3A_2641], %add3A_2621 {strides = array<i32>} : memref<16x64xf32, #tpu.memory_space<vmem>>, vector<16xf32>,
        %swap3A_2643 = arith.index_cast %scan3A_1049 : i32 to index
        %swap3A_2644 = arith.constant 32 : index
        %swap3A_2645 = tpu.vector_load %arg12[%swap3A_2643, %swap3A_2644] {strides = array<i32>} : memref<16x64xf32, #tpu.memory_space<vmem>>, vector<16xf32>,
        tpu.vector_store %arg12[%swap3A_2643, %swap3A_2644], %add3A_2629 {strides = array<i32>} : memref<16x64xf32, #tpu.memory_space<vmem>>, vector<16xf32>,
        %swap3A_2646 = arith.index_cast %scan3A_1049 : i32 to index
        %swap3A_2647 = arith.constant 48 : index
        %swap3A_2648 = tpu.vector_load %arg12[%swap3A_2646, %swap3A_2647] {strides = array<i32>} : memref<16x64xf32, #tpu.memory_space<vmem>>, vector<16xf32>,
        tpu.vector_store %arg12[%swap3A_2646, %swap3A_2647], %add3A_2637 {strides = array<i32>} : memref<16x64xf32, #tpu.memory_space<vmem>>, vector<16xf32>,
      }
      %scan3A_1048 = arith.constant 16 : i32
      "tpu.region"() ({
        %run_scoped3A = tpu.sem_alloc : memref<!tpu.dma_semaphore, #tpu.memory_space<semaphore_mem>>
        %dma_start3A_1049 = arith.constant 0 : i32
        %dma_start3A_1050 = tpu.memref_slice %arg4[%add3A_1039, %dma_start3A_1049] : memref<16384x64xf32, #tpu.memory_space<hbm>> -> memref<16x64xf32, #tpu.memory_space<hbm>>
        %dma_start3A_1051 = arith.constant 0 : i32
        %dma_start3A_1052 = tpu.memref_slice %arg4[%add3A_1039, %dma_start3A_1051] : memref<16384x64xf32, #tpu.memory_space<hbm>> -> memref<16x64xf32, #tpu.memory_space<hbm>>
        tpu.enqueue_dma source(%arg12 : memref<16x64xf32, #tpu.memory_space<vmem>>) target(%dma_start3A_1052 : memref<16x64xf32, #tpu.memory_space<hbm>>) target_semaphore(%run_scoped3A : memref<!tpu.dma_semaphore, #tpu.memory_space<semaphore_mem>>)
        %dma_wait3A_1053 = arith.constant 0 : i32
        %dma_wait3A_1054 = tpu.memref_slice %arg4[%add3A_1039, %dma_wait3A_1053] : memref<16384x64xf32, #tpu.memory_space<hbm>> -> memref<16x64xf32, #tpu.memory_space<hbm>>
        %dma_wait3A_1055 = arith.constant 0 : i32
        %dma_wait3A_1056 = tpu.memref_slice %arg4[%add3A_1039, %dma_wait3A_1055] : memref<16384x64xf32, #tpu.memory_space<hbm>> -> memref<16x64xf32, #tpu.memory_space<hbm>>
        tpu.wait_dma2 semaphore(%run_scoped3A : memref<!tpu.dma_semaphore, #tpu.memory_space<semaphore_mem>>) src(%arg12 : memref<16x64xf32, #tpu.memory_space<vmem>>) dst(%dma_wait3A_1056 : memref<16x64xf32, #tpu.memory_space<hbm>>)
        tpu.yield
      }) : () -> ()
    }
    %scan3A_505 = arith.constant 16 : i32
    return
  }
}

module attributes {stable_mosaic.version = 14 : i64} {
  func.func @_mlp_body(%arg0: i32, %arg1: memref<2048x64xf32, #tpu.memory_space<vmem>>, %arg2: memref<1x64xf32, #tpu.memory_space<vmem>>, %arg3: memref<1x64xf32, #tpu.memory_space<vmem>>, %arg4: memref<64x128xf32, #tpu.memory_space<vmem>>, %arg5: memref<1x128xf32, #tpu.memory_space<vmem>>, %arg6: memref<1x128xf32, #tpu.memory_space<vmem>>, %arg7: memref<128x4xf32, #tpu.memory_space<vmem>>, %arg8: memref<1x4xf32, #tpu.memory_space<vmem>>, %arg9: memref<2048x4xf32, #tpu.memory_space<vmem>>) attributes {dimension_semantics = [#tpu.dimension_semantics<arbitrary>], iteration_bounds = array<i64: 8>, scalar_prefetch = 0 : i64, scratch_operands = 0 : i64, tpu.core_type = #tpu.core_type<tc>, window_params = [{transform_indices = @transform_0, window_bounds = array<i64: 2048, 64>}, {pipeline_mode = #tpu.pipeline_mode<synchronous>, transform_indices = @transform_1, window_bounds = array<i64: 1, 64>}, {pipeline_mode = #tpu.pipeline_mode<synchronous>, transform_indices = @transform_2, window_bounds = array<i64: 1, 64>}, {pipeline_mode = #tpu.pipeline_mode<synchronous>, transform_indices = @transform_3, window_bounds = array<i64: 64, 128>}, {pipeline_mode = #tpu.pipeline_mode<synchronous>, transform_indices = @transform_4, window_bounds = array<i64: 1, 128>}, {pipeline_mode = #tpu.pipeline_mode<synchronous>, transform_indices = @transform_5, window_bounds = array<i64: 1, 128>}, {pipeline_mode = #tpu.pipeline_mode<synchronous>, transform_indices = @transform_6, window_bounds = array<i64: 128, 4>}, {pipeline_mode = #tpu.pipeline_mode<synchronous>, transform_indices = @transform_7, window_bounds = array<i64: 1, 4>}, {transform_indices = @transform_8, window_bounds = array<i64: 2048, 4>}]} {
    %get3A = arith.constant 0 : index
    %get3A_0 = arith.constant 0 : index
    %get3A_1 = vector.load %arg1[%get3A, %get3A_0] : memref<2048x64xf32, #tpu.memory_space<vmem>>, vector<2048x64xf32>
    %get3A_2 = arith.constant 0 : index
    %get3A_3 = arith.constant 0 : index
    %get3A_4 = vector.load %arg2[%get3A_2, %get3A_3] : memref<1x64xf32, #tpu.memory_space<vmem>>, vector<1x64xf32>
    %mul3A = vector.broadcast %get3A_4 : vector<1x64xf32> to vector<2048x64xf32>
    %mul3A_5 = arith.mulf %get3A_1, %mul3A : vector<2048x64xf32>
    %get3A_6 = arith.constant 0 : index
    %get3A_7 = arith.constant 0 : index
    %get3A_8 = vector.load %arg3[%get3A_6, %get3A_7] : memref<1x64xf32, #tpu.memory_space<vmem>>, vector<1x64xf32>
    %add3A = vector.broadcast %get3A_8 : vector<1x64xf32> to vector<2048x64xf32>
    %add3A_9 = arith.addf %mul3A_5, %add3A : vector<2048x64xf32>
    %max3A = arith.constant 0.000000e+00 : f32
    %max3A_10 = vector.broadcast %max3A : f32 to vector<2048x64xf32>
    %max3A_11 = arith.maximumf %add3A_9, %max3A_10 : vector<2048x64xf32>
    %get3A_12 = arith.constant 0 : index
    %get3A_13 = arith.constant 0 : index
    %get3A_14 = vector.load %arg4[%get3A_12, %get3A_13] : memref<64x128xf32, #tpu.memory_space<vmem>>, vector<64x128xf32>
    %dot_general3A = arith.constant dense<0.000000e+00> : vector<2048x128xf32>
    %dot_general3A_15 = tpu.matmul %max3A_11, %get3A_14, %dot_general3A {dimension_numbers = #tpu.dot_dimension_numbers<[1], [0], [0], [1], [0, 0, 1, 1], [], []>, transpose_lhs_hint = false} : vector<2048x64xf32>, vector<64x128xf32>, vector<2048x128xf32> -> vector<2048x128xf32>
    %get3A_16 = arith.constant 0 : index
    %get3A_17 = arith.constant 0 : index
    %get3A_18 = vector.load %arg5[%get3A_16, %get3A_17] : memref<1x128xf32, #tpu.memory_space<vmem>>, vector<1x128xf32>
    %mul3A_19 = vector.broadcast %get3A_18 : vector<1x128xf32> to vector<2048x128xf32>
    %mul3A_20 = arith.mulf %dot_general3A_15, %mul3A_19 : vector<2048x128xf32>
    %get3A_21 = arith.constant 0 : index
    %get3A_22 = arith.constant 0 : index
    %get3A_23 = vector.load %arg6[%get3A_21, %get3A_22] : memref<1x128xf32, #tpu.memory_space<vmem>>, vector<1x128xf32>
    %add3A_24 = vector.broadcast %get3A_23 : vector<1x128xf32> to vector<2048x128xf32>
    %add3A_25 = arith.addf %mul3A_20, %add3A_24 : vector<2048x128xf32>
    %max3A_26 = arith.constant 0.000000e+00 : f32
    %max3A_27 = vector.broadcast %max3A_26 : f32 to vector<2048x128xf32>
    %max3A_28 = arith.maximumf %add3A_25, %max3A_27 : vector<2048x128xf32>
    %get3A_29 = arith.constant 0 : index
    %get3A_30 = arith.constant 0 : index
    %get3A_31 = vector.load %arg7[%get3A_29, %get3A_30] : memref<128x4xf32, #tpu.memory_space<vmem>>, vector<128x4xf32>
    %dot_general3A_32 = arith.constant dense<0.000000e+00> : vector<2048x4xf32>
    %dot_general3A_33 = tpu.matmul %max3A_28, %get3A_31, %dot_general3A_32 {dimension_numbers = #tpu.dot_dimension_numbers<[1], [0], [0], [1], [0, 0, 1, 1], [], []>, transpose_lhs_hint = false} : vector<2048x128xf32>, vector<128x4xf32>, vector<2048x4xf32> -> vector<2048x4xf32>
    %get3A_34 = arith.constant 0 : index
    %get3A_35 = arith.constant 0 : index
    %get3A_36 = vector.load %arg8[%get3A_34, %get3A_35] : memref<1x4xf32, #tpu.memory_space<vmem>>, vector<1x4xf32>
    %add3A_37 = vector.broadcast %get3A_36 : vector<1x4xf32> to vector<2048x4xf32>
    %add3A_38 = arith.addf %dot_general3A_33, %add3A_37 : vector<2048x4xf32>
    %swap3A = arith.constant 0 : index
    %swap3A_39 = arith.constant 0 : index
    %swap3A_40 = vector.load %arg9[%swap3A, %swap3A_39] : memref<2048x4xf32, #tpu.memory_space<vmem>>, vector<2048x4xf32>
    tpu.vector_store %arg9[%swap3A, %swap3A_39], %add3A_38 {strides = array<i32>} : memref<2048x4xf32, #tpu.memory_space<vmem>>, vector<2048x4xf32>,
    return
  }
  func.func @transform_0(%arg0: i32) -> (i32, i32) {
    %c0_i32 = arith.constant 0 : i32
    %c0_i32_0 = arith.constant 0 : i32
    return %arg0, %c0_i32 : i32, i32
  }
  func.func @transform_1(%arg0: i32) -> (i32, i32) {
    %c0_i32 = arith.constant 0 : i32
    %c0_i32_0 = arith.constant 0 : i32
    %c0_i32_1 = arith.constant 0 : i32
    return %c0_i32, %c0_i32_0 : i32, i32
  }
  func.func @transform_2(%arg0: i32) -> (i32, i32) {
    %c0_i32 = arith.constant 0 : i32
    %c0_i32_0 = arith.constant 0 : i32
    %c0_i32_1 = arith.constant 0 : i32
    return %c0_i32, %c0_i32_0 : i32, i32
  }
  func.func @transform_3(%arg0: i32) -> (i32, i32) {
    %c0_i32 = arith.constant 0 : i32
    %c0_i32_0 = arith.constant 0 : i32
    %c0_i32_1 = arith.constant 0 : i32
    return %c0_i32, %c0_i32_0 : i32, i32
  }
  func.func @transform_4(%arg0: i32) -> (i32, i32) {
    %c0_i32 = arith.constant 0 : i32
    %c0_i32_0 = arith.constant 0 : i32
    %c0_i32_1 = arith.constant 0 : i32
    return %c0_i32, %c0_i32_0 : i32, i32
  }
  func.func @transform_5(%arg0: i32) -> (i32, i32) {
    %c0_i32 = arith.constant 0 : i32
    %c0_i32_0 = arith.constant 0 : i32
    %c0_i32_1 = arith.constant 0 : i32
    return %c0_i32, %c0_i32_0 : i32, i32
  }
  func.func @transform_6(%arg0: i32) -> (i32, i32) {
    %c0_i32 = arith.constant 0 : i32
    %c0_i32_0 = arith.constant 0 : i32
    %c0_i32_1 = arith.constant 0 : i32
    return %c0_i32, %c0_i32_0 : i32, i32
  }
  func.func @transform_7(%arg0: i32) -> (i32, i32) {
    %c0_i32 = arith.constant 0 : i32
    %c0_i32_0 = arith.constant 0 : i32
    %c0_i32_1 = arith.constant 0 : i32
    return %c0_i32, %c0_i32_0 : i32, i32
  }
  func.func @transform_8(%arg0: i32) -> (i32, i32) {
    %c0_i32 = arith.constant 0 : i32
    %c0_i32_0 = arith.constant 0 : i32
    return %arg0, %c0_i32 : i32, i32
  }
}

</mosaic_0001>

<sc_bundles>
// kernel: kernel.4.cloned.1.call-start
scs
__scs_entry_jumppad:
0x0: {  	(pc) =	sbr.rel $0x88, $3  }
0x1: {  	(tag) =	ssettag $0x0;
	lr =	simm.s32 $0x1  }
0x2: {  	[smem:$0x3F97] =	sst lr;
	_ =	strace $0xD0000000  }
0x3: {  	_ = 	snop  }
0x4: {  	_ = 	snop  }
0x5: {  	_ = 	snop  }
0x6: {  	_ = 	snop  }
0x7: {  	_ = 	snop  }
__scs_overlays_trampoline_lowered:
0x8: {  	[smem:$0x3FA6] =	sst s0  }
0x9: {  	[smem:$0x3FA7] =	sst s1  }
0xa: {  	[smem:$0x3FA8] =	sst s2  }
0xb: {  	[smem:$0x3FA9] =	sst s3  }
0xc: {  	[smem:$0x3FAA] =	sst s4  }
0xd: {  	[smem:$0x3FAB] =	sst s5  }
0xe: {  	[smem:$0x3FAC] =	sst s6  }
0xf: {  	[smem:$0x3FAD] =	sst s7  }
0x10: {  	[smem:$0x3FAE] =	sst s8  }
0x11: {  	[smem:$0x3FAF] =	sst s9;
	s0 =	simm.s32 @!p0 $0x0  }
0x12: {  	s1 =	sld [smem:$0x3F95];
	s0 =	simm.s32 @p0 $0x1  }
0x13: {  	[smem:$0x3FB0] =	sst s0;
	s0 =	simm.s32 @!p1 $0x0  }
0x14: {  	s2 =	sld [smem:$0x3F94];
	s0 =	simm.s32 @p1 $0x1  }
0x15: {  	[smem:$0x3FB1] =	sst s0;
	s0 =	simm.s32 @!p2 $0x0  }
0x16: {  	s3 =	sld [smem:$0x3FDB];
	s0 =	simm.s32 @p2 $0x1  }
0x17: {  	s4 =	simm.s32 $0x1BF5;
	[smem:$0x3FB3] =	sst s0  }
0x18: {  	s0 =	sld [smem:$0x3F96];
	_ =	swait.ge [sflag:s4], $0x0  }
0x19: {  	s7 =	sld [smem:$0x3F97]  }
0x1a: {  	s8 =	sadd.s32 $0xFFFFE003, lr  }
0x1b: {  	s9 =	sadd.s32 $0xFFFFFEF7, lr;
	s5 =	simm.s32 $0xFFFFFFFF;
	p2 =	slt.u32 s8, $0xFFFFF086  }
0x1c: {  	p1 =	slt.u32 s9, $0xF7A;
	s5 =	simm.s32 @!p2 $0x0  }
0x1d: {  	s5 =	simm.s32 @p1 $0x1;
	p0 =	seq.s32 s7, s2  }
0x1e: {  	s7 =	smul.u32 @!p0 $0xF7A, s2;
	p2 =	seq.s32 @!p0 s5, $0x0  }
0x1f: {  	s9 =	smul.u32 $0xF7A, s1;
	s8 =	simm.s32 @!p0 $0x1BF5;
	p2 =	por !p2, p0  }
0x20: {  	[sflag:s8] =	ssyncset.s32 @!p0 $0xFFFFF086;
	s6 =	sadd.s32 @!p0 s3, s7;
	s7 =	simm.s32 @!p0 $0x108  }
0x21: {  	s3 =	sadd.s32 s3, s9;
	s6 =	sadd.s32 @!p0 $0x88, s6;
	s7 =	simm.s32 @p2 $0x1082  }
0x22: {  	[simem:s7], [sflag:s8] =	dma.local @!p0 [hbm:s6], $0xF7A  }
0x23: {  	s9 =	sor.u32 $0xD0000000, s2;
	s6 =	simm.s32 $0x108;
	_ =	swait.ge @!p0 [sflag:s8], $0x0  }
0x24: {  	s3 =	sadd.s32 $0x88, s3;
	s6 =	simm.s32 @!p1 $0x1082;
	[sflag:s4] =	ssyncset.s32 $0xFFFFF086  }
0x25: {  	[simem:s6], [sflag:s4] =	dma.local [hbm:s3], $0xF7A  }
0x26: {  	[smem:$0x3F97] =	sst s1;
	(tag) =	ssettag s2;
	_ =	strace s9  }
0x27: {  	s1 =	sld [smem:$0x3FA7]  }
0x28: {  	s2 =	sld [smem:$0x3FA8]  }
0x29: {  	s4 =	sld [smem:$0x3FAA]  }
0x2a: {  	p0 =	seq.s32 s5, $0x0;
	s5 =	sld [smem:$0x3FAB]  }
0x2b: {  	s6 =	sld [smem:$0x3FAC]  }
0x2c: {  	s7 =	sld [smem:$0x3FAD]  }
0x2d: {  	s3 =	simm.s32 $0x108;
	s8 =	sld [smem:$0x3FAE]  }
0x2e: {  	s3 =	simm.s32 @!p0 $0x1082;
	s9 =	sld [smem:$0x3FAF]  }
0x2f: {  	lr =	sadd.s32 s0, s3;
	s0 =	sld [smem:$0x3FA6]  }
0x30: {  	s3 =	sld [smem:$0x3FA9]  }
0x31: {  	[smem:$0x3FB2] =	sst s10  }
0x32: {  	s10 =	sld [smem:$0x3FB0];
	_ =	sdelay $0x3  }
0x33: {  	p0 =	seq.s32 s10, $0x1;
	s10 =	sld [smem:$0x3FB2];
	_ =	sdelay $0x3  }
0x34: {  	[smem:$0x3FB2] =	sst s10  }
0x35: {  	s10 =	sld [smem:$0x3FB1];
	_ =	sdelay $0x3  }
0x36: {  	p1 =	seq.s32 s10, $0x1;
	s10 =	sld [smem:$0x3FB2];
	_ =	sdelay $0x3  }
0x37: {  	[smem:$0x3FB2] =	sst s10  }
0x38: {  	s10 =	sld [smem:$0x3FB3]  }
0x39: {  	_ = 	snop;
	(pc) =	sbr.ind lr, $3  }
0x3a: {  	_ = 	snop  }
0x3b: {  	_ = 	snop  }
0x3c: {  	p2 =	seq.s32 s10, $0x1;
	s10 =	sld [smem:$0x3FB2]  }
0x3d: {  	_ =	shalt  }
0x3e: {  	_ =	shalt  }
0x3f: {  	_ =	shalt  }
0x40: {  	_ =	shalt  }
0x41: {  	_ =	shalt  }
0x42: {  	_ =	shalt  }
0x43: {  	_ =	shalt  }
0x44: {  	_ =	shalt  }
0x45: {  	_ =	shalt  }
0x46: {  	_ =	shalt  }
0x47: {  	_ =	shalt  }
0x48: {  	_ =	shalt  }
0x49: {  	_ =	shalt  }
0x4a: {  	_ =	shalt  }
0x4b: {  	_ =	shalt  }
0x4c: {  	_ =	shalt  }
0x4d: {  	_ =	shalt  }
0x4e: {  	_ =	shalt  }
0x4f: {  	_ =	shalt  }
0x50: {  	_ =	shalt  }
0x51: {  	_ =	shalt  }
0x52: {  	_ =	shalt  }
0x53: {  	_ =	shalt  }
0x54: {  	_ =	shalt  }
0x55: {  	_ =	shalt  }
0x56: {  	_ =	shalt  }
0x57: {  	_ =	shalt  }
0x58: {  	_ =	shalt  }
0x59: {  	_ =	shalt  }
0x5a: {  	_ =	shalt  }
0x5b: {  	_ =	shalt  }
0x5c: {  	_ =	shalt  }
0x5d: {  	_ =	shalt  }
0x5e: {  	_ =	shalt  }
0x5f: {  	_ =	shalt  }
0x60: {  	_ =	shalt  }
0x61: {  	_ =	shalt  }
0x62: {  	_ =	shalt  }
0x63: {  	_ =	shalt  }
0x64: {  	_ =	shalt  }
0x65: {  	_ =	shalt  }
0x66: {  	_ =	shalt  }
0x67: {  	_ =	shalt  }
0x68: {  	_ =	shalt  }
0x69: {  	_ =	shalt  }
0x6a: {  	_ =	shalt  }
0x6b: {  	_ =	shalt  }
0x6c: {  	_ =	shalt  }
0x6d: {  	_ =	shalt  }
0x6e: {  	_ =	shalt  }
0x6f: {  	_ =	shalt  }
0x70: {  	_ =	shalt  }
0x71: {  	_ =	shalt  }
0x72: {  	_ =	shalt  }
0x73: {  	_ =	shalt  }
0x74: {  	_ =	shalt  }
0x75: {  	_ =	shalt  }
0x76: {  	_ =	shalt  }
0x77: {  	_ =	shalt  }
0x78: {  	_ =	shalt  }
0x79: {  	_ =	shalt  }
0x7a: {  	_ =	shalt  }
0x7b: {  	_ =	shalt  }
0x7c: {  	_ =	shalt  }
0x7d: {  	_ =	shalt  }
0x7e: {  	_ =	shalt  }
0x7f: {  	_ =	shalt  }
0x80: {  	_ =	shalt  }
0x81: {  	_ =	shalt  }
0x82: {  	_ =	shalt  }
0x83: {  	_ =	shalt  }
0x84: {  	_ =	shalt  }
0x85: {  	_ =	shalt  }
0x86: {  	_ =	shalt  }
0x87: {  	_ =	shalt  }
.Lfunc_end0:
.L_simem_size_0:
called_computation_lowered:
.L_overlay_start_0:
0x88: {  	s2 =	sld [smem:$0x3FD9]  }
0x89: {  	s3 =	sld [smem:$0x3FFE];
	_ =	sdelay $0x1  }
0x8a: {  	s1 =	srdreg.scid  }
0x8b: {  	s0 =	sand.u32 $0x1, s1  }
0x8c: {  	s16 =	sshll.u32 s0, $0xA;
	s2 =	sadd.s32 s3, s2  }
0x8d: {  	s2 =	sadd.s32 s2, s16  }
0x8e: {  	[smem:$0x3FBE] =	sst s2  }
0x8f: {  	_ = 	snop  }
0x90: {  	(tm) =	ssettm $0x1  }
0x91: {  	s17 =	sld [smem:$0x3FFB];
	_ =	sdelay $0x3  }
0x92: {  	_ =	strace s17  }
0x93: {  	s2 =	sld [smem:$0x3FFC];
	_ =	sdelay $0x3  }
0x94: {  	_ =	strace s2  }
0x95: {  	s2 =	sld [smem:$0x3FFD];
	_ =	sdelay $0x3  }
0x96: {  	_ =	strace s2  }
0x97: {  	_ =	strace $0x8FFFFFFF  }
0x98: {  	s18 =	sld [smem:$0x3FDB];
	_ =	sdelay $0x1  }
0x99: {  	s19 =	simm.s32 $_scs_section_size  }
0x9a: {  	s4 =	simm.s32 $_size__tile_overlayer_lowered;
	s5 =	simm.s32 $_tile_overlayer_lowered  }
0x9b: {  	s22 =	simm.s32 $0x1BFF;
	s21 =	sshll.u32 s5, $0x1;
	s2 =	sadd.s32 s19, s18  }
0x9c: {  	s6 =	simm.s32 $0x0;
	s20 =	sshll.u32 s4, $0x1;
	s4 =	sadd.s32 s21, s2  }
0x9d: {  	[timem:s6], [sflag:s22] =	dma.local [hbm:s4], s20  }
0x9e: {  	_ =	swait.ge [sflag:s22], s20  }
0x9f: {  	s3 =	ssub.s32 $0x0, s20;
	[sflag:s22] =	ssyncset.done $0x0  }
0xa0: {  	[sflag:s22] =	ssyncadd.s32 s3;
	_ =	sdelay $0x1  }
0xa1: {  	s23 =	simm.s32 $0x1B8B  }
0xa2: {  	_ =	swait.ge [sflag:s23], $0x1  }
0xa3: {  	[sflag:s23] =	ssyncset.done $0x0  }
0xa4: {  	s25 =	simm.s32 $0x1B8E;
	s24 =	sld [smem:$0x3FFE];
	[sflag:s23] =	ssyncadd.s32 $0xFFFFFFFF  }
0xa5: {  	s26 =	simm.s32 $execute0_lowered;
	[smem:$0x3FD2] =	sst s25  }
0xa6: {  	s4 =	sshll.u32 s26, $0x1;
	_ =	strace $0x80000046;
	[dreg:$0x1] =	wrdreg $0xFFFFFFFF  }
0xa7: {  	s28 =	simm.s32 $_size_execute0_lowered;
	s2 =	sadd.s32 s2, s4;
	[dreg:$0x0] =	wrdreg $0x0  }
0xa8: {  	s4 =	sshll.u32 s28, $0x1;
	[dreg:$0x2] =	wrdreg s2  }
0xa9: {  	[dreg:$0x3] =	wrdreg s4  }
0xaa: {  	[dreg:$0x4] =	wrdreg $0xC0  }
0xab: {  	_ =	task [dreg:s6], $0x5FFFF  }
0xac: {  	[dreg:$0x1] =	wrdreg $0xFFFFFFFF  }
0xad: {  	[dreg:$0x0] =	wrdreg $0x60  }
0xae: {  	[dreg:$0x2] =	wrdreg s24  }
0xaf: {  	[dreg:$0x3] =	wrdreg $0x9  }
0xb0: {  	_ =	task.clear_ibuf [dreg:s6], $0x4FFFF;
	_ =	strace $0x90000046  }
0xb1: {  	s29 =	simm.s32 $0x9;
	_ =	strace $0x80000048  }
0xb2: {  	_ =	swait.ge [sflag:s29], $0x1  }
0xb3: {  	[sflag:s29] =	ssyncadd.s32 $0xFFFFFFFF  }
0xb4: {  	_ =	strace $0x90000048  }
0xb5: {  	_ =	sfence  }
0xb6: {  	s30 =	sld [smem:$0x0];
	_ =	sdelay $0x2  }
0xb7: {  	s31 =	sshll.u32 s1, $0xD;
	s1 =	sshrl.u32 s1, $0x2  }
0xb8: {  	s3 =	sand.u32 $0x4000, s31;
	s1 =	sadd.s32 s1, s30  }
0xb9: {  	s0 =	sor.u32 s3, s0;
	s1 =	sshll.u32 s1, $0x11  }
0xba: {  	s0 =	sor.u32 s1, s0  }
0xbb: {  	s0 =	sadd.s32 $0x8F2B, s0  }
0xbc: {  	[sflag:s0] =	ssyncadd.remote.s32 $0x1  }
0xbd: {  	_ =	sfence.sel $0xFFFF  }
0xbe: {  	[dreg:$0x0] =	wrdreg $0xFFFFFFFF;
	(pc) =	sbr.abs _section_cstart, $3  }
0xbf: {  	[dreg:$0x1] =	wrdreg $0xFFFFFFFF  }
0xc0: {  	_ =	task.clear_ibuf [dreg:s6], $0x2FFFF;
	_ =	strace $0x9FFFFFFF  }
0xc1: {  	(tm) =	ssettm $0x7FFFFFFF  }
tec
execute0_lowered:
.L_overlay_start_1:
0x0: {  	(tag) =	ssettag $0x1  }
0x1: {  	v0 =	vlaneseq.u32  }
0x2: {  	v1 =	vor.u32 $0x10, v0  }
0x3: {  	v63 =	vor.u32 $0x20, v0;
	[tilespmem:$0x1FC10] =	vst v1  }
0x4: {  	v4 =	vor.u32 $0x30, v0;
	[tilespmem:$0x1FC20] =	vst v63  }
0x5: {  	v5 =	vadd.s32 $0x32, v0;
	[tilespmem:$0x1FC30] =	vst v4  }
0x6: {  	v6 =	vadd.s32 $0x42, v0;
	[tilespmem:$0x1FC40] =	vst v5  }
0x7: {  	v7 =	vadd.s32 $0x52, v0;
	[tilespmem:$0x1FC50] =	vst v6  }
0x8: {  	v8 =	vadd.s32 $0x62, v0;
	[tilespmem:$0x1FC60] =	vst v7  }
0x9: {  	v9 =	vadd.s32 $0x64, v0;
	[tilespmem:$0x1FC70] =	vst v8  }
0xa: {  	v10 =	vadd.s32 $0x74, v0;
	[tilespmem:$0x1FC80] =	vst v9  }
0xb: {  	v11 =	vadd.s32 $0x84, v0;
	[tilespmem:$0x1FC90] =	vst v10  }
0xc: {  	v12 =	vadd.s32 $0x94, v0;
	[tilespmem:$0x1FCA0] =	vst v11  }
0xd: {  	v13 =	vadd.s32 $0x96, v0;
	[tilespmem:$0x1FCB0] =	vst v12  }
0xe: {  	v14 =	vadd.s32 $0xA6, v0;
	[tilespmem:$0x1FCC0] =	vst v13  }
0xf: {  	v15 =	vadd.s32 $0xB6, v0;
	[tilespmem:$0x1FCD0] =	vst v14  }
0x10: {  	v16 =	vadd.s32 $0xC6, v0;
	[tilespmem:$0x1FCE0] =	vst v15  }
0x11: {  	v17 =	vadd.s32 $0xC8, v0;
	[tilespmem:$0x1FCF0] =	vst v16  }
0x12: {  	v18 =	vadd.s32 $0xD8, v0;
	[tilespmem:$0x1FD00] =	vst v17  }
0x13: {  	v19 =	vadd.s32 $0xE8, v0;
	[tilespmem:$0x1FD10] =	vst v18  }
0x14: {  	v20 =	vadd.s32 $0xF8, v0;
	[tilespmem:$0x1FD20] =	vst v19  }
0x15: {  	v21 =	vadd.s32 $0xFA, v0;
	[tilespmem:$0x1FD30] =	vst v20  }
0x16: {  	v22 =	vadd.s32 $0x10A, v0;
	[tilespmem:$0x1FD40] =	vst v21  }
0x17: {  	v23 =	vadd.s32 $0x11A, v0;
	[tilespmem:$0x1FD50] =	vst v22  }
0x18: {  	v24 =	vadd.s32 $0x12A, v0;
	[tilespmem:$0x1FD60] =	vst v23  }
0x19: {  	v25 =	vadd.s32 $0x12C, v0;
	[tilespmem:$0x1FD70] =	vst v24  }
0x1a: {  	v26 =	vadd.s32 $0x13C, v0;
	[tilespmem:$0x1FD80] =	vst v25  }
0x1b: {  	v27 =	vadd.s32 $0x14C, v0;
	[tilespmem:$0x1FD90] =	vst v26  }
0x1c: {  	v28 =	vadd.s32 $0x15C, v0;
	[tilespmem:$0x1FDA0] =	vst v27  }
0x1d: {  	v29 =	vadd.s32 $0x15E, v0;
	[tilespmem:$0x1FDB0] =	vst v28  }
0x1e: {  	v30 =	vadd.s32 $0x16E, v0;
	[tilespmem:$0x1FDC0] =	vst v29  }
0x1f: {  	v31 =	vadd.s32 $0x17E, v0;
	[tilespmem:$0x1FDD0] =	vst v30  }
0x20: {  	v32 =	vadd.s32 $0x18E, v0;
	[tilespmem:$0x1FDE0] =	vst v31  }
0x21: {  	v33 =	vor.u32 $0x190, v0;
	[tilespmem:$0x1FDF0] =	vst v32  }
0x22: {  	s5 =	rddreg [dreg:$0x0];
	s1 =	simm.s32 $0x0;
	v34 =	vor.u32 $0x1A0, v0;
	[tilespmem:$0x1FE00] =	vst v33  }
0x23: {  	[smem:$0x7FF] =	sst s1;
	v35 =	vor.u32 $0x1B0, v0;
	[tilespmem:$0x1FE10] =	vst v34  }
0x24: {  	s0 =	rddreg [dreg:$0x1];
	v36 =	vor.u32 $0x1C0, v0;
	_ =	strace $0x80000047;
	[tilespmem:$0x1FE20] =	vst v35  }
0x25: {  	v37 =	vadd.s32 $0x1C2, v0;
	[tilespmem:$0x1FE30] =	vst v36  }
0x26: {  	v38 =	vadd.s32 $0x1D2, v0;
	[tilespmem:$0x1FE40] =	vst v37  }
0x27: {  	v39 =	vadd.s32 $0x1E2, v0;
	[tilespmem:$0x1FE50] =	vst v38  }
0x28: {  	v40 =	vadd.s32 $0x1F2, v0;
	[tilespmem:$0x1FE60] =	vst v39  }
0x29: {  	v41 =	vadd.s32 $0x1F4, v0;
	[tilespmem:$0x1FE70] =	vst v40  }
0x2a: {  	v42 =	vadd.s32 $0x204, v0;
	[tilespmem:$0x1FE80] =	vst v41  }
0x2b: {  	v43 =	vadd.s32 $0x214, v0;
	[tilespmem:$0x1FE90] =	vst v42  }
0x2c: {  	v44 =	vadd.s32 $0x224, v0;
	[tilespmem:$0x1FEA0] =	vst v43  }
0x2d: {  	v45 =	vadd.s32 $0x226, v0;
	[tilespmem:$0x1FEB0] =	vst v44  }
0x2e: {  	v46 =	vadd.s32 $0x236, v0;
	[tilespmem:$0x1FEC0] =	vst v45  }
0x2f: {  	v47 =	vadd.s32 $0x246, v0;
	[tilespmem:$0x1FED0] =	vst v46  }
0x30: {  	v48 =	vadd.s32 $0x256, v0;
	[tilespmem:$0x1FEE0] =	vst v47  }
0x31: {  	v49 =	vadd.s32 $0x258, v0;
	[tilespmem:$0x1FEF0] =	vst v48  }
0x32: {  	v50 =	vadd.s32 $0x268, v0;
	[tilespmem:$0x1FF00] =	vst v49  }
0x33: {  	v51 =	vadd.s32 $0x278, v0;
	[tilespmem:$0x1FF10] =	vst v50  }
0x34: {  	v52 =	vadd.s32 $0x288, v0;
	[tilespmem:$0x1FF20] =	vst v51  }
0x35: {  	v53 =	vadd.s32 $0x28A, v0;
	[tilespmem:$0x1FF30] =	vst v52  }
0x36: {  	v54 =	vadd.s32 $0x29A, v0;
	[tilespmem:$0x1FF40] =	vst v53  }
0x37: {  	v55 =	vadd.s32 $0x2AA, v0;
	[tilespmem:$0x1FF50] =	vst v54  }
0x38: {  	s3 =	srdreg.scid;
	s2 =	stileid.u32;
	s11 =	simm.s32 $0x2;
	v56 =	vadd.s32 $0x2BA, v0;
	[tilespmem:$0x1FF60] =	vst v55  }
0x39: {  	s12 =	simm.s32 $0x1000;
	s13 =	simm.s32 $0x320;
	s14 =	simm.s32 $0x1640;
	v57 =	vadd.s32 $0x2BC, v0;
	[tilespmem:$0x1FF70] =	vst v56  }
0x3a: {  	s15 =	simm.s32 $0x800;
	s16 =	simm.s32 $0x1320;
	s17 =	simm.s32 $0xDE40;
	v58 =	vadd.s32 $0x2CC, v0;
	[tilespmem:$0x1FF80] =	vst v57  }
0x3b: {  	s18 =	simm.s32 $0x1;
	s19 =	simm.s32 $0x1A640;
	s20 =	simm.s32 $0x1AA40;
	v59 =	vadd.s32 $0x2DC, v0;
	[tilespmem:$0x1FF90] =	vst v58  }
0x3c: {  	s21 =	simm.s32 $0x0;
	s6 =	sand.u32 $0x1, s3;
	s3 =	sadd.s32 $0x1800, s5;
	v60 =	vadd.s32 $0x2EC, v0;
	[tilespmem:$0x1FFA0] =	vst v59  }
0x3d: {  	s7 =	sshll.u32 s2, $0xA;
	v61 =	vadd.s32 $0x2EE, v0;
	s8 =	sshll.u32 s6, $0x9;
	s6 =	ssub.s32 $0x2, s6;
	[tilespmem:$0x1FFB0] =	vst v60  }
0x3e: {  	s4 =	sadd.s32 $0xF43C00, s5;
	v62 =	vadd.s32 $0x2FE, v0;
	s7 =	sor.u32 s8, s7;
	s30 =	sshrl.u32 s6, $0x1;
	[tilespmem:$0x1FFC0] =	vst v61  }
0x3f: {  	s5 =	sadd.s32 $0x41800, s5;
	v63 =	vadd.s32 $0x30E, v0;
	[tilespmem:$0x1FFD0] =	vst v62;
	s9 =	sshll.u32 s7, $0x4;
	s10 =	ssub.s32 s6, s30  }
0x40: {  	v0 =	vadd.s32 $0x31E, v0;
	[tilespmem:$0x1FFE0] =	vst v63;
	s31 =	sshll.u32 s7, $0x3;
	s7 =	sor.u32 $0x10, s7;
	s6 =	sadd.s32 s3, s9  }
0x41: {  	[tilespmem:$0x1FFF0] =	vst v0;
	s8 =	sadd.s32 s5, s31;
	s10 =	smax.u32 s10, $0x1;
	s9 =	sadd.s32 $0x200, s6  }
.LBB2_1:
0x42: {  	[tilespmem:s1], [sflag:$0x2] =	stream.linear.gather [hbm4b:s6+s1], $0x800, $0x38;
	[tilespmem:$0x1AE40] =	vst v63  }
0x43: {  	_ =	swait.ge [sflag:s11], $0x800  }
0x44: {  	[sflag:s11] =	ssyncset.done $0x0  }
0x45: {  	[sflag:s11] =	ssyncadd.s32 $0xFFFFF800  }
0x46: {  	v1 =	vlaneseq.u32;
	v0 =	vld [tilespmem:$0x0];
	_ =	sdelay $0x2  }
0x47: {  	v61 =	vld [tilespmem:$0x1FC10];
	_ =	sdelay $0x1  }
0x48: {  	[tilespmem:v1+s12+$0x0] =	vst.idx.msk $0xffff, v0  }
0x49: {  	v0 =	vld [tilespmem:$0x10];
	_ =	sdelay $0x2  }
0x4a: {  	v62 =	vld [tilespmem:$0x1FC20];
	_ =	sdelay $0x1  }
0x4b: {  	[tilespmem:v61+s12+$0x0] =	vst.idx.msk $0xffff, v0  }
0x4c: {  	v0 =	vld [tilespmem:$0x20];
	_ =	sdelay $0x2  }
0x4d: {  	v63 =	vld [tilespmem:$0x1FC30];
	_ =	sdelay $0x1  }
0x4e: {  	[tilespmem:v62+s12+$0x0] =	vst.idx.msk $0xffff, v0  }
0x4f: {  	v0 =	vld [tilespmem:$0x30];
	_ =	sdelay $0x2  }
0x50: {  	v4 =	vld [tilespmem:$0x1FC40];
	_ =	sdelay $0x1  }
0x51: {  	[tilespmem:v63+s12+$0x0] =	vst.idx.msk $0x3, v0  }
0x52: {  	v0 =	vld [tilespmem:$0x80];
	_ =	sdelay $0x2  }
0x53: {  	v5 =	vld [tilespmem:$0x1FC50];
	_ =	sdelay $0x1  }
0x54: {  	[tilespmem:v4+s12+$0x0] =	vst.idx.msk $0xffff, v0  }
0x55: {  	v0 =	vld [tilespmem:$0x90];
	_ =	sdelay $0x2  }
0x56: {  	v6 =	vld [tilespmem:$0x1FC60];
	_ =	sdelay $0x1  }
0x57: {  	[tilespmem:v5+s12+$0x0] =	vst.idx.msk $0xffff, v0  }
0x58: {  	v0 =	vld [tilespmem:$0xA0];
	_ =	sdelay $0x2  }
0x59: {  	v7 =	vld [tilespmem:$0x1FC70];
	_ =	sdelay $0x1  }
0x5a: {  	[tilespmem:v6+s12+$0x0] =	vst.idx.msk $0xffff, v0  }
0x5b: {  	v0 =	vld [tilespmem:$0xB0];
	_ =	sdelay $0x2  }
0x5c: {  	v8 =	vld [tilespmem:$0x1FC80];
	_ =	sdelay $0x1  }
0x5d: {  	[tilespmem:v7+s12+$0x0] =	vst.idx.msk $0x3, v0  }
0x5e: {  	v0 =	vld [tilespmem:$0x100];
	_ =	sdelay $0x2  }
0x5f: {  	v9 =	vld [tilespmem:$0x1FC90];
	_ =	sdelay $0x1  }
0x60: {  	[tilespmem:v8+s12+$0x0] =	vst.idx.msk $0xffff, v0  }
0x61: {  	v0 =	vld [tilespmem:$0x110];
	_ =	sdelay $0x2  }
0x62: {  	v10 =	vld [tilespmem:$0x1FCA0];
	_ =	sdelay $0x1  }
0x63: {  	[tilespmem:v9+s12+$0x0] =	vst.idx.msk $0xffff, v0  }
0x64: {  	v0 =	vld [tilespmem:$0x120];
	_ =	sdelay $0x2  }
0x65: {  	v11 =	vld [tilespmem:$0x1FCB0];
	_ =	sdelay $0x1  }
0x66: {  	[tilespmem:v10+s12+$0x0] =	vst.idx.msk $0xffff, v0  }
0x67: {  	v0 =	vld [tilespmem:$0x130];
	_ =	sdelay $0x2  }
0x68: {  	v12 =	vld [tilespmem:$0x1FCC0];
	_ =	sdelay $0x1  }
0x69: {  	[tilespmem:v11+s12+$0x0] =	vst.idx.msk $0x3, v0  }
0x6a: {  	v0 =	vld [tilespmem:$0x180];
	_ =	sdelay $0x2  }
0x6b: {  	v13 =	vld [tilespmem:$0x1FCD0];
	_ =	sdelay $0x1  }
0x6c: {  	[tilespmem:v12+s12+$0x0] =	vst.idx.msk $0xffff, v0  }
0x6d: {  	v0 =	vld [tilespmem:$0x190];
	_ =	sdelay $0x2  }
0x6e: {  	v14 =	vld [tilespmem:$0x1FCE0];
	_ =	sdelay $0x1  }
0x6f: {  	[tilespmem:v13+s12+$0x0] =	vst.idx.msk $0xffff, v0  }
0x70: {  	v0 =	vld [tilespmem:$0x1A0];
	_ =	sdelay $0x2  }
0x71: {  	v15 =	vld [tilespmem:$0x1FCF0];
	_ =	sdelay $0x1  }
0x72: {  	[tilespmem:v14+s12+$0x0] =	vst.idx.msk $0xffff, v0  }
0x73: {  	v0 =	vld [tilespmem:$0x1B0];
	_ =	sdelay $0x2  }
0x74: {  	v16 =	vld [tilespmem:$0x1FD00];
	_ =	sdelay $0x1  }
0x75: {  	[tilespmem:v15+s12+$0x0] =	vst.idx.msk $0x3, v0  }
0x76: {  	v0 =	vld [tilespmem:$0x200];
	_ =	sdelay $0x2  }
0x77: {  	v17 =	vld [tilespmem:$0x1FD10];
	_ =	sdelay $0x1  }
0x78: {  	[tilespmem:v16+s12+$0x0] =	vst.idx.msk $0xffff, v0  }
0x79: {  	v0 =	vld [tilespmem:$0x210];
	_ =	sdelay $0x2  }
0x7a: {  	v18 =	vld [tilespmem:$0x1FD20];
	_ =	sdelay $0x1  }
0x7b: {  	[tilespmem:v17+s12+$0x0] =	vst.idx.msk $0xffff, v0  }
0x7c: {  	v0 =	vld [tilespmem:$0x220];
	_ =	sdelay $0x2  }
0x7d: {  	v19 =	vld [tilespmem:$0x1FD30];
	_ =	sdelay $0x1  }
0x7e: {  	[tilespmem:v18+s12+$0x0] =	vst.idx.msk $0xffff, v0  }
0x7f: {  	v0 =	vld [tilespmem:$0x230];
	_ =	sdelay $0x2  }
0x80: {  	v20 =	vld [tilespmem:$0x1FD40];
	_ =	sdelay $0x1  }
0x81: {  	[tilespmem:v19+s12+$0x0] =	vst.idx.msk $0x3, v0  }
0x82: {  	v0 =	vld [tilespmem:$0x280];
	_ =	sdelay $0x2  }
0x83: {  	v21 =	vld [tilespmem:$0x1FD50];
	_ =	sdelay $0x1  }
0x84: {  	[tilespmem:v20+s12+$0x0] =	vst.idx.msk $0xffff, v0  }
0x85: {  	v0 =	vld [tilespmem:$0x290];
	_ =	sdelay $0x2  }
0x86: {  	v22 =	vld [tilespmem:$0x1FD60];
	_ =	sdelay $0x1  }
0x87: {  	[tilespmem:v21+s12+$0x0] =	vst.idx.msk $0xffff, v0  }
0x88: {  	v0 =	vld [tilespmem:$0x2A0];
	_ =	sdelay $0x2  }
0x89: {  	v23 =	vld [tilespmem:$0x1FD70];
	_ =	sdelay $0x1  }
0x8a: {  	[tilespmem:v22+s12+$0x0] =	vst.idx.msk $0xffff, v0  }
0x8b: {  	v0 =	vld [tilespmem:$0x2B0];
	_ =	sdelay $0x2  }
0x8c: {  	v24 =	vld [tilespmem:$0x1FD80];
	_ =	sdelay $0x1  }
0x8d: {  	[tilespmem:v23+s12+$0x0] =	vst.idx.msk $0x3, v0  }
0x8e: {  	v0 =	vld [tilespmem:$0x300];
	_ =	sdelay $0x2  }
0x8f: {  	v25 =	vld [tilespmem:$0x1FD90];
	_ =	sdelay $0x1  }
0x90: {  	[tilespmem:v24+s12+$0x0] =	vst.idx.msk $0xffff, v0  }
0x91: {  	v0 =	vld [tilespmem:$0x310];
	_ =	sdelay $0x2  }
0x92: {  	v26 =	vld [tilespmem:$0x1FDA0];
	_ =	sdelay $0x1  }
0x93: {  	[tilespmem:v25+s12+$0x0] =	vst.idx.msk $0xffff, v0  }
0x94: {  	v0 =	vld [tilespmem:$0x320];
	_ =	sdelay $0x2  }
0x95: {  	v27 =	vld [tilespmem:$0x1FDB0];
	_ =	sdelay $0x1  }
0x96: {  	[tilespmem:v26+s12+$0x0] =	vst.idx.msk $0xffff, v0  }
0x97: {  	v0 =	vld [tilespmem:$0x330];
	_ =	sdelay $0x2  }
0x98: {  	v28 =	vld [tilespmem:$0x1FDC0];
	_ =	sdelay $0x1  }
0x99: {  	[tilespmem:v27+s12+$0x0] =	vst.idx.msk $0x3, v0  }
0x9a: {  	v0 =	vld [tilespmem:$0x380];
	_ =	sdelay $0x2  }
0x9b: {  	v29 =	vld [tilespmem:$0x1FDD0];
	_ =	sdelay $0x1  }
0x9c: {  	[tilespmem:v28+s12+$0x0] =	vst.idx.msk $0xffff, v0  }
0x9d: {  	v0 =	vld [tilespmem:$0x390];
	_ =	sdelay $0x2  }
0x9e: {  	v30 =	vld [tilespmem:$0x1FDE0];
	_ =	sdelay $0x1  }
0x9f: {  	[tilespmem:v29+s12+$0x0] =	vst.idx.msk $0xffff, v0  }
0xa0: {  	v0 =	vld [tilespmem:$0x3A0];
	_ =	sdelay $0x2  }
0xa1: {  	v31 =	vld [tilespmem:$0x1FDF0];
	_ =	sdelay $0x1  }
0xa2: {  	[tilespmem:v30+s12+$0x0] =	vst.idx.msk $0xffff, v0  }
0xa3: {  	v0 =	vld [tilespmem:$0x3B0];
	_ =	sdelay $0x2  }
0xa4: {  	v32 =	vld [tilespmem:$0x1FE00];
	_ =	sdelay $0x1  }
0xa5: {  	[tilespmem:v31+s12+$0x0] =	vst.idx.msk $0x3, v0  }
0xa6: {  	v0 =	vld [tilespmem:$0x400];
	_ =	sdelay $0x2  }
0xa7: {  	v33 =	vld [tilespmem:$0x1FE10];
	_ =	sdelay $0x1  }
0xa8: {  	[tilespmem:v32+s12+$0x0] =	vst.idx.msk $0xffff, v0  }
0xa9: {  	v0 =	vld [tilespmem:$0x410];
	_ =	sdelay $0x2  }
0xaa: {  	v34 =	vld [tilespmem:$0x1FE20];
	_ =	sdelay $0x1  }
0xab: {  	[tilespmem:v33+s12+$0x0] =	vst.idx.msk $0xffff, v0  }
0xac: {  	v0 =	vld [tilespmem:$0x420];
	_ =	sdelay $0x2  }
0xad: {  	v35 =	vld [tilespmem:$0x1FE30];
	_ =	sdelay $0x1  }
0xae: {  	[tilespmem:v34+s12+$0x0] =	vst.idx.msk $0xffff, v0  }
0xaf: {  	v0 =	vld [tilespmem:$0x430];
	_ =	sdelay $0x2  }
0xb0: {  	v36 =	vld [tilespmem:$0x1FE40];
	_ =	sdelay $0x1  }
0xb1: {  	[tilespmem:v35+s12+$0x0] =	vst.idx.msk $0x3, v0  }
0xb2: {  	v0 =	vld [tilespmem:$0x480];
	_ =	sdelay $0x2  }
0xb3: {  	v37 =	vld [tilespmem:$0x1FE50];
	_ =	sdelay $0x1  }
0xb4: {  	[tilespmem:v36+s12+$0x0] =	vst.idx.msk $0xffff, v0  }
0xb5: {  	v0 =	vld [tilespmem:$0x490];
	_ =	sdelay $0x2  }
0xb6: {  	v38 =	vld [tilespmem:$0x1FE60];
	_ =	sdelay $0x1  }
0xb7: {  	[tilespmem:v37+s12+$0x0] =	vst.idx.msk $0xffff, v0  }
0xb8: {  	v0 =	vld [tilespmem:$0x4A0];
	_ =	sdelay $0x2  }
0xb9: {  	v39 =	vld [tilespmem:$0x1FE70];
	_ =	sdelay $0x1  }
0xba: {  	[tilespmem:v38+s12+$0x0] =	vst.idx.msk $0xffff, v0  }
0xbb: {  	v0 =	vld [tilespmem:$0x4B0];
	_ =	sdelay $0x2  }
0xbc: {  	v40 =	vld [tilespmem:$0x1FE80];
	_ =	sdelay $0x1  }
0xbd: {  	[tilespmem:v39+s12+$0x0] =	vst.idx.msk $0x3, v0  }
0xbe: {  	v0 =	vld [tilespmem:$0x500];
	_ =	sdelay $0x2  }
0xbf: {  	v41 =	vld [tilespmem:$0x1FE90];
	_ =	sdelay $0x1  }
0xc0: {  	[tilespmem:v40+s12+$0x0] =	vst.idx.msk $0xffff, v0  }
0xc1: {  	v0 =	vld [tilespmem:$0x510];
	_ =	sdelay $0x2  }
0xc2: {  	v42 =	vld [tilespmem:$0x1FEA0];
	_ =	sdelay $0x1  }
0xc3: {  	[tilespmem:v41+s12+$0x0] =	vst.idx.msk $0xffff, v0  }
0xc4: {  	v0 =	vld [tilespmem:$0x520];
	_ =	sdelay $0x2  }
0xc5: {  	v43 =	vld [tilespmem:$0x1FEB0];
	_ =	sdelay $0x1  }
0xc6: {  	[tilespmem:v42+s12+$0x0] =	vst.idx.msk $0xffff, v0  }
0xc7: {  	v0 =	vld [tilespmem:$0x530];
	_ =	sdelay $0x2  }
0xc8: {  	v44 =	vld [tilespmem:$0x1FEC0];
	_ =	sdelay $0x1  }
0xc9: {  	[tilespmem:v43+s12+$0x0] =	vst.idx.msk $0x3, v0  }
0xca: {  	v0 =	vld [tilespmem:$0x580];
	_ =	sdelay $0x2  }
0xcb: {  	v45 =	vld [tilespmem:$0x1FED0];
	_ =	sdelay $0x1  }
0xcc: {  	[tilespmem:v44+s12+$0x0] =	vst.idx.msk $0xffff, v0  }
0xcd: {  	v0 =	vld [tilespmem:$0x590];
	_ =	sdelay $0x2  }
0xce: {  	v46 =	vld [tilespmem:$0x1FEE0];
	_ =	sdelay $0x1  }
0xcf: {  	[tilespmem:v45+s12+$0x0] =	vst.idx.msk $0xffff, v0  }
0xd0: {  	v0 =	vld [tilespmem:$0x5A0];
	_ =	sdelay $0x2  }
0xd1: {  	v47 =	vld [tilespmem:$0x1FEF0];
	_ =	sdelay $0x1  }
0xd2: {  	[tilespmem:v46+s12+$0x0] =	vst.idx.msk $0xffff, v0  }
0xd3: {  	v0 =	vld [tilespmem:$0x5B0];
	_ =	sdelay $0x2  }
0xd4: {  	v48 =	vld [tilespmem:$0x1FF00];
	_ =	sdelay $0x1  }
0xd5: {  	[tilespmem:v47+s12+$0x0] =	vst.idx.msk $0x3, v0  }
0xd6: {  	v0 =	vld [tilespmem:$0x600];
	_ =	sdelay $0x2  }
0xd7: {  	v49 =	vld [tilespmem:$0x1FF10];
	_ =	sdelay $0x1  }
0xd8: {  	[tilespmem:v48+s12+$0x0] =	vst.idx.msk $0xffff, v0  }
0xd9: {  	v0 =	vld [tilespmem:$0x610];
	_ =	sdelay $0x2  }
0xda: {  	v50 =	vld [tilespmem:$0x1FF20];
	_ =	sdelay $0x1  }
0xdb: {  	[tilespmem:v49+s12+$0x0] =	vst.idx.msk $0xffff, v0  }
0xdc: {  	v0 =	vld [tilespmem:$0x620];
	_ =	sdelay $0x2  }
0xdd: {  	v51 =	vld [tilespmem:$0x1FF30];
	_ =	sdelay $0x1  }
0xde: {  	[tilespmem:v50+s12+$0x0] =	vst.idx.msk $0xffff, v0  }
0xdf: {  	v0 =	vld [tilespmem:$0x630];
	_ =	sdelay $0x2  }
0xe0: {  	v52 =	vld [tilespmem:$0x1FF40];
	_ =	sdelay $0x1  }
0xe1: {  	[tilespmem:v51+s12+$0x0] =	vst.idx.msk $0x3, v0  }
0xe2: {  	v0 =	vld [tilespmem:$0x680];
	_ =	sdelay $0x2  }
0xe3: {  	v53 =	vld [tilespmem:$0x1FF50];
	_ =	sdelay $0x1  }
0xe4: {  	[tilespmem:v52+s12+$0x0] =	vst.idx.msk $0xffff, v0  }
0xe5: {  	v0 =	vld [tilespmem:$0x690];
	_ =	sdelay $0x2  }
0xe6: {  	v54 =	vld [tilespmem:$0x1FF60];
	_ =	sdelay $0x1  }
0xe7: {  	[tilespmem:v53+s12+$0x0] =	vst.idx.msk $0xffff, v0  }
0xe8: {  	v0 =	vld [tilespmem:$0x6A0];
	_ =	sdelay $0x2  }
0xe9: {  	v55 =	vld [tilespmem:$0x1FF70];
	_ =	sdelay $0x1  }
0xea: {  	[tilespmem:v54+s12+$0x0] =	vst.idx.msk $0xffff, v0  }
0xeb: {  	v0 =	vld [tilespmem:$0x6B0];
	_ =	sdelay $0x2  }
0xec: {  	v56 =	vld [tilespmem:$0x1FF80];
	_ =	sdelay $0x1  }
0xed: {  	[tilespmem:v55+s12+$0x0] =	vst.idx.msk $0x3, v0  }
0xee: {  	v0 =	vld [tilespmem:$0x700];
	_ =	sdelay $0x2  }
0xef: {  	v57 =	vld [tilespmem:$0x1FF90];
	_ =	sdelay $0x1  }
0xf0: {  	[tilespmem:v56+s12+$0x0] =	vst.idx.msk $0xffff, v0  }
0xf1: {  	v0 =	vld [tilespmem:$0x710];
	_ =	sdelay $0x2  }
0xf2: {  	v58 =	vld [tilespmem:$0x1FFA0];
	_ =	sdelay $0x1  }
0xf3: {  	[tilespmem:v57+s12+$0x0] =	vst.idx.msk $0xffff, v0  }
0xf4: {  	v0 =	vld [tilespmem:$0x720];
	_ =	sdelay $0x2  }
0xf5: {  	v59 =	vld [tilespmem:$0x1FFB0];
	_ =	sdelay $0x1  }
0xf6: {  	[tilespmem:v58+s12+$0x0] =	vst.idx.msk $0xffff, v0  }
0xf7: {  	v0 =	vld [tilespmem:$0x730];
	_ =	sdelay $0x2  }
0xf8: {  	v60 =	vld [tilespmem:$0x1FFC0];
	_ =	sdelay $0x1  }
0xf9: {  	[tilespmem:v59+s12+$0x0] =	vst.idx.msk $0x3, v0  }
0xfa: {  	v0 =	vld [tilespmem:$0x780];
	_ =	sdelay $0x2  }
0xfb: {  	v61 =	vld [tilespmem:$0x1FFD0];
	_ =	sdelay $0x1  }
0xfc: {  	[tilespmem:v60+s12+$0x0] =	vst.idx.msk $0xffff, v0  }
0xfd: {  	v0 =	vld [tilespmem:$0x790];
	_ =	sdelay $0x2  }
0xfe: {  	v62 =	vld [tilespmem:$0x1FFE0];
	_ =	sdelay $0x1  }
0xff: {  	[tilespmem:v61+s12+$0x0] =	vst.idx.msk $0xffff, v0  }
0x100: {  	v0 =	vld [tilespmem:$0x7A0];
	_ =	sdelay $0x2  }
0x101: {  	v63 =	vld [tilespmem:$0x1FFF0];
	_ =	sdelay $0x1  }
0x102: {  	[tilespmem:v62+s12+$0x0] =	vst.idx.msk $0xffff, v0  }
0x103: {  	v0 =	vld [tilespmem:$0x7B0];
	_ =	sdelay $0x4  }
0x104: {  	s22 =	simm.s32 $0x0;
	[tilespmem:v63+s12+$0x0] =	vst.idx.msk $0x3, v0  }
0x105: {  	[tilespmem:s14], [sflag:$0x1] =	stream.indirect.gather [hbm4b:s4+s13], $0x40, s12, s13, $0xb8;
	[tilespmem:$0x1AE40] =	vst v63  }
.LBB2_2:
0x106: {  	s23 =	sshll.u32 s22, $0x5  }
0x107: {  	s23 =	sadd.s32 s7, s23  }
0x108: {  	s24 =	sshll.u32 s23, $0x4  }
0x109: {  	s25 =	sadd.s32 s3, s24;
	s24 =	simm.s32 $0x0  }
0x10a: {  	[tilespmem:s15], [sflag:$0x2] =	stream.linear.gather [hbm4b:s25+s24], $0x800, $0x38;
	[tilespmem:$0x1AE40] =	vst v63  }
0x10b: {  	_ =	swait.ge [sflag:s11], $0x800  }
0x10c: {  	[sflag:s11] =	ssyncset.done $0x0  }
0x10d: {  	[sflag:s11] =	ssyncadd.s32 $0xFFFFF800  }
0x10e: {  	v1 =	vlaneseq.u32;
	v0 =	vld [tilespmem:$0x800];
	_ =	sdelay $0x2  }
0x10f: {  	v61 =	vld [tilespmem:$0x1FC10];
	_ =	sdelay $0x1  }
0x110: {  	[tilespmem:v1+s16+$0x0] =	vst.idx.msk $0xffff, v0  }
0x111: {  	v0 =	vld [tilespmem:$0x810];
	_ =	sdelay $0x2  }
0x112: {  	v62 =	vld [tilespmem:$0x1FC20];
	_ =	sdelay $0x1  }
0x113: {  	[tilespmem:v61+s16+$0x0] =	vst.idx.msk $0xffff, v0  }
0x114: {  	v0 =	vld [tilespmem:$0x820];
	_ =	sdelay $0x2  }
0x115: {  	v63 =	vld [tilespmem:$0x1FC30];
	_ =	sdelay $0x1  }
0x116: {  	[tilespmem:v62+s16+$0x0] =	vst.idx.msk $0xffff, v0  }
0x117: {  	v0 =	vld [tilespmem:$0x830];
	_ =	sdelay $0x2  }
0x118: {  	v4 =	vld [tilespmem:$0x1FC40];
	_ =	sdelay $0x1  }
0x119: {  	[tilespmem:v63+s16+$0x0] =	vst.idx.msk $0x3, v0  }
0x11a: {  	v0 =	vld [tilespmem:$0x880];
	_ =	sdelay $0x2  }
0x11b: {  	v5 =	vld [tilespmem:$0x1FC50];
	_ =	sdelay $0x1  }
0x11c: {  	[tilespmem:v4+s16+$0x0] =	vst.idx.msk $0xffff, v0  }
0x11d: {  	v0 =	vld [tilespmem:$0x890];
	_ =	sdelay $0x2  }
0x11e: {  	v6 =	vld [tilespmem:$0x1FC60];
	_ =	sdelay $0x1  }
0x11f: {  	[tilespmem:v5+s16+$0x0] =	vst.idx.msk $0xffff, v0  }
0x120: {  	v0 =	vld [tilespmem:$0x8A0];
	_ =	sdelay $0x2  }
0x121: {  	v7 =	vld [tilespmem:$0x1FC70];
	_ =	sdelay $0x1  }
0x122: {  	[tilespmem:v6+s16+$0x0] =	vst.idx.msk $0xffff, v0  }
0x123: {  	v0 =	vld [tilespmem:$0x8B0];
	_ =	sdelay $0x2  }
0x124: {  	v8 =	vld [tilespmem:$0x1FC80];
	_ =	sdelay $0x1  }
0x125: {  	[tilespmem:v7+s16+$0x0] =	vst.idx.msk $0x3, v0  }
0x126: {  	v0 =	vld [tilespmem:$0x900];
	_ =	sdelay $0x2  }
0x127: {  	v9 =	vld [tilespmem:$0x1FC90];
	_ =	sdelay $0x1  }
0x128: {  	[tilespmem:v8+s16+$0x0] =	vst.idx.msk $0xffff, v0  }
0x129: {  	v0 =	vld [tilespmem:$0x910];
	_ =	sdelay $0x2  }
0x12a: {  	v10 =	vld [tilespmem:$0x1FCA0];
	_ =	sdelay $0x1  }
0x12b: {  	[tilespmem:v9+s16+$0x0] =	vst.idx.msk $0xffff, v0  }
0x12c: {  	v0 =	vld [tilespmem:$0x920];
	_ =	sdelay $0x2  }
0x12d: {  	v11 =	vld [tilespmem:$0x1FCB0];
	_ =	sdelay $0x1  }
0x12e: {  	[tilespmem:v10+s16+$0x0] =	vst.idx.msk $0xffff, v0  }
0x12f: {  	v0 =	vld [tilespmem:$0x930];
	_ =	sdelay $0x2  }
0x130: {  	v12 =	vld [tilespmem:$0x1FCC0];
	_ =	sdelay $0x1  }
0x131: {  	[tilespmem:v11+s16+$0x0] =	vst.idx.msk $0x3, v0  }
0x132: {  	v0 =	vld [tilespmem:$0x980];
	_ =	sdelay $0x2  }
0x133: {  	v13 =	vld [tilespmem:$0x1FCD0];
	_ =	sdelay $0x1  }
0x134: {  	[tilespmem:v12+s16+$0x0] =	vst.idx.msk $0xffff, v0  }
0x135: {  	v0 =	vld [tilespmem:$0x990];
	_ =	sdelay $0x2  }
0x136: {  	v14 =	vld [tilespmem:$0x1FCE0];
	_ =	sdelay $0x1  }
0x137: {  	[tilespmem:v13+s16+$0x0] =	vst.idx.msk $0xffff, v0  }
0x138: {  	v0 =	vld [tilespmem:$0x9A0];
	_ =	sdelay $0x2  }
0x139: {  	v15 =	vld [tilespmem:$0x1FCF0];
	_ =	sdelay $0x1  }
0x13a: {  	[tilespmem:v14+s16+$0x0] =	vst.idx.msk $0xffff, v0  }
0x13b: {  	v0 =	vld [tilespmem:$0x9B0];
	_ =	sdelay $0x2  }
0x13c: {  	v16 =	vld [tilespmem:$0x1FD00];
	_ =	sdelay $0x1  }
0x13d: {  	[tilespmem:v15+s16+$0x0] =	vst.idx.msk $0x3, v0  }
0x13e: {  	v0 =	vld [tilespmem:$0xA00];
	_ =	sdelay $0x2  }
0x13f: {  	v17 =	vld [tilespmem:$0x1FD10];
	_ =	sdelay $0x1  }
0x140: {  	[tilespmem:v16+s16+$0x0] =	vst.idx.msk $0xffff, v0  }
0x141: {  	v0 =	vld [tilespmem:$0xA10];
	_ =	sdelay $0x2  }
0x142: {  	v18 =	vld [tilespmem:$0x1FD20];
	_ =	sdelay $0x1  }
0x143: {  	[tilespmem:v17+s16+$0x0] =	vst.idx.msk $0xffff, v0  }
0x144: {  	v0 =	vld [tilespmem:$0xA20];
	_ =	sdelay $0x2  }
0x145: {  	v19 =	vld [tilespmem:$0x1FD30];
	_ =	sdelay $0x1  }
0x146: {  	[tilespmem:v18+s16+$0x0] =	vst.idx.msk $0xffff, v0  }
0x147: {  	v0 =	vld [tilespmem:$0xA30];
	_ =	sdelay $0x2  }
0x148: {  	v20 =	vld [tilespmem:$0x1FD40];
	_ =	sdelay $0x1  }
0x149: {  	[tilespmem:v19+s16+$0x0] =	vst.idx.msk $0x3, v0  }
0x14a: {  	v0 =	vld [tilespmem:$0xA80];
	_ =	sdelay $0x2  }
0x14b: {  	v21 =	vld [tilespmem:$0x1FD50];
	_ =	sdelay $0x1  }
0x14c: {  	[tilespmem:v20+s16+$0x0] =	vst.idx.msk $0xffff, v0  }
0x14d: {  	v0 =	vld [tilespmem:$0xA90];
	_ =	sdelay $0x2  }
0x14e: {  	v22 =	vld [tilespmem:$0x1FD60];
	_ =	sdelay $0x1  }
0x14f: {  	[tilespmem:v21+s16+$0x0] =	vst.idx.msk $0xffff, v0  }
0x150: {  	v0 =	vld [tilespmem:$0xAA0];
	_ =	sdelay $0x2  }
0x151: {  	v23 =	vld [tilespmem:$0x1FD70];
	_ =	sdelay $0x1  }
0x152: {  	[tilespmem:v22+s16+$0x0] =	vst.idx.msk $0xffff, v0  }
0x153: {  	v0 =	vld [tilespmem:$0xAB0];
	_ =	sdelay $0x2  }
0x154: {  	v24 =	vld [tilespmem:$0x1FD80];
	_ =	sdelay $0x1  }
0x155: {  	[tilespmem:v23+s16+$0x0] =	vst.idx.msk $0x3, v0  }
0x156: {  	v0 =	vld [tilespmem:$0xB00];
	_ =	sdelay $0x2  }
0x157: {  	v25 =	vld [tilespmem:$0x1FD90];
	_ =	sdelay $0x1  }
0x158: {  	[tilespmem:v24+s16+$0x0] =	vst.idx.msk $0xffff, v0  }
0x159: {  	v0 =	vld [tilespmem:$0xB10];
	_ =	sdelay $0x2  }
0x15a: {  	v26 =	vld [tilespmem:$0x1FDA0];
	_ =	sdelay $0x1  }
0x15b: {  	[tilespmem:v25+s16+$0x0] =	vst.idx.msk $0xffff, v0  }
0x15c: {  	v0 =	vld [tilespmem:$0xB20];
	_ =	sdelay $0x2  }
0x15d: {  	v27 =	vld [tilespmem:$0x1FDB0];
	_ =	sdelay $0x1  }
0x15e: {  	[tilespmem:v26+s16+$0x0] =	vst.idx.msk $0xffff, v0  }
0x15f: {  	v0 =	vld [tilespmem:$0xB30];
	_ =	sdelay $0x2  }
0x160: {  	v28 =	vld [tilespmem:$0x1FDC0];
	_ =	sdelay $0x1  }
0x161: {  	[tilespmem:v27+s16+$0x0] =	vst.idx.msk $0x3, v0  }
0x162: {  	v0 =	vld [tilespmem:$0xB80];
	_ =	sdelay $0x2  }
0x163: {  	v29 =	vld [tilespmem:$0x1FDD0];
	_ =	sdelay $0x1  }
0x164: {  	[tilespmem:v28+s16+$0x0] =	vst.idx.msk $0xffff, v0  }
0x165: {  	v0 =	vld [tilespmem:$0xB90];
	_ =	sdelay $0x2  }
0x166: {  	v30 =	vld [tilespmem:$0x1FDE0];
	_ =	sdelay $0x1  }
0x167: {  	[tilespmem:v29+s16+$0x0] =	vst.idx.msk $0xffff, v0  }
0x168: {  	v0 =	vld [tilespmem:$0xBA0];
	_ =	sdelay $0x2  }
0x169: {  	v31 =	vld [tilespmem:$0x1FDF0];
	_ =	sdelay $0x1  }
0x16a: {  	[tilespmem:v30+s16+$0x0] =	vst.idx.msk $0xffff, v0  }
0x16b: {  	v0 =	vld [tilespmem:$0xBB0];
	_ =	sdelay $0x2  }
0x16c: {  	v32 =	vld [tilespmem:$0x1FE00];
	_ =	sdelay $0x1  }
0x16d: {  	[tilespmem:v31+s16+$0x0] =	vst.idx.msk $0x3, v0  }
0x16e: {  	v0 =	vld [tilespmem:$0xC00];
	_ =	sdelay $0x2  }
0x16f: {  	v33 =	vld [tilespmem:$0x1FE10];
	_ =	sdelay $0x1  }
0x170: {  	[tilespmem:v32+s16+$0x0] =	vst.idx.msk $0xffff, v0  }
0x171: {  	v0 =	vld [tilespmem:$0xC10];
	_ =	sdelay $0x2  }
0x172: {  	v34 =	vld [tilespmem:$0x1FE20];
	_ =	sdelay $0x1  }
0x173: {  	[tilespmem:v33+s16+$0x0] =	vst.idx.msk $0xffff, v0  }
0x174: {  	v0 =	vld [tilespmem:$0xC20];
	_ =	sdelay $0x2  }
0x175: {  	v35 =	vld [tilespmem:$0x1FE30];
	_ =	sdelay $0x1  }
0x176: {  	[tilespmem:v34+s16+$0x0] =	vst.idx.msk $0xffff, v0  }
0x177: {  	v0 =	vld [tilespmem:$0xC30];
	_ =	sdelay $0x2  }
0x178: {  	v36 =	vld [tilespmem:$0x1FE40];
	_ =	sdelay $0x1  }
0x179: {  	[tilespmem:v35+s16+$0x0] =	vst.idx.msk $0x3, v0  }
0x17a: {  	v0 =	vld [tilespmem:$0xC80];
	_ =	sdelay $0x2  }
0x17b: {  	v37 =	vld [tilespmem:$0x1FE50];
	_ =	sdelay $0x1  }
0x17c: {  	[tilespmem:v36+s16+$0x0] =	vst.idx.msk $0xffff, v0  }
0x17d: {  	v0 =	vld [tilespmem:$0xC90];
	_ =	sdelay $0x2  }
0x17e: {  	v38 =	vld [tilespmem:$0x1FE60];
	_ =	sdelay $0x1  }
0x17f: {  	[tilespmem:v37+s16+$0x0] =	vst.idx.msk $0xffff, v0  }
0x180: {  	v0 =	vld [tilespmem:$0xCA0];
	_ =	sdelay $0x2  }
0x181: {  	v39 =	vld [tilespmem:$0x1FE70];
	_ =	sdelay $0x1  }
0x182: {  	[tilespmem:v38+s16+$0x0] =	vst.idx.msk $0xffff, v0  }
0x183: {  	v0 =	vld [tilespmem:$0xCB0];
	_ =	sdelay $0x2  }
0x184: {  	v40 =	vld [tilespmem:$0x1FE80];
	_ =	sdelay $0x1  }
0x185: {  	[tilespmem:v39+s16+$0x0] =	vst.idx.msk $0x3, v0  }
0x186: {  	v0 =	vld [tilespmem:$0xD00];
	_ =	sdelay $0x2  }
0x187: {  	v41 =	vld [tilespmem:$0x1FE90];
	_ =	sdelay $0x1  }
0x188: {  	[tilespmem:v40+s16+$0x0] =	vst.idx.msk $0xffff, v0  }
0x189: {  	v0 =	vld [tilespmem:$0xD10];
	_ =	sdelay $0x2  }
0x18a: {  	v42 =	vld [tilespmem:$0x1FEA0];
	_ =	sdelay $0x1  }
0x18b: {  	[tilespmem:v41+s16+$0x0] =	vst.idx.msk $0xffff, v0  }
0x18c: {  	v0 =	vld [tilespmem:$0xD20];
	_ =	sdelay $0x2  }
0x18d: {  	v43 =	vld [tilespmem:$0x1FEB0];
	_ =	sdelay $0x1  }
0x18e: {  	[tilespmem:v42+s16+$0x0] =	vst.idx.msk $0xffff, v0  }
0x18f: {  	v0 =	vld [tilespmem:$0xD30];
	_ =	sdelay $0x2  }
0x190: {  	v44 =	vld [tilespmem:$0x1FEC0];
	_ =	sdelay $0x1  }
0x191: {  	[tilespmem:v43+s16+$0x0] =	vst.idx.msk $0x3, v0  }
0x192: {  	v0 =	vld [tilespmem:$0xD80];
	_ =	sdelay $0x2  }
0x193: {  	v45 =	vld [tilespmem:$0x1FED0];
	_ =	sdelay $0x1  }
0x194: {  	[tilespmem:v44+s16+$0x0] =	vst.idx.msk $0xffff, v0  }
0x195: {  	v0 =	vld [tilespmem:$0xD90];
	_ =	sdelay $0x2  }
0x196: {  	v46 =	vld [tilespmem:$0x1FEE0];
	_ =	sdelay $0x1  }
0x197: {  	[tilespmem:v45+s16+$0x0] =	vst.idx.msk $0xffff, v0  }
0x198: {  	v0 =	vld [tilespmem:$0xDA0];
	_ =	sdelay $0x2  }
0x199: {  	v47 =	vld [tilespmem:$0x1FEF0];
	_ =	sdelay $0x1  }
0x19a: {  	[tilespmem:v46+s16+$0x0] =	vst.idx.msk $0xffff, v0  }
0x19b: {  	v0 =	vld [tilespmem:$0xDB0];
	_ =	sdelay $0x2  }
0x19c: {  	v48 =	vld [tilespmem:$0x1FF00];
	_ =	sdelay $0x1  }
0x19d: {  	[tilespmem:v47+s16+$0x0] =	vst.idx.msk $0x3, v0  }
0x19e: {  	v0 =	vld [tilespmem:$0xE00];
	_ =	sdelay $0x2  }
0x19f: {  	v49 =	vld [tilespmem:$0x1FF10];
	_ =	sdelay $0x1  }
0x1a0: {  	[tilespmem:v48+s16+$0x0] =	vst.idx.msk $0xffff, v0  }
0x1a1: {  	v0 =	vld [tilespmem:$0xE10];
	_ =	sdelay $0x2  }
0x1a2: {  	v50 =	vld [tilespmem:$0x1FF20];
	_ =	sdelay $0x1  }
0x1a3: {  	[tilespmem:v49+s16+$0x0] =	vst.idx.msk $0xffff, v0  }
0x1a4: {  	v0 =	vld [tilespmem:$0xE20];
	_ =	sdelay $0x2  }
0x1a5: {  	v51 =	vld [tilespmem:$0x1FF30];
	_ =	sdelay $0x1  }
0x1a6: {  	[tilespmem:v50+s16+$0x0] =	vst.idx.msk $0xffff, v0  }
0x1a7: {  	v0 =	vld [tilespmem:$0xE30];
	_ =	sdelay $0x2  }
0x1a8: {  	v52 =	vld [tilespmem:$0x1FF40];
	_ =	sdelay $0x1  }
0x1a9: {  	[tilespmem:v51+s16+$0x0] =	vst.idx.msk $0x3, v0  }
0x1aa: {  	v0 =	vld [tilespmem:$0xE80];
	_ =	sdelay $0x2  }
0x1ab: {  	v53 =	vld [tilespmem:$0x1FF50];
	_ =	sdelay $0x1  }
0x1ac: {  	[tilespmem:v52+s16+$0x0] =	vst.idx.msk $0xffff, v0  }
0x1ad: {  	v0 =	vld [tilespmem:$0xE90];
	_ =	sdelay $0x2  }
0x1ae: {  	v54 =	vld [tilespmem:$0x1FF60];
	_ =	sdelay $0x1  }
0x1af: {  	[tilespmem:v53+s16+$0x0] =	vst.idx.msk $0xffff, v0  }
0x1b0: {  	v0 =	vld [tilespmem:$0xEA0];
	_ =	sdelay $0x2  }
0x1b1: {  	v55 =	vld [tilespmem:$0x1FF70];
	_ =	sdelay $0x1  }
0x1b2: {  	[tilespmem:v54+s16+$0x0] =	vst.idx.msk $0xffff, v0  }
0x1b3: {  	v0 =	vld [tilespmem:$0xEB0];
	_ =	sdelay $0x2  }
0x1b4: {  	v56 =	vld [tilespmem:$0x1FF80];
	_ =	sdelay $0x1  }
0x1b5: {  	[tilespmem:v55+s16+$0x0] =	vst.idx.msk $0x3, v0  }
0x1b6: {  	v0 =	vld [tilespmem:$0xF00];
	_ =	sdelay $0x2  }
0x1b7: {  	v57 =	vld [tilespmem:$0x1FF90];
	_ =	sdelay $0x1  }
0x1b8: {  	[tilespmem:v56+s16+$0x0] =	vst.idx.msk $0xffff, v0  }
0x1b9: {  	v0 =	vld [tilespmem:$0xF10];
	_ =	sdelay $0x2  }
0x1ba: {  	v58 =	vld [tilespmem:$0x1FFA0];
	_ =	sdelay $0x1  }
0x1bb: {  	[tilespmem:v57+s16+$0x0] =	vst.idx.msk $0xffff, v0  }
0x1bc: {  	v0 =	vld [tilespmem:$0xF20];
	_ =	sdelay $0x2  }
0x1bd: {  	v59 =	vld [tilespmem:$0x1FFB0];
	_ =	sdelay $0x1  }
0x1be: {  	[tilespmem:v58+s16+$0x0] =	vst.idx.msk $0xffff, v0  }
0x1bf: {  	v0 =	vld [tilespmem:$0xF30];
	_ =	sdelay $0x2  }
0x1c0: {  	v60 =	vld [tilespmem:$0x1FFC0];
	_ =	sdelay $0x1  }
0x1c1: {  	[tilespmem:v59+s16+$0x0] =	vst.idx.msk $0x3, v0  }
0x1c2: {  	v0 =	vld [tilespmem:$0xF80];
	_ =	sdelay $0x2  }
0x1c3: {  	v61 =	vld [tilespmem:$0x1FFD0];
	_ =	sdelay $0x1  }
0x1c4: {  	[tilespmem:v60+s16+$0x0] =	vst.idx.msk $0xffff, v0  }
0x1c5: {  	v0 =	vld [tilespmem:$0xF90];
	_ =	sdelay $0x2  }
0x1c6: {  	v62 =	vld [tilespmem:$0x1FFE0];
	_ =	sdelay $0x1  }
0x1c7: {  	[tilespmem:v61+s16+$0x0] =	vst.idx.msk $0xffff, v0  }
0x1c8: {  	v0 =	vld [tilespmem:$0xFA0];
	_ =	sdelay $0x2  }
0x1c9: {  	v63 =	vld [tilespmem:$0x1FFF0];
	_ =	sdelay $0x1  }
0x1ca: {  	[tilespmem:v62+s16+$0x0] =	vst.idx.msk $0xffff, v0  }
0x1cb: {  	v0 =	vld [tilespmem:$0xFB0];
	_ =	sdelay $0x4  }
0x1cc: {  	[tilespmem:v63+s16+$0x0] =	vst.idx.msk $0x3, v0  }
0x1cd: {  	[tilespmem:s17], [sflag:$0x1] =	stream.indirect.gather [hbm4b:s4+s13], $0x40, s16, s13, $0xb8;
	[tilespmem:$0x1AE40] =	vst v63  }
0x1ce: {  	_ =	swait.ge [sflag:s18], $0xC800  }
0x1cf: {  	[sflag:s18] =	ssyncset.done $0x0  }
0x1d0: {  	[sflag:s18] =	ssyncadd.s32 $0xFFFF3800  }
.LBB2_3:
0x1d1: {  	s25 =	smul.u32 $0x3200, s24;
	_ =	sdelay $0x1  }
0x1d2: {  	s25 =	sshra.s32 s25, $0x2  }
0x1d3: {  	v56 =	vld [tilespmem:s25+$0x1A30];
	_ =	sdelay $0x4  }
0x1d4: {  	[tilespmem:$0x1F990] =	vst v56;
	v56 =	vld [tilespmem:s25+$0x1A50];
	_ =	sdelay $0x4  }
0x1d5: {  	[tilespmem:$0x1F9A0] =	vst v56;
	v56 =	vld [tilespmem:s25+$0x1A60];
	_ =	sdelay $0x1  }
0x1d6: {  	v3 =	vld [tilespmem:s25+$0x1640]  }
0x1d7: {  	v4 =	vld [tilespmem:s25+$0x1650]  }
0x1d8: {  	v5 =	vld [tilespmem:s25+$0x1660]  }
0x1d9: {  	[tilespmem:$0x1F9B0] =	vst v56;
	v56 =	vld [tilespmem:s25+$0x1A70]  }
0x1da: {  	v16 =	vld [tilespmem:s25+$0x1670]  }
0x1db: {  	v17 =	vld [tilespmem:s25+$0x1680]  }
0x1dc: {  	v20 =	vld [tilespmem:s25+$0x1690]  }
0x1dd: {  	v21 =	vld [tilespmem:s25+$0x16A0]  }
0x1de: {  	[tilespmem:$0x1F9D0] =	vst v56;
	v56 =	vld [tilespmem:s25+$0x1A80]  }
0x1df: {  	v32 =	vld [tilespmem:s25+$0x16B0]  }
0x1e0: {  	v33 =	vld [tilespmem:s25+$0x16C0]  }
0x1e1: {  	v36 =	vld [tilespmem:s25+$0x16D0]  }
0x1e2: {  	v37 =	vld [tilespmem:s25+$0x16E0]  }
0x1e3: {  	[tilespmem:$0x1F9C0] =	vst v56;
	v56 =	vld [tilespmem:s25+$0x1A90]  }
0x1e4: {  	v48 =	vld [tilespmem:s25+$0x16F0]  }
0x1e5: {  	v49 =	vld [tilespmem:s25+$0x1700]  }
0x1e6: {  	v52 =	vld [tilespmem:s25+$0x1710]  }
0x1e7: {  	v53 =	vld [tilespmem:s25+$0x1720]  }
0x1e8: {  	[tilespmem:$0x1F9E0] =	vst v56;
	v56 =	vld [tilespmem:s25+$0x1AA0]  }
0x1e9: {  	v62 =	vld [tilespmem:s25+$0x1730]  }
0x1ea: {  	v63 =	vld [tilespmem:s25+$0x1740]  }
0x1eb: {  	v0 =	vld [tilespmem:s25+$0x1750]  }
0x1ec: {  	v2 =	vld [tilespmem:s25+$0x1760]  }
0x1ed: {  	[tilespmem:$0x1F9F0] =	vst v56;
	v56 =	vld [tilespmem:s25+$0x1AB0]  }
0x1ee: {  	v9 =	vld [tilespmem:s25+$0x1770]  }
0x1ef: {  	v1 =	vld [tilespmem:s25+$0x1780]  }
0x1f0: {  	v6 =	vld [tilespmem:s25+$0x1790]  }
0x1f1: {  	v8 =	vld [tilespmem:s25+$0x17A0]  }
0x1f2: {  	[tilespmem:$0x1FA10] =	vst v56;
	v56 =	vld [tilespmem:s25+$0x1AC0]  }
0x1f3: {  	v13 =	vld [tilespmem:s25+$0x17B0]  }
0x1f4: {  	v7 =	vld [tilespmem:s25+$0x17C0]  }
0x1f5: {  	v10 =	vld [tilespmem:s25+$0x17D0]  }
0x1f6: {  	v12 =	vld [tilespmem:s25+$0x17E0]  }
0x1f7: {  	[tilespmem:$0x1FA00] =	vst v56;
	v56 =	vld [tilespmem:s25+$0x1AD0]  }
0x1f8: {  	v19 =	vld [tilespmem:s25+$0x17F0]  }
0x1f9: {  	v11 =	vld [tilespmem:s25+$0x1800]  }
0x1fa: {  	v14 =	vld [tilespmem:s25+$0x1810]  }
0x1fb: {  	v18 =	vld [tilespmem:s25+$0x1820]  }
0x1fc: {  	[tilespmem:$0x1FA20] =	vst v56;
	v56 =	vld [tilespmem:s25+$0x1AE0]  }
0x1fd: {  	v25 =	vld [tilespmem:s25+$0x1830]  }
0x1fe: {  	v15 =	vld [tilespmem:s25+$0x1840]  }
0x1ff: {  	v22 =	vld [tilespmem:s25+$0x1850]  }
0x200: {  	v24 =	vld [tilespmem:s25+$0x1860]  }
0x201: {  	[tilespmem:$0x1FA30] =	vst v56;
	v56 =	vld [tilespmem:s25+$0x1AF0]  }
0x202: {  	v29 =	vld [tilespmem:s25+$0x1870]  }
0x203: {  	v23 =	vld [tilespmem:s25+$0x1880]  }
0x204: {  	v26 =	vld [tilespmem:s25+$0x1890]  }
0x205: {  	v28 =	vld [tilespmem:s25+$0x18A0]  }
0x206: {  	[tilespmem:$0x1FA50] =	vst v56;
	v56 =	vld [tilespmem:s25+$0x1B00]  }
0x207: {  	v35 =	vld [tilespmem:s25+$0x18B0]  }
0x208: {  	v27 =	vld [tilespmem:s25+$0x18C0]  }
0x209: {  	v30 =	vld [tilespmem:s25+$0x18D0]  }
0x20a: {  	v34 =	vld [tilespmem:s25+$0x18E0]  }
0x20b: {  	[tilespmem:$0x1FA40] =	vst v56;
	v56 =	vld [tilespmem:s25+$0x1B10]  }
0x20c: {  	v41 =	vld [tilespmem:s25+$0x18F0]  }
0x20d: {  	v31 =	vld [tilespmem:s25+$0x1900]  }
0x20e: {  	v38 =	vld [tilespmem:s25+$0x1910]  }
0x20f: {  	v40 =	vld [tilespmem:s25+$0x1920]  }
0x210: {  	[tilespmem:$0x1FA60] =	vst v56;
	v56 =	vld [tilespmem:s25+$0x1B20]  }
0x211: {  	v45 =	vld [tilespmem:s25+$0x1930]  }
0x212: {  	v39 =	vld [tilespmem:s25+$0x1940]  }
0x213: {  	v42 =	vld [tilespmem:s25+$0x1950]  }
0x214: {  	v44 =	vld [tilespmem:s25+$0x1960]  }
0x215: {  	[tilespmem:$0x1FA70] =	vst v56;
	v56 =	vld [tilespmem:s25+$0x1B30]  }
0x216: {  	v51 =	vld [tilespmem:s25+$0x1970]  }
0x217: {  	v43 =	vld [tilespmem:s25+$0x1980]  }
0x218: {  	v46 =	vld [tilespmem:s25+$0x1990]  }
0x219: {  	v50 =	vld [tilespmem:s25+$0x19A0]  }
0x21a: {  	[tilespmem:$0x1FA90] =	vst v56;
	v56 =	vld [tilespmem:s25+$0x1B40]  }
0x21b: {  	v60 =	vld [tilespmem:s25+$0x19B0]  }
0x21c: {  	v47 =	vld [tilespmem:s25+$0x19C0]  }
0x21d: {  	v54 =	vld [tilespmem:s25+$0x19D0]  }
0x21e: {  	v61 =	vld [tilespmem:s25+$0x19E0]  }
0x21f: {  	[tilespmem:$0x1FA80] =	vst v56;
	v56 =	vld [tilespmem:s25+$0x1B50]  }
0x220: {  	v55 =	vld [tilespmem:s25+$0x19F0]  }
0x221: {  	v58 =	vld [tilespmem:s25+$0x1A10]  }
0x222: {  	v57 =	vld [tilespmem:s25+$0x1A20]  }
0x223: {  	v59 =	vld [tilespmem:s25+$0x1A40]  }
0x224: {  	[tilespmem:$0x1FAA0] =	vst v56;
	v56 =	vld [tilespmem:s25+$0x1B60]  }
0x225: {  	[tilespmem:$0x1F980] =	vst v55;
	v55 =	vld [tilespmem:s25+$0x1A00]  }
0x226: {  	v17 =	vadd.f32 v17, v3;
	v3 =	vld [tilespmem:s25+$0x1CD0]  }
0x227: {  	v20 =	vadd.f32 v20, v4;
	v4 =	vld [tilespmem:s25+$0x1CE0]  }
0x228: {  	v21 =	vadd.f32 v21, v5;
	v5 =	vld [tilespmem:s25+$0x1CF0]  }
0x229: {  	v17 =	vadd.f32 v33, v17;
	[tilespmem:$0x1FAB0] =	vst v56;
	v56 =	vld [tilespmem:s25+$0x1B70]  }
0x22a: {  	v32 =	vadd.f32 v32, v16;
	v16 =	vld [tilespmem:s25+$0x1D00];
	v20 =	vadd.f32 v36, v20  }
0x22b: {  	v21 =	vadd.f32 v37, v21;
	v33 =	vadd.f32 v49, v17;
	v17 =	vld [tilespmem:s25+$0x1D10]  }
0x22c: {  	v36 =	vadd.f32 v52, v20;
	v20 =	vld [tilespmem:s25+$0x1D20]  }
0x22d: {  	v32 =	vadd.f32 v48, v32;
	v37 =	vadd.f32 v53, v21;
	v21 =	vld [tilespmem:s25+$0x1D30]  }
0x22e: {  	[tilespmem:$0x1FAD0] =	vst v56;
	v56 =	vld [tilespmem:s25+$0x1B80]  }
0x22f: {  	v48 =	vadd.f32 v62, v32;
	v32 =	vld [tilespmem:s25+$0x1D40]  }
0x230: {  	v49 =	vld [tilespmem:s25+$0x1D90]  }
0x231: {  	v52 =	vld [tilespmem:s25+$0x1DA0]  }
0x232: {  	v0 =	vadd.f32 v0, v36;
	v36 =	vld [tilespmem:s25+$0x1D60]  }
0x233: {  	[tilespmem:$0x1FAC0] =	vst v56;
	v56 =	vld [tilespmem:s25+$0x1B90]  }
0x234: {  	v33 =	vadd.f32 v63, v33;
	v2 =	vadd.f32 v2, v37;
	v37 =	vld [tilespmem:s25+$0x1D70]  }
0x235: {  	v9 =	vadd.f32 v9, v48;
	v48 =	vld [tilespmem:s25+$0x1D80]  }
0x236: {  	v1 =	vadd.f32 v1, v33;
	v33 =	vld [tilespmem:s25+$0x1D50]  }
0x237: {  	v2 =	vadd.f32 v8, v2;
	v8 =	vld [tilespmem:s25+$0x1DD0]  }
0x238: {  	[tilespmem:$0x1FAE0] =	vst v56;
	v56 =	vld [tilespmem:s25+$0x1BA0]  }
0x239: {  	v53 =	vadd.f32 v13, v9;
	v9 =	vld [tilespmem:s25+$0x1DE0]  }
0x23a: {  	v13 =	vld [tilespmem:s25+$0x1E20]  }
0x23b: {  	v0 =	vadd.f32 v6, v0;
	v6 =	vadd.f32 v19, v53;
	v53 =	vld [tilespmem:s25+$0x1DB0]  }
0x23c: {  	v1 =	vadd.f32 v7, v1;
	v7 =	vld [tilespmem:s25+$0x1DC0]  }
0x23d: {  	[tilespmem:$0x1FAF0] =	vst v56;
	v56 =	vld [tilespmem:s25+$0x1BB0]  }
0x23e: {  	v0 =	vadd.f32 v10, v0;
	v10 =	vld [tilespmem:s25+$0x1DF0]  }
0x23f: {  	v2 =	vadd.f32 v12, v2;
	v12 =	vld [tilespmem:s25+$0x1E10]  }
0x240: {  	v19 =	vld [tilespmem:s25+$0x1E60]  }
0x241: {  	v1 =	vadd.f32 v11, v1;
	v11 =	vld [tilespmem:s25+$0x1E00]  }
0x242: {  	[tilespmem:$0x1FB10] =	vst v56;
	v56 =	vld [tilespmem:s25+$0x1BC0]  }
0x243: {  	v0 =	vadd.f32 v14, v0;
	v14 =	vld [tilespmem:s25+$0x1E30]  }
0x244: {  	v2 =	vadd.f32 v18, v2;
	v18 =	vld [tilespmem:s25+$0x1E50]  }
0x245: {  	v6 =	vadd.f32 v25, v6;
	v25 =	vld [tilespmem:s25+$0x1EA0]  }
0x246: {  	v1 =	vadd.f32 v15, v1;
	v15 =	vld [tilespmem:s25+$0x1E40]  }
0x247: {  	[tilespmem:$0x1FB00] =	vst v56;
	v56 =	vld [tilespmem:s25+$0x1BD0]  }
0x248: {  	v0 =	vadd.f32 v22, v0;
	v22 =	vld [tilespmem:s25+$0x1E70]  }
0x249: {  	v2 =	vadd.f32 v24, v2;
	v24 =	vld [tilespmem:s25+$0x1E90]  }
0x24a: {  	v6 =	vadd.f32 v29, v6;
	v29 =	vld [tilespmem:s25+$0x1EE0]  }
0x24b: {  	v1 =	vadd.f32 v23, v1;
	v2 =	vadd.f32 v28, v2;
	v23 =	vld [tilespmem:s25+$0x1E80]  }
0x24c: {  	v0 =	vadd.f32 v26, v0;
	v6 =	vadd.f32 v35, v6;
	[tilespmem:$0x1FB20] =	vst v56;
	v56 =	vld [tilespmem:s25+$0x1BE0]  }
0x24d: {  	v26 =	vld [tilespmem:s25+$0x1EB0];
	v1 =	vadd.f32 v27, v1;
	v2 =	vadd.f32 v34, v2  }
0x24e: {  	v28 =	vld [tilespmem:s25+$0x1ED0];
	v0 =	vadd.f32 v30, v0;
	v6 =	vadd.f32 v41, v6  }
0x24f: {  	v62 =	vld [tilespmem:$0x1F9D0];
	v1 =	vadd.f32 v31, v1;
	v2 =	vadd.f32 v40, v2  }
0x250: {  	v27 =	vld [tilespmem:s25+$0x1EC0];
	v0 =	vadd.f32 v38, v0;
	v6 =	vadd.f32 v45, v6  }
0x251: {  	v1 =	vadd.f32 v39, v1;
	v2 =	vadd.f32 v44, v2;
	[tilespmem:$0x1FB30] =	vst v56;
	v56 =	vld [tilespmem:s25+$0x1BF0]  }
0x252: {  	v30 =	vld [tilespmem:s25+$0x1EF0];
	v0 =	vadd.f32 v42, v0;
	v6 =	vadd.f32 v51, v6  }
0x253: {  	v31 =	vld [tilespmem:s25+$0x1F00];
	v1 =	vadd.f32 v43, v1;
	v2 =	vadd.f32 v50, v2  }
0x254: {  	v0 =	vadd.f32 v46, v0;
	v6 =	vadd.f32 v60, v6;
	v60 =	vld [tilespmem:$0x1F9B0]  }
0x255: {  	v1 =	vadd.f32 v47, v1;
	v2 =	vadd.f32 v61, v2;
	v61 =	vld [tilespmem:$0x1F9C0]  }
0x256: {  	[tilespmem:$0x1FB50] =	vst v56;
	v56 =	vld [tilespmem:s25+$0x1C00]  }
0x257: {  	v0 =	vadd.f32 v54, v0;
	v1 =	vadd.f32 v55, v1;
	v55 =	vld [tilespmem:$0x1F980]  }
0x258: {  	v63 =	vld [tilespmem:$0x1F9E0]  }
0x259: {  	v0 =	vadd.f32 v58, v0;
	v58 =	vld [tilespmem:$0x1F990]  }
0x25a: {  	v34 =	vld [tilespmem:$0x1F9F0]  }
0x25b: {  	v2 =	vadd.f32 v57, v2;
	[tilespmem:$0x1FB40] =	vst v56;
	v56 =	vld [tilespmem:s25+$0x1C10]  }
0x25c: {  	v1 =	vadd.f32 v59, v1;
	v59 =	vld [tilespmem:$0x1F9A0];
	v6 =	vadd.f32 v55, v6  }
0x25d: {  	v2 =	vadd.f32 v60, v2;
	v38 =	vld [tilespmem:$0x1FA10]  }
0x25e: {  	v6 =	vadd.f32 v58, v6;
	v35 =	vld [tilespmem:$0x1FA00]  }
0x25f: {  	v2 =	vadd.f32 v34, v2;
	v34 =	vld [tilespmem:s25+$0x1F10]  }
0x260: {  	v6 =	vadd.f32 v62, v6;
	[tilespmem:$0x1FB60] =	vst v56;
	v56 =	vld [tilespmem:s25+$0x1C20]  }
0x261: {  	v1 =	vadd.f32 v61, v1;
	v39 =	vld [tilespmem:$0x1FA20]  }
0x262: {  	v0 =	vadd.f32 v59, v0;
	v6 =	vadd.f32 v38, v6;
	v38 =	vld [tilespmem:s25+$0x1F30]  }
0x263: {  	v1 =	vadd.f32 v35, v1;
	v35 =	vld [tilespmem:s25+$0x1F20]  }
0x264: {  	v0 =	vadd.f32 v63, v0;
	v40 =	vld [tilespmem:$0x1FA30]  }
0x265: {  	[tilespmem:$0x1FB70] =	vst v56;
	v56 =	vld [tilespmem:s25+$0x1C30]  }
0x266: {  	v0 =	vadd.f32 v39, v0;
	v39 =	vld [tilespmem:s25+$0x1F40]  }
0x267: {  	v42 =	vld [tilespmem:$0x1FA50]  }
0x268: {  	v41 =	vld [tilespmem:$0x1FA40]  }
0x269: {  	v2 =	vadd.f32 v40, v2;
	v40 =	vld [tilespmem:s25+$0x1F50]  }
0x26a: {  	[tilespmem:$0x1FB90] =	vst v56;
	v56 =	vld [tilespmem:s25+$0x1C40]  }
0x26b: {  	v43 =	vld [tilespmem:$0x1FA60]  }
0x26c: {  	v6 =	vadd.f32 v42, v6;
	v42 =	vld [tilespmem:s25+$0x1F70]  }
0x26d: {  	v1 =	vadd.f32 v41, v1;
	v41 =	vld [tilespmem:s25+$0x1F60]  }
0x26e: {  	v44 =	vld [tilespmem:$0x1FA70]  }
0x26f: {  	[tilespmem:$0x1FB80] =	vst v56;
	v56 =	vld [tilespmem:s25+$0x1C50]  }
0x270: {  	v0 =	vadd.f32 v43, v0;
	v43 =	vld [tilespmem:s25+$0x1F80]  }
0x271: {  	v46 =	vld [tilespmem:$0x1FA90]  }
0x272: {  	v45 =	vld [tilespmem:$0x1FA80]  }
0x273: {  	v2 =	vadd.f32 v44, v2;
	v44 =	vld [tilespmem:s25+$0x1F90]  }
0x274: {  	[tilespmem:$0x1FBA0] =	vst v56;
	v56 =	vld [tilespmem:s25+$0x1C60]  }
0x275: {  	v47 =	vld [tilespmem:$0x1FAA0]  }
0x276: {  	v6 =	vadd.f32 v46, v6;
	v46 =	vld [tilespmem:s25+$0x1FB0]  }
0x277: {  	v1 =	vadd.f32 v45, v1;
	v45 =	vld [tilespmem:s25+$0x1FA0]  }
0x278: {  	v50 =	vld [tilespmem:$0x1FAB0]  }
0x279: {  	[tilespmem:$0x1FBB0] =	vst v56;
	v56 =	vld [tilespmem:s25+$0x1C70]  }
0x27a: {  	v0 =	vadd.f32 v47, v0;
	v47 =	vld [tilespmem:s25+$0x1FC0]  }
0x27b: {  	v54 =	vld [tilespmem:$0x1FAD0]  }
0x27c: {  	v51 =	vld [tilespmem:$0x1FAC0]  }
0x27d: {  	v55 =	vld [tilespmem:$0x1FAE0]  }
0x27e: {  	[tilespmem:$0x1FBD0] =	vst v56;
	v56 =	vld [tilespmem:s25+$0x1C80]  }
0x27f: {  	v57 =	vld [tilespmem:$0x1FAF0]  }
0x280: {  	v59 =	vld [tilespmem:$0x1FB10]  }
0x281: {  	v58 =	vld [tilespmem:$0x1FB00]  }
0x282: {  	v60 =	vld [tilespmem:$0x1FB20]  }
0x283: {  	[tilespmem:$0x1FBC0] =	vst v56;
	v56 =	vld [tilespmem:s25+$0x1C90]  }
0x284: {  	v61 =	vld [tilespmem:$0x1FB30]  }
0x285: {  	v63 =	vld [tilespmem:$0x1FB50]  }
0x286: {  	v62 =	vld [tilespmem:$0x1FB40]  }
0x287: {  	v2 =	vadd.f32 v50, v2;
	v50 =	vld [tilespmem:$0x1FB60]  }
0x288: {  	[tilespmem:$0x1FBE0] =	vst v56;
	v56 =	vld [tilespmem:s25+$0x1CA0]  }
0x289: {  	v1 =	vadd.f32 v51, v1;
	v51 =	vld [tilespmem:$0x1FB70]  }
0x28a: {  	v0 =	vadd.f32 v55, v0;
	v55 =	vld [tilespmem:$0x1FB90]  }
0x28b: {  	v6 =	vadd.f32 v54, v6;
	v54 =	vld [tilespmem:$0x1FB80]  }
0x28c: {  	v2 =	vadd.f32 v57, v2;
	v57 =	vld [tilespmem:$0x1FBA0]  }
0x28d: {  	[tilespmem:$0x1FBF0] =	vst v56;
	v56 =	vld [tilespmem:s25+$0x1CB0]  }
0x28e: {  	v1 =	vadd.f32 v58, v1;
	v58 =	vld [tilespmem:$0x1FBB0]  }
0x28f: {  	v0 =	vadd.f32 v60, v0;
	v60 =	vld [tilespmem:$0x1FBD0]  }
0x290: {  	v6 =	vadd.f32 v59, v6;
	v2 =	vadd.f32 v61, v2;
	v61 =	vld [tilespmem:$0x1FBE0]  }
0x291: {  	v1 =	vadd.f32 v62, v1;
	v0 =	vadd.f32 v50, v0;
	v62 =	vld [tilespmem:$0x1FBF0]  }
0x292: {  	v6 =	vadd.f32 v63, v6;
	v2 =	vadd.f32 v51, v2;
	v59 =	vld [tilespmem:$0x1FBC0];
	[tilespmem:$0x1FC00] =	vst v56  }
0x293: {  	v0 =	vadd.f32 v57, v0;
	v63 =	vld [tilespmem:$0x1FC00]  }
0x294: {  	v6 =	vadd.f32 v55, v6;
	v2 =	vadd.f32 v58, v2;
	v56 =	vld [tilespmem:s25+$0x1CC0]  }
0x295: {  	v50 =	vld [tilespmem:s25+$0x1FD0];
	v1 =	vadd.f32 v54, v1;
	v0 =	vadd.f32 v61, v0  }
0x296: {  	v51 =	vld [tilespmem:s25+$0x1FE0];
	v6 =	vadd.f32 v60, v6;
	v2 =	vadd.f32 v62, v2  }
0x297: {  	v55 =	vld [tilespmem:s25+$0x2070];
	v1 =	vadd.f32 v59, v1;
	v0 =	vadd.f32 v3, v0  }
0x298: {  	v54 =	vld [tilespmem:s25+$0x1FF0];
	v2 =	vadd.f32 v4, v2;
	v6 =	vadd.f32 v63, v6  }
0x299: {  	v57 =	vld [tilespmem:s25+$0x2090];
	v0 =	vadd.f32 v17, v0;
	v1 =	vadd.f32 v56, v1  }
0x29a: {  	v58 =	vld [tilespmem:s25+$0x20A0];
	v2 =	vadd.f32 v20, v2;
	v5 =	vadd.f32 v5, v6  }
0x29b: {  	v60 =	vld [tilespmem:s25+$0x20C0];
	v0 =	vadd.f32 v33, v0;
	v1 =	vadd.f32 v16, v1  }
0x29c: {  	v59 =	vld [tilespmem:s25+$0x20B0];
	v2 =	vadd.f32 v36, v2;
	v5 =	vadd.f32 v21, v5  }
0x29d: {  	v61 =	vld [tilespmem:s25+$0x20D0];
	v0 =	vadd.f32 v49, v0;
	v1 =	vadd.f32 v32, v1  }
0x29e: {  	v3 =	vld [tilespmem:s25+$0x2000];
	v2 =	vadd.f32 v52, v2;
	v5 =	vadd.f32 v37, v5  }
0x29f: {  	v17 =	vld [tilespmem:s25+$0x2040];
	v0 =	vadd.f32 v8, v0;
	v1 =	vadd.f32 v48, v1  }
0x2a0: {  	v62 =	vld [tilespmem:s25+$0x20E0];
	v2 =	vadd.f32 v9, v2;
	v5 =	vadd.f32 v53, v5  }
0x2a1: {  	v33 =	vld [tilespmem:s25+$0x2110];
	v0 =	vadd.f32 v12, v0;
	v1 =	vadd.f32 v7, v1  }
0x2a2: {  	v4 =	vld [tilespmem:s25+$0x2010];
	v2 =	vadd.f32 v13, v2;
	v5 =	vadd.f32 v10, v5  }
0x2a3: {  	v49 =	vld [tilespmem:s25+$0x2060];
	v0 =	vadd.f32 v18, v0;
	v1 =	vadd.f32 v11, v1  }
0x2a4: {  	v56 =	vld [tilespmem:s25+$0x2080];
	v2 =	vadd.f32 v19, v2;
	v5 =	vadd.f32 v14, v5  }
0x2a5: {  	v63 =	vld [tilespmem:s25+$0x20F0];
	v0 =	vadd.f32 v24, v0;
	v1 =	vadd.f32 v15, v1  }
0x2a6: {  	v16 =	vld [tilespmem:s25+$0x2030];
	v2 =	vadd.f32 v25, v2;
	v5 =	vadd.f32 v22, v5  }
0x2a7: {  	v36 =	vld [tilespmem:s25+$0x2120];
	v0 =	vadd.f32 v28, v0;
	v1 =	vadd.f32 v23, v1  }
0x2a8: {  	v6 =	vld [tilespmem:s25+$0x2020];
	v2 =	vadd.f32 v29, v2;
	v5 =	vadd.f32 v26, v5  }
0x2a9: {  	v32 =	vld [tilespmem:s25+$0x2100];
	v0 =	vadd.f32 v34, v0;
	v1 =	vadd.f32 v27, v1  }
0x2aa: {  	v52 =	vld [tilespmem:s25+$0x2220];
	v2 =	vadd.f32 v35, v2;
	v5 =	vadd.f32 v30, v5  }
0x2ab: {  	v48 =	vld [tilespmem:s25+$0x2050];
	v0 =	vadd.f32 v40, v0;
	v1 =	vadd.f32 v31, v1  }
0x2ac: {  	v37 =	vld [tilespmem:s25+$0x2130];
	v2 =	vadd.f32 v41, v2;
	v5 =	vadd.f32 v38, v5  }
0x2ad: {  	v53 =	vld [tilespmem:s25+$0x2230];
	v0 =	vadd.f32 v44, v0;
	v1 =	vadd.f32 v39, v1  }
0x2ae: {  	v40 =	vld [tilespmem:s25+$0x2160];
	v2 =	vadd.f32 v45, v2;
	v5 =	vadd.f32 v42, v5  }
0x2af: {  	v44 =	vld [tilespmem:s25+$0x21A0];
	v0 =	vadd.f32 v50, v0;
	v1 =	vadd.f32 v43, v1  }
0x2b0: {  	v50 =	vld [tilespmem:s25+$0x2200];
	v2 =	vadd.f32 v51, v2;
	v5 =	vadd.f32 v46, v5  }
0x2b1: {  	v41 =	vld [tilespmem:s25+$0x2170];
	v0 =	vadd.f32 v4, v0;
	v1 =	vadd.f32 v47, v1  }
0x2b2: {  	v39 =	vld [tilespmem:s25+$0x2150];
	v2 =	vadd.f32 v6, v2;
	v5 =	vadd.f32 v54, v5  }
0x2b3: {  	v45 =	vld [tilespmem:s25+$0x21B0];
	v0 =	vadd.f32 v48, v0;
	v1 =	vadd.f32 v3, v1  }
0x2b4: {  	v38 =	vld [tilespmem:s25+$0x2140];
	v2 =	vadd.f32 v49, v2;
	v5 =	vadd.f32 v16, v5  }
0x2b5: {  	v48 =	vld [tilespmem:s25+$0x21E0];
	v0 =	vadd.f32 v57, v0;
	v1 =	vadd.f32 v17, v1  }
0x2b6: {  	v43 =	vld [tilespmem:s25+$0x2190];
	v2 =	vadd.f32 v58, v2;
	v5 =	vadd.f32 v55, v5  }
0x2b7: {  	v51 =	vld [tilespmem:s25+$0x2210];
	v0 =	vadd.f32 v61, v0;
	v1 =	vadd.f32 v56, v1  }
0x2b8: {  	v42 =	vld [tilespmem:s25+$0x2180];
	v2 =	vadd.f32 v62, v2;
	v5 =	vadd.f32 v59, v5  }
0x2b9: {  	v57 =	vld [tilespmem:s25+$0x2270];
	v0 =	vadd.f32 v33, v0;
	v1 =	vadd.f32 v60, v1  }
0x2ba: {  	v47 =	vld [tilespmem:s25+$0x21D0];
	v2 =	vadd.f32 v36, v2;
	v5 =	vadd.f32 v63, v5  }
0x2bb: {  	v46 =	vld [tilespmem:s25+$0x21C0];
	v0 =	vadd.f32 v39, v0;
	v1 =	vadd.f32 v32, v1  }
0x2bc: {  	v49 =	vld [tilespmem:s25+$0x21F0];
	v2 =	vadd.f32 v40, v2;
	v5 =	vadd.f32 v37, v5  }
0x2bd: {  	v54 =	vld [tilespmem:s25+$0x2240];
	v0 =	vadd.f32 v43, v0;
	v1 =	vadd.f32 v38, v1  }
0x2be: {  	v55 =	vld [tilespmem:s25+$0x2250];
	v2 =	vadd.f32 v44, v2;
	v5 =	vadd.f32 v41, v5  }
0x2bf: {  	v56 =	vld [tilespmem:s25+$0x2260];
	v0 =	vadd.f32 v47, v0;
	v1 =	vadd.f32 v42, v1  }
0x2c0: {  	v59 =	vld [tilespmem:s25+$0x2290];
	v2 =	vadd.f32 v48, v2;
	v5 =	vadd.f32 v45, v5  }
0x2c1: {  	v60 =	vld [tilespmem:s25+$0x22A0];
	v0 =	vadd.f32 v51, v0;
	v1 =	vadd.f32 v46, v1  }
0x2c2: {  	v58 =	vld [tilespmem:s25+$0x2280];
	v2 =	vadd.f32 v52, v2;
	v5 =	vadd.f32 v49, v5  }
0x2c3: {  	v61 =	vld [tilespmem:s25+$0x22B0];
	v0 =	vadd.f32 v55, v0;
	v1 =	vadd.f32 v50, v1  }
0x2c4: {  	v2 =	vadd.f32 v56, v2;
	v5 =	vadd.f32 v53, v5  }
0x2c5: {  	s31 =	sshll.u32 s24, $0x6;
	p0 =	sne.s32 s24, $0xF;
	v0 =	vadd.f32 v59, v0;
	v1 =	vadd.f32 v54, v1  }
.Ltmp0:
0x2c6: {  	s25 =	sand.u32 $0x3FFFFFC0, s31;
	v2 =	vadd.f32 v60, v2;
	v62 =	vadd.f32 v57, v5;
	(pc) =	sbr.rel @p0 .LBB2_3-.Ltmp0, $4  }
0x2c7: {  	[tilespmem:s25+$0x1A650] =	vst v0;
	v1 =	vadd.f32 v58, v1  }
0x2c8: {  	[tilespmem:s25+$0x1A660] =	vst v2;
	v63 =	vadd.f32 v61, v62  }
0x2c9: {  	[tilespmem:s25+$0x1A640] =	vst v1  }
0x2ca: {  	s24 =	sadd.s32 $0x1, s24;
	[tilespmem:s25+$0x1A670] =	vst v63  }
0x2cb: {  	s24 =	sshll.u32 s22, $0x8;
	p0 =	seq.s32 s22, $0xF  }
.Ltmp1:
0x2cc: {  	s24 =	sadd.s32 s24, s8;
	(pc) =	sbr.rel @p0 .LBB2_6-.Ltmp1, $4  }
0x2cd: {  	[hbm4b:s24+s1] =	stream.linear.scatter [tilespmem:s19], [sflag:$0x2], $0x400, $0x38;
	[tilespmem:$0x1AE40] =	vst v63  }
0x2ce: {  	_ =	swait.ge [sflag:s11], $0x400  }
0x2cf: {  	[sflag:s11] =	ssyncset.done $0x0  }
0x2d0: {  	[sflag:s11] =	ssyncadd.s32 $0xFFFFFC00  }
0x2d1: {  	s24 =	sshll.u32 s22, $0x9  }
0x2d2: {  	s24 =	sadd.s32 s24, s9  }
0x2d3: {  	[tilespmem:s1], [sflag:$0x2] =	stream.linear.gather [hbm4b:s24+s1], $0x800, $0x38;
	[tilespmem:$0x1AE40] =	vst v63  }
0x2d4: {  	_ =	swait.ge [sflag:s11], $0x800  }
0x2d5: {  	[sflag:s11] =	ssyncset.done $0x0  }
0x2d6: {  	[sflag:s11] =	ssyncadd.s32 $0xFFFFF800  }
0x2d7: {  	v1 =	vlaneseq.u32;
	v0 =	vld [tilespmem:$0x0];
	_ =	sdelay $0x2  }
0x2d8: {  	v61 =	vld [tilespmem:$0x1FC10];
	_ =	sdelay $0x1  }
0x2d9: {  	[tilespmem:v1+s12+$0x0] =	vst.idx.msk $0xffff, v0  }
0x2da: {  	v0 =	vld [tilespmem:$0x10];
	_ =	sdelay $0x2  }
0x2db: {  	v62 =	vld [tilespmem:$0x1FC20];
	_ =	sdelay $0x1  }
0x2dc: {  	[tilespmem:v61+s12+$0x0] =	vst.idx.msk $0xffff, v0  }
0x2dd: {  	v0 =	vld [tilespmem:$0x20];
	_ =	sdelay $0x2  }
0x2de: {  	v63 =	vld [tilespmem:$0x1FC30];
	_ =	sdelay $0x1  }
0x2df: {  	[tilespmem:v62+s12+$0x0] =	vst.idx.msk $0xffff, v0  }
0x2e0: {  	v0 =	vld [tilespmem:$0x30];
	_ =	sdelay $0x2  }
0x2e1: {  	v4 =	vld [tilespmem:$0x1FC40];
	_ =	sdelay $0x1  }
0x2e2: {  	[tilespmem:v63+s12+$0x0] =	vst.idx.msk $0x3, v0  }
0x2e3: {  	v0 =	vld [tilespmem:$0x80];
	_ =	sdelay $0x2  }
0x2e4: {  	v5 =	vld [tilespmem:$0x1FC50];
	_ =	sdelay $0x1  }
0x2e5: {  	[tilespmem:v4+s12+$0x0] =	vst.idx.msk $0xffff, v0  }
0x2e6: {  	v0 =	vld [tilespmem:$0x90];
	_ =	sdelay $0x2  }
0x2e7: {  	v6 =	vld [tilespmem:$0x1FC60];
	_ =	sdelay $0x1  }
0x2e8: {  	[tilespmem:v5+s12+$0x0] =	vst.idx.msk $0xffff, v0  }
0x2e9: {  	v0 =	vld [tilespmem:$0xA0];
	_ =	sdelay $0x2  }
0x2ea: {  	v7 =	vld [tilespmem:$0x1FC70];
	_ =	sdelay $0x1  }
0x2eb: {  	[tilespmem:v6+s12+$0x0] =	vst.idx.msk $0xffff, v0  }
0x2ec: {  	v0 =	vld [tilespmem:$0xB0];
	_ =	sdelay $0x2  }
0x2ed: {  	v8 =	vld [tilespmem:$0x1FC80];
	_ =	sdelay $0x1  }
0x2ee: {  	[tilespmem:v7+s12+$0x0] =	vst.idx.msk $0x3, v0  }
0x2ef: {  	v0 =	vld [tilespmem:$0x100];
	_ =	sdelay $0x2  }
0x2f0: {  	v9 =	vld [tilespmem:$0x1FC90];
	_ =	sdelay $0x1  }
0x2f1: {  	[tilespmem:v8+s12+$0x0] =	vst.idx.msk $0xffff, v0  }
0x2f2: {  	v0 =	vld [tilespmem:$0x110];
	_ =	sdelay $0x2  }
0x2f3: {  	v10 =	vld [tilespmem:$0x1FCA0];
	_ =	sdelay $0x1  }
0x2f4: {  	[tilespmem:v9+s12+$0x0] =	vst.idx.msk $0xffff, v0  }
0x2f5: {  	v0 =	vld [tilespmem:$0x120];
	_ =	sdelay $0x2  }
0x2f6: {  	v11 =	vld [tilespmem:$0x1FCB0];
	_ =	sdelay $0x1  }
0x2f7: {  	[tilespmem:v10+s12+$0x0] =	vst.idx.msk $0xffff, v0  }
0x2f8: {  	v0 =	vld [tilespmem:$0x130];
	_ =	sdelay $0x2  }
0x2f9: {  	v12 =	vld [tilespmem:$0x1FCC0];
	_ =	sdelay $0x1  }
0x2fa: {  	[tilespmem:v11+s12+$0x0] =	vst.idx.msk $0x3, v0  }
0x2fb: {  	v0 =	vld [tilespmem:$0x180];
	_ =	sdelay $0x2  }
0x2fc: {  	v13 =	vld [tilespmem:$0x1FCD0];
	_ =	sdelay $0x1  }
0x2fd: {  	[tilespmem:v12+s12+$0x0] =	vst.idx.msk $0xffff, v0  }
0x2fe: {  	v0 =	vld [tilespmem:$0x190];
	_ =	sdelay $0x2  }
0x2ff: {  	v14 =	vld [tilespmem:$0x1FCE0];
	_ =	sdelay $0x1  }
0x300: {  	[tilespmem:v13+s12+$0x0] =	vst.idx.msk $0xffff, v0  }
0x301: {  	v0 =	vld [tilespmem:$0x1A0];
	_ =	sdelay $0x2  }
0x302: {  	v15 =	vld [tilespmem:$0x1FCF0];
	_ =	sdelay $0x1  }
0x303: {  	[tilespmem:v14+s12+$0x0] =	vst.idx.msk $0xffff, v0  }
0x304: {  	v0 =	vld [tilespmem:$0x1B0];
	_ =	sdelay $0x2  }
0x305: {  	v16 =	vld [tilespmem:$0x1FD00];
	_ =	sdelay $0x1  }
0x306: {  	[tilespmem:v15+s12+$0x0] =	vst.idx.msk $0x3, v0  }
0x307: {  	v0 =	vld [tilespmem:$0x200];
	_ =	sdelay $0x2  }
0x308: {  	v17 =	vld [tilespmem:$0x1FD10];
	_ =	sdelay $0x1  }
0x309: {  	[tilespmem:v16+s12+$0x0] =	vst.idx.msk $0xffff, v0  }
0x30a: {  	v0 =	vld [tilespmem:$0x210];
	_ =	sdelay $0x2  }
0x30b: {  	v18 =	vld [tilespmem:$0x1FD20];
	_ =	sdelay $0x1  }
0x30c: {  	[tilespmem:v17+s12+$0x0] =	vst.idx.msk $0xffff, v0  }
0x30d: {  	v0 =	vld [tilespmem:$0x220];
	_ =	sdelay $0x2  }
0x30e: {  	v19 =	vld [tilespmem:$0x1FD30];
	_ =	sdelay $0x1  }
0x30f: {  	[tilespmem:v18+s12+$0x0] =	vst.idx.msk $0xffff, v0  }
0x310: {  	v0 =	vld [tilespmem:$0x230];
	_ =	sdelay $0x2  }
0x311: {  	v20 =	vld [tilespmem:$0x1FD40];
	_ =	sdelay $0x1  }
0x312: {  	[tilespmem:v19+s12+$0x0] =	vst.idx.msk $0x3, v0  }
0x313: {  	v0 =	vld [tilespmem:$0x280];
	_ =	sdelay $0x2  }
0x314: {  	v21 =	vld [tilespmem:$0x1FD50];
	_ =	sdelay $0x1  }
0x315: {  	[tilespmem:v20+s12+$0x0] =	vst.idx.msk $0xffff, v0  }
0x316: {  	v0 =	vld [tilespmem:$0x290];
	_ =	sdelay $0x2  }
0x317: {  	v22 =	vld [tilespmem:$0x1FD60];
	_ =	sdelay $0x1  }
0x318: {  	[tilespmem:v21+s12+$0x0] =	vst.idx.msk $0xffff, v0  }
0x319: {  	v0 =	vld [tilespmem:$0x2A0];
	_ =	sdelay $0x2  }
0x31a: {  	v23 =	vld [tilespmem:$0x1FD70];
	_ =	sdelay $0x1  }
0x31b: {  	[tilespmem:v22+s12+$0x0] =	vst.idx.msk $0xffff, v0  }
0x31c: {  	v0 =	vld [tilespmem:$0x2B0];
	_ =	sdelay $0x2  }
0x31d: {  	v24 =	vld [tilespmem:$0x1FD80];
	_ =	sdelay $0x1  }
0x31e: {  	[tilespmem:v23+s12+$0x0] =	vst.idx.msk $0x3, v0  }
0x31f: {  	v0 =	vld [tilespmem:$0x300];
	_ =	sdelay $0x2  }
0x320: {  	v25 =	vld [tilespmem:$0x1FD90];
	_ =	sdelay $0x1  }
0x321: {  	[tilespmem:v24+s12+$0x0] =	vst.idx.msk $0xffff, v0  }
0x322: {  	v0 =	vld [tilespmem:$0x310];
	_ =	sdelay $0x2  }
0x323: {  	v26 =	vld [tilespmem:$0x1FDA0];
	_ =	sdelay $0x1  }
0x324: {  	[tilespmem:v25+s12+$0x0] =	vst.idx.msk $0xffff, v0  }
0x325: {  	v0 =	vld [tilespmem:$0x320];
	_ =	sdelay $0x2  }
0x326: {  	v27 =	vld [tilespmem:$0x1FDB0];
	_ =	sdelay $0x1  }
0x327: {  	[tilespmem:v26+s12+$0x0] =	vst.idx.msk $0xffff, v0  }
0x328: {  	v0 =	vld [tilespmem:$0x330];
	_ =	sdelay $0x2  }
0x329: {  	v28 =	vld [tilespmem:$0x1FDC0];
	_ =	sdelay $0x1  }
0x32a: {  	[tilespmem:v27+s12+$0x0] =	vst.idx.msk $0x3, v0  }
0x32b: {  	v0 =	vld [tilespmem:$0x380];
	_ =	sdelay $0x2  }
0x32c: {  	v29 =	vld [tilespmem:$0x1FDD0];
	_ =	sdelay $0x1  }
0x32d: {  	[tilespmem:v28+s12+$0x0] =	vst.idx.msk $0xffff, v0  }
0x32e: {  	v0 =	vld [tilespmem:$0x390];
	_ =	sdelay $0x2  }
0x32f: {  	v30 =	vld [tilespmem:$0x1FDE0];
	_ =	sdelay $0x1  }
0x330: {  	[tilespmem:v29+s12+$0x0] =	vst.idx.msk $0xffff, v0  }
0x331: {  	v0 =	vld [tilespmem:$0x3A0];
	_ =	sdelay $0x2  }
0x332: {  	v31 =	vld [tilespmem:$0x1FDF0];
	_ =	sdelay $0x1  }
0x333: {  	[tilespmem:v30+s12+$0x0] =	vst.idx.msk $0xffff, v0  }
0x334: {  	v0 =	vld [tilespmem:$0x3B0];
	_ =	sdelay $0x2  }
0x335: {  	v32 =	vld [tilespmem:$0x1FE00];
	_ =	sdelay $0x1  }
0x336: {  	[tilespmem:v31+s12+$0x0] =	vst.idx.msk $0x3, v0  }
0x337: {  	v0 =	vld [tilespmem:$0x400];
	_ =	sdelay $0x2  }
0x338: {  	v33 =	vld [tilespmem:$0x1FE10];
	_ =	sdelay $0x1  }
0x339: {  	[tilespmem:v32+s12+$0x0] =	vst.idx.msk $0xffff, v0  }
0x33a: {  	v0 =	vld [tilespmem:$0x410];
	_ =	sdelay $0x2  }
0x33b: {  	v34 =	vld [tilespmem:$0x1FE20];
	_ =	sdelay $0x1  }
0x33c: {  	[tilespmem:v33+s12+$0x0] =	vst.idx.msk $0xffff, v0  }
0x33d: {  	v0 =	vld [tilespmem:$0x420];
	_ =	sdelay $0x2  }
0x33e: {  	v35 =	vld [tilespmem:$0x1FE30];
	_ =	sdelay $0x1  }
0x33f: {  	[tilespmem:v34+s12+$0x0] =	vst.idx.msk $0xffff, v0  }
0x340: {  	v0 =	vld [tilespmem:$0x430];
	_ =	sdelay $0x2  }
0x341: {  	v36 =	vld [tilespmem:$0x1FE40];
	_ =	sdelay $0x1  }
0x342: {  	[tilespmem:v35+s12+$0x0] =	vst.idx.msk $0x3, v0  }
0x343: {  	v0 =	vld [tilespmem:$0x480];
	_ =	sdelay $0x2  }
0x344: {  	v37 =	vld [tilespmem:$0x1FE50];
	_ =	sdelay $0x1  }
0x345: {  	[tilespmem:v36+s12+$0x0] =	vst.idx.msk $0xffff, v0  }
0x346: {  	v0 =	vld [tilespmem:$0x490];
	_ =	sdelay $0x2  }
0x347: {  	v38 =	vld [tilespmem:$0x1FE60];
	_ =	sdelay $0x1  }
0x348: {  	[tilespmem:v37+s12+$0x0] =	vst.idx.msk $0xffff, v0  }
0x349: {  	v0 =	vld [tilespmem:$0x4A0];
	_ =	sdelay $0x2  }
0x34a: {  	v39 =	vld [tilespmem:$0x1FE70];
	_ =	sdelay $0x1  }
0x34b: {  	[tilespmem:v38+s12+$0x0] =	vst.idx.msk $0xffff, v0  }
0x34c: {  	v0 =	vld [tilespmem:$0x4B0];
	_ =	sdelay $0x2  }
0x34d: {  	v40 =	vld [tilespmem:$0x1FE80];
	_ =	sdelay $0x1  }
0x34e: {  	[tilespmem:v39+s12+$0x0] =	vst.idx.msk $0x3, v0  }
0x34f: {  	v0 =	vld [tilespmem:$0x500];
	_ =	sdelay $0x2  }
0x350: {  	v41 =	vld [tilespmem:$0x1FE90];
	_ =	sdelay $0x1  }
0x351: {  	[tilespmem:v40+s12+$0x0] =	vst.idx.msk $0xffff, v0  }
0x352: {  	v0 =	vld [tilespmem:$0x510];
	_ =	sdelay $0x2  }
0x353: {  	v42 =	vld [tilespmem:$0x1FEA0];
	_ =	sdelay $0x1  }
0x354: {  	[tilespmem:v41+s12+$0x0] =	vst.idx.msk $0xffff, v0  }
0x355: {  	v0 =	vld [tilespmem:$0x520];
	_ =	sdelay $0x2  }
0x356: {  	v43 =	vld [tilespmem:$0x1FEB0];
	_ =	sdelay $0x1  }
0x357: {  	[tilespmem:v42+s12+$0x0] =	vst.idx.msk $0xffff, v0  }
0x358: {  	v0 =	vld [tilespmem:$0x530];
	_ =	sdelay $0x2  }
0x359: {  	v44 =	vld [tilespmem:$0x1FEC0];
	_ =	sdelay $0x1  }
0x35a: {  	[tilespmem:v43+s12+$0x0] =	vst.idx.msk $0x3, v0  }
0x35b: {  	v0 =	vld [tilespmem:$0x580];
	_ =	sdelay $0x2  }
0x35c: {  	v45 =	vld [tilespmem:$0x1FED0];
	_ =	sdelay $0x1  }
0x35d: {  	[tilespmem:v44+s12+$0x0] =	vst.idx.msk $0xffff, v0  }
0x35e: {  	v0 =	vld [tilespmem:$0x590];
	_ =	sdelay $0x2  }
0x35f: {  	v46 =	vld [tilespmem:$0x1FEE0];
	_ =	sdelay $0x1  }
0x360: {  	[tilespmem:v45+s12+$0x0] =	vst.idx.msk $0xffff, v0  }
0x361: {  	v0 =	vld [tilespmem:$0x5A0];
	_ =	sdelay $0x2  }
0x362: {  	v47 =	vld [tilespmem:$0x1FEF0];
	_ =	sdelay $0x1  }
0x363: {  	[tilespmem:v46+s12+$0x0] =	vst.idx.msk $0xffff, v0  }
0x364: {  	v0 =	vld [tilespmem:$0x5B0];
	_ =	sdelay $0x2  }
0x365: {  	v48 =	vld [tilespmem:$0x1FF00];
	_ =	sdelay $0x1  }
0x366: {  	[tilespmem:v47+s12+$0x0] =	vst.idx.msk $0x3, v0  }
0x367: {  	v0 =	vld [tilespmem:$0x600];
	_ =	sdelay $0x2  }
0x368: {  	v49 =	vld [tilespmem:$0x1FF10];
	_ =	sdelay $0x1  }
0x369: {  	[tilespmem:v48+s12+$0x0] =	vst.idx.msk $0xffff, v0  }
0x36a: {  	v0 =	vld [tilespmem:$0x610];
	_ =	sdelay $0x2  }
0x36b: {  	v50 =	vld [tilespmem:$0x1FF20];
	_ =	sdelay $0x1  }
0x36c: {  	[tilespmem:v49+s12+$0x0] =	vst.idx.msk $0xffff, v0  }
0x36d: {  	v0 =	vld [tilespmem:$0x620];
	_ =	sdelay $0x2  }
0x36e: {  	v51 =	vld [tilespmem:$0x1FF30];
	_ =	sdelay $0x1  }
0x36f: {  	[tilespmem:v50+s12+$0x0] =	vst.idx.msk $0xffff, v0  }
0x370: {  	v0 =	vld [tilespmem:$0x630];
	_ =	sdelay $0x2  }
0x371: {  	v52 =	vld [tilespmem:$0x1FF40];
	_ =	sdelay $0x1  }
0x372: {  	[tilespmem:v51+s12+$0x0] =	vst.idx.msk $0x3, v0  }
0x373: {  	v0 =	vld [tilespmem:$0x680];
	_ =	sdelay $0x2  }
0x374: {  	v53 =	vld [tilespmem:$0x1FF50];
	_ =	sdelay $0x1  }
0x375: {  	[tilespmem:v52+s12+$0x0] =	vst.idx.msk $0xffff, v0  }
0x376: {  	v0 =	vld [tilespmem:$0x690];
	_ =	sdelay $0x2  }
0x377: {  	v54 =	vld [tilespmem:$0x1FF60];
	_ =	sdelay $0x1  }
0x378: {  	[tilespmem:v53+s12+$0x0] =	vst.idx.msk $0xffff, v0  }
0x379: {  	v0 =	vld [tilespmem:$0x6A0];
	_ =	sdelay $0x2  }
0x37a: {  	v55 =	vld [tilespmem:$0x1FF70];
	_ =	sdelay $0x1  }
0x37b: {  	[tilespmem:v54+s12+$0x0] =	vst.idx.msk $0xffff, v0  }
0x37c: {  	v0 =	vld [tilespmem:$0x6B0];
	_ =	sdelay $0x2  }
0x37d: {  	v56 =	vld [tilespmem:$0x1FF80];
	_ =	sdelay $0x1  }
0x37e: {  	[tilespmem:v55+s12+$0x0] =	vst.idx.msk $0x3, v0  }
0x37f: {  	v0 =	vld [tilespmem:$0x700];
	_ =	sdelay $0x2  }
0x380: {  	v57 =	vld [tilespmem:$0x1FF90];
	_ =	sdelay $0x1  }
0x381: {  	[tilespmem:v56+s12+$0x0] =	vst.idx.msk $0xffff, v0  }
0x382: {  	v0 =	vld [tilespmem:$0x710];
	_ =	sdelay $0x2  }
0x383: {  	v58 =	vld [tilespmem:$0x1FFA0];
	_ =	sdelay $0x1  }
0x384: {  	[tilespmem:v57+s12+$0x0] =	vst.idx.msk $0xffff, v0  }
0x385: {  	v0 =	vld [tilespmem:$0x720];
	_ =	sdelay $0x2  }
0x386: {  	v59 =	vld [tilespmem:$0x1FFB0];
	_ =	sdelay $0x1  }
0x387: {  	[tilespmem:v58+s12+$0x0] =	vst.idx.msk $0xffff, v0  }
0x388: {  	v0 =	vld [tilespmem:$0x730];
	_ =	sdelay $0x2  }
0x389: {  	v60 =	vld [tilespmem:$0x1FFC0];
	_ =	sdelay $0x1  }
0x38a: {  	[tilespmem:v59+s12+$0x0] =	vst.idx.msk $0x3, v0  }
0x38b: {  	v0 =	vld [tilespmem:$0x780];
	_ =	sdelay $0x2  }
0x38c: {  	v61 =	vld [tilespmem:$0x1FFD0];
	_ =	sdelay $0x1  }
0x38d: {  	[tilespmem:v60+s12+$0x0] =	vst.idx.msk $0xffff, v0  }
0x38e: {  	v0 =	vld [tilespmem:$0x790];
	_ =	sdelay $0x2  }
0x38f: {  	v62 =	vld [tilespmem:$0x1FFE0];
	_ =	sdelay $0x1  }
0x390: {  	[tilespmem:v61+s12+$0x0] =	vst.idx.msk $0xffff, v0  }
0x391: {  	v0 =	vld [tilespmem:$0x7A0];
	_ =	sdelay $0x2  }
0x392: {  	v63 =	vld [tilespmem:$0x1FFF0];
	_ =	sdelay $0x1  }
0x393: {  	[tilespmem:v62+s12+$0x0] =	vst.idx.msk $0xffff, v0  }
0x394: {  	v0 =	vld [tilespmem:$0x7B0];
	_ =	sdelay $0x4  }
0x395: {  	[tilespmem:v63+s12+$0x0] =	vst.idx.msk $0x3, v0  }
0x396: {  	[tilespmem:s14], [sflag:$0x1] =	stream.indirect.gather [hbm4b:s4+s13], $0x40, s12, s13, $0xb8;
	[tilespmem:$0x1AE40] =	vst v63  }
.LBB2_6:
0x397: {  	_ =	swait.ge [sflag:s18], $0xC800  }
0x398: {  	[sflag:s18] =	ssyncset.done $0x0  }
0x399: {  	s24 =	simm.s32 $0x0;
	[sflag:s18] =	ssyncadd.s32 $0xFFFF3800  }
.LBB2_7:
0x39a: {  	s25 =	smul.u32 $0x3200, s24;
	_ =	sdelay $0x1  }
0x39b: {  	s25 =	sshra.s32 s25, $0x2  }
0x39c: {  	v56 =	vld [tilespmem:s25+$0xE230];
	_ =	sdelay $0x4  }
0x39d: {  	[tilespmem:$0x1F700] =	vst v56;
	v56 =	vld [tilespmem:s25+$0xE250];
	_ =	sdelay $0x4  }
0x39e: {  	[tilespmem:$0x1F710] =	vst v56;
	v56 =	vld [tilespmem:s25+$0xE260];
	_ =	sdelay $0x1  }
0x39f: {  	v3 =	vld [tilespmem:s25+$0xDE40]  }
0x3a0: {  	v4 =	vld [tilespmem:s25+$0xDE50]  }
0x3a1: {  	v5 =	vld [tilespmem:s25+$0xDE60]  }
0x3a2: {  	[tilespmem:$0x1F720] =	vst v56;
	v56 =	vld [tilespmem:s25+$0xE270]  }
0x3a3: {  	v16 =	vld [tilespmem:s25+$0xDE70]  }
0x3a4: {  	v17 =	vld [tilespmem:s25+$0xDE80]  }
0x3a5: {  	v20 =	vld [tilespmem:s25+$0xDE90]  }
0x3a6: {  	v21 =	vld [tilespmem:s25+$0xDEA0]  }
0x3a7: {  	[tilespmem:$0x1F740] =	vst v56;
	v56 =	vld [tilespmem:s25+$0xE280]  }
0x3a8: {  	v32 =	vld [tilespmem:s25+$0xDEB0]  }
0x3a9: {  	v33 =	vld [tilespmem:s25+$0xDEC0]  }
0x3aa: {  	v36 =	vld [tilespmem:s25+$0xDED0]  }
0x3ab: {  	v37 =	vld [tilespmem:s25+$0xDEE0]  }
0x3ac: {  	[tilespmem:$0x1F730] =	vst v56;
	v56 =	vld [tilespmem:s25+$0xE290]  }
0x3ad: {  	v48 =	vld [tilespmem:s25+$0xDEF0]  }
0x3ae: {  	v49 =	vld [tilespmem:s25+$0xDF00]  }
0x3af: {  	v52 =	vld [tilespmem:s25+$0xDF10]  }
0x3b0: {  	v53 =	vld [tilespmem:s25+$0xDF20]  }
0x3b1: {  	[tilespmem:$0x1F750] =	vst v56;
	v56 =	vld [tilespmem:s25+$0xE2A0]  }
0x3b2: {  	v62 =	vld [tilespmem:s25+$0xDF30]  }
0x3b3: {  	v63 =	vld [tilespmem:s25+$0xDF40]  }
0x3b4: {  	v0 =	vld [tilespmem:s25+$0xDF50]  }
0x3b5: {  	v2 =	vld [tilespmem:s25+$0xDF60]  }
0x3b6: {  	[tilespmem:$0x1F760] =	vst v56;
	v56 =	vld [tilespmem:s25+$0xE2B0]  }
0x3b7: {  	v9 =	vld [tilespmem:s25+$0xDF70]  }
0x3b8: {  	v1 =	vld [tilespmem:s25+$0xDF80]  }
0x3b9: {  	v6 =	vld [tilespmem:s25+$0xDF90]  }
0x3ba: {  	v8 =	vld [tilespmem:s25+$0xDFA0]  }
0x3bb: {  	[tilespmem:$0x1F780] =	vst v56;
	v56 =	vld [tilespmem:s25+$0xE2C0]  }
0x3bc: {  	v13 =	vld [tilespmem:s25+$0xDFB0]  }
0x3bd: {  	v7 =	vld [tilespmem:s25+$0xDFC0]  }
0x3be: {  	v10 =	vld [tilespmem:s25+$0xDFD0]  }
0x3bf: {  	v12 =	vld [tilespmem:s25+$0xDFE0]  }
0x3c0: {  	[tilespmem:$0x1F770] =	vst v56;
	v56 =	vld [tilespmem:s25+$0xE2D0]  }
0x3c1: {  	v19 =	vld [tilespmem:s25+$0xDFF0]  }
0x3c2: {  	v11 =	vld [tilespmem:s25+$0xE000]  }
0x3c3: {  	v14 =	vld [tilespmem:s25+$0xE010]  }
0x3c4: {  	v18 =	vld [tilespmem:s25+$0xE020]  }
0x3c5: {  	[tilespmem:$0x1F790] =	vst v56;
	v56 =	vld [tilespmem:s25+$0xE2E0]  }
0x3c6: {  	v25 =	vld [tilespmem:s25+$0xE030]  }
0x3c7: {  	v15 =	vld [tilespmem:s25+$0xE040]  }
0x3c8: {  	v22 =	vld [tilespmem:s25+$0xE050]  }
0x3c9: {  	v24 =	vld [tilespmem:s25+$0xE060]  }
0x3ca: {  	[tilespmem:$0x1F7A0] =	vst v56;
	v56 =	vld [tilespmem:s25+$0xE2F0]  }
0x3cb: {  	v29 =	vld [tilespmem:s25+$0xE070]  }
0x3cc: {  	v23 =	vld [tilespmem:s25+$0xE080]  }
0x3cd: {  	v26 =	vld [tilespmem:s25+$0xE090]  }
0x3ce: {  	v28 =	vld [tilespmem:s25+$0xE0A0]  }
0x3cf: {  	[tilespmem:$0x1F7C0] =	vst v56;
	v56 =	vld [tilespmem:s25+$0xE300]  }
0x3d0: {  	v35 =	vld [tilespmem:s25+$0xE0B0]  }
0x3d1: {  	v27 =	vld [tilespmem:s25+$0xE0C0]  }
0x3d2: {  	v30 =	vld [tilespmem:s25+$0xE0D0]  }
0x3d3: {  	v34 =	vld [tilespmem:s25+$0xE0E0]  }
0x3d4: {  	[tilespmem:$0x1F7B0] =	vst v56;
	v56 =	vld [tilespmem:s25+$0xE310]  }
0x3d5: {  	v41 =	vld [tilespmem:s25+$0xE0F0]  }
0x3d6: {  	v31 =	vld [tilespmem:s25+$0xE100]  }
0x3d7: {  	v38 =	vld [tilespmem:s25+$0xE110]  }
0x3d8: {  	v40 =	vld [tilespmem:s25+$0xE120]  }
0x3d9: {  	[tilespmem:$0x1F7D0] =	vst v56;
	v56 =	vld [tilespmem:s25+$0xE320]  }
0x3da: {  	v45 =	vld [tilespmem:s25+$0xE130]  }
0x3db: {  	v39 =	vld [tilespmem:s25+$0xE140]  }
0x3dc: {  	v42 =	vld [tilespmem:s25+$0xE150]  }
0x3dd: {  	v44 =	vld [tilespmem:s25+$0xE160]  }
0x3de: {  	[tilespmem:$0x1F7E0] =	vst v56;
	v56 =	vld [tilespmem:s25+$0xE330]  }
0x3df: {  	v51 =	vld [tilespmem:s25+$0xE170]  }
0x3e0: {  	v43 =	vld [tilespmem:s25+$0xE180]  }
0x3e1: {  	v46 =	vld [tilespmem:s25+$0xE190]  }
0x3e2: {  	v50 =	vld [tilespmem:s25+$0xE1A0]  }
0x3e3: {  	[tilespmem:$0x1F800] =	vst v56;
	v56 =	vld [tilespmem:s25+$0xE340]  }
0x3e4: {  	v60 =	vld [tilespmem:s25+$0xE1B0]  }
0x3e5: {  	v47 =	vld [tilespmem:s25+$0xE1C0]  }
0x3e6: {  	v54 =	vld [tilespmem:s25+$0xE1D0]  }
0x3e7: {  	v61 =	vld [tilespmem:s25+$0xE1E0]  }
0x3e8: {  	[tilespmem:$0x1F7F0] =	vst v56;
	v56 =	vld [tilespmem:s25+$0xE350]  }
0x3e9: {  	v55 =	vld [tilespmem:s25+$0xE1F0]  }
0x3ea: {  	v58 =	vld [tilespmem:s25+$0xE210]  }
0x3eb: {  	v57 =	vld [tilespmem:s25+$0xE220]  }
0x3ec: {  	v59 =	vld [tilespmem:s25+$0xE240]  }
0x3ed: {  	[tilespmem:$0x1F810] =	vst v56;
	v56 =	vld [tilespmem:s25+$0xE360]  }
0x3ee: {  	[tilespmem:$0x1F6F0] =	vst v55;
	v55 =	vld [tilespmem:s25+$0xE200]  }
0x3ef: {  	v17 =	vadd.f32 v17, v3;
	v3 =	vld [tilespmem:s25+$0xE4D0]  }
0x3f0: {  	v20 =	vadd.f32 v20, v4;
	v4 =	vld [tilespmem:s25+$0xE4E0]  }
0x3f1: {  	v21 =	vadd.f32 v21, v5;
	v5 =	vld [tilespmem:s25+$0xE4F0]  }
0x3f2: {  	v17 =	vadd.f32 v33, v17;
	[tilespmem:$0x1F820] =	vst v56;
	v56 =	vld [tilespmem:s25+$0xE370]  }
0x3f3: {  	v32 =	vadd.f32 v32, v16;
	v16 =	vld [tilespmem:s25+$0xE500];
	v20 =	vadd.f32 v36, v20  }
0x3f4: {  	v21 =	vadd.f32 v37, v21;
	v33 =	vadd.f32 v49, v17;
	v17 =	vld [tilespmem:s25+$0xE510]  }
0x3f5: {  	v36 =	vadd.f32 v52, v20;
	v20 =	vld [tilespmem:s25+$0xE520]  }
0x3f6: {  	v32 =	vadd.f32 v48, v32;
	v37 =	vadd.f32 v53, v21;
	v21 =	vld [tilespmem:s25+$0xE530]  }
0x3f7: {  	[tilespmem:$0x1F840] =	vst v56;
	v56 =	vld [tilespmem:s25+$0xE380]  }
0x3f8: {  	v48 =	vadd.f32 v62, v32;
	v32 =	vld [tilespmem:s25+$0xE540]  }
0x3f9: {  	v49 =	vld [tilespmem:s25+$0xE590]  }
0x3fa: {  	v52 =	vld [tilespmem:s25+$0xE5A0]  }
0x3fb: {  	v0 =	vadd.f32 v0, v36;
	v36 =	vld [tilespmem:s25+$0xE560]  }
0x3fc: {  	[tilespmem:$0x1F830] =	vst v56;
	v56 =	vld [tilespmem:s25+$0xE390]  }
0x3fd: {  	v33 =	vadd.f32 v63, v33;
	v2 =	vadd.f32 v2, v37;
	v37 =	vld [tilespmem:s25+$0xE570]  }
0x3fe: {  	v9 =	vadd.f32 v9, v48;
	v48 =	vld [tilespmem:s25+$0xE580]  }
0x3ff: {  	v1 =	vadd.f32 v1, v33;
	v33 =	vld [tilespmem:s25+$0xE550]  }
0x400: {  	v2 =	vadd.f32 v8, v2;
	v8 =	vld [tilespmem:s25+$0xE5D0]  }
0x401: {  	[tilespmem:$0x1F850] =	vst v56;
	v56 =	vld [tilespmem:s25+$0xE3A0]  }
0x402: {  	v53 =	vadd.f32 v13, v9;
	v9 =	vld [tilespmem:s25+$0xE5E0]  }
0x403: {  	v13 =	vld [tilespmem:s25+$0xE620]  }
0x404: {  	v0 =	vadd.f32 v6, v0;
	v6 =	vadd.f32 v19, v53;
	v53 =	vld [tilespmem:s25+$0xE5B0]  }
0x405: {  	v1 =	vadd.f32 v7, v1;
	v7 =	vld [tilespmem:s25+$0xE5C0]  }
0x406: {  	[tilespmem:$0x1F860] =	vst v56;
	v56 =	vld [tilespmem:s25+$0xE3B0]  }
0x407: {  	v0 =	vadd.f32 v10, v0;
	v10 =	vld [tilespmem:s25+$0xE5F0]  }
0x408: {  	v2 =	vadd.f32 v12, v2;
	v12 =	vld [tilespmem:s25+$0xE610]  }
0x409: {  	v19 =	vld [tilespmem:s25+$0xE660]  }
0x40a: {  	v1 =	vadd.f32 v11, v1;
	v11 =	vld [tilespmem:s25+$0xE600]  }
0x40b: {  	[tilespmem:$0x1F880] =	vst v56;
	v56 =	vld [tilespmem:s25+$0xE3C0]  }
0x40c: {  	v0 =	vadd.f32 v14, v0;
	v14 =	vld [tilespmem:s25+$0xE630]  }
0x40d: {  	v2 =	vadd.f32 v18, v2;
	v18 =	vld [tilespmem:s25+$0xE650]  }
0x40e: {  	v6 =	vadd.f32 v25, v6;
	v25 =	vld [tilespmem:s25+$0xE6A0]  }
0x40f: {  	v1 =	vadd.f32 v15, v1;
	v15 =	vld [tilespmem:s25+$0xE640]  }
0x410: {  	[tilespmem:$0x1F870] =	vst v56;
	v56 =	vld [tilespmem:s25+$0xE3D0]  }
0x411: {  	v0 =	vadd.f32 v22, v0;
	v22 =	vld [tilespmem:s25+$0xE670]  }
0x412: {  	v2 =	vadd.f32 v24, v2;
	v24 =	vld [tilespmem:s25+$0xE690]  }
0x413: {  	v6 =	vadd.f32 v29, v6;
	v29 =	vld [tilespmem:s25+$0xE6E0]  }
0x414: {  	v1 =	vadd.f32 v23, v1;
	v2 =	vadd.f32 v28, v2;
	v23 =	vld [tilespmem:s25+$0xE680]  }
0x415: {  	v0 =	vadd.f32 v26, v0;
	v6 =	vadd.f32 v35, v6;
	[tilespmem:$0x1F890] =	vst v56;
	v56 =	vld [tilespmem:s25+$0xE3E0]  }
0x416: {  	v26 =	vld [tilespmem:s25+$0xE6B0];
	v1 =	vadd.f32 v27, v1;
	v2 =	vadd.f32 v34, v2  }
0x417: {  	v28 =	vld [tilespmem:s25+$0xE6D0];
	v0 =	vadd.f32 v30, v0;
	v6 =	vadd.f32 v41, v6  }
0x418: {  	v62 =	vld [tilespmem:$0x1F740];
	v1 =	vadd.f32 v31, v1;
	v2 =	vadd.f32 v40, v2  }
0x419: {  	v27 =	vld [tilespmem:s25+$0xE6C0];
	v0 =	vadd.f32 v38, v0;
	v6 =	vadd.f32 v45, v6  }
0x41a: {  	v1 =	vadd.f32 v39, v1;
	v2 =	vadd.f32 v44, v2;
	[tilespmem:$0x1F8A0] =	vst v56;
	v56 =	vld [tilespmem:s25+$0xE3F0]  }
0x41b: {  	v30 =	vld [tilespmem:s25+$0xE6F0];
	v0 =	vadd.f32 v42, v0;
	v6 =	vadd.f32 v51, v6  }
0x41c: {  	v31 =	vld [tilespmem:s25+$0xE700];
	v1 =	vadd.f32 v43, v1;
	v2 =	vadd.f32 v50, v2  }
0x41d: {  	v0 =	vadd.f32 v46, v0;
	v6 =	vadd.f32 v60, v6;
	v60 =	vld [tilespmem:$0x1F720]  }
0x41e: {  	v1 =	vadd.f32 v47, v1;
	v2 =	vadd.f32 v61, v2;
	v61 =	vld [tilespmem:$0x1F730]  }
0x41f: {  	[tilespmem:$0x1F8C0] =	vst v56;
	v56 =	vld [tilespmem:s25+$0xE400]  }
0x420: {  	v0 =	vadd.f32 v54, v0;
	v1 =	vadd.f32 v55, v1;
	v55 =	vld [tilespmem:$0x1F6F0]  }
0x421: {  	v63 =	vld [tilespmem:$0x1F750]  }
0x422: {  	v0 =	vadd.f32 v58, v0;
	v58 =	vld [tilespmem:$0x1F700]  }
0x423: {  	v34 =	vld [tilespmem:$0x1F760]  }
0x424: {  	v2 =	vadd.f32 v57, v2;
	[tilespmem:$0x1F8B0] =	vst v56;
	v56 =	vld [tilespmem:s25+$0xE410]  }
0x425: {  	v1 =	vadd.f32 v59, v1;
	v59 =	vld [tilespmem:$0x1F710];
	v6 =	vadd.f32 v55, v6  }
0x426: {  	v2 =	vadd.f32 v60, v2;
	v38 =	vld [tilespmem:$0x1F780]  }
0x427: {  	v6 =	vadd.f32 v58, v6;
	v35 =	vld [tilespmem:$0x1F770]  }
0x428: {  	v2 =	vadd.f32 v34, v2;
	v34 =	vld [tilespmem:s25+$0xE710]  }
0x429: {  	v6 =	vadd.f32 v62, v6;
	[tilespmem:$0x1F8D0] =	vst v56;
	v56 =	vld [tilespmem:s25+$0xE420]  }
0x42a: {  	v1 =	vadd.f32 v61, v1;
	v39 =	vld [tilespmem:$0x1F790]  }
0x42b: {  	v0 =	vadd.f32 v59, v0;
	v6 =	vadd.f32 v38, v6;
	v38 =	vld [tilespmem:s25+$0xE730]  }
0x42c: {  	v1 =	vadd.f32 v35, v1;
	v35 =	vld [tilespmem:s25+$0xE720]  }
0x42d: {  	v0 =	vadd.f32 v63, v0;
	v40 =	vld [tilespmem:$0x1F7A0]  }
0x42e: {  	[tilespmem:$0x1F8E0] =	vst v56;
	v56 =	vld [tilespmem:s25+$0xE430]  }
0x42f: {  	v0 =	vadd.f32 v39, v0;
	v39 =	vld [tilespmem:s25+$0xE740]  }
0x430: {  	v42 =	vld [tilespmem:$0x1F7C0]  }
0x431: {  	v41 =	vld [tilespmem:$0x1F7B0]  }
0x432: {  	v2 =	vadd.f32 v40, v2;
	v40 =	vld [tilespmem:s25+$0xE750]  }
0x433: {  	[tilespmem:$0x1F900] =	vst v56;
	v56 =	vld [tilespmem:s25+$0xE440]  }
0x434: {  	v43 =	vld [tilespmem:$0x1F7D0]  }
0x435: {  	v6 =	vadd.f32 v42, v6;
	v42 =	vld [tilespmem:s25+$0xE770]  }
0x436: {  	v1 =	vadd.f32 v41, v1;
	v41 =	vld [tilespmem:s25+$0xE760]  }
0x437: {  	v44 =	vld [tilespmem:$0x1F7E0]  }
0x438: {  	[tilespmem:$0x1F8F0] =	vst v56;
	v56 =	vld [tilespmem:s25+$0xE450]  }
0x439: {  	v0 =	vadd.f32 v43, v0;
	v43 =	vld [tilespmem:s25+$0xE780]  }
0x43a: {  	v46 =	vld [tilespmem:$0x1F800]  }
0x43b: {  	v45 =	vld [tilespmem:$0x1F7F0]  }
0x43c: {  	v2 =	vadd.f32 v44, v2;
	v44 =	vld [tilespmem:s25+$0xE790]  }
0x43d: {  	[tilespmem:$0x1F910] =	vst v56;
	v56 =	vld [tilespmem:s25+$0xE460]  }
0x43e: {  	v47 =	vld [tilespmem:$0x1F810]  }
0x43f: {  	v6 =	vadd.f32 v46, v6;
	v46 =	vld [tilespmem:s25+$0xE7B0]  }
0x440: {  	v1 =	vadd.f32 v45, v1;
	v45 =	vld [tilespmem:s25+$0xE7A0]  }
0x441: {  	v50 =	vld [tilespmem:$0x1F820]  }
0x442: {  	[tilespmem:$0x1F920] =	vst v56;
	v56 =	vld [tilespmem:s25+$0xE470]  }
0x443: {  	v0 =	vadd.f32 v47, v0;
	v47 =	vld [tilespmem:s25+$0xE7C0]  }
0x444: {  	v54 =	vld [tilespmem:$0x1F840]  }
0x445: {  	v51 =	vld [tilespmem:$0x1F830]  }
0x446: {  	v55 =	vld [tilespmem:$0x1F850]  }
0x447: {  	[tilespmem:$0x1F940] =	vst v56;
	v56 =	vld [tilespmem:s25+$0xE480]  }
0x448: {  	v57 =	vld [tilespmem:$0x1F860]  }
0x449: {  	v59 =	vld [tilespmem:$0x1F880]  }
0x44a: {  	v58 =	vld [tilespmem:$0x1F870]  }
0x44b: {  	v60 =	vld [tilespmem:$0x1F890]  }
0x44c: {  	[tilespmem:$0x1F930] =	vst v56;
	v56 =	vld [tilespmem:s25+$0xE490]  }
0x44d: {  	v61 =	vld [tilespmem:$0x1F8A0]  }
0x44e: {  	v63 =	vld [tilespmem:$0x1F8C0]  }
0x44f: {  	v62 =	vld [tilespmem:$0x1F8B0]  }
0x450: {  	v2 =	vadd.f32 v50, v2;
	v50 =	vld [tilespmem:$0x1F8D0]  }
0x451: {  	[tilespmem:$0x1F950] =	vst v56;
	v56 =	vld [tilespmem:s25+$0xE4A0]  }
0x452: {  	v1 =	vadd.f32 v51, v1;
	v51 =	vld [tilespmem:$0x1F8E0]  }
0x453: {  	v0 =	vadd.f32 v55, v0;
	v55 =	vld [tilespmem:$0x1F900]  }
0x454: {  	v6 =	vadd.f32 v54, v6;
	v54 =	vld [tilespmem:$0x1F8F0]  }
0x455: {  	v2 =	vadd.f32 v57, v2;
	v57 =	vld [tilespmem:$0x1F910]  }
0x456: {  	[tilespmem:$0x1F960] =	vst v56;
	v56 =	vld [tilespmem:s25+$0xE4B0]  }
0x457: {  	v1 =	vadd.f32 v58, v1;
	v58 =	vld [tilespmem:$0x1F920]  }
0x458: {  	v0 =	vadd.f32 v60, v0;
	v60 =	vld [tilespmem:$0x1F940]  }
0x459: {  	v6 =	vadd.f32 v59, v6;
	v2 =	vadd.f32 v61, v2;
	v61 =	vld [tilespmem:$0x1F950]  }
0x45a: {  	v1 =	vadd.f32 v62, v1;
	v0 =	vadd.f32 v50, v0;
	v62 =	vld [tilespmem:$0x1F960]  }
0x45b: {  	v6 =	vadd.f32 v63, v6;
	v2 =	vadd.f32 v51, v2;
	v59 =	vld [tilespmem:$0x1F930];
	[tilespmem:$0x1F970] =	vst v56  }
0x45c: {  	v0 =	vadd.f32 v57, v0;
	v63 =	vld [tilespmem:$0x1F970]  }
0x45d: {  	v6 =	vadd.f32 v55, v6;
	v2 =	vadd.f32 v58, v2;
	v56 =	vld [tilespmem:s25+$0xE4C0]  }
0x45e: {  	v50 =	vld [tilespmem:s25+$0xE7D0];
	v1 =	vadd.f32 v54, v1;
	v0 =	vadd.f32 v61, v0  }
0x45f: {  	v51 =	vld [tilespmem:s25+$0xE7E0];
	v6 =	vadd.f32 v60, v6;
	v2 =	vadd.f32 v62, v2  }
0x460: {  	v55 =	vld [tilespmem:s25+$0xE870];
	v1 =	vadd.f32 v59, v1;
	v0 =	vadd.f32 v3, v0  }
0x461: {  	v54 =	vld [tilespmem:s25+$0xE7F0];
	v2 =	vadd.f32 v4, v2;
	v6 =	vadd.f32 v63, v6  }
0x462: {  	v57 =	vld [tilespmem:s25+$0xE890];
	v0 =	vadd.f32 v17, v0;
	v1 =	vadd.f32 v56, v1  }
0x463: {  	v58 =	vld [tilespmem:s25+$0xE8A0];
	v2 =	vadd.f32 v20, v2;
	v5 =	vadd.f32 v5, v6  }
0x464: {  	v60 =	vld [tilespmem:s25+$0xE8C0];
	v0 =	vadd.f32 v33, v0;
	v1 =	vadd.f32 v16, v1  }
0x465: {  	v59 =	vld [tilespmem:s25+$0xE8B0];
	v2 =	vadd.f32 v36, v2;
	v5 =	vadd.f32 v21, v5  }
0x466: {  	v61 =	vld [tilespmem:s25+$0xE8D0];
	v0 =	vadd.f32 v49, v0;
	v1 =	vadd.f32 v32, v1  }
0x467: {  	v3 =	vld [tilespmem:s25+$0xE800];
	v2 =	vadd.f32 v52, v2;
	v5 =	vadd.f32 v37, v5  }
0x468: {  	v17 =	vld [tilespmem:s25+$0xE840];
	v0 =	vadd.f32 v8, v0;
	v1 =	vadd.f32 v48, v1  }
0x469: {  	v62 =	vld [tilespmem:s25+$0xE8E0];
	v2 =	vadd.f32 v9, v2;
	v5 =	vadd.f32 v53, v5  }
0x46a: {  	v33 =	vld [tilespmem:s25+$0xE910];
	v0 =	vadd.f32 v12, v0;
	v1 =	vadd.f32 v7, v1  }
0x46b: {  	v4 =	vld [tilespmem:s25+$0xE810];
	v2 =	vadd.f32 v13, v2;
	v5 =	vadd.f32 v10, v5  }
0x46c: {  	v49 =	vld [tilespmem:s25+$0xE860];
	v0 =	vadd.f32 v18, v0;
	v1 =	vadd.f32 v11, v1  }
0x46d: {  	v56 =	vld [tilespmem:s25+$0xE880];
	v2 =	vadd.f32 v19, v2;
	v5 =	vadd.f32 v14, v5  }
0x46e: {  	v63 =	vld [tilespmem:s25+$0xE8F0];
	v0 =	vadd.f32 v24, v0;
	v1 =	vadd.f32 v15, v1  }
0x46f: {  	v16 =	vld [tilespmem:s25+$0xE830];
	v2 =	vadd.f32 v25, v2;
	v5 =	vadd.f32 v22, v5  }
0x470: {  	v36 =	vld [tilespmem:s25+$0xE920];
	v0 =	vadd.f32 v28, v0;
	v1 =	vadd.f32 v23, v1  }
0x471: {  	v6 =	vld [tilespmem:s25+$0xE820];
	v2 =	vadd.f32 v29, v2;
	v5 =	vadd.f32 v26, v5  }
0x472: {  	v32 =	vld [tilespmem:s25+$0xE900];
	v0 =	vadd.f32 v34, v0;
	v1 =	vadd.f32 v27, v1  }
0x473: {  	v52 =	vld [tilespmem:s25+$0xEA20];
	v2 =	vadd.f32 v35, v2;
	v5 =	vadd.f32 v30, v5  }
0x474: {  	v48 =	vld [tilespmem:s25+$0xE850];
	v0 =	vadd.f32 v40, v0;
	v1 =	vadd.f32 v31, v1  }
0x475: {  	v37 =	vld [tilespmem:s25+$0xE930];
	v2 =	vadd.f32 v41, v2;
	v5 =	vadd.f32 v38, v5  }
0x476: {  	v53 =	vld [tilespmem:s25+$0xEA30];
	v0 =	vadd.f32 v44, v0;
	v1 =	vadd.f32 v39, v1  }
0x477: {  	v40 =	vld [tilespmem:s25+$0xE960];
	v2 =	vadd.f32 v45, v2;
	v5 =	vadd.f32 v42, v5  }
0x478: {  	v44 =	vld [tilespmem:s25+$0xE9A0];
	v0 =	vadd.f32 v50, v0;
	v1 =	vadd.f32 v43, v1  }
0x479: {  	v50 =	vld [tilespmem:s25+$0xEA00];
	v2 =	vadd.f32 v51, v2;
	v5 =	vadd.f32 v46, v5  }
0x47a: {  	v41 =	vld [tilespmem:s25+$0xE970];
	v0 =	vadd.f32 v4, v0;
	v1 =	vadd.f32 v47, v1  }
0x47b: {  	v39 =	vld [tilespmem:s25+$0xE950];
	v2 =	vadd.f32 v6, v2;
	v5 =	vadd.f32 v54, v5  }
0x47c: {  	v45 =	vld [tilespmem:s25+$0xE9B0];
	v0 =	vadd.f32 v48, v0;
	v1 =	vadd.f32 v3, v1  }
0x47d: {  	v38 =	vld [tilespmem:s25+$0xE940];
	v2 =	vadd.f32 v49, v2;
	v5 =	vadd.f32 v16, v5  }
0x47e: {  	v48 =	vld [tilespmem:s25+$0xE9E0];
	v0 =	vadd.f32 v57, v0;
	v1 =	vadd.f32 v17, v1  }
0x47f: {  	v43 =	vld [tilespmem:s25+$0xE990];
	v2 =	vadd.f32 v58, v2;
	v5 =	vadd.f32 v55, v5  }
0x480: {  	v51 =	vld [tilespmem:s25+$0xEA10];
	v0 =	vadd.f32 v61, v0;
	v1 =	vadd.f32 v56, v1  }
0x481: {  	v42 =	vld [tilespmem:s25+$0xE980];
	v2 =	vadd.f32 v62, v2;
	v5 =	vadd.f32 v59, v5  }
0x482: {  	v57 =	vld [tilespmem:s25+$0xEA70];
	v0 =	vadd.f32 v33, v0;
	v1 =	vadd.f32 v60, v1  }
0x483: {  	v47 =	vld [tilespmem:s25+$0xE9D0];
	v2 =	vadd.f32 v36, v2;
	v5 =	vadd.f32 v63, v5  }
0x484: {  	v46 =	vld [tilespmem:s25+$0xE9C0];
	v0 =	vadd.f32 v39, v0;
	v1 =	vadd.f32 v32, v1  }
0x485: {  	v49 =	vld [tilespmem:s25+$0xE9F0];
	v2 =	vadd.f32 v40, v2;
	v5 =	vadd.f32 v37, v5  }
0x486: {  	v54 =	vld [tilespmem:s25+$0xEA40];
	v0 =	vadd.f32 v43, v0;
	v1 =	vadd.f32 v38, v1  }
0x487: {  	v55 =	vld [tilespmem:s25+$0xEA50];
	v2 =	vadd.f32 v44, v2;
	v5 =	vadd.f32 v41, v5  }
0x488: {  	v56 =	vld [tilespmem:s25+$0xEA60];
	v0 =	vadd.f32 v47, v0;
	v1 =	vadd.f32 v42, v1  }
0x489: {  	v59 =	vld [tilespmem:s25+$0xEA90];
	v2 =	vadd.f32 v48, v2;
	v5 =	vadd.f32 v45, v5  }
0x48a: {  	v60 =	vld [tilespmem:s25+$0xEAA0];
	v0 =	vadd.f32 v51, v0;
	v1 =	vadd.f32 v46, v1  }
0x48b: {  	v58 =	vld [tilespmem:s25+$0xEA80];
	v2 =	vadd.f32 v52, v2;
	v5 =	vadd.f32 v49, v5  }
0x48c: {  	v61 =	vld [tilespmem:s25+$0xEAB0];
	v0 =	vadd.f32 v55, v0;
	v1 =	vadd.f32 v50, v1  }
0x48d: {  	v2 =	vadd.f32 v56, v2;
	v5 =	vadd.f32 v53, v5  }
0x48e: {  	s31 =	sshll.u32 s24, $0x6;
	p0 =	sne.s32 s24, $0xF;
	v0 =	vadd.f32 v59, v0;
	v1 =	vadd.f32 v54, v1  }
.Ltmp2:
0x48f: {  	s25 =	sand.u32 $0x3FFFFFC0, s31;
	v2 =	vadd.f32 v60, v2;
	v62 =	vadd.f32 v57, v5;
	(pc) =	sbr.rel @p0 .LBB2_7-.Ltmp2, $4  }
0x490: {  	[tilespmem:s25+$0x1AA50] =	vst v0;
	v1 =	vadd.f32 v58, v1  }
0x491: {  	[tilespmem:s25+$0x1AA60] =	vst v2;
	v63 =	vadd.f32 v61, v62  }
0x492: {  	[tilespmem:s25+$0x1AA40] =	vst v1  }
0x493: {  	s24 =	sadd.s32 $0x1, s24;
	[tilespmem:s25+$0x1AA70] =	vst v63  }
0x494: {  	s22 =	sadd.s32 $0x1, s22  }
0x495: {  	s23 =	sshll.u32 s23, $0x3;
	p0 =	sne.s32 s22, $0x10  }
.Ltmp3:
0x496: {  	s23 =	sadd.s32 s5, s23;
	(pc) =	sbr.rel @p0 .LBB2_2-.Ltmp3, $4  }
0x497: {  	[hbm4b:s23+s1] =	stream.linear.scatter [tilespmem:s20], [sflag:$0x2], $0x400, $0x38;
	[tilespmem:$0x1AE40] =	vst v63  }
0x498: {  	_ =	swait.ge [sflag:s11], $0x400  }
0x499: {  	[sflag:s11] =	ssyncset.done $0x0  }
0x49a: {  	[sflag:s11] =	ssyncadd.s32 $0xFFFFFC00  }
0x49b: {  	s21 =	sadd.s32 $0x1, s21  }
0x49c: {  	p0 =	sne.s32 s21, s10  }
.Ltmp4:
0x49d: {  	_ = 	snop;
	(pc) =	sbr.rel @p0 .LBB2_1-.Ltmp4, $1  }
0x49e: {  	_ =	sdelay $0x3  }
0x49f: {  	_ =	sfence.sel $0x180000  }
0x4a0: {  	[bflag:$0x0] =	sbarrier.arrive $0xFFFF  }
0x4a1: {  	p0 =	sne.s32 s2, $0x0;
	_ =	strace $0x90000047  }
0x4a2: {  	s0 =	sadd.s32 @!p0 $0x100000, s0;
	[bflag:$0x2] =	sbarrier.arrive $0xFFFF  }
0x4a3: {  	[sflag:s0] =	ssyncadd.tile.s32 @!p0 $0x1;
	_ =	shalt  }
.Lfunc_end2:
_tile_overlayer_lowered:
.L_overlay_start_2:
0x4a4: {  	(tag) =	ssettag $0x2  }
0x4a5: {  	s0 =	rddreg [dreg:$0x0];
	s2 =	stileid.u32  }
0x4a6: {  	s1 =	rddreg [dreg:$0x1];
	p0 =	sne.s32 s2, $0x0  }
0x4a7: {  	s3 =	rddreg [dreg:$0x2];
	[bflag:$0x3] =	sbarrier.arrive $0xFFFF;
	s2 =	simm.s32 @!p0 $0x1C02  }
0x4a8: {  	[timem:s3], [sflag:s2] =	dma.local @!p0 [hbm:s0], s1  }
0x4a9: {  	s0 =	simm.s32 @!p0 $0x2  }
0x4aa: {  	_ =	swait.ge @!p0 [sflag:s0], s1  }
0x4ab: {  	s1 =	ssub.s32 @!p0 $0x0, s1;
	[sflag:s0] =	ssyncset.done @!p0 $0x0  }
0x4ac: {  	[sflag:s0] =	ssyncadd.s32 @!p0 s1  }
0x4ad: {  	[bflag:$0x3] =	sbarrier.arrive $0xFFFF  }
0x4ae: {  	_ =	shalt  }

</sc_bundles>
